<compile_context>
chip_gen: v7x
topology: tpu7x:2x2x1
jax: 0.10.2.dev20260603
libtpu: 0.0.44.dev20260713+nightly
codegen_flags: <defaults>
</compile_context>

<pallas_src>
import functools

import jax
import jax.numpy as jnp
from jax import lax
from jax.experimental import pallas as pl
from jax.experimental.pallas import tpu as pltpu
from jax.experimental.pallas import tpu_sc as plsc

N_NODES = 50000
MAX_DEG = 16
N_EDGES = 400000
NUM_READS = 128
NUM_BLOCKS = 4
BK = N_NODES // NUM_BLOCKS

NC = 2
NS = 16
RH = NUM_READS // NC

NPW = 784
CH = 16
NCHUNK = NPW // CH
BKP = NS * NPW

HROWS = N_NODES + 48
TRASH = N_NODES
COPY_ROWS = HROWS // NS


def _sc_sweep(xh, apw, q2, vthr, sidxp, beta_v):
    mesh = plsc.VectorSubcoreMesh(core_axis_name="c", subcore_axis_name="s")

    @functools.partial(
        pl.kernel,
        out_type=jax.ShapeDtypeStruct((NC * HROWS, RH), jnp.float32),
        mesh=mesh,
        compiler_params=pltpu.CompilerParams(use_tc_tiling_on_sc=False),
        scratch_types=(
            [pltpu.VMEM((2 * CH * MAX_DEG,), jnp.int32)] * 4
            + [pltpu.VMEM((CH * MAX_DEG,), jnp.float32)] * 4
            + [pltpu.VMEM((CH * MAX_DEG, RH), jnp.float32)] * 4
            + [pltpu.VMEM((CH, RH), jnp.float32)] * 4
            + [
                pltpu.VMEM((NPW, RH), jnp.float32),
                pltpu.VMEM((NCHUNK, CH), jnp.int32),
                pltpu.VMEM((16,), jnp.float32),
            ]
            + [pltpu.SemaphoreType.DMA] * 9
        ),
    )
    def k(xh_hbm, apw_hbm, q_hbm, v_hbm, sidx_hbm, beta_hbm,
          t_hbm, ab0, ab1, ab2, ab3, jb0, jb1, jb2, jb3,
          rw0, rw1, rw2, rw3, vb0, vb1, vb2, vb3, outb, sxb, betab,
          semA0, semA1, semA2, semA3, semG0, semG1, semG2, semG3, semS):
        c = lax.axis_index("c")
        s = lax.axis_index("s")
        AB, JB = (ab0, ab1, ab2, ab3), (jb0, jb1, jb2, jb3)
        RW, VB = (rw0, rw1, rw2, rw3), (vb0, vb1, vb2, vb3)
        SA, SG = (semA0, semA1, semA2, semA3), (semG0, semG1, semG2, semG3)

        hB = pltpu.async_copy(beta_hbm, betab, semA0)
        src0 = c * HROWS + s * COPY_ROWS
        pltpu.sync_copy(xh_hbm.at[pl.ds(src0, COPY_ROWS)],
                        t_hbm.at[pl.ds(src0, COPY_ROWS)])
        hB.wait()
        plsc.subcore_barrier()

        def block_body(b, _):
            cbase = (c * NUM_BLOCKS + b) * (NS * NCHUNK) + s * NCHUNK

            def a_descs(g, i):
                cr = cbase + g
                return [(apw_hbm.at[pl.ds(cr * 512, 512)], AB[i]),
                        (v_hbm.at[pl.ds(cr * CH, CH)], VB[i]),
                        (sidx_hbm.at[pl.ds(cr * CH, CH)], sxb.at[g])]

            def b_descs(i):
                return [(t_hbm.at[AB[i].at[pl.ds(0, 256)]], RW[i]),
                        (q_hbm.at[AB[i].at[pl.ds(256, 256)]], JB[i])]

            def fire_a(g, i):
                for sref, dref in a_descs(g, i):
                    pltpu.async_copy(sref, dref, SA[i])

            def wait_a(g, i):
                for sref, dref in a_descs(g, i):
                    pltpu.make_async_copy(sref, dref, SA[i]).wait()

            def fire_b(i):
                for sref, dref in b_descs(i):
                    pltpu.async_copy(sref, dref, SG[i])

            def wait_b(i):
                for sref, dref in b_descs(i):
                    pltpu.make_async_copy(sref, dref, SG[i]).wait()

            def compute(g, p):
                rows, jb, vb = RW[p], JB[p], VB[p]

                def node_body(r, _):
                    bv = betab[...]
                    jrow = jb[pl.ds(r * MAX_DEG, 16)]
                    accs = [jnp.zeros((16,), jnp.float32) for _ in range(RH // 16)]
                    for d in range(MAX_DEG):
                        e = r * MAX_DEG + d
                        jv = jnp.full((16,), jrow[d], jnp.float32)
                        for v_ in range(RH // 16):
                            accs[v_] = accs[v_] + jv * rows[e, pl.ds(v_ * 16, 16)]
                    for v_ in range(RH // 16):
                        tfield = (2.0 * accs[v_]) * bv
                        thr = vb[r, pl.ds(v_ * 16, 16)]
                        outb[g * CH + r, pl.ds(v_ * 16, 16)] = jnp.where(
                            tfield < thr, 1.0, -1.0).astype(jnp.float32)
                    return 0

                lax.fori_loop(0, CH, node_body, 0)

            for g0 in range(4):
                fire_a(g0, g0)
            for g0 in range(3):
                wait_a(g0, g0)
                fire_b(g0)

            def quad_body(gg, _):
                for p in range(4):
                    g = 4 * gg + p

                    @pl.when(g < NCHUNK)
                    def _():
                        wait_b(p)
                        compute(g, p)

                        @pl.when(g + 4 < NCHUNK)
                        def _():
                            fire_a(g + 4, p)

                        @pl.when(g + 3 < NCHUNK)
                        def _():
                            wait_a(g + 3, (p + 3) % 4)
                            fire_b((p + 3) % 4)
                return 0

            lax.fori_loop(0, (NCHUNK + 3) // 4, quad_body, 0)
            plsc.subcore_barrier()

            def scat_fire(g, _):
                pltpu.async_copy(
                    outb.at[pl.ds(g * CH, CH)], t_hbm.at[sxb.at[g]], semS)
                return 0

            def scat_drain(g, _):
                pltpu.make_async_copy(
                    outb.at[pl.ds(g * CH, CH)], t_hbm.at[sxb.at[g]], semS).wait()
                return 0

            lax.fori_loop(0, NCHUNK, scat_fire, 0)
            lax.fori_loop(0, NCHUNK, scat_drain, 0)
            plsc.subcore_barrier()
            return 0

        lax.fori_loop(0, NUM_BLOCKS, block_body, 0)

    return k(xh, apw, q2, vthr, sidxp, beta_v)


def kernel(x, linear, quadratic, padded_adjacencies, padded_adjacencies_weight,
           partition, beta):
    adj = padded_adjacencies.astype(jnp.int32)
    paw = padded_adjacencies_weight.astype(jnp.int32)
    x = x.astype(jnp.float32)

    pad_b = ((0, 0), (0, BKP - BK), (0, 0))
    adj_r = jnp.pad(adj.reshape(NUM_BLOCKS, BK, MAX_DEG), pad_b
                    ).reshape(NUM_BLOCKS, BKP // CH, CH * MAX_DEG)
    paw_r = jnp.pad(paw.reshape(NUM_BLOCKS, BK, MAX_DEG), pad_b
                    ).reshape(NUM_BLOCKS, BKP // CH, CH * MAX_DEG)
    apw = jnp.stack([
        jnp.concatenate([adj_r + cc * HROWS, paw_r], axis=-1)
        for cc in range(NC)]).reshape(-1)

    q2 = quadratic.astype(jnp.float32)

    beta32 = jnp.asarray(beta, jnp.float32)
    hmat = linear.astype(jnp.float32).reshape(NUM_BLOCKS, BK)
    key = jax.random.key(42)
    vs = []
    for b in range(NUM_BLOCKS):
        key, sub = jax.random.split(key)
        u = jax.random.uniform(sub, (NUM_READS, BK), jnp.float32)
        vs.append(jnp.log(1.0 / u - 1.0) - (2.0 * hmat[b])[None, :] * beta32)
    V = jnp.stack(vs)
    V = V.reshape(NUM_BLOCKS, NC, RH, BK).transpose(1, 0, 3, 2)
    V = jnp.pad(V, ((0, 0), (0, 0), (0, BKP - BK), (0, 0)))
    vthr = V.reshape(NC * NUM_BLOCKS * BKP, RH)

    l_ids = jnp.arange(BKP, dtype=jnp.int32)
    node_rows = (jnp.arange(NUM_BLOCKS, dtype=jnp.int32)[:, None] * BK
                 + l_ids[None, :])
    node_rows = jnp.where(l_ids[None, :] < BK, node_rows, TRASH)
    sidxp = jnp.concatenate(
        [node_rows.reshape(-1), node_rows.reshape(-1) + HROWS])

    xt = x.T.reshape(N_NODES, NC, RH)
    xt = jnp.pad(xt, ((0, HROWS - N_NODES), (0, 0), (0, 0)))
    xh = xt.transpose(1, 0, 2).reshape(NC * HROWS, RH)

    beta_v = jnp.full((16,), beta, jnp.float32)

    t_fin = _sc_sweep(xh, apw, q2, vthr, sidxp, beta_v)
    out = t_fin.reshape(NC, HROWS, RH)[:, :N_NODES, :]
    return out.transpose(0, 2, 1).reshape(NUM_READS, N_NODES)

# --- scband reference (transcript-rebuilt; emitter-appended) ---
"""Pipeline reference for scband-block-spin-update-sampler-75909251989822 (READ-ONLY COPY).

The authoritative reference and input builder live on the scoring server;
editing this copy changes nothing except your own understanding.
"""

import jax, jax.numpy as jnp
import numpy as np

N_NODES = 50000
MAX_DEG = 16
N_EDGES = 400000
NUM_READS = 128
NUM_BLOCKS = 4


def setup_inputs(seed: int = 0) -> dict:
    key = jax.random.key(seed)
    k1, k2, k3, k4, k5 = jax.random.split(key, 5)
    # spins +/-1 initial state (rands in the original code)
    x = jnp.where(jax.random.normal(k1, (NUM_READS, N_NODES)) >= 0.0, 1.0, -1.0).astype(jnp.float32)
    linear = jax.random.normal(k2, (N_NODES,), dtype=jnp.float32) * 0.1
    quadratic = jax.random.normal(k3, (N_EDGES,), dtype=jnp.float32) * 0.1
    # padded adjacency of neighbour node indices; fully dense (regular degree), so no -1 padding needed,
    # but the zero-pad column logic is kept faithful to the original.
    padded_adjacencies = jax.random.randint(k4, (N_NODES, MAX_DEG), 0, N_NODES, dtype=jnp.int64)
    padded_adjacencies_weight = jax.random.randint(k5, (N_NODES, MAX_DEG), 0, N_EDGES, dtype=jnp.int64)
    partition = jnp.arange(N_NODES, dtype=jnp.int64).reshape(NUM_BLOCKS, N_NODES // NUM_BLOCKS)
    beta = jnp.asarray(1.0, dtype=jnp.float32)
    return {
        "x": x,
        "linear": linear,
        "quadratic": quadratic,
        "padded_adjacencies": padded_adjacencies,
        "padded_adjacencies_weight": padded_adjacencies_weight,
        "partition": partition,
        "beta": beta,
    }


def reference(x, linear, quadratic, padded_adjacencies, padded_adjacencies_weight, partition, beta):
    # One full block-Gibbs sweep (step_ with kind='gibbs').
    num_reads = x.shape[0]
    key = jax.random.key(42)
    for b in range(partition.shape[0]):
        block = partition[b]
        zeros = jnp.zeros((num_reads, 1), dtype=x.dtype)
        xpad = jnp.concatenate([x, zeros], axis=1)
        adj = jnp.take(padded_adjacencies, block, axis=0)        # [Bk, D]; -1 pad would hit the zero column
        xnbr = xpad[:, adj]                                       # [R, Bk, D] gather
        h = jnp.take(linear, block, axis=0)                       # [Bk]
        J = jnp.take(quadratic, jnp.take(padded_adjacencies_weight, block, axis=0), axis=0)  # [Bk, D]
        effective_field = (xnbr * J[None, :, :]).sum(2) + h[None, :]  # [R, Bk]
        prob = 1.0 / (1.0 + jnp.exp(2.0 * effective_field * beta))
        key, sub = jax.random.split(key)
        bits = jax.random.bernoulli(sub, prob).astype(x.dtype)
        spins = 2.0 * bits - 1.0  # bit2spin_soft
        x = x.at[:, block].set(spins)  # scatter-overwrite
    return x

if __name__ == "__main__":
    import jax
    _d = setup_inputs()
    print(jax.jit(kernel)(*tuple(_d.values())))

</pallas_src>

<mosaic_0001>
#map = affine_map<(d0, d1) -> (0, 0)>
#map1 = affine_map<(d0, d1) -> (0)>
module attributes {stable_mosaic.version = 14 : i64} {
  func.func @k(%arg0: i32, %arg1: i32, %arg2: memref<100096x64xf32, #tpu.memory_space<hbm>>, %arg3: memref<3211264xi32, #tpu.memory_space<hbm>>, %arg4: memref<400000xf32, #tpu.memory_space<hbm>>, %arg5: memref<100352x64xf32, #tpu.memory_space<hbm>>, %arg6: memref<100352xi32, #tpu.memory_space<hbm>>, %arg7: memref<16xf32, #tpu.memory_space<hbm>>, %arg8: memref<100096x64xf32, #tpu.memory_space<hbm>>, %arg9: memref<512xi32, #tpu.memory_space<vmem>>, %arg10: memref<512xi32, #tpu.memory_space<vmem>>, %arg11: memref<512xi32, #tpu.memory_space<vmem>>, %arg12: memref<512xi32, #tpu.memory_space<vmem>>, %arg13: memref<256xf32, #tpu.memory_space<vmem>>, %arg14: memref<256xf32, #tpu.memory_space<vmem>>, %arg15: memref<256xf32, #tpu.memory_space<vmem>>, %arg16: memref<256xf32, #tpu.memory_space<vmem>>, %arg17: memref<256x64xf32, #tpu.memory_space<vmem>>, %arg18: memref<256x64xf32, #tpu.memory_space<vmem>>, %arg19: memref<256x64xf32, #tpu.memory_space<vmem>>, %arg20: memref<256x64xf32, #tpu.memory_space<vmem>>, %arg21: memref<16x64xf32, #tpu.memory_space<vmem>>, %arg22: memref<16x64xf32, #tpu.memory_space<vmem>>, %arg23: memref<16x64xf32, #tpu.memory_space<vmem>>, %arg24: memref<16x64xf32, #tpu.memory_space<vmem>>, %arg25: memref<784x64xf32, #tpu.memory_space<vmem>>, %arg26: memref<49x16xi32, #tpu.memory_space<vmem>>, %arg27: memref<16xf32, #tpu.memory_space<vmem>>, %arg28: memref<!tpu.dma_semaphore, #tpu.memory_space<semaphore_mem>>, %arg29: memref<!tpu.dma_semaphore, #tpu.memory_space<semaphore_mem>>, %arg30: memref<!tpu.dma_semaphore, #tpu.memory_space<semaphore_mem>>, %arg31: memref<!tpu.dma_semaphore, #tpu.memory_space<semaphore_mem>>, %arg32: memref<!tpu.dma_semaphore, #tpu.memory_space<semaphore_mem>>, %arg33: memref<!tpu.dma_semaphore, #tpu.memory_space<semaphore_mem>>, %arg34: memref<!tpu.dma_semaphore, #tpu.memory_space<semaphore_mem>>, %arg35: memref<!tpu.dma_semaphore, #tpu.memory_space<semaphore_mem>>, %arg36: memref<!tpu.dma_semaphore, #tpu.memory_space<semaphore_mem>>) attributes {dimension_semantics = [#tpu.dimension_semantics<core_parallel>, #tpu.dimension_semantics<subcore_parallel>], iteration_bounds = array<i64: 2, 16>, scalar_prefetch = 0 : i64, scratch_operands = 28 : i64, tpu.core_type = #tpu.core_type<sc_vector_subcore>, window_params = [{transform_indices = #map}, {transform_indices = #map1}, {transform_indices = #map1}, {transform_indices = #map}, {transform_indices = #map1}, {transform_indices = #map1}, {transform_indices = #map}]} {
    tpu.enqueue_dma source(%arg7 : memref<16xf32, #tpu.memory_space<hbm>>) target(%arg27 : memref<16xf32, #tpu.memory_space<vmem>>) target_semaphore(%arg28 : memref<!tpu.dma_semaphore, #tpu.memory_space<semaphore_mem>>)
    %mul3A = arith.constant 50048 : i32
    %mul3A_0 = arith.muli %arg0, %mul3A : i32
    %mul3A_1 = arith.constant 3128 : i32
    %mul3A_2 = arith.muli %arg1, %mul3A_1 : i32
    %add3A = arith.addi %mul3A_0, %mul3A_2 : i32
    "tpu.region"() ({
      %run_scoped3A = tpu.sem_alloc : memref<!tpu.dma_semaphore, #tpu.memory_space<semaphore_mem>>
      %dma_start3A = arith.constant 0 : i32
      %dma_start3A_9 = tpu.memref_slice %arg8[%add3A, %dma_start3A] : memref<100096x64xf32, #tpu.memory_space<hbm>> -> memref<3128x64xf32, #tpu.memory_space<hbm>>
      %dma_start3A_10 = arith.constant 0 : i32
      %dma_start3A_11 = tpu.memref_slice %arg2[%add3A, %dma_start3A_10] : memref<100096x64xf32, #tpu.memory_space<hbm>> -> memref<3128x64xf32, #tpu.memory_space<hbm>>
      tpu.enqueue_dma source(%dma_start3A_11 : memref<3128x64xf32, #tpu.memory_space<hbm>>) target(%dma_start3A_9 : memref<3128x64xf32, #tpu.memory_space<hbm>>) target_semaphore(%run_scoped3A : memref<!tpu.dma_semaphore, #tpu.memory_space<semaphore_mem>>)
      %dma_wait3A = arith.constant 0 : i32
      %dma_wait3A_12 = tpu.memref_slice %arg8[%add3A, %dma_wait3A] : memref<100096x64xf32, #tpu.memory_space<hbm>> -> memref<3128x64xf32, #tpu.memory_space<hbm>>
      %dma_wait3A_13 = arith.constant 0 : i32
      %dma_wait3A_14 = tpu.memref_slice %arg2[%add3A, %dma_wait3A_13] : memref<100096x64xf32, #tpu.memory_space<hbm>> -> memref<3128x64xf32, #tpu.memory_space<hbm>>
      tpu.wait_dma2 semaphore(%run_scoped3A : memref<!tpu.dma_semaphore, #tpu.memory_space<semaphore_mem>>) src(%dma_wait3A_14 : memref<3128x64xf32, #tpu.memory_space<hbm>>) dst(%dma_wait3A_12 : memref<3128x64xf32, #tpu.memory_space<hbm>>)
      tpu.yield
    }) : () -> ()
    tpu.wait_dma2 semaphore(%arg28 : memref<!tpu.dma_semaphore, #tpu.memory_space<semaphore_mem>>) src(%arg7 : memref<16xf32, #tpu.memory_space<hbm>>) dst(%arg27 : memref<16xf32, #tpu.memory_space<vmem>>)
    %barrier3A = arith.constant 0 : index
    tpu.barrier barrier_id(%barrier3A)
    %scan3A = arith.constant 0 : i32
    %scan3A_3 = arith.constant 0 : i32
    %scan3A_4 = arith.constant 4 : i32
    %scan3A_5 = arith.addi %scan3A_3, %scan3A_4 : i32
    %scan3A_6 = arith.constant 1 : i32
    %scan3A_7 = scf.for %scan3A_9 = %scan3A_3 to %scan3A_5 step %scan3A_6 iter_args(%scan3A_10 = %scan3A) -> (i32)  : i32 {
      %mul3A_11 = arith.constant 4 : i32
      %mul3A_12 = arith.muli %arg0, %mul3A_11 : i32
      %add3A_13 = arith.addi %mul3A_12, %scan3A_9 : i32
      %mul3A_14 = arith.constant 784 : i32
      %mul3A_15 = arith.muli %add3A_13, %mul3A_14 : i32
      %mul3A_16 = arith.constant 49 : i32
      %mul3A_17 = arith.muli %arg1, %mul3A_16 : i32
      %add3A_18 = arith.addi %mul3A_15, %mul3A_17 : i32
      %add3A_19 = arith.constant 0 : i32
      %add3A_20 = arith.addi %add3A_18, %add3A_19 : i32
      %mul3A_21 = arith.constant 512 : i32
      %mul3A_22 = arith.muli %add3A_20, %mul3A_21 : i32
      %mul3A_23 = arith.constant 16 : i32
      %mul3A_24 = arith.muli %add3A_20, %mul3A_23 : i32
      %mul3A_25 = arith.constant 16 : i32
      %mul3A_26 = arith.muli %add3A_20, %mul3A_25 : i32
      %dma_start3A = tpu.memref_slice %arg3[%mul3A_22] : memref<3211264xi32, #tpu.memory_space<hbm>> -> memref<512xi32, #tpu.memory_space<hbm>>
      %dma_start3A_27 = tpu.memref_slice %arg3[%mul3A_22] : memref<3211264xi32, #tpu.memory_space<hbm>> -> memref<512xi32, #tpu.memory_space<hbm>>
      tpu.enqueue_dma source(%dma_start3A_27 : memref<512xi32, #tpu.memory_space<hbm>>) target(%arg9 : memref<512xi32, #tpu.memory_space<vmem>>) target_semaphore(%arg28 : memref<!tpu.dma_semaphore, #tpu.memory_space<semaphore_mem>>)
      %dma_start3A_28 = arith.constant 0 : i32
      %dma_start3A_29 = tpu.memref_slice %arg5[%mul3A_24, %dma_start3A_28] : memref<100352x64xf32, #tpu.memory_space<hbm>> -> memref<16x64xf32, #tpu.memory_space<hbm>>
      %dma_start3A_30 = arith.constant 0 : i32
      %dma_start3A_31 = tpu.memref_slice %arg5[%mul3A_24, %dma_start3A_30] : memref<100352x64xf32, #tpu.memory_space<hbm>> -> memref<16x64xf32, #tpu.memory_space<hbm>>
      tpu.enqueue_dma source(%dma_start3A_31 : memref<16x64xf32, #tpu.memory_space<hbm>>) target(%arg21 : memref<16x64xf32, #tpu.memory_space<vmem>>) target_semaphore(%arg28 : memref<!tpu.dma_semaphore, #tpu.memory_space<semaphore_mem>>)
      %dma_start3A_32 = arith.constant 0 : i32
      %dma_start3A_33 = arith.constant 0 : i32
      %dma_start3A_34 = tpu.memref_slice %arg26[%dma_start3A_32, %dma_start3A_33] : memref<49x16xi32, #tpu.memory_space<vmem>> -> memref<1x16xi32, #tpu.memory_space<vmem>>
      %dma_start3A_35 = tpu.memref_squeeze %dma_start3A_34 : memref<1x16xi32, #tpu.memory_space<vmem>> -> memref<16xi32, #tpu.memory_space<vmem>>
      %dma_start3A_36 = tpu.memref_slice %arg6[%mul3A_26] : memref<100352xi32, #tpu.memory_space<hbm>> -> memref<16xi32, #tpu.memory_space<hbm>>
      %dma_start3A_37 = arith.constant 0 : i32
      %dma_start3A_38 = tpu.memref_slice %arg26[%dma_start3A_32, %dma_start3A_37] : memref<49x16xi32, #tpu.memory_space<vmem>> -> memref<1x16xi32, #tpu.memory_space<vmem>>
      %dma_start3A_39 = tpu.memref_squeeze %dma_start3A_38 : memref<1x16xi32, #tpu.memory_space<vmem>> -> memref<16xi32, #tpu.memory_space<vmem>>
      %dma_start3A_40 = tpu.memref_slice %arg6[%mul3A_26] : memref<100352xi32, #tpu.memory_space<hbm>> -> memref<16xi32, #tpu.memory_space<hbm>>
      tpu.enqueue_dma source(%dma_start3A_40 : memref<16xi32, #tpu.memory_space<hbm>>) target(%dma_start3A_39 : memref<16xi32, #tpu.memory_space<vmem>>) target_semaphore(%arg28 : memref<!tpu.dma_semaphore, #tpu.memory_space<semaphore_mem>>)
      %add3A_41 = arith.constant 1 : i32
      %add3A_42 = arith.addi %add3A_18, %add3A_41 : i32
      %mul3A_43 = arith.constant 512 : i32
      %mul3A_44 = arith.muli %add3A_42, %mul3A_43 : i32
      %mul3A_45 = arith.constant 16 : i32
      %mul3A_46 = arith.muli %add3A_42, %mul3A_45 : i32
      %mul3A_47 = arith.constant 16 : i32
      %mul3A_48 = arith.muli %add3A_42, %mul3A_47 : i32
      %dma_start3A_49 = tpu.memref_slice %arg3[%mul3A_44] : memref<3211264xi32, #tpu.memory_space<hbm>> -> memref<512xi32, #tpu.memory_space<hbm>>
      %dma_start3A_50 = tpu.memref_slice %arg3[%mul3A_44] : memref<3211264xi32, #tpu.memory_space<hbm>> -> memref<512xi32, #tpu.memory_space<hbm>>
      tpu.enqueue_dma source(%dma_start3A_50 : memref<512xi32, #tpu.memory_space<hbm>>) target(%arg10 : memref<512xi32, #tpu.memory_space<vmem>>) target_semaphore(%arg29 : memref<!tpu.dma_semaphore, #tpu.memory_space<semaphore_mem>>)
      %dma_start3A_51 = arith.constant 0 : i32
      %dma_start3A_52 = tpu.memref_slice %arg5[%mul3A_46, %dma_start3A_51] : memref<100352x64xf32, #tpu.memory_space<hbm>> -> memref<16x64xf32, #tpu.memory_space<hbm>>
      %dma_start3A_53 = arith.constant 0 : i32
      %dma_start3A_54 = tpu.memref_slice %arg5[%mul3A_46, %dma_start3A_53] : memref<100352x64xf32, #tpu.memory_space<hbm>> -> memref<16x64xf32, #tpu.memory_space<hbm>>
      tpu.enqueue_dma source(%dma_start3A_54 : memref<16x64xf32, #tpu.memory_space<hbm>>) target(%arg22 : memref<16x64xf32, #tpu.memory_space<vmem>>) target_semaphore(%arg29 : memref<!tpu.dma_semaphore, #tpu.memory_space<semaphore_mem>>)
      %dma_start3A_55 = arith.constant 1 : i32
      %dma_start3A_56 = arith.constant 0 : i32
      %dma_start3A_57 = tpu.memref_slice %arg26[%dma_start3A_55, %dma_start3A_56] : memref<49x16xi32, #tpu.memory_space<vmem>> -> memref<1x16xi32, #tpu.memory_space<vmem>>
      %dma_start3A_58 = tpu.memref_squeeze %dma_start3A_57 : memref<1x16xi32, #tpu.memory_space<vmem>> -> memref<16xi32, #tpu.memory_space<vmem>>
      %dma_start3A_59 = tpu.memref_slice %arg6[%mul3A_48] : memref<100352xi32, #tpu.memory_space<hbm>> -> memref<16xi32, #tpu.memory_space<hbm>>
      %dma_start3A_60 = arith.constant 0 : i32
      %dma_start3A_61 = tpu.memref_slice %arg26[%dma_start3A_55, %dma_start3A_60] : memref<49x16xi32, #tpu.memory_space<vmem>> -> memref<1x16xi32, #tpu.memory_space<vmem>>
      %dma_start3A_62 = tpu.memref_squeeze %dma_start3A_61 : memref<1x16xi32, #tpu.memory_space<vmem>> -> memref<16xi32, #tpu.memory_space<vmem>>
      %dma_start3A_63 = tpu.memref_slice %arg6[%mul3A_48] : memref<100352xi32, #tpu.memory_space<hbm>> -> memref<16xi32, #tpu.memory_space<hbm>>
      tpu.enqueue_dma source(%dma_start3A_63 : memref<16xi32, #tpu.memory_space<hbm>>) target(%dma_start3A_62 : memref<16xi32, #tpu.memory_space<vmem>>) target_semaphore(%arg29 : memref<!tpu.dma_semaphore, #tpu.memory_space<semaphore_mem>>)
      %add3A_64 = arith.constant 2 : i32
      %add3A_65 = arith.addi %add3A_18, %add3A_64 : i32
      %mul3A_66 = arith.constant 512 : i32
      %mul3A_67 = arith.muli %add3A_65, %mul3A_66 : i32
      %mul3A_68 = arith.constant 16 : i32
      %mul3A_69 = arith.muli %add3A_65, %mul3A_68 : i32
      %mul3A_70 = arith.constant 16 : i32
      %mul3A_71 = arith.muli %add3A_65, %mul3A_70 : i32
      %dma_start3A_72 = tpu.memref_slice %arg3[%mul3A_67] : memref<3211264xi32, #tpu.memory_space<hbm>> -> memref<512xi32, #tpu.memory_space<hbm>>
      %dma_start3A_73 = tpu.memref_slice %arg3[%mul3A_67] : memref<3211264xi32, #tpu.memory_space<hbm>> -> memref<512xi32, #tpu.memory_space<hbm>>
      tpu.enqueue_dma source(%dma_start3A_73 : memref<512xi32, #tpu.memory_space<hbm>>) target(%arg11 : memref<512xi32, #tpu.memory_space<vmem>>) target_semaphore(%arg30 : memref<!tpu.dma_semaphore, #tpu.memory_space<semaphore_mem>>)
      %dma_start3A_74 = arith.constant 0 : i32
      %dma_start3A_75 = tpu.memref_slice %arg5[%mul3A_69, %dma_start3A_74] : memref<100352x64xf32, #tpu.memory_space<hbm>> -> memref<16x64xf32, #tpu.memory_space<hbm>>
      %dma_start3A_76 = arith.constant 0 : i32
      %dma_start3A_77 = tpu.memref_slice %arg5[%mul3A_69, %dma_start3A_76] : memref<100352x64xf32, #tpu.memory_space<hbm>> -> memref<16x64xf32, #tpu.memory_space<hbm>>
      tpu.enqueue_dma source(%dma_start3A_77 : memref<16x64xf32, #tpu.memory_space<hbm>>) target(%arg23 : memref<16x64xf32, #tpu.memory_space<vmem>>) target_semaphore(%arg30 : memref<!tpu.dma_semaphore, #tpu.memory_space<semaphore_mem>>)
      %dma_start3A_78 = arith.constant 2 : i32
      %dma_start3A_79 = arith.constant 0 : i32
      %dma_start3A_80 = tpu.memref_slice %arg26[%dma_start3A_78, %dma_start3A_79] : memref<49x16xi32, #tpu.memory_space<vmem>> -> memref<1x16xi32, #tpu.memory_space<vmem>>
      %dma_start3A_81 = tpu.memref_squeeze %dma_start3A_80 : memref<1x16xi32, #tpu.memory_space<vmem>> -> memref<16xi32, #tpu.memory_space<vmem>>
      %dma_start3A_82 = tpu.memref_slice %arg6[%mul3A_71] : memref<100352xi32, #tpu.memory_space<hbm>> -> memref<16xi32, #tpu.memory_space<hbm>>
      %dma_start3A_83 = arith.constant 0 : i32
      %dma_start3A_84 = tpu.memref_slice %arg26[%dma_start3A_78, %dma_start3A_83] : memref<49x16xi32, #tpu.memory_space<vmem>> -> memref<1x16xi32, #tpu.memory_space<vmem>>
      %dma_start3A_85 = tpu.memref_squeeze %dma_start3A_84 : memref<1x16xi32, #tpu.memory_space<vmem>> -> memref<16xi32, #tpu.memory_space<vmem>>
      %dma_start3A_86 = tpu.memref_slice %arg6[%mul3A_71] : memref<100352xi32, #tpu.memory_space<hbm>> -> memref<16xi32, #tpu.memory_space<hbm>>
      tpu.enqueue_dma source(%dma_start3A_86 : memref<16xi32, #tpu.memory_space<hbm>>) target(%dma_start3A_85 : memref<16xi32, #tpu.memory_space<vmem>>) target_semaphore(%arg30 : memref<!tpu.dma_semaphore, #tpu.memory_space<semaphore_mem>>)
      %add3A_87 = arith.constant 3 : i32
      %add3A_88 = arith.addi %add3A_18, %add3A_87 : i32
      %mul3A_89 = arith.constant 512 : i32
      %mul3A_90 = arith.muli %add3A_88, %mul3A_89 : i32
      %mul3A_91 = arith.constant 16 : i32
      %mul3A_92 = arith.muli %add3A_88, %mul3A_91 : i32
      %mul3A_93 = arith.constant 16 : i32
      %mul3A_94 = arith.muli %add3A_88, %mul3A_93 : i32
      %dma_start3A_95 = tpu.memref_slice %arg3[%mul3A_90] : memref<3211264xi32, #tpu.memory_space<hbm>> -> memref<512xi32, #tpu.memory_space<hbm>>
      %dma_start3A_96 = tpu.memref_slice %arg3[%mul3A_90] : memref<3211264xi32, #tpu.memory_space<hbm>> -> memref<512xi32, #tpu.memory_space<hbm>>
      tpu.enqueue_dma source(%dma_start3A_96 : memref<512xi32, #tpu.memory_space<hbm>>) target(%arg12 : memref<512xi32, #tpu.memory_space<vmem>>) target_semaphore(%arg31 : memref<!tpu.dma_semaphore, #tpu.memory_space<semaphore_mem>>)
      %dma_start3A_97 = arith.constant 0 : i32
      %dma_start3A_98 = tpu.memref_slice %arg5[%mul3A_92, %dma_start3A_97] : memref<100352x64xf32, #tpu.memory_space<hbm>> -> memref<16x64xf32, #tpu.memory_space<hbm>>
      %dma_start3A_99 = arith.constant 0 : i32
      %dma_start3A_100 = tpu.memref_slice %arg5[%mul3A_92, %dma_start3A_99] : memref<100352x64xf32, #tpu.memory_space<hbm>> -> memref<16x64xf32, #tpu.memory_space<hbm>>
      tpu.enqueue_dma source(%dma_start3A_100 : memref<16x64xf32, #tpu.memory_space<hbm>>) target(%arg24 : memref<16x64xf32, #tpu.memory_space<vmem>>) target_semaphore(%arg31 : memref<!tpu.dma_semaphore, #tpu.memory_space<semaphore_mem>>)
      %dma_start3A_101 = arith.constant 3 : i32
      %dma_start3A_102 = arith.constant 0 : i32
      %dma_start3A_103 = tpu.memref_slice %arg26[%dma_start3A_101, %dma_start3A_102] : memref<49x16xi32, #tpu.memory_space<vmem>> -> memref<1x16xi32, #tpu.memory_space<vmem>>
      %dma_start3A_104 = tpu.memref_squeeze %dma_start3A_103 : memref<1x16xi32, #tpu.memory_space<vmem>> -> memref<16xi32, #tpu.memory_space<vmem>>
      %dma_start3A_105 = tpu.memref_slice %arg6[%mul3A_94] : memref<100352xi32, #tpu.memory_space<hbm>> -> memref<16xi32, #tpu.memory_space<hbm>>
      %dma_start3A_106 = arith.constant 0 : i32
      %dma_start3A_107 = tpu.memref_slice %arg26[%dma_start3A_101, %dma_start3A_106] : memref<49x16xi32, #tpu.memory_space<vmem>> -> memref<1x16xi32, #tpu.memory_space<vmem>>
      %dma_start3A_108 = tpu.memref_squeeze %dma_start3A_107 : memref<1x16xi32, #tpu.memory_space<vmem>> -> memref<16xi32, #tpu.memory_space<vmem>>
      %dma_start3A_109 = tpu.memref_slice %arg6[%mul3A_94] : memref<100352xi32, #tpu.memory_space<hbm>> -> memref<16xi32, #tpu.memory_space<hbm>>
      tpu.enqueue_dma source(%dma_start3A_109 : memref<16xi32, #tpu.memory_space<hbm>>) target(%dma_start3A_108 : memref<16xi32, #tpu.memory_space<vmem>>) target_semaphore(%arg31 : memref<!tpu.dma_semaphore, #tpu.memory_space<semaphore_mem>>)
      %add3A_110 = arith.constant 0 : i32
      %add3A_111 = arith.addi %add3A_18, %add3A_110 : i32
      %mul3A_112 = arith.constant 512 : i32
      %mul3A_113 = arith.muli %add3A_111, %mul3A_112 : i32
      %mul3A_114 = arith.constant 16 : i32
      %mul3A_115 = arith.muli %add3A_111, %mul3A_114 : i32
      %mul3A_116 = arith.constant 16 : i32
      %mul3A_117 = arith.muli %add3A_111, %mul3A_116 : i32
      %dma_wait3A = tpu.memref_slice %arg3[%mul3A_113] : memref<3211264xi32, #tpu.memory_space<hbm>> -> memref<512xi32, #tpu.memory_space<hbm>>
      %dma_wait3A_118 = tpu.memref_slice %arg3[%mul3A_113] : memref<3211264xi32, #tpu.memory_space<hbm>> -> memref<512xi32, #tpu.memory_space<hbm>>
      tpu.wait_dma2 semaphore(%arg28 : memref<!tpu.dma_semaphore, #tpu.memory_space<semaphore_mem>>) src(%dma_wait3A_118 : memref<512xi32, #tpu.memory_space<hbm>>) dst(%arg9 : memref<512xi32, #tpu.memory_space<vmem>>)
      %dma_wait3A_119 = arith.constant 0 : i32
      %dma_wait3A_120 = tpu.memref_slice %arg5[%mul3A_115, %dma_wait3A_119] : memref<100352x64xf32, #tpu.memory_space<hbm>> -> memref<16x64xf32, #tpu.memory_space<hbm>>
      %dma_wait3A_121 = arith.constant 0 : i32
      %dma_wait3A_122 = tpu.memref_slice %arg5[%mul3A_115, %dma_wait3A_121] : memref<100352x64xf32, #tpu.memory_space<hbm>> -> memref<16x64xf32, #tpu.memory_space<hbm>>
      tpu.wait_dma2 semaphore(%arg28 : memref<!tpu.dma_semaphore, #tpu.memory_space<semaphore_mem>>) src(%dma_wait3A_122 : memref<16x64xf32, #tpu.memory_space<hbm>>) dst(%arg21 : memref<16x64xf32, #tpu.memory_space<vmem>>)
      %dma_wait3A_123 = arith.constant 0 : i32
      %dma_wait3A_124 = arith.constant 0 : i32
      %dma_wait3A_125 = tpu.memref_slice %arg26[%dma_wait3A_123, %dma_wait3A_124] : memref<49x16xi32, #tpu.memory_space<vmem>> -> memref<1x16xi32, #tpu.memory_space<vmem>>
      %dma_wait3A_126 = tpu.memref_squeeze %dma_wait3A_125 : memref<1x16xi32, #tpu.memory_space<vmem>> -> memref<16xi32, #tpu.memory_space<vmem>>
      %dma_wait3A_127 = tpu.memref_slice %arg6[%mul3A_117] : memref<100352xi32, #tpu.memory_space<hbm>> -> memref<16xi32, #tpu.memory_space<hbm>>
      %dma_wait3A_128 = arith.constant 0 : i32
      %dma_wait3A_129 = tpu.memref_slice %arg26[%dma_wait3A_123, %dma_wait3A_128] : memref<49x16xi32, #tpu.memory_space<vmem>> -> memref<1x16xi32, #tpu.memory_space<vmem>>
      %dma_wait3A_130 = tpu.memref_squeeze %dma_wait3A_129 : memref<1x16xi32, #tpu.memory_space<vmem>> -> memref<16xi32, #tpu.memory_space<vmem>>
      %dma_wait3A_131 = tpu.memref_slice %arg6[%mul3A_117] : memref<100352xi32, #tpu.memory_space<hbm>> -> memref<16xi32, #tpu.memory_space<hbm>>
      tpu.wait_dma2 semaphore(%arg28 : memref<!tpu.dma_semaphore, #tpu.memory_space<semaphore_mem>>) src(%dma_wait3A_131 : memref<16xi32, #tpu.memory_space<hbm>>) dst(%dma_wait3A_130 : memref<16xi32, #tpu.memory_space<vmem>>)
      %dma_start3A_132 = arith.constant 0 : i32
      %dma_start3A_133 = tpu.memref_slice %arg9[%dma_start3A_132] : memref<512xi32, #tpu.memory_space<vmem>> -> memref<256xi32, #tpu.memory_space<vmem>>
      %dma_start3A_134 = arith.constant 0 : i32
      %dma_start3A_135 = arith.constant 0 : i32
      %dma_start3A_136 = tpu.memref_slice %arg8[%dma_start3A_134, %dma_start3A_135] : memref<100096x64xf32, #tpu.memory_space<hbm>> -> memref<100096x64xf32, #tpu.memory_space<hbm>>
      tpu.enqueue_indirect_dma source(%dma_start3A_136 : memref<100096x64xf32, #tpu.memory_space<hbm>>) target(%arg17 : memref<256x64xf32, #tpu.memory_space<vmem>>) offsets(%dma_start3A_133 : memref<256xi32, #tpu.memory_space<vmem>>) semaphore(%arg32 : memref<!tpu.dma_semaphore, #tpu.memory_space<semaphore_mem>>)
      %dma_start3A_137 = arith.constant 256 : i32
      %dma_start3A_138 = tpu.memref_slice %arg9[%dma_start3A_137] : memref<512xi32, #tpu.memory_space<vmem>> -> memref<256xi32, #tpu.memory_space<vmem>>
      %dma_start3A_139 = arith.constant 0 : i32
      %dma_start3A_140 = tpu.memref_slice %arg4[%dma_start3A_139] : memref<400000xf32, #tpu.memory_space<hbm>> -> memref<400000xf32, #tpu.memory_space<hbm>>
      tpu.enqueue_indirect_dma source(%dma_start3A_140 : memref<400000xf32, #tpu.memory_space<hbm>>) target(%arg13 : memref<256xf32, #tpu.memory_space<vmem>>) offsets(%dma_start3A_138 : memref<256xi32, #tpu.memory_space<vmem>>) semaphore(%arg32 : memref<!tpu.dma_semaphore, #tpu.memory_space<semaphore_mem>>)
      %add3A_141 = arith.constant 1 : i32
      %add3A_142 = arith.addi %add3A_18, %add3A_141 : i32
      %mul3A_143 = arith.constant 512 : i32
      %mul3A_144 = arith.muli %add3A_142, %mul3A_143 : i32
      %mul3A_145 = arith.constant 16 : i32
      %mul3A_146 = arith.muli %add3A_142, %mul3A_145 : i32
      %mul3A_147 = arith.constant 16 : i32
      %mul3A_148 = arith.muli %add3A_142, %mul3A_147 : i32
      %dma_wait3A_149 = tpu.memref_slice %arg3[%mul3A_144] : memref<3211264xi32, #tpu.memory_space<hbm>> -> memref<512xi32, #tpu.memory_space<hbm>>
      %dma_wait3A_150 = tpu.memref_slice %arg3[%mul3A_144] : memref<3211264xi32, #tpu.memory_space<hbm>> -> memref<512xi32, #tpu.memory_space<hbm>>
      tpu.wait_dma2 semaphore(%arg29 : memref<!tpu.dma_semaphore, #tpu.memory_space<semaphore_mem>>) src(%dma_wait3A_150 : memref<512xi32, #tpu.memory_space<hbm>>) dst(%arg10 : memref<512xi32, #tpu.memory_space<vmem>>)
      %dma_wait3A_151 = arith.constant 0 : i32
      %dma_wait3A_152 = tpu.memref_slice %arg5[%mul3A_146, %dma_wait3A_151] : memref<100352x64xf32, #tpu.memory_space<hbm>> -> memref<16x64xf32, #tpu.memory_space<hbm>>
      %dma_wait3A_153 = arith.constant 0 : i32
      %dma_wait3A_154 = tpu.memref_slice %arg5[%mul3A_146, %dma_wait3A_153] : memref<100352x64xf32, #tpu.memory_space<hbm>> -> memref<16x64xf32, #tpu.memory_space<hbm>>
      tpu.wait_dma2 semaphore(%arg29 : memref<!tpu.dma_semaphore, #tpu.memory_space<semaphore_mem>>) src(%dma_wait3A_154 : memref<16x64xf32, #tpu.memory_space<hbm>>) dst(%arg22 : memref<16x64xf32, #tpu.memory_space<vmem>>)
      %dma_wait3A_155 = arith.constant 1 : i32
      %dma_wait3A_156 = arith.constant 0 : i32
      %dma_wait3A_157 = tpu.memref_slice %arg26[%dma_wait3A_155, %dma_wait3A_156] : memref<49x16xi32, #tpu.memory_space<vmem>> -> memref<1x16xi32, #tpu.memory_space<vmem>>
      %dma_wait3A_158 = tpu.memref_squeeze %dma_wait3A_157 : memref<1x16xi32, #tpu.memory_space<vmem>> -> memref<16xi32, #tpu.memory_space<vmem>>
      %dma_wait3A_159 = tpu.memref_slice %arg6[%mul3A_148] : memref<100352xi32, #tpu.memory_space<hbm>> -> memref<16xi32, #tpu.memory_space<hbm>>
      %dma_wait3A_160 = arith.constant 0 : i32
      %dma_wait3A_161 = tpu.memref_slice %arg26[%dma_wait3A_155, %dma_wait3A_160] : memref<49x16xi32, #tpu.memory_space<vmem>> -> memref<1x16xi32, #tpu.memory_space<vmem>>
      %dma_wait3A_162 = tpu.memref_squeeze %dma_wait3A_161 : memref<1x16xi32, #tpu.memory_space<vmem>> -> memref<16xi32, #tpu.memory_space<vmem>>
      %dma_wait3A_163 = tpu.memref_slice %arg6[%mul3A_148] : memref<100352xi32, #tpu.memory_space<hbm>> -> memref<16xi32, #tpu.memory_space<hbm>>
      tpu.wait_dma2 semaphore(%arg29 : memref<!tpu.dma_semaphore, #tpu.memory_space<semaphore_mem>>) src(%dma_wait3A_163 : memref<16xi32, #tpu.memory_space<hbm>>) dst(%dma_wait3A_162 : memref<16xi32, #tpu.memory_space<vmem>>)
      %dma_start3A_164 = arith.constant 0 : i32
      %dma_start3A_165 = tpu.memref_slice %arg10[%dma_start3A_164] : memref<512xi32, #tpu.memory_space<vmem>> -> memref<256xi32, #tpu.memory_space<vmem>>
      %dma_start3A_166 = arith.constant 0 : i32
      %dma_start3A_167 = arith.constant 0 : i32
      %dma_start3A_168 = tpu.memref_slice %arg8[%dma_start3A_166, %dma_start3A_167] : memref<100096x64xf32, #tpu.memory_space<hbm>> -> memref<100096x64xf32, #tpu.memory_space<hbm>>
      tpu.enqueue_indirect_dma source(%dma_start3A_168 : memref<100096x64xf32, #tpu.memory_space<hbm>>) target(%arg18 : memref<256x64xf32, #tpu.memory_space<vmem>>) offsets(%dma_start3A_165 : memref<256xi32, #tpu.memory_space<vmem>>) semaphore(%arg33 : memref<!tpu.dma_semaphore, #tpu.memory_space<semaphore_mem>>)
      %dma_start3A_169 = arith.constant 256 : i32
      %dma_start3A_170 = tpu.memref_slice %arg10[%dma_start3A_169] : memref<512xi32, #tpu.memory_space<vmem>> -> memref<256xi32, #tpu.memory_space<vmem>>
      %dma_start3A_171 = arith.constant 0 : i32
      %dma_start3A_172 = tpu.memref_slice %arg4[%dma_start3A_171] : memref<400000xf32, #tpu.memory_space<hbm>> -> memref<400000xf32, #tpu.memory_space<hbm>>
      tpu.enqueue_indirect_dma source(%dma_start3A_172 : memref<400000xf32, #tpu.memory_space<hbm>>) target(%arg14 : memref<256xf32, #tpu.memory_space<vmem>>) offsets(%dma_start3A_170 : memref<256xi32, #tpu.memory_space<vmem>>) semaphore(%arg33 : memref<!tpu.dma_semaphore, #tpu.memory_space<semaphore_mem>>)
      %add3A_173 = arith.constant 2 : i32
      %add3A_174 = arith.addi %add3A_18, %add3A_173 : i32
      %mul3A_175 = arith.constant 512 : i32
      %mul3A_176 = arith.muli %add3A_174, %mul3A_175 : i32
      %mul3A_177 = arith.constant 16 : i32
      %mul3A_178 = arith.muli %add3A_174, %mul3A_177 : i32
      %mul3A_179 = arith.constant 16 : i32
      %mul3A_180 = arith.muli %add3A_174, %mul3A_179 : i32
      %dma_wait3A_181 = tpu.memref_slice %arg3[%mul3A_176] : memref<3211264xi32, #tpu.memory_space<hbm>> -> memref<512xi32, #tpu.memory_space<hbm>>
      %dma_wait3A_182 = tpu.memref_slice %arg3[%mul3A_176] : memref<3211264xi32, #tpu.memory_space<hbm>> -> memref<512xi32, #tpu.memory_space<hbm>>
      tpu.wait_dma2 semaphore(%arg30 : memref<!tpu.dma_semaphore, #tpu.memory_space<semaphore_mem>>) src(%dma_wait3A_182 : memref<512xi32, #tpu.memory_space<hbm>>) dst(%arg11 : memref<512xi32, #tpu.memory_space<vmem>>)
      %dma_wait3A_183 = arith.constant 0 : i32
      %dma_wait3A_184 = tpu.memref_slice %arg5[%mul3A_178, %dma_wait3A_183] : memref<100352x64xf32, #tpu.memory_space<hbm>> -> memref<16x64xf32, #tpu.memory_space<hbm>>
      %dma_wait3A_185 = arith.constant 0 : i32
      %dma_wait3A_186 = tpu.memref_slice %arg5[%mul3A_178, %dma_wait3A_185] : memref<100352x64xf32, #tpu.memory_space<hbm>> -> memref<16x64xf32, #tpu.memory_space<hbm>>
      tpu.wait_dma2 semaphore(%arg30 : memref<!tpu.dma_semaphore, #tpu.memory_space<semaphore_mem>>) src(%dma_wait3A_186 : memref<16x64xf32, #tpu.memory_space<hbm>>) dst(%arg23 : memref<16x64xf32, #tpu.memory_space<vmem>>)
      %dma_wait3A_187 = arith.constant 2 : i32
      %dma_wait3A_188 = arith.constant 0 : i32
      %dma_wait3A_189 = tpu.memref_slice %arg26[%dma_wait3A_187, %dma_wait3A_188] : memref<49x16xi32, #tpu.memory_space<vmem>> -> memref<1x16xi32, #tpu.memory_space<vmem>>
      %dma_wait3A_190 = tpu.memref_squeeze %dma_wait3A_189 : memref<1x16xi32, #tpu.memory_space<vmem>> -> memref<16xi32, #tpu.memory_space<vmem>>
      %dma_wait3A_191 = tpu.memref_slice %arg6[%mul3A_180] : memref<100352xi32, #tpu.memory_space<hbm>> -> memref<16xi32, #tpu.memory_space<hbm>>
      %dma_wait3A_192 = arith.constant 0 : i32
      %dma_wait3A_193 = tpu.memref_slice %arg26[%dma_wait3A_187, %dma_wait3A_192] : memref<49x16xi32, #tpu.memory_space<vmem>> -> memref<1x16xi32, #tpu.memory_space<vmem>>
      %dma_wait3A_194 = tpu.memref_squeeze %dma_wait3A_193 : memref<1x16xi32, #tpu.memory_space<vmem>> -> memref<16xi32, #tpu.memory_space<vmem>>
      %dma_wait3A_195 = tpu.memref_slice %arg6[%mul3A_180] : memref<100352xi32, #tpu.memory_space<hbm>> -> memref<16xi32, #tpu.memory_space<hbm>>
      tpu.wait_dma2 semaphore(%arg30 : memref<!tpu.dma_semaphore, #tpu.memory_space<semaphore_mem>>) src(%dma_wait3A_195 : memref<16xi32, #tpu.memory_space<hbm>>) dst(%dma_wait3A_194 : memref<16xi32, #tpu.memory_space<vmem>>)
      %dma_start3A_196 = arith.constant 0 : i32
      %dma_start3A_197 = tpu.memref_slice %arg11[%dma_start3A_196] : memref<512xi32, #tpu.memory_space<vmem>> -> memref<256xi32, #tpu.memory_space<vmem>>
      %dma_start3A_198 = arith.constant 0 : i32
      %dma_start3A_199 = arith.constant 0 : i32
      %dma_start3A_200 = tpu.memref_slice %arg8[%dma_start3A_198, %dma_start3A_199] : memref<100096x64xf32, #tpu.memory_space<hbm>> -> memref<100096x64xf32, #tpu.memory_space<hbm>>
      tpu.enqueue_indirect_dma source(%dma_start3A_200 : memref<100096x64xf32, #tpu.memory_space<hbm>>) target(%arg19 : memref<256x64xf32, #tpu.memory_space<vmem>>) offsets(%dma_start3A_197 : memref<256xi32, #tpu.memory_space<vmem>>) semaphore(%arg34 : memref<!tpu.dma_semaphore, #tpu.memory_space<semaphore_mem>>)
      %dma_start3A_201 = arith.constant 256 : i32
      %dma_start3A_202 = tpu.memref_slice %arg11[%dma_start3A_201] : memref<512xi32, #tpu.memory_space<vmem>> -> memref<256xi32, #tpu.memory_space<vmem>>
      %dma_start3A_203 = arith.constant 0 : i32
      %dma_start3A_204 = tpu.memref_slice %arg4[%dma_start3A_203] : memref<400000xf32, #tpu.memory_space<hbm>> -> memref<400000xf32, #tpu.memory_space<hbm>>
      tpu.enqueue_indirect_dma source(%dma_start3A_204 : memref<400000xf32, #tpu.memory_space<hbm>>) target(%arg15 : memref<256xf32, #tpu.memory_space<vmem>>) offsets(%dma_start3A_202 : memref<256xi32, #tpu.memory_space<vmem>>) semaphore(%arg34 : memref<!tpu.dma_semaphore, #tpu.memory_space<semaphore_mem>>)
      %scan3A_205 = arith.constant 0 : i32
      %scan3A_206 = arith.constant 0 : i32
      %scan3A_207 = arith.constant 13 : i32
      %scan3A_208 = arith.addi %scan3A_206, %scan3A_207 : i32
      %scan3A_209 = arith.constant 1 : i32
      %scan3A_210 = scf.for %scan3A_229 = %scan3A_206 to %scan3A_208 step %scan3A_209 iter_args(%scan3A_230 = %scan3A_205) -> (i32)  : i32 {
        %mul3A_231 = arith.constant 4 : i32
        %mul3A_232 = arith.muli %mul3A_231, %scan3A_229 : i32
        %add3A_233 = arith.constant 0 : i32
        %add3A_234 = arith.addi %mul3A_232, %add3A_233 : i32
        %lt3A = arith.constant 49 : i32
        %lt3A_235 = arith.cmpi slt, %add3A_234, %lt3A : i32
        %convert_element_type3A = arith.extui %lt3A_235 : i1 to i32
        %cond3A = arith.constant 0 : i32
        %cond3A_236 = arith.cmpi ne, %convert_element_type3A, %cond3A : i32
        scf.if %cond3A_236 {
          %dma_wait3A_265 = arith.constant 0 : i32
          %dma_wait3A_266 = tpu.memref_slice %arg9[%dma_wait3A_265] : memref<512xi32, #tpu.memory_space<vmem>> -> memref<256xi32, #tpu.memory_space<vmem>>
          %dma_wait3A_267 = arith.constant 0 : i32
          %dma_wait3A_268 = arith.constant 0 : i32
          %dma_wait3A_269 = tpu.memref_slice %arg8[%dma_wait3A_267, %dma_wait3A_268] : memref<100096x64xf32, #tpu.memory_space<hbm>> -> memref<100096x64xf32, #tpu.memory_space<hbm>>
          tpu.wait_indirect_dma semaphore(%arg32 : memref<!tpu.dma_semaphore, #tpu.memory_space<semaphore_mem>>) src(%dma_wait3A_269 : memref<100096x64xf32, #tpu.memory_space<hbm>>) dst(%arg17 : memref<256x64xf32, #tpu.memory_space<vmem>>)
          %dma_wait3A_270 = arith.constant 256 : i32
          %dma_wait3A_271 = tpu.memref_slice %arg9[%dma_wait3A_270] : memref<512xi32, #tpu.memory_space<vmem>> -> memref<256xi32, #tpu.memory_space<vmem>>
          %dma_wait3A_272 = arith.constant 0 : i32
          %dma_wait3A_273 = tpu.memref_slice %arg4[%dma_wait3A_272] : memref<400000xf32, #tpu.memory_space<hbm>> -> memref<400000xf32, #tpu.memory_space<hbm>>
          tpu.wait_indirect_dma semaphore(%arg32 : memref<!tpu.dma_semaphore, #tpu.memory_space<semaphore_mem>>) src(%dma_wait3A_273 : memref<400000xf32, #tpu.memory_space<hbm>>) dst(%arg13 : memref<256xf32, #tpu.memory_space<vmem>>)
          %scan3A_274 = arith.constant 0 : i32
          %scan3A_275 = arith.constant 0 : i32
          %scan3A_276 = arith.constant 16 : i32
          %scan3A_277 = arith.addi %scan3A_275, %scan3A_276 : i32
          %scan3A_278 = arith.constant 1 : i32
          %scan3A_279 = scf.for %scan3A_295 = %scan3A_275 to %scan3A_277 step %scan3A_278 iter_args(%scan3A_296 = %scan3A_274) -> (i32)  : i32 {
            %get3A = arith.constant 0 : index
            %get3A_297 = tpu.vector_load %arg27[%get3A] {strides = array<i32>} : memref<16xf32, #tpu.memory_space<vmem>>, vector<16xf32>,
            %get3A_298 = vector.shape_cast %get3A_297 : vector<16xf32> to vector<16xf32>
            %mul3A_299 = arith.constant 16 : i32
            %mul3A_300 = arith.muli %scan3A_295, %mul3A_299 : i32
            %get3A_301 = arith.index_cast %mul3A_300 : i32 to index
            %get3A_302 = tpu.vector_load %arg13[%get3A_301] {strides = array<i32>} : memref<256xf32, #tpu.memory_space<vmem>>, vector<16xf32>,
            %get3A_303 = vector.shape_cast %get3A_302 : vector<16xf32> to vector<16xf32>
            %broadcast_in_dim3A = arith.constant 0.000000e+00 : f32
            %broadcast_in_dim3A_304 = vector.broadcast %broadcast_in_dim3A : f32 to vector<16xf32>
            %broadcast_in_dim3A_305 = arith.constant 0.000000e+00 : f32
            %broadcast_in_dim3A_306 = vector.broadcast %broadcast_in_dim3A_305 : f32 to vector<16xf32>
            %broadcast_in_dim3A_307 = arith.constant 0.000000e+00 : f32
            %broadcast_in_dim3A_308 = vector.broadcast %broadcast_in_dim3A_307 : f32 to vector<16xf32>
            %broadcast_in_dim3A_309 = arith.constant 0.000000e+00 : f32
            %broadcast_in_dim3A_310 = vector.broadcast %broadcast_in_dim3A_309 : f32 to vector<16xf32>
            %mul3A_311 = arith.constant 16 : i32
            %mul3A_312 = arith.muli %scan3A_295, %mul3A_311 : i32
            %add3A_313 = arith.constant 0 : i32
            %add3A_314 = arith.addi %mul3A_312, %add3A_313 : i32
            %slice3A = vector.extract_strided_slice %get3A_303 {offsets = [0], sizes = [1], strides = [1]} : vector<16xf32> to vector<1xf32>
            %squeeze3A = vector.extract %slice3A[0] : f32 from vector<1xf32>
            %broadcast_in_dim3A_315 = vector.broadcast %squeeze3A : f32 to vector<16xf32>
            %get3A_316 = arith.index_cast %add3A_314 : i32 to index
            %get3A_317 = arith.constant 0 : index
            %get3A_318 = tpu.vector_load %arg17[%get3A_316, %get3A_317] {strides = array<i32>} : memref<256x64xf32, #tpu.memory_space<vmem>>, vector<1x16xf32>,
            %get3A_319 = vector.shape_cast %get3A_318 : vector<1x16xf32> to vector<16xf32>
            %mul3A_320 = arith.mulf %broadcast_in_dim3A_315, %get3A_319 : vector<16xf32>
            %add3A_321 = arith.addf %broadcast_in_dim3A_304, %mul3A_320 : vector<16xf32>
            %get3A_322 = arith.index_cast %add3A_314 : i32 to index
            %get3A_323 = arith.constant 16 : index
            %get3A_324 = tpu.vector_load %arg17[%get3A_322, %get3A_323] {strides = array<i32>} : memref<256x64xf32, #tpu.memory_space<vmem>>, vector<1x16xf32>,
            %get3A_325 = vector.shape_cast %get3A_324 : vector<1x16xf32> to vector<16xf32>
            %mul3A_326 = arith.mulf %broadcast_in_dim3A_315, %get3A_325 : vector<16xf32>
            %add3A_327 = arith.addf %broadcast_in_dim3A_306, %mul3A_326 : vector<16xf32>
            %get3A_328 = arith.index_cast %add3A_314 : i32 to index
            %get3A_329 = arith.constant 32 : index
            %get3A_330 = tpu.vector_load %arg17[%get3A_328, %get3A_329] {strides = array<i32>} : memref<256x64xf32, #tpu.memory_space<vmem>>, vector<1x16xf32>,
            %get3A_331 = vector.shape_cast %get3A_330 : vector<1x16xf32> to vector<16xf32>
            %mul3A_332 = arith.mulf %broadcast_in_dim3A_315, %get3A_331 : vector<16xf32>
            %add3A_333 = arith.addf %broadcast_in_dim3A_308, %mul3A_332 : vector<16xf32>
            %get3A_334 = arith.index_cast %add3A_314 : i32 to index
            %get3A_335 = arith.constant 48 : index
            %get3A_336 = tpu.vector_load %arg17[%get3A_334, %get3A_335] {strides = array<i32>} : memref<256x64xf32, #tpu.memory_space<vmem>>, vector<1x16xf32>,
            %get3A_337 = vector.shape_cast %get3A_336 : vector<1x16xf32> to vector<16xf32>
            %mul3A_338 = arith.mulf %broadcast_in_dim3A_315, %get3A_337 : vector<16xf32>
            %add3A_339 = arith.addf %broadcast_in_dim3A_310, %mul3A_338 : vector<16xf32>
            %mul3A_340 = arith.constant 16 : i32
            %mul3A_341 = arith.muli %scan3A_295, %mul3A_340 : i32
            %add3A_342 = arith.constant 1 : i32
            %add3A_343 = arith.addi %mul3A_341, %add3A_342 : i32
            %slice3A_344 = vector.extract_strided_slice %get3A_303 {offsets = [1], sizes = [1], strides = [1]} : vector<16xf32> to vector<1xf32>
            %squeeze3A_345 = vector.extract %slice3A_344[0] : f32 from vector<1xf32>
            %broadcast_in_dim3A_346 = vector.broadcast %squeeze3A_345 : f32 to vector<16xf32>
            %get3A_347 = arith.index_cast %add3A_343 : i32 to index
            %get3A_348 = arith.constant 0 : index
            %get3A_349 = tpu.vector_load %arg17[%get3A_347, %get3A_348] {strides = array<i32>} : memref<256x64xf32, #tpu.memory_space<vmem>>, vector<1x16xf32>,
            %get3A_350 = vector.shape_cast %get3A_349 : vector<1x16xf32> to vector<16xf32>
            %mul3A_351 = arith.mulf %broadcast_in_dim3A_346, %get3A_350 : vector<16xf32>
            %add3A_352 = arith.addf %add3A_321, %mul3A_351 : vector<16xf32>
            %get3A_353 = arith.index_cast %add3A_343 : i32 to index
            %get3A_354 = arith.constant 16 : index
            %get3A_355 = tpu.vector_load %arg17[%get3A_353, %get3A_354] {strides = array<i32>} : memref<256x64xf32, #tpu.memory_space<vmem>>, vector<1x16xf32>,
            %get3A_356 = vector.shape_cast %get3A_355 : vector<1x16xf32> to vector<16xf32>
            %mul3A_357 = arith.mulf %broadcast_in_dim3A_346, %get3A_356 : vector<16xf32>
            %add3A_358 = arith.addf %add3A_327, %mul3A_357 : vector<16xf32>
            %get3A_359 = arith.index_cast %add3A_343 : i32 to index
            %get3A_360 = arith.constant 32 : index
            %get3A_361 = tpu.vector_load %arg17[%get3A_359, %get3A_360] {strides = array<i32>} : memref<256x64xf32, #tpu.memory_space<vmem>>, vector<1x16xf32>,
            %get3A_362 = vector.shape_cast %get3A_361 : vector<1x16xf32> to vector<16xf32>
            %mul3A_363 = arith.mulf %broadcast_in_dim3A_346, %get3A_362 : vector<16xf32>
            %add3A_364 = arith.addf %add3A_333, %mul3A_363 : vector<16xf32>
            %get3A_365 = arith.index_cast %add3A_343 : i32 to index
            %get3A_366 = arith.constant 48 : index
            %get3A_367 = tpu.vector_load %arg17[%get3A_365, %get3A_366] {strides = array<i32>} : memref<256x64xf32, #tpu.memory_space<vmem>>, vector<1x16xf32>,
            %get3A_368 = vector.shape_cast %get3A_367 : vector<1x16xf32> to vector<16xf32>
            %mul3A_369 = arith.mulf %broadcast_in_dim3A_346, %get3A_368 : vector<16xf32>
            %add3A_370 = arith.addf %add3A_339, %mul3A_369 : vector<16xf32>
            %mul3A_371 = arith.constant 16 : i32
            %mul3A_372 = arith.muli %scan3A_295, %mul3A_371 : i32
            %add3A_373 = arith.constant 2 : i32
            %add3A_374 = arith.addi %mul3A_372, %add3A_373 : i32
            %slice3A_375 = vector.extract_strided_slice %get3A_303 {offsets = [2], sizes = [1], strides = [1]} : vector<16xf32> to vector<1xf32>
            %squeeze3A_376 = vector.extract %slice3A_375[0] : f32 from vector<1xf32>
            %broadcast_in_dim3A_377 = vector.broadcast %squeeze3A_376 : f32 to vector<16xf32>
            %get3A_378 = arith.index_cast %add3A_374 : i32 to index
            %get3A_379 = arith.constant 0 : index
            %get3A_380 = tpu.vector_load %arg17[%get3A_378, %get3A_379] {strides = array<i32>} : memref<256x64xf32, #tpu.memory_space<vmem>>, vector<1x16xf32>,
            %get3A_381 = vector.shape_cast %get3A_380 : vector<1x16xf32> to vector<16xf32>
            %mul3A_382 = arith.mulf %broadcast_in_dim3A_377, %get3A_381 : vector<16xf32>
            %add3A_383 = arith.addf %add3A_352, %mul3A_382 : vector<16xf32>
            %get3A_384 = arith.index_cast %add3A_374 : i32 to index
            %get3A_385 = arith.constant 16 : index
            %get3A_386 = tpu.vector_load %arg17[%get3A_384, %get3A_385] {strides = array<i32>} : memref<256x64xf32, #tpu.memory_space<vmem>>, vector<1x16xf32>,
            %get3A_387 = vector.shape_cast %get3A_386 : vector<1x16xf32> to vector<16xf32>
            %mul3A_388 = arith.mulf %broadcast_in_dim3A_377, %get3A_387 : vector<16xf32>
            %add3A_389 = arith.addf %add3A_358, %mul3A_388 : vector<16xf32>
            %get3A_390 = arith.index_cast %add3A_374 : i32 to index
            %get3A_391 = arith.constant 32 : index
            %get3A_392 = tpu.vector_load %arg17[%get3A_390, %get3A_391] {strides = array<i32>} : memref<256x64xf32, #tpu.memory_space<vmem>>, vector<1x16xf32>,
            %get3A_393 = vector.shape_cast %get3A_392 : vector<1x16xf32> to vector<16xf32>
            %mul3A_394 = arith.mulf %broadcast_in_dim3A_377, %get3A_393 : vector<16xf32>
            %add3A_395 = arith.addf %add3A_364, %mul3A_394 : vector<16xf32>
            %get3A_396 = arith.index_cast %add3A_374 : i32 to index
            %get3A_397 = arith.constant 48 : index
            %get3A_398 = tpu.vector_load %arg17[%get3A_396, %get3A_397] {strides = array<i32>} : memref<256x64xf32, #tpu.memory_space<vmem>>, vector<1x16xf32>,
            %get3A_399 = vector.shape_cast %get3A_398 : vector<1x16xf32> to vector<16xf32>
            %mul3A_400 = arith.mulf %broadcast_in_dim3A_377, %get3A_399 : vector<16xf32>
            %add3A_401 = arith.addf %add3A_370, %mul3A_400 : vector<16xf32>
            %mul3A_402 = arith.constant 16 : i32
            %mul3A_403 = arith.muli %scan3A_295, %mul3A_402 : i32
            %add3A_404 = arith.constant 3 : i32
            %add3A_405 = arith.addi %mul3A_403, %add3A_404 : i32
            %slice3A_406 = vector.extract_strided_slice %get3A_303 {offsets = [3], sizes = [1], strides = [1]} : vector<16xf32> to vector<1xf32>
            %squeeze3A_407 = vector.extract %slice3A_406[0] : f32 from vector<1xf32>
            %broadcast_in_dim3A_408 = vector.broadcast %squeeze3A_407 : f32 to vector<16xf32>
            %get3A_409 = arith.index_cast %add3A_405 : i32 to index
            %get3A_410 = arith.constant 0 : index
            %get3A_411 = tpu.vector_load %arg17[%get3A_409, %get3A_410] {strides = array<i32>} : memref<256x64xf32, #tpu.memory_space<vmem>>, vector<1x16xf32>,
            %get3A_412 = vector.shape_cast %get3A_411 : vector<1x16xf32> to vector<16xf32>
            %mul3A_413 = arith.mulf %broadcast_in_dim3A_408, %get3A_412 : vector<16xf32>
            %add3A_414 = arith.addf %add3A_383, %mul3A_413 : vector<16xf32>
            %get3A_415 = arith.index_cast %add3A_405 : i32 to index
            %get3A_416 = arith.constant 16 : index
            %get3A_417 = tpu.vector_load %arg17[%get3A_415, %get3A_416] {strides = array<i32>} : memref<256x64xf32, #tpu.memory_space<vmem>>, vector<1x16xf32>,
            %get3A_418 = vector.shape_cast %get3A_417 : vector<1x16xf32> to vector<16xf32>
            %mul3A_419 = arith.mulf %broadcast_in_dim3A_408, %get3A_418 : vector<16xf32>
            %add3A_420 = arith.addf %add3A_389, %mul3A_419 : vector<16xf32>
            %get3A_421 = arith.index_cast %add3A_405 : i32 to index
            %get3A_422 = arith.constant 32 : index
            %get3A_423 = tpu.vector_load %arg17[%get3A_421, %get3A_422] {strides = array<i32>} : memref<256x64xf32, #tpu.memory_space<vmem>>, vector<1x16xf32>,
            %get3A_424 = vector.shape_cast %get3A_423 : vector<1x16xf32> to vector<16xf32>
            %mul3A_425 = arith.mulf %broadcast_in_dim3A_408, %get3A_424 : vector<16xf32>
            %add3A_426 = arith.addf %add3A_395, %mul3A_425 : vector<16xf32>
            %get3A_427 = arith.index_cast %add3A_405 : i32 to index
            %get3A_428 = arith.constant 48 : index
            %get3A_429 = tpu.vector_load %arg17[%get3A_427, %get3A_428] {strides = array<i32>} : memref<256x64xf32, #tpu.memory_space<vmem>>, vector<1x16xf32>,
            %get3A_430 = vector.shape_cast %get3A_429 : vector<1x16xf32> to vector<16xf32>
            %mul3A_431 = arith.mulf %broadcast_in_dim3A_408, %get3A_430 : vector<16xf32>
            %add3A_432 = arith.addf %add3A_401, %mul3A_431 : vector<16xf32>
            %mul3A_433 = arith.constant 16 : i32
            %mul3A_434 = arith.muli %scan3A_295, %mul3A_433 : i32
            %add3A_435 = arith.constant 4 : i32
            %add3A_436 = arith.addi %mul3A_434, %add3A_435 : i32
            %slice3A_437 = vector.extract_strided_slice %get3A_303 {offsets = [4], sizes = [1], strides = [1]} : vector<16xf32> to vector<1xf32>
            %squeeze3A_438 = vector.extract %slice3A_437[0] : f32 from vector<1xf32>
            %broadcast_in_dim3A_439 = vector.broadcast %squeeze3A_438 : f32 to vector<16xf32>
            %get3A_440 = arith.index_cast %add3A_436 : i32 to index
            %get3A_441 = arith.constant 0 : index
            %get3A_442 = tpu.vector_load %arg17[%get3A_440, %get3A_441] {strides = array<i32>} : memref<256x64xf32, #tpu.memory_space<vmem>>, vector<1x16xf32>,
            %get3A_443 = vector.shape_cast %get3A_442 : vector<1x16xf32> to vector<16xf32>
            %mul3A_444 = arith.mulf %broadcast_in_dim3A_439, %get3A_443 : vector<16xf32>
            %add3A_445 = arith.addf %add3A_414, %mul3A_444 : vector<16xf32>
            %get3A_446 = arith.index_cast %add3A_436 : i32 to index
            %get3A_447 = arith.constant 16 : index
            %get3A_448 = tpu.vector_load %arg17[%get3A_446, %get3A_447] {strides = array<i32>} : memref<256x64xf32, #tpu.memory_space<vmem>>, vector<1x16xf32>,
            %get3A_449 = vector.shape_cast %get3A_448 : vector<1x16xf32> to vector<16xf32>
            %mul3A_450 = arith.mulf %broadcast_in_dim3A_439, %get3A_449 : vector<16xf32>
            %add3A_451 = arith.addf %add3A_420, %mul3A_450 : vector<16xf32>
            %get3A_452 = arith.index_cast %add3A_436 : i32 to index
            %get3A_453 = arith.constant 32 : index
            %get3A_454 = tpu.vector_load %arg17[%get3A_452, %get3A_453] {strides = array<i32>} : memref<256x64xf32, #tpu.memory_space<vmem>>, vector<1x16xf32>,
            %get3A_455 = vector.shape_cast %get3A_454 : vector<1x16xf32> to vector<16xf32>
            %mul3A_456 = arith.mulf %broadcast_in_dim3A_439, %get3A_455 : vector<16xf32>
            %add3A_457 = arith.addf %add3A_426, %mul3A_456 : vector<16xf32>
            %get3A_458 = arith.index_cast %add3A_436 : i32 to index
            %get3A_459 = arith.constant 48 : index
            %get3A_460 = tpu.vector_load %arg17[%get3A_458, %get3A_459] {strides = array<i32>} : memref<256x64xf32, #tpu.memory_space<vmem>>, vector<1x16xf32>,
            %get3A_461 = vector.shape_cast %get3A_460 : vector<1x16xf32> to vector<16xf32>
            %mul3A_462 = arith.mulf %broadcast_in_dim3A_439, %get3A_461 : vector<16xf32>
            %add3A_463 = arith.addf %add3A_432, %mul3A_462 : vector<16xf32>
            %mul3A_464 = arith.constant 16 : i32
            %mul3A_465 = arith.muli %scan3A_295, %mul3A_464 : i32
            %add3A_466 = arith.constant 5 : i32
            %add3A_467 = arith.addi %mul3A_465, %add3A_466 : i32
            %slice3A_468 = vector.extract_strided_slice %get3A_303 {offsets = [5], sizes = [1], strides = [1]} : vector<16xf32> to vector<1xf32>
            %squeeze3A_469 = vector.extract %slice3A_468[0] : f32 from vector<1xf32>
            %broadcast_in_dim3A_470 = vector.broadcast %squeeze3A_469 : f32 to vector<16xf32>
            %get3A_471 = arith.index_cast %add3A_467 : i32 to index
            %get3A_472 = arith.constant 0 : index
            %get3A_473 = tpu.vector_load %arg17[%get3A_471, %get3A_472] {strides = array<i32>} : memref<256x64xf32, #tpu.memory_space<vmem>>, vector<1x16xf32>,
            %get3A_474 = vector.shape_cast %get3A_473 : vector<1x16xf32> to vector<16xf32>
            %mul3A_475 = arith.mulf %broadcast_in_dim3A_470, %get3A_474 : vector<16xf32>
            %add3A_476 = arith.addf %add3A_445, %mul3A_475 : vector<16xf32>
            %get3A_477 = arith.index_cast %add3A_467 : i32 to index
            %get3A_478 = arith.constant 16 : index
            %get3A_479 = tpu.vector_load %arg17[%get3A_477, %get3A_478] {strides = array<i32>} : memref<256x64xf32, #tpu.memory_space<vmem>>, vector<1x16xf32>,
            %get3A_480 = vector.shape_cast %get3A_479 : vector<1x16xf32> to vector<16xf32>
            %mul3A_481 = arith.mulf %broadcast_in_dim3A_470, %get3A_480 : vector<16xf32>
            %add3A_482 = arith.addf %add3A_451, %mul3A_481 : vector<16xf32>
            %get3A_483 = arith.index_cast %add3A_467 : i32 to index
            %get3A_484 = arith.constant 32 : index
            %get3A_485 = tpu.vector_load %arg17[%get3A_483, %get3A_484] {strides = array<i32>} : memref<256x64xf32, #tpu.memory_space<vmem>>, vector<1x16xf32>,
            %get3A_486 = vector.shape_cast %get3A_485 : vector<1x16xf32> to vector<16xf32>
            %mul3A_487 = arith.mulf %broadcast_in_dim3A_470, %get3A_486 : vector<16xf32>
            %add3A_488 = arith.addf %add3A_457, %mul3A_487 : vector<16xf32>
            %get3A_489 = arith.index_cast %add3A_467 : i32 to index
            %get3A_490 = arith.constant 48 : index
            %get3A_491 = tpu.vector_load %arg17[%get3A_489, %get3A_490] {strides = array<i32>} : memref<256x64xf32, #tpu.memory_space<vmem>>, vector<1x16xf32>,
            %get3A_492 = vector.shape_cast %get3A_491 : vector<1x16xf32> to vector<16xf32>
            %mul3A_493 = arith.mulf %broadcast_in_dim3A_470, %get3A_492 : vector<16xf32>
            %add3A_494 = arith.addf %add3A_463, %mul3A_493 : vector<16xf32>
            %mul3A_495 = arith.constant 16 : i32
            %mul3A_496 = arith.muli %scan3A_295, %mul3A_495 : i32
            %add3A_497 = arith.constant 6 : i32
            %add3A_498 = arith.addi %mul3A_496, %add3A_497 : i32
            %slice3A_499 = vector.extract_strided_slice %get3A_303 {offsets = [6], sizes = [1], strides = [1]} : vector<16xf32> to vector<1xf32>
            %squeeze3A_500 = vector.extract %slice3A_499[0] : f32 from vector<1xf32>
            %broadcast_in_dim3A_501 = vector.broadcast %squeeze3A_500 : f32 to vector<16xf32>
            %get3A_502 = arith.index_cast %add3A_498 : i32 to index
            %get3A_503 = arith.constant 0 : index
            %get3A_504 = tpu.vector_load %arg17[%get3A_502, %get3A_503] {strides = array<i32>} : memref<256x64xf32, #tpu.memory_space<vmem>>, vector<1x16xf32>,
            %get3A_505 = vector.shape_cast %get3A_504 : vector<1x16xf32> to vector<16xf32>
            %mul3A_506 = arith.mulf %broadcast_in_dim3A_501, %get3A_505 : vector<16xf32>
            %add3A_507 = arith.addf %add3A_476, %mul3A_506 : vector<16xf32>
            %get3A_508 = arith.index_cast %add3A_498 : i32 to index
            %get3A_509 = arith.constant 16 : index
            %get3A_510 = tpu.vector_load %arg17[%get3A_508, %get3A_509] {strides = array<i32>} : memref<256x64xf32, #tpu.memory_space<vmem>>, vector<1x16xf32>,
            %get3A_511 = vector.shape_cast %get3A_510 : vector<1x16xf32> to vector<16xf32>
            %mul3A_512 = arith.mulf %broadcast_in_dim3A_501, %get3A_511 : vector<16xf32>
            %add3A_513 = arith.addf %add3A_482, %mul3A_512 : vector<16xf32>
            %get3A_514 = arith.index_cast %add3A_498 : i32 to index
            %get3A_515 = arith.constant 32 : index
            %get3A_516 = tpu.vector_load %arg17[%get3A_514, %get3A_515] {strides = array<i32>} : memref<256x64xf32, #tpu.memory_space<vmem>>, vector<1x16xf32>,
            %get3A_517 = vector.shape_cast %get3A_516 : vector<1x16xf32> to vector<16xf32>
            %mul3A_518 = arith.mulf %broadcast_in_dim3A_501, %get3A_517 : vector<16xf32>
            %add3A_519 = arith.addf %add3A_488, %mul3A_518 : vector<16xf32>
            %get3A_520 = arith.index_cast %add3A_498 : i32 to index
            %get3A_521 = arith.constant 48 : index
            %get3A_522 = tpu.vector_load %arg17[%get3A_520, %get3A_521] {strides = array<i32>} : memref<256x64xf32, #tpu.memory_space<vmem>>, vector<1x16xf32>,
            %get3A_523 = vector.shape_cast %get3A_522 : vector<1x16xf32> to vector<16xf32>
            %mul3A_524 = arith.mulf %broadcast_in_dim3A_501, %get3A_523 : vector<16xf32>
            %add3A_525 = arith.addf %add3A_494, %mul3A_524 : vector<16xf32>
            %mul3A_526 = arith.constant 16 : i32
            %mul3A_527 = arith.muli %scan3A_295, %mul3A_526 : i32
            %add3A_528 = arith.constant 7 : i32
            %add3A_529 = arith.addi %mul3A_527, %add3A_528 : i32
            %slice3A_530 = vector.extract_strided_slice %get3A_303 {offsets = [7], sizes = [1], strides = [1]} : vector<16xf32> to vector<1xf32>
            %squeeze3A_531 = vector.extract %slice3A_530[0] : f32 from vector<1xf32>
            %broadcast_in_dim3A_532 = vector.broadcast %squeeze3A_531 : f32 to vector<16xf32>
            %get3A_533 = arith.index_cast %add3A_529 : i32 to index
            %get3A_534 = arith.constant 0 : index
            %get3A_535 = tpu.vector_load %arg17[%get3A_533, %get3A_534] {strides = array<i32>} : memref<256x64xf32, #tpu.memory_space<vmem>>, vector<1x16xf32>,
            %get3A_536 = vector.shape_cast %get3A_535 : vector<1x16xf32> to vector<16xf32>
            %mul3A_537 = arith.mulf %broadcast_in_dim3A_532, %get3A_536 : vector<16xf32>
            %add3A_538 = arith.addf %add3A_507, %mul3A_537 : vector<16xf32>
            %get3A_539 = arith.index_cast %add3A_529 : i32 to index
            %get3A_540 = arith.constant 16 : index
            %get3A_541 = tpu.vector_load %arg17[%get3A_539, %get3A_540] {strides = array<i32>} : memref<256x64xf32, #tpu.memory_space<vmem>>, vector<1x16xf32>,
            %get3A_542 = vector.shape_cast %get3A_541 : vector<1x16xf32> to vector<16xf32>
            %mul3A_543 = arith.mulf %broadcast_in_dim3A_532, %get3A_542 : vector<16xf32>
            %add3A_544 = arith.addf %add3A_513, %mul3A_543 : vector<16xf32>
            %get3A_545 = arith.index_cast %add3A_529 : i32 to index
            %get3A_546 = arith.constant 32 : index
            %get3A_547 = tpu.vector_load %arg17[%get3A_545, %get3A_546] {strides = array<i32>} : memref<256x64xf32, #tpu.memory_space<vmem>>, vector<1x16xf32>,
            %get3A_548 = vector.shape_cast %get3A_547 : vector<1x16xf32> to vector<16xf32>
            %mul3A_549 = arith.mulf %broadcast_in_dim3A_532, %get3A_548 : vector<16xf32>
            %add3A_550 = arith.addf %add3A_519, %mul3A_549 : vector<16xf32>
            %get3A_551 = arith.index_cast %add3A_529 : i32 to index
            %get3A_552 = arith.constant 48 : index
            %get3A_553 = tpu.vector_load %arg17[%get3A_551, %get3A_552] {strides = array<i32>} : memref<256x64xf32, #tpu.memory_space<vmem>>, vector<1x16xf32>,
            %get3A_554 = vector.shape_cast %get3A_553 : vector<1x16xf32> to vector<16xf32>
            %mul3A_555 = arith.mulf %broadcast_in_dim3A_532, %get3A_554 : vector<16xf32>
            %add3A_556 = arith.addf %add3A_525, %mul3A_555 : vector<16xf32>
            %mul3A_557 = arith.constant 16 : i32
            %mul3A_558 = arith.muli %scan3A_295, %mul3A_557 : i32
            %add3A_559 = arith.constant 8 : i32
            %add3A_560 = arith.addi %mul3A_558, %add3A_559 : i32
            %slice3A_561 = vector.extract_strided_slice %get3A_303 {offsets = [8], sizes = [1], strides = [1]} : vector<16xf32> to vector<1xf32>
            %squeeze3A_562 = vector.extract %slice3A_561[0] : f32 from vector<1xf32>
            %broadcast_in_dim3A_563 = vector.broadcast %squeeze3A_562 : f32 to vector<16xf32>
            %get3A_564 = arith.index_cast %add3A_560 : i32 to index
            %get3A_565 = arith.constant 0 : index
            %get3A_566 = tpu.vector_load %arg17[%get3A_564, %get3A_565] {strides = array<i32>} : memref<256x64xf32, #tpu.memory_space<vmem>>, vector<1x16xf32>,
            %get3A_567 = vector.shape_cast %get3A_566 : vector<1x16xf32> to vector<16xf32>
            %mul3A_568 = arith.mulf %broadcast_in_dim3A_563, %get3A_567 : vector<16xf32>
            %add3A_569 = arith.addf %add3A_538, %mul3A_568 : vector<16xf32>
            %get3A_570 = arith.index_cast %add3A_560 : i32 to index
            %get3A_571 = arith.constant 16 : index
            %get3A_572 = tpu.vector_load %arg17[%get3A_570, %get3A_571] {strides = array<i32>} : memref<256x64xf32, #tpu.memory_space<vmem>>, vector<1x16xf32>,
            %get3A_573 = vector.shape_cast %get3A_572 : vector<1x16xf32> to vector<16xf32>
            %mul3A_574 = arith.mulf %broadcast_in_dim3A_563, %get3A_573 : vector<16xf32>
            %add3A_575 = arith.addf %add3A_544, %mul3A_574 : vector<16xf32>
            %get3A_576 = arith.index_cast %add3A_560 : i32 to index
            %get3A_577 = arith.constant 32 : index
            %get3A_578 = tpu.vector_load %arg17[%get3A_576, %get3A_577] {strides = array<i32>} : memref<256x64xf32, #tpu.memory_space<vmem>>, vector<1x16xf32>,
            %get3A_579 = vector.shape_cast %get3A_578 : vector<1x16xf32> to vector<16xf32>
            %mul3A_580 = arith.mulf %broadcast_in_dim3A_563, %get3A_579 : vector<16xf32>
            %add3A_581 = arith.addf %add3A_550, %mul3A_580 : vector<16xf32>
            %get3A_582 = arith.index_cast %add3A_560 : i32 to index
            %get3A_583 = arith.constant 48 : index
            %get3A_584 = tpu.vector_load %arg17[%get3A_582, %get3A_583] {strides = array<i32>} : memref<256x64xf32, #tpu.memory_space<vmem>>, vector<1x16xf32>,
            %get3A_585 = vector.shape_cast %get3A_584 : vector<1x16xf32> to vector<16xf32>
            %mul3A_586 = arith.mulf %broadcast_in_dim3A_563, %get3A_585 : vector<16xf32>
            %add3A_587 = arith.addf %add3A_556, %mul3A_586 : vector<16xf32>
            %mul3A_588 = arith.constant 16 : i32
            %mul3A_589 = arith.muli %scan3A_295, %mul3A_588 : i32
            %add3A_590 = arith.constant 9 : i32
            %add3A_591 = arith.addi %mul3A_589, %add3A_590 : i32
            %slice3A_592 = vector.extract_strided_slice %get3A_303 {offsets = [9], sizes = [1], strides = [1]} : vector<16xf32> to vector<1xf32>
            %squeeze3A_593 = vector.extract %slice3A_592[0] : f32 from vector<1xf32>
            %broadcast_in_dim3A_594 = vector.broadcast %squeeze3A_593 : f32 to vector<16xf32>
            %get3A_595 = arith.index_cast %add3A_591 : i32 to index
            %get3A_596 = arith.constant 0 : index
            %get3A_597 = tpu.vector_load %arg17[%get3A_595, %get3A_596] {strides = array<i32>} : memref<256x64xf32, #tpu.memory_space<vmem>>, vector<1x16xf32>,
            %get3A_598 = vector.shape_cast %get3A_597 : vector<1x16xf32> to vector<16xf32>
            %mul3A_599 = arith.mulf %broadcast_in_dim3A_594, %get3A_598 : vector<16xf32>
            %add3A_600 = arith.addf %add3A_569, %mul3A_599 : vector<16xf32>
            %get3A_601 = arith.index_cast %add3A_591 : i32 to index
            %get3A_602 = arith.constant 16 : index
            %get3A_603 = tpu.vector_load %arg17[%get3A_601, %get3A_602] {strides = array<i32>} : memref<256x64xf32, #tpu.memory_space<vmem>>, vector<1x16xf32>,
            %get3A_604 = vector.shape_cast %get3A_603 : vector<1x16xf32> to vector<16xf32>
            %mul3A_605 = arith.mulf %broadcast_in_dim3A_594, %get3A_604 : vector<16xf32>
            %add3A_606 = arith.addf %add3A_575, %mul3A_605 : vector<16xf32>
            %get3A_607 = arith.index_cast %add3A_591 : i32 to index
            %get3A_608 = arith.constant 32 : index
            %get3A_609 = tpu.vector_load %arg17[%get3A_607, %get3A_608] {strides = array<i32>} : memref<256x64xf32, #tpu.memory_space<vmem>>, vector<1x16xf32>,
            %get3A_610 = vector.shape_cast %get3A_609 : vector<1x16xf32> to vector<16xf32>
            %mul3A_611 = arith.mulf %broadcast_in_dim3A_594, %get3A_610 : vector<16xf32>
            %add3A_612 = arith.addf %add3A_581, %mul3A_611 : vector<16xf32>
            %get3A_613 = arith.index_cast %add3A_591 : i32 to index
            %get3A_614 = arith.constant 48 : index
            %get3A_615 = tpu.vector_load %arg17[%get3A_613, %get3A_614] {strides = array<i32>} : memref<256x64xf32, #tpu.memory_space<vmem>>, vector<1x16xf32>,
            %get3A_616 = vector.shape_cast %get3A_615 : vector<1x16xf32> to vector<16xf32>
            %mul3A_617 = arith.mulf %broadcast_in_dim3A_594, %get3A_616 : vector<16xf32>
            %add3A_618 = arith.addf %add3A_587, %mul3A_617 : vector<16xf32>
            %mul3A_619 = arith.constant 16 : i32
            %mul3A_620 = arith.muli %scan3A_295, %mul3A_619 : i32
            %add3A_621 = arith.constant 10 : i32
            %add3A_622 = arith.addi %mul3A_620, %add3A_621 : i32
            %slice3A_623 = vector.extract_strided_slice %get3A_303 {offsets = [10], sizes = [1], strides = [1]} : vector<16xf32> to vector<1xf32>
            %squeeze3A_624 = vector.extract %slice3A_623[0] : f32 from vector<1xf32>
            %broadcast_in_dim3A_625 = vector.broadcast %squeeze3A_624 : f32 to vector<16xf32>
            %get3A_626 = arith.index_cast %add3A_622 : i32 to index
            %get3A_627 = arith.constant 0 : index
            %get3A_628 = tpu.vector_load %arg17[%get3A_626, %get3A_627] {strides = array<i32>} : memref<256x64xf32, #tpu.memory_space<vmem>>, vector<1x16xf32>,
            %get3A_629 = vector.shape_cast %get3A_628 : vector<1x16xf32> to vector<16xf32>
            %mul3A_630 = arith.mulf %broadcast_in_dim3A_625, %get3A_629 : vector<16xf32>
            %add3A_631 = arith.addf %add3A_600, %mul3A_630 : vector<16xf32>
            %get3A_632 = arith.index_cast %add3A_622 : i32 to index
            %get3A_633 = arith.constant 16 : index
            %get3A_634 = tpu.vector_load %arg17[%get3A_632, %get3A_633] {strides = array<i32>} : memref<256x64xf32, #tpu.memory_space<vmem>>, vector<1x16xf32>,
            %get3A_635 = vector.shape_cast %get3A_634 : vector<1x16xf32> to vector<16xf32>
            %mul3A_636 = arith.mulf %broadcast_in_dim3A_625, %get3A_635 : vector<16xf32>
            %add3A_637 = arith.addf %add3A_606, %mul3A_636 : vector<16xf32>
            %get3A_638 = arith.index_cast %add3A_622 : i32 to index
            %get3A_639 = arith.constant 32 : index
            %get3A_640 = tpu.vector_load %arg17[%get3A_638, %get3A_639] {strides = array<i32>} : memref<256x64xf32, #tpu.memory_space<vmem>>, vector<1x16xf32>,
            %get3A_641 = vector.shape_cast %get3A_640 : vector<1x16xf32> to vector<16xf32>
            %mul3A_642 = arith.mulf %broadcast_in_dim3A_625, %get3A_641 : vector<16xf32>
            %add3A_643 = arith.addf %add3A_612, %mul3A_642 : vector<16xf32>
            %get3A_644 = arith.index_cast %add3A_622 : i32 to index
            %get3A_645 = arith.constant 48 : index
            %get3A_646 = tpu.vector_load %arg17[%get3A_644, %get3A_645] {strides = array<i32>} : memref<256x64xf32, #tpu.memory_space<vmem>>, vector<1x16xf32>,
            %get3A_647 = vector.shape_cast %get3A_646 : vector<1x16xf32> to vector<16xf32>
            %mul3A_648 = arith.mulf %broadcast_in_dim3A_625, %get3A_647 : vector<16xf32>
            %add3A_649 = arith.addf %add3A_618, %mul3A_648 : vector<16xf32>
            %mul3A_650 = arith.constant 16 : i32
            %mul3A_651 = arith.muli %scan3A_295, %mul3A_650 : i32
            %add3A_652 = arith.constant 11 : i32
            %add3A_653 = arith.addi %mul3A_651, %add3A_652 : i32
            %slice3A_654 = vector.extract_strided_slice %get3A_303 {offsets = [11], sizes = [1], strides = [1]} : vector<16xf32> to vector<1xf32>
            %squeeze3A_655 = vector.extract %slice3A_654[0] : f32 from vector<1xf32>
            %broadcast_in_dim3A_656 = vector.broadcast %squeeze3A_655 : f32 to vector<16xf32>
            %get3A_657 = arith.index_cast %add3A_653 : i32 to index
            %get3A_658 = arith.constant 0 : index
            %get3A_659 = tpu.vector_load %arg17[%get3A_657, %get3A_658] {strides = array<i32>} : memref<256x64xf32, #tpu.memory_space<vmem>>, vector<1x16xf32>,
            %get3A_660 = vector.shape_cast %get3A_659 : vector<1x16xf32> to vector<16xf32>
            %mul3A_661 = arith.mulf %broadcast_in_dim3A_656, %get3A_660 : vector<16xf32>
            %add3A_662 = arith.addf %add3A_631, %mul3A_661 : vector<16xf32>
            %get3A_663 = arith.index_cast %add3A_653 : i32 to index
            %get3A_664 = arith.constant 16 : index
            %get3A_665 = tpu.vector_load %arg17[%get3A_663, %get3A_664] {strides = array<i32>} : memref<256x64xf32, #tpu.memory_space<vmem>>, vector<1x16xf32>,
            %get3A_666 = vector.shape_cast %get3A_665 : vector<1x16xf32> to vector<16xf32>
            %mul3A_667 = arith.mulf %broadcast_in_dim3A_656, %get3A_666 : vector<16xf32>
            %add3A_668 = arith.addf %add3A_637, %mul3A_667 : vector<16xf32>
            %get3A_669 = arith.index_cast %add3A_653 : i32 to index
            %get3A_670 = arith.constant 32 : index
            %get3A_671 = tpu.vector_load %arg17[%get3A_669, %get3A_670] {strides = array<i32>} : memref<256x64xf32, #tpu.memory_space<vmem>>, vector<1x16xf32>,
            %get3A_672 = vector.shape_cast %get3A_671 : vector<1x16xf32> to vector<16xf32>
            %mul3A_673 = arith.mulf %broadcast_in_dim3A_656, %get3A_672 : vector<16xf32>
            %add3A_674 = arith.addf %add3A_643, %mul3A_673 : vector<16xf32>
            %get3A_675 = arith.index_cast %add3A_653 : i32 to index
            %get3A_676 = arith.constant 48 : index
            %get3A_677 = tpu.vector_load %arg17[%get3A_675, %get3A_676] {strides = array<i32>} : memref<256x64xf32, #tpu.memory_space<vmem>>, vector<1x16xf32>,
            %get3A_678 = vector.shape_cast %get3A_677 : vector<1x16xf32> to vector<16xf32>
            %mul3A_679 = arith.mulf %broadcast_in_dim3A_656, %get3A_678 : vector<16xf32>
            %add3A_680 = arith.addf %add3A_649, %mul3A_679 : vector<16xf32>
            %mul3A_681 = arith.constant 16 : i32
            %mul3A_682 = arith.muli %scan3A_295, %mul3A_681 : i32
            %add3A_683 = arith.constant 12 : i32
            %add3A_684 = arith.addi %mul3A_682, %add3A_683 : i32
            %slice3A_685 = vector.extract_strided_slice %get3A_303 {offsets = [12], sizes = [1], strides = [1]} : vector<16xf32> to vector<1xf32>
            %squeeze3A_686 = vector.extract %slice3A_685[0] : f32 from vector<1xf32>
            %broadcast_in_dim3A_687 = vector.broadcast %squeeze3A_686 : f32 to vector<16xf32>
            %get3A_688 = arith.index_cast %add3A_684 : i32 to index
            %get3A_689 = arith.constant 0 : index
            %get3A_690 = tpu.vector_load %arg17[%get3A_688, %get3A_689] {strides = array<i32>} : memref<256x64xf32, #tpu.memory_space<vmem>>, vector<1x16xf32>,
            %get3A_691 = vector.shape_cast %get3A_690 : vector<1x16xf32> to vector<16xf32>
            %mul3A_692 = arith.mulf %broadcast_in_dim3A_687, %get3A_691 : vector<16xf32>
            %add3A_693 = arith.addf %add3A_662, %mul3A_692 : vector<16xf32>
            %get3A_694 = arith.index_cast %add3A_684 : i32 to index
            %get3A_695 = arith.constant 16 : index
            %get3A_696 = tpu.vector_load %arg17[%get3A_694, %get3A_695] {strides = array<i32>} : memref<256x64xf32, #tpu.memory_space<vmem>>, vector<1x16xf32>,
            %get3A_697 = vector.shape_cast %get3A_696 : vector<1x16xf32> to vector<16xf32>
            %mul3A_698 = arith.mulf %broadcast_in_dim3A_687, %get3A_697 : vector<16xf32>
            %add3A_699 = arith.addf %add3A_668, %mul3A_698 : vector<16xf32>
            %get3A_700 = arith.index_cast %add3A_684 : i32 to index
            %get3A_701 = arith.constant 32 : index
            %get3A_702 = tpu.vector_load %arg17[%get3A_700, %get3A_701] {strides = array<i32>} : memref<256x64xf32, #tpu.memory_space<vmem>>, vector<1x16xf32>,
            %get3A_703 = vector.shape_cast %get3A_702 : vector<1x16xf32> to vector<16xf32>
            %mul3A_704 = arith.mulf %broadcast_in_dim3A_687, %get3A_703 : vector<16xf32>
            %add3A_705 = arith.addf %add3A_674, %mul3A_704 : vector<16xf32>
            %get3A_706 = arith.index_cast %add3A_684 : i32 to index
            %get3A_707 = arith.constant 48 : index
            %get3A_708 = tpu.vector_load %arg17[%get3A_706, %get3A_707] {strides = array<i32>} : memref<256x64xf32, #tpu.memory_space<vmem>>, vector<1x16xf32>,
            %get3A_709 = vector.shape_cast %get3A_708 : vector<1x16xf32> to vector<16xf32>
            %mul3A_710 = arith.mulf %broadcast_in_dim3A_687, %get3A_709 : vector<16xf32>
            %add3A_711 = arith.addf %add3A_680, %mul3A_710 : vector<16xf32>
            %mul3A_712 = arith.constant 16 : i32
            %mul3A_713 = arith.muli %scan3A_295, %mul3A_712 : i32
            %add3A_714 = arith.constant 13 : i32
            %add3A_715 = arith.addi %mul3A_713, %add3A_714 : i32
            %slice3A_716 = vector.extract_strided_slice %get3A_303 {offsets = [13], sizes = [1], strides = [1]} : vector<16xf32> to vector<1xf32>
            %squeeze3A_717 = vector.extract %slice3A_716[0] : f32 from vector<1xf32>
            %broadcast_in_dim3A_718 = vector.broadcast %squeeze3A_717 : f32 to vector<16xf32>
            %get3A_719 = arith.index_cast %add3A_715 : i32 to index
            %get3A_720 = arith.constant 0 : index
            %get3A_721 = tpu.vector_load %arg17[%get3A_719, %get3A_720] {strides = array<i32>} : memref<256x64xf32, #tpu.memory_space<vmem>>, vector<1x16xf32>,
            %get3A_722 = vector.shape_cast %get3A_721 : vector<1x16xf32> to vector<16xf32>
            %mul3A_723 = arith.mulf %broadcast_in_dim3A_718, %get3A_722 : vector<16xf32>
            %add3A_724 = arith.addf %add3A_693, %mul3A_723 : vector<16xf32>
            %get3A_725 = arith.index_cast %add3A_715 : i32 to index
            %get3A_726 = arith.constant 16 : index
            %get3A_727 = tpu.vector_load %arg17[%get3A_725, %get3A_726] {strides = array<i32>} : memref<256x64xf32, #tpu.memory_space<vmem>>, vector<1x16xf32>,
            %get3A_728 = vector.shape_cast %get3A_727 : vector<1x16xf32> to vector<16xf32>
            %mul3A_729 = arith.mulf %broadcast_in_dim3A_718, %get3A_728 : vector<16xf32>
            %add3A_730 = arith.addf %add3A_699, %mul3A_729 : vector<16xf32>
            %get3A_731 = arith.index_cast %add3A_715 : i32 to index
            %get3A_732 = arith.constant 32 : index
            %get3A_733 = tpu.vector_load %arg17[%get3A_731, %get3A_732] {strides = array<i32>} : memref<256x64xf32, #tpu.memory_space<vmem>>, vector<1x16xf32>,
            %get3A_734 = vector.shape_cast %get3A_733 : vector<1x16xf32> to vector<16xf32>
            %mul3A_735 = arith.mulf %broadcast_in_dim3A_718, %get3A_734 : vector<16xf32>
            %add3A_736 = arith.addf %add3A_705, %mul3A_735 : vector<16xf32>
            %get3A_737 = arith.index_cast %add3A_715 : i32 to index
            %get3A_738 = arith.constant 48 : index
            %get3A_739 = tpu.vector_load %arg17[%get3A_737, %get3A_738] {strides = array<i32>} : memref<256x64xf32, #tpu.memory_space<vmem>>, vector<1x16xf32>,
            %get3A_740 = vector.shape_cast %get3A_739 : vector<1x16xf32> to vector<16xf32>
            %mul3A_741 = arith.mulf %broadcast_in_dim3A_718, %get3A_740 : vector<16xf32>
            %add3A_742 = arith.addf %add3A_711, %mul3A_741 : vector<16xf32>
            %mul3A_743 = arith.constant 16 : i32
            %mul3A_744 = arith.muli %scan3A_295, %mul3A_743 : i32
            %add3A_745 = arith.constant 14 : i32
            %add3A_746 = arith.addi %mul3A_744, %add3A_745 : i32
            %slice3A_747 = vector.extract_strided_slice %get3A_303 {offsets = [14], sizes = [1], strides = [1]} : vector<16xf32> to vector<1xf32>
            %squeeze3A_748 = vector.extract %slice3A_747[0] : f32 from vector<1xf32>
            %broadcast_in_dim3A_749 = vector.broadcast %squeeze3A_748 : f32 to vector<16xf32>
            %get3A_750 = arith.index_cast %add3A_746 : i32 to index
            %get3A_751 = arith.constant 0 : index
            %get3A_752 = tpu.vector_load %arg17[%get3A_750, %get3A_751] {strides = array<i32>} : memref<256x64xf32, #tpu.memory_space<vmem>>, vector<1x16xf32>,
            %get3A_753 = vector.shape_cast %get3A_752 : vector<1x16xf32> to vector<16xf32>
            %mul3A_754 = arith.mulf %broadcast_in_dim3A_749, %get3A_753 : vector<16xf32>
            %add3A_755 = arith.addf %add3A_724, %mul3A_754 : vector<16xf32>
            %get3A_756 = arith.index_cast %add3A_746 : i32 to index
            %get3A_757 = arith.constant 16 : index
            %get3A_758 = tpu.vector_load %arg17[%get3A_756, %get3A_757] {strides = array<i32>} : memref<256x64xf32, #tpu.memory_space<vmem>>, vector<1x16xf32>,
            %get3A_759 = vector.shape_cast %get3A_758 : vector<1x16xf32> to vector<16xf32>
            %mul3A_760 = arith.mulf %broadcast_in_dim3A_749, %get3A_759 : vector<16xf32>
            %add3A_761 = arith.addf %add3A_730, %mul3A_760 : vector<16xf32>
            %get3A_762 = arith.index_cast %add3A_746 : i32 to index
            %get3A_763 = arith.constant 32 : index
            %get3A_764 = tpu.vector_load %arg17[%get3A_762, %get3A_763] {strides = array<i32>} : memref<256x64xf32, #tpu.memory_space<vmem>>, vector<1x16xf32>,
            %get3A_765 = vector.shape_cast %get3A_764 : vector<1x16xf32> to vector<16xf32>
            %mul3A_766 = arith.mulf %broadcast_in_dim3A_749, %get3A_765 : vector<16xf32>
            %add3A_767 = arith.addf %add3A_736, %mul3A_766 : vector<16xf32>
            %get3A_768 = arith.index_cast %add3A_746 : i32 to index
            %get3A_769 = arith.constant 48 : index
            %get3A_770 = tpu.vector_load %arg17[%get3A_768, %get3A_769] {strides = array<i32>} : memref<256x64xf32, #tpu.memory_space<vmem>>, vector<1x16xf32>,
            %get3A_771 = vector.shape_cast %get3A_770 : vector<1x16xf32> to vector<16xf32>
            %mul3A_772 = arith.mulf %broadcast_in_dim3A_749, %get3A_771 : vector<16xf32>
            %add3A_773 = arith.addf %add3A_742, %mul3A_772 : vector<16xf32>
            %mul3A_774 = arith.constant 16 : i32
            %mul3A_775 = arith.muli %scan3A_295, %mul3A_774 : i32
            %add3A_776 = arith.constant 15 : i32
            %add3A_777 = arith.addi %mul3A_775, %add3A_776 : i32
            %slice3A_778 = vector.extract_strided_slice %get3A_303 {offsets = [15], sizes = [1], strides = [1]} : vector<16xf32> to vector<1xf32>
            %squeeze3A_779 = vector.extract %slice3A_778[0] : f32 from vector<1xf32>
            %broadcast_in_dim3A_780 = vector.broadcast %squeeze3A_779 : f32 to vector<16xf32>
            %get3A_781 = arith.index_cast %add3A_777 : i32 to index
            %get3A_782 = arith.constant 0 : index
            %get3A_783 = tpu.vector_load %arg17[%get3A_781, %get3A_782] {strides = array<i32>} : memref<256x64xf32, #tpu.memory_space<vmem>>, vector<1x16xf32>,
            %get3A_784 = vector.shape_cast %get3A_783 : vector<1x16xf32> to vector<16xf32>
            %mul3A_785 = arith.mulf %broadcast_in_dim3A_780, %get3A_784 : vector<16xf32>
            %add3A_786 = arith.addf %add3A_755, %mul3A_785 : vector<16xf32>
            %get3A_787 = arith.index_cast %add3A_777 : i32 to index
            %get3A_788 = arith.constant 16 : index
            %get3A_789 = tpu.vector_load %arg17[%get3A_787, %get3A_788] {strides = array<i32>} : memref<256x64xf32, #tpu.memory_space<vmem>>, vector<1x16xf32>,
            %get3A_790 = vector.shape_cast %get3A_789 : vector<1x16xf32> to vector<16xf32>
            %mul3A_791 = arith.mulf %broadcast_in_dim3A_780, %get3A_790 : vector<16xf32>
            %add3A_792 = arith.addf %add3A_761, %mul3A_791 : vector<16xf32>
            %get3A_793 = arith.index_cast %add3A_777 : i32 to index
            %get3A_794 = arith.constant 32 : index
            %get3A_795 = tpu.vector_load %arg17[%get3A_793, %get3A_794] {strides = array<i32>} : memref<256x64xf32, #tpu.memory_space<vmem>>, vector<1x16xf32>,
            %get3A_796 = vector.shape_cast %get3A_795 : vector<1x16xf32> to vector<16xf32>
            %mul3A_797 = arith.mulf %broadcast_in_dim3A_780, %get3A_796 : vector<16xf32>
            %add3A_798 = arith.addf %add3A_767, %mul3A_797 : vector<16xf32>
            %get3A_799 = arith.index_cast %add3A_777 : i32 to index
            %get3A_800 = arith.constant 48 : index
            %get3A_801 = tpu.vector_load %arg17[%get3A_799, %get3A_800] {strides = array<i32>} : memref<256x64xf32, #tpu.memory_space<vmem>>, vector<1x16xf32>,
            %get3A_802 = vector.shape_cast %get3A_801 : vector<1x16xf32> to vector<16xf32>
            %mul3A_803 = arith.mulf %broadcast_in_dim3A_780, %get3A_802 : vector<16xf32>
            %add3A_804 = arith.addf %add3A_773, %mul3A_803 : vector<16xf32>
            %mul3A_805 = arith.constant 2.000000e+00 : f32
            %mul3A_806 = vector.broadcast %mul3A_805 : f32 to vector<16xf32>
            %mul3A_807 = arith.mulf %mul3A_806, %add3A_786 : vector<16xf32>
            %mul3A_808 = arith.mulf %mul3A_807, %get3A_298 : vector<16xf32>
            %get3A_809 = arith.index_cast %scan3A_295 : i32 to index
            %get3A_810 = arith.constant 0 : index
            %get3A_811 = tpu.vector_load %arg21[%get3A_809, %get3A_810] {strides = array<i32>} : memref<16x64xf32, #tpu.memory_space<vmem>>, vector<1x16xf32>,
            %get3A_812 = vector.shape_cast %get3A_811 : vector<1x16xf32> to vector<16xf32>
            %lt3A_813 = arith.cmpf olt, %mul3A_808, %get3A_812 : vector<16xf32>
            %jit3A = arith.constant 1.000000e+00 : f32
            %jit3A_814 = arith.constant -1.000000e+00 : f32
            %broadcast_in_dim3A_815 = vector.broadcast %jit3A : f32 to vector<16xf32>
            %broadcast_in_dim3A_816 = vector.broadcast %jit3A_814 : f32 to vector<16xf32>
            %select_n3A = arith.select %lt3A_813, %broadcast_in_dim3A_815, %broadcast_in_dim3A_816 : vector<16xi1>, vector<16xf32>
            %mul3A_817 = arith.constant 16 : i32
            %mul3A_818 = arith.muli %add3A_234, %mul3A_817 : i32
            %add3A_819 = arith.addi %mul3A_818, %scan3A_295 : i32
            %swap3A = arith.index_cast %add3A_819 : i32 to index
            %swap3A_820 = arith.constant 0 : index
            %swap3A_821 = tpu.vector_load %arg25[%swap3A, %swap3A_820] {strides = array<i32>} : memref<784x64xf32, #tpu.memory_space<vmem>>, vector<1x16xf32>,
            %swap3A_822 = vector.shape_cast %swap3A_821 : vector<1x16xf32> to vector<16xf32>
            %swap3A_823 = vector.shape_cast %select_n3A : vector<16xf32> to vector<1x16xf32>
            tpu.vector_store %arg25[%swap3A, %swap3A_820], %swap3A_823 {strides = array<i32>} : memref<784x64xf32, #tpu.memory_space<vmem>>, vector<1x16xf32>,
            %mul3A_824 = arith.constant 2.000000e+00 : f32
            %mul3A_825 = vector.broadcast %mul3A_824 : f32 to vector<16xf32>
            %mul3A_826 = arith.mulf %mul3A_825, %add3A_792 : vector<16xf32>
            %mul3A_827 = arith.mulf %mul3A_826, %get3A_298 : vector<16xf32>
            %get3A_828 = arith.index_cast %scan3A_295 : i32 to index
            %get3A_829 = arith.constant 16 : index
            %get3A_830 = tpu.vector_load %arg21[%get3A_828, %get3A_829] {strides = array<i32>} : memref<16x64xf32, #tpu.memory_space<vmem>>, vector<1x16xf32>,
            %get3A_831 = vector.shape_cast %get3A_830 : vector<1x16xf32> to vector<16xf32>
            %lt3A_832 = arith.cmpf olt, %mul3A_827, %get3A_831 : vector<16xf32>
            %jit3A_833 = arith.constant 1.000000e+00 : f32
            %jit3A_834 = arith.constant -1.000000e+00 : f32
            %broadcast_in_dim3A_835 = vector.broadcast %jit3A_833 : f32 to vector<16xf32>
            %broadcast_in_dim3A_836 = vector.broadcast %jit3A_834 : f32 to vector<16xf32>
            %select_n3A_837 = arith.select %lt3A_832, %broadcast_in_dim3A_835, %broadcast_in_dim3A_836 : vector<16xi1>, vector<16xf32>
            %mul3A_838 = arith.constant 16 : i32
            %mul3A_839 = arith.muli %add3A_234, %mul3A_838 : i32
            %add3A_840 = arith.addi %mul3A_839, %scan3A_295 : i32
            %swap3A_841 = arith.index_cast %add3A_840 : i32 to index
            %swap3A_842 = arith.constant 16 : index
            %swap3A_843 = tpu.vector_load %arg25[%swap3A_841, %swap3A_842] {strides = array<i32>} : memref<784x64xf32, #tpu.memory_space<vmem>>, vector<1x16xf32>,
            %swap3A_844 = vector.shape_cast %swap3A_843 : vector<1x16xf32> to vector<16xf32>
            %swap3A_845 = vector.shape_cast %select_n3A_837 : vector<16xf32> to vector<1x16xf32>
            tpu.vector_store %arg25[%swap3A_841, %swap3A_842], %swap3A_845 {strides = array<i32>} : memref<784x64xf32, #tpu.memory_space<vmem>>, vector<1x16xf32>,
            %mul3A_846 = arith.constant 2.000000e+00 : f32
            %mul3A_847 = vector.broadcast %mul3A_846 : f32 to vector<16xf32>
            %mul3A_848 = arith.mulf %mul3A_847, %add3A_798 : vector<16xf32>
            %mul3A_849 = arith.mulf %mul3A_848, %get3A_298 : vector<16xf32>
            %get3A_850 = arith.index_cast %scan3A_295 : i32 to index
            %get3A_851 = arith.constant 32 : index
            %get3A_852 = tpu.vector_load %arg21[%get3A_850, %get3A_851] {strides = array<i32>} : memref<16x64xf32, #tpu.memory_space<vmem>>, vector<1x16xf32>,
            %get3A_853 = vector.shape_cast %get3A_852 : vector<1x16xf32> to vector<16xf32>
            %lt3A_854 = arith.cmpf olt, %mul3A_849, %get3A_853 : vector<16xf32>
            %jit3A_855 = arith.constant 1.000000e+00 : f32
            %jit3A_856 = arith.constant -1.000000e+00 : f32
            %broadcast_in_dim3A_857 = vector.broadcast %jit3A_855 : f32 to vector<16xf32>
            %broadcast_in_dim3A_858 = vector.broadcast %jit3A_856 : f32 to vector<16xf32>
            %select_n3A_859 = arith.select %lt3A_854, %broadcast_in_dim3A_857, %broadcast_in_dim3A_858 : vector<16xi1>, vector<16xf32>
            %mul3A_860 = arith.constant 16 : i32
            %mul3A_861 = arith.muli %add3A_234, %mul3A_860 : i32
            %add3A_862 = arith.addi %mul3A_861, %scan3A_295 : i32
            %swap3A_863 = arith.index_cast %add3A_862 : i32 to index
            %swap3A_864 = arith.constant 32 : index
            %swap3A_865 = tpu.vector_load %arg25[%swap3A_863, %swap3A_864] {strides = array<i32>} : memref<784x64xf32, #tpu.memory_space<vmem>>, vector<1x16xf32>,
            %swap3A_866 = vector.shape_cast %swap3A_865 : vector<1x16xf32> to vector<16xf32>
            %swap3A_867 = vector.shape_cast %select_n3A_859 : vector<16xf32> to vector<1x16xf32>
            tpu.vector_store %arg25[%swap3A_863, %swap3A_864], %swap3A_867 {strides = array<i32>} : memref<784x64xf32, #tpu.memory_space<vmem>>, vector<1x16xf32>,
            %mul3A_868 = arith.constant 2.000000e+00 : f32
            %mul3A_869 = vector.broadcast %mul3A_868 : f32 to vector<16xf32>
            %mul3A_870 = arith.mulf %mul3A_869, %add3A_804 : vector<16xf32>
            %mul3A_871 = arith.mulf %mul3A_870, %get3A_298 : vector<16xf32>
            %get3A_872 = arith.index_cast %scan3A_295 : i32 to index
            %get3A_873 = arith.constant 48 : index
            %get3A_874 = tpu.vector_load %arg21[%get3A_872, %get3A_873] {strides = array<i32>} : memref<16x64xf32, #tpu.memory_space<vmem>>, vector<1x16xf32>,
            %get3A_875 = vector.shape_cast %get3A_874 : vector<1x16xf32> to vector<16xf32>
            %lt3A_876 = arith.cmpf olt, %mul3A_871, %get3A_875 : vector<16xf32>
            %jit3A_877 = arith.constant 1.000000e+00 : f32
            %jit3A_878 = arith.constant -1.000000e+00 : f32
            %broadcast_in_dim3A_879 = vector.broadcast %jit3A_877 : f32 to vector<16xf32>
            %broadcast_in_dim3A_880 = vector.broadcast %jit3A_878 : f32 to vector<16xf32>
            %select_n3A_881 = arith.select %lt3A_876, %broadcast_in_dim3A_879, %broadcast_in_dim3A_880 : vector<16xi1>, vector<16xf32>
            %mul3A_882 = arith.constant 16 : i32
            %mul3A_883 = arith.muli %add3A_234, %mul3A_882 : i32
            %add3A_884 = arith.addi %mul3A_883, %scan3A_295 : i32
            %swap3A_885 = arith.index_cast %add3A_884 : i32 to index
            %swap3A_886 = arith.constant 48 : index
            %swap3A_887 = tpu.vector_load %arg25[%swap3A_885, %swap3A_886] {strides = array<i32>} : memref<784x64xf32, #tpu.memory_space<vmem>>, vector<1x16xf32>,
            %swap3A_888 = vector.shape_cast %swap3A_887 : vector<1x16xf32> to vector<16xf32>
            %swap3A_889 = vector.shape_cast %select_n3A_881 : vector<16xf32> to vector<1x16xf32>
            tpu.vector_store %arg25[%swap3A_885, %swap3A_886], %swap3A_889 {strides = array<i32>} : memref<784x64xf32, #tpu.memory_space<vmem>>, vector<1x16xf32>,
            %scan3A_890 = arith.constant 0 : i32
            scf.yield %scan3A_890 : i32
          }
          %scan3A_280 = arith.constant 16 : i32
          %add3A_281 = arith.constant 4 : i32
          %add3A_282 = arith.addi %add3A_234, %add3A_281 : i32
          %lt3A_283 = arith.constant 49 : i32
          %lt3A_284 = arith.cmpi slt, %add3A_282, %lt3A_283 : i32
          %convert_element_type3A_285 = arith.extui %lt3A_284 : i1 to i32
          %cond3A_286 = arith.constant 0 : i32
          %cond3A_287 = arith.cmpi ne, %convert_element_type3A_285, %cond3A_286 : i32
          scf.if %cond3A_287 {
            %add3A_295 = arith.constant 4 : i32
            %add3A_296 = arith.addi %add3A_234, %add3A_295 : i32
            %add3A_297 = arith.addi %add3A_18, %add3A_296 : i32
            %mul3A_298 = arith.constant 512 : i32
            %mul3A_299 = arith.muli %add3A_297, %mul3A_298 : i32
            %mul3A_300 = arith.constant 16 : i32
            %mul3A_301 = arith.muli %add3A_297, %mul3A_300 : i32
            %mul3A_302 = arith.constant 16 : i32
            %mul3A_303 = arith.muli %add3A_297, %mul3A_302 : i32
            %dma_start3A_304 = tpu.memref_slice %arg3[%mul3A_299] : memref<3211264xi32, #tpu.memory_space<hbm>> -> memref<512xi32, #tpu.memory_space<hbm>>
            %dma_start3A_305 = tpu.memref_slice %arg3[%mul3A_299] : memref<3211264xi32, #tpu.memory_space<hbm>> -> memref<512xi32, #tpu.memory_space<hbm>>
            tpu.enqueue_dma source(%dma_start3A_305 : memref<512xi32, #tpu.memory_space<hbm>>) target(%arg9 : memref<512xi32, #tpu.memory_space<vmem>>) target_semaphore(%arg28 : memref<!tpu.dma_semaphore, #tpu.memory_space<semaphore_mem>>)
            %dma_start3A_306 = arith.constant 0 : i32
            %dma_start3A_307 = tpu.memref_slice %arg5[%mul3A_301, %dma_start3A_306] : memref<100352x64xf32, #tpu.memory_space<hbm>> -> memref<16x64xf32, #tpu.memory_space<hbm>>
            %dma_start3A_308 = arith.constant 0 : i32
            %dma_start3A_309 = tpu.memref_slice %arg5[%mul3A_301, %dma_start3A_308] : memref<100352x64xf32, #tpu.memory_space<hbm>> -> memref<16x64xf32, #tpu.memory_space<hbm>>
            tpu.enqueue_dma source(%dma_start3A_309 : memref<16x64xf32, #tpu.memory_space<hbm>>) target(%arg21 : memref<16x64xf32, #tpu.memory_space<vmem>>) target_semaphore(%arg28 : memref<!tpu.dma_semaphore, #tpu.memory_space<semaphore_mem>>)
            %dma_start3A_310 = arith.constant 0 : i32
            %dma_start3A_311 = tpu.memref_slice %arg26[%add3A_296, %dma_start3A_310] : memref<49x16xi32, #tpu.memory_space<vmem>> -> memref<1x16xi32, #tpu.memory_space<vmem>>
            %dma_start3A_312 = tpu.memref_squeeze %dma_start3A_311 : memref<1x16xi32, #tpu.memory_space<vmem>> -> memref<16xi32, #tpu.memory_space<vmem>>
            %dma_start3A_313 = tpu.memref_slice %arg6[%mul3A_303] : memref<100352xi32, #tpu.memory_space<hbm>> -> memref<16xi32, #tpu.memory_space<hbm>>
            %dma_start3A_314 = arith.constant 0 : i32
            %dma_start3A_315 = tpu.memref_slice %arg26[%add3A_296, %dma_start3A_314] : memref<49x16xi32, #tpu.memory_space<vmem>> -> memref<1x16xi32, #tpu.memory_space<vmem>>
            %dma_start3A_316 = tpu.memref_squeeze %dma_start3A_315 : memref<1x16xi32, #tpu.memory_space<vmem>> -> memref<16xi32, #tpu.memory_space<vmem>>
            %dma_start3A_317 = tpu.memref_slice %arg6[%mul3A_303] : memref<100352xi32, #tpu.memory_space<hbm>> -> memref<16xi32, #tpu.memory_space<hbm>>
            tpu.enqueue_dma source(%dma_start3A_317 : memref<16xi32, #tpu.memory_space<hbm>>) target(%dma_start3A_316 : memref<16xi32, #tpu.memory_space<vmem>>) target_semaphore(%arg28 : memref<!tpu.dma_semaphore, #tpu.memory_space<semaphore_mem>>)
          } else {
          }
          %add3A_288 = arith.constant 3 : i32
          %add3A_289 = arith.addi %add3A_234, %add3A_288 : i32
          %lt3A_290 = arith.constant 49 : i32
          %lt3A_291 = arith.cmpi slt, %add3A_289, %lt3A_290 : i32
          %convert_element_type3A_292 = arith.extui %lt3A_291 : i1 to i32
          %cond3A_293 = arith.constant 0 : i32
          %cond3A_294 = arith.cmpi ne, %convert_element_type3A_292, %cond3A_293 : i32
          scf.if %cond3A_294 {
            %add3A_295 = arith.constant 3 : i32
            %add3A_296 = arith.addi %add3A_234, %add3A_295 : i32
            %add3A_297 = arith.addi %add3A_18, %add3A_296 : i32
            %mul3A_298 = arith.constant 512 : i32
            %mul3A_299 = arith.muli %add3A_297, %mul3A_298 : i32
            %mul3A_300 = arith.constant 16 : i32
            %mul3A_301 = arith.muli %add3A_297, %mul3A_300 : i32
            %mul3A_302 = arith.constant 16 : i32
            %mul3A_303 = arith.muli %add3A_297, %mul3A_302 : i32
            %dma_wait3A_304 = tpu.memref_slice %arg3[%mul3A_299] : memref<3211264xi32, #tpu.memory_space<hbm>> -> memref<512xi32, #tpu.memory_space<hbm>>
            %dma_wait3A_305 = tpu.memref_slice %arg3[%mul3A_299] : memref<3211264xi32, #tpu.memory_space<hbm>> -> memref<512xi32, #tpu.memory_space<hbm>>
            tpu.wait_dma2 semaphore(%arg31 : memref<!tpu.dma_semaphore, #tpu.memory_space<semaphore_mem>>) src(%dma_wait3A_305 : memref<512xi32, #tpu.memory_space<hbm>>) dst(%arg12 : memref<512xi32, #tpu.memory_space<vmem>>)
            %dma_wait3A_306 = arith.constant 0 : i32
            %dma_wait3A_307 = tpu.memref_slice %arg5[%mul3A_301, %dma_wait3A_306] : memref<100352x64xf32, #tpu.memory_space<hbm>> -> memref<16x64xf32, #tpu.memory_space<hbm>>
            %dma_wait3A_308 = arith.constant 0 : i32
            %dma_wait3A_309 = tpu.memref_slice %arg5[%mul3A_301, %dma_wait3A_308] : memref<100352x64xf32, #tpu.memory_space<hbm>> -> memref<16x64xf32, #tpu.memory_space<hbm>>
            tpu.wait_dma2 semaphore(%arg31 : memref<!tpu.dma_semaphore, #tpu.memory_space<semaphore_mem>>) src(%dma_wait3A_309 : memref<16x64xf32, #tpu.memory_space<hbm>>) dst(%arg24 : memref<16x64xf32, #tpu.memory_space<vmem>>)
            %dma_wait3A_310 = arith.constant 0 : i32
            %dma_wait3A_311 = tpu.memref_slice %arg26[%add3A_296, %dma_wait3A_310] : memref<49x16xi32, #tpu.memory_space<vmem>> -> memref<1x16xi32, #tpu.memory_space<vmem>>
            %dma_wait3A_312 = tpu.memref_squeeze %dma_wait3A_311 : memref<1x16xi32, #tpu.memory_space<vmem>> -> memref<16xi32, #tpu.memory_space<vmem>>
            %dma_wait3A_313 = tpu.memref_slice %arg6[%mul3A_303] : memref<100352xi32, #tpu.memory_space<hbm>> -> memref<16xi32, #tpu.memory_space<hbm>>
            %dma_wait3A_314 = arith.constant 0 : i32
            %dma_wait3A_315 = tpu.memref_slice %arg26[%add3A_296, %dma_wait3A_314] : memref<49x16xi32, #tpu.memory_space<vmem>> -> memref<1x16xi32, #tpu.memory_space<vmem>>
            %dma_wait3A_316 = tpu.memref_squeeze %dma_wait3A_315 : memref<1x16xi32, #tpu.memory_space<vmem>> -> memref<16xi32, #tpu.memory_space<vmem>>
            %dma_wait3A_317 = tpu.memref_slice %arg6[%mul3A_303] : memref<100352xi32, #tpu.memory_space<hbm>> -> memref<16xi32, #tpu.memory_space<hbm>>
            tpu.wait_dma2 semaphore(%arg31 : memref<!tpu.dma_semaphore, #tpu.memory_space<semaphore_mem>>) src(%dma_wait3A_317 : memref<16xi32, #tpu.memory_space<hbm>>) dst(%dma_wait3A_316 : memref<16xi32, #tpu.memory_space<vmem>>)
            %dma_start3A_318 = arith.constant 0 : i32
            %dma_start3A_319 = tpu.memref_slice %arg12[%dma_start3A_318] : memref<512xi32, #tpu.memory_space<vmem>> -> memref<256xi32, #tpu.memory_space<vmem>>
            %dma_start3A_320 = arith.constant 0 : i32
            %dma_start3A_321 = arith.constant 0 : i32
            %dma_start3A_322 = tpu.memref_slice %arg8[%dma_start3A_320, %dma_start3A_321] : memref<100096x64xf32, #tpu.memory_space<hbm>> -> memref<100096x64xf32, #tpu.memory_space<hbm>>
            tpu.enqueue_indirect_dma source(%dma_start3A_322 : memref<100096x64xf32, #tpu.memory_space<hbm>>) target(%arg20 : memref<256x64xf32, #tpu.memory_space<vmem>>) offsets(%dma_start3A_319 : memref<256xi32, #tpu.memory_space<vmem>>) semaphore(%arg35 : memref<!tpu.dma_semaphore, #tpu.memory_space<semaphore_mem>>)
            %dma_start3A_323 = arith.constant 256 : i32
            %dma_start3A_324 = tpu.memref_slice %arg12[%dma_start3A_323] : memref<512xi32, #tpu.memory_space<vmem>> -> memref<256xi32, #tpu.memory_space<vmem>>
            %dma_start3A_325 = arith.constant 0 : i32
            %dma_start3A_326 = tpu.memref_slice %arg4[%dma_start3A_325] : memref<400000xf32, #tpu.memory_space<hbm>> -> memref<400000xf32, #tpu.memory_space<hbm>>
            tpu.enqueue_indirect_dma source(%dma_start3A_326 : memref<400000xf32, #tpu.memory_space<hbm>>) target(%arg16 : memref<256xf32, #tpu.memory_space<vmem>>) offsets(%dma_start3A_324 : memref<256xi32, #tpu.memory_space<vmem>>) semaphore(%arg35 : memref<!tpu.dma_semaphore, #tpu.memory_space<semaphore_mem>>)
          } else {
          }
        } else {
        }
        %mul3A_237 = arith.constant 4 : i32
        %mul3A_238 = arith.muli %mul3A_237, %scan3A_229 : i32
        %add3A_239 = arith.constant 1 : i32
        %add3A_240 = arith.addi %mul3A_238, %add3A_239 : i32
        %lt3A_241 = arith.constant 49 : i32
        %lt3A_242 = arith.cmpi slt, %add3A_240, %lt3A_241 : i32
        %convert_element_type3A_243 = arith.extui %lt3A_242 : i1 to i32
        %cond3A_244 = arith.constant 0 : i32
        %cond3A_245 = arith.cmpi ne, %convert_element_type3A_243, %cond3A_244 : i32
        scf.if %cond3A_245 {
          %dma_wait3A_265 = arith.constant 0 : i32
          %dma_wait3A_266 = tpu.memref_slice %arg10[%dma_wait3A_265] : memref<512xi32, #tpu.memory_space<vmem>> -> memref<256xi32, #tpu.memory_space<vmem>>
          %dma_wait3A_267 = arith.constant 0 : i32
          %dma_wait3A_268 = arith.constant 0 : i32
          %dma_wait3A_269 = tpu.memref_slice %arg8[%dma_wait3A_267, %dma_wait3A_268] : memref<100096x64xf32, #tpu.memory_space<hbm>> -> memref<100096x64xf32, #tpu.memory_space<hbm>>
          tpu.wait_indirect_dma semaphore(%arg33 : memref<!tpu.dma_semaphore, #tpu.memory_space<semaphore_mem>>) src(%dma_wait3A_269 : memref<100096x64xf32, #tpu.memory_space<hbm>>) dst(%arg18 : memref<256x64xf32, #tpu.memory_space<vmem>>)
          %dma_wait3A_270 = arith.constant 256 : i32
          %dma_wait3A_271 = tpu.memref_slice %arg10[%dma_wait3A_270] : memref<512xi32, #tpu.memory_space<vmem>> -> memref<256xi32, #tpu.memory_space<vmem>>
          %dma_wait3A_272 = arith.constant 0 : i32
          %dma_wait3A_273 = tpu.memref_slice %arg4[%dma_wait3A_272] : memref<400000xf32, #tpu.memory_space<hbm>> -> memref<400000xf32, #tpu.memory_space<hbm>>
          tpu.wait_indirect_dma semaphore(%arg33 : memref<!tpu.dma_semaphore, #tpu.memory_space<semaphore_mem>>) src(%dma_wait3A_273 : memref<400000xf32, #tpu.memory_space<hbm>>) dst(%arg14 : memref<256xf32, #tpu.memory_space<vmem>>)
          %scan3A_274 = arith.constant 0 : i32
          %scan3A_275 = arith.constant 0 : i32
          %scan3A_276 = arith.constant 16 : i32
          %scan3A_277 = arith.addi %scan3A_275, %scan3A_276 : i32
          %scan3A_278 = arith.constant 1 : i32
          %scan3A_279 = scf.for %scan3A_295 = %scan3A_275 to %scan3A_277 step %scan3A_278 iter_args(%scan3A_296 = %scan3A_274) -> (i32)  : i32 {
            %get3A = arith.constant 0 : index
            %get3A_297 = tpu.vector_load %arg27[%get3A] {strides = array<i32>} : memref<16xf32, #tpu.memory_space<vmem>>, vector<16xf32>,
            %get3A_298 = vector.shape_cast %get3A_297 : vector<16xf32> to vector<16xf32>
            %mul3A_299 = arith.constant 16 : i32
            %mul3A_300 = arith.muli %scan3A_295, %mul3A_299 : i32
            %get3A_301 = arith.index_cast %mul3A_300 : i32 to index
            %get3A_302 = tpu.vector_load %arg14[%get3A_301] {strides = array<i32>} : memref<256xf32, #tpu.memory_space<vmem>>, vector<16xf32>,
            %get3A_303 = vector.shape_cast %get3A_302 : vector<16xf32> to vector<16xf32>
            %broadcast_in_dim3A = arith.constant 0.000000e+00 : f32
            %broadcast_in_dim3A_304 = vector.broadcast %broadcast_in_dim3A : f32 to vector<16xf32>
            %broadcast_in_dim3A_305 = arith.constant 0.000000e+00 : f32
            %broadcast_in_dim3A_306 = vector.broadcast %broadcast_in_dim3A_305 : f32 to vector<16xf32>
            %broadcast_in_dim3A_307 = arith.constant 0.000000e+00 : f32
            %broadcast_in_dim3A_308 = vector.broadcast %broadcast_in_dim3A_307 : f32 to vector<16xf32>
            %broadcast_in_dim3A_309 = arith.constant 0.000000e+00 : f32
            %broadcast_in_dim3A_310 = vector.broadcast %broadcast_in_dim3A_309 : f32 to vector<16xf32>
            %mul3A_311 = arith.constant 16 : i32
            %mul3A_312 = arith.muli %scan3A_295, %mul3A_311 : i32
            %add3A_313 = arith.constant 0 : i32
            %add3A_314 = arith.addi %mul3A_312, %add3A_313 : i32
            %slice3A = vector.extract_strided_slice %get3A_303 {offsets = [0], sizes = [1], strides = [1]} : vector<16xf32> to vector<1xf32>
            %squeeze3A = vector.extract %slice3A[0] : f32 from vector<1xf32>
            %broadcast_in_dim3A_315 = vector.broadcast %squeeze3A : f32 to vector<16xf32>
            %get3A_316 = arith.index_cast %add3A_314 : i32 to index
            %get3A_317 = arith.constant 0 : index
            %get3A_318 = tpu.vector_load %arg18[%get3A_316, %get3A_317] {strides = array<i32>} : memref<256x64xf32, #tpu.memory_space<vmem>>, vector<1x16xf32>,
            %get3A_319 = vector.shape_cast %get3A_318 : vector<1x16xf32> to vector<16xf32>
            %mul3A_320 = arith.mulf %broadcast_in_dim3A_315, %get3A_319 : vector<16xf32>
            %add3A_321 = arith.addf %broadcast_in_dim3A_304, %mul3A_320 : vector<16xf32>
            %get3A_322 = arith.index_cast %add3A_314 : i32 to index
            %get3A_323 = arith.constant 16 : index
            %get3A_324 = tpu.vector_load %arg18[%get3A_322, %get3A_323] {strides = array<i32>} : memref<256x64xf32, #tpu.memory_space<vmem>>, vector<1x16xf32>,
            %get3A_325 = vector.shape_cast %get3A_324 : vector<1x16xf32> to vector<16xf32>
            %mul3A_326 = arith.mulf %broadcast_in_dim3A_315, %get3A_325 : vector<16xf32>
            %add3A_327 = arith.addf %broadcast_in_dim3A_306, %mul3A_326 : vector<16xf32>
            %get3A_328 = arith.index_cast %add3A_314 : i32 to index
            %get3A_329 = arith.constant 32 : index
            %get3A_330 = tpu.vector_load %arg18[%get3A_328, %get3A_329] {strides = array<i32>} : memref<256x64xf32, #tpu.memory_space<vmem>>, vector<1x16xf32>,
            %get3A_331 = vector.shape_cast %get3A_330 : vector<1x16xf32> to vector<16xf32>
            %mul3A_332 = arith.mulf %broadcast_in_dim3A_315, %get3A_331 : vector<16xf32>
            %add3A_333 = arith.addf %broadcast_in_dim3A_308, %mul3A_332 : vector<16xf32>
            %get3A_334 = arith.index_cast %add3A_314 : i32 to index
            %get3A_335 = arith.constant 48 : index
            %get3A_336 = tpu.vector_load %arg18[%get3A_334, %get3A_335] {strides = array<i32>} : memref<256x64xf32, #tpu.memory_space<vmem>>, vector<1x16xf32>,
            %get3A_337 = vector.shape_cast %get3A_336 : vector<1x16xf32> to vector<16xf32>
            %mul3A_338 = arith.mulf %broadcast_in_dim3A_315, %get3A_337 : vector<16xf32>
            %add3A_339 = arith.addf %broadcast_in_dim3A_310, %mul3A_338 : vector<16xf32>
            %mul3A_340 = arith.constant 16 : i32
            %mul3A_341 = arith.muli %scan3A_295, %mul3A_340 : i32
            %add3A_342 = arith.constant 1 : i32
            %add3A_343 = arith.addi %mul3A_341, %add3A_342 : i32
            %slice3A_344 = vector.extract_strided_slice %get3A_303 {offsets = [1], sizes = [1], strides = [1]} : vector<16xf32> to vector<1xf32>
            %squeeze3A_345 = vector.extract %slice3A_344[0] : f32 from vector<1xf32>
            %broadcast_in_dim3A_346 = vector.broadcast %squeeze3A_345 : f32 to vector<16xf32>
            %get3A_347 = arith.index_cast %add3A_343 : i32 to index
            %get3A_348 = arith.constant 0 : index
            %get3A_349 = tpu.vector_load %arg18[%get3A_347, %get3A_348] {strides = array<i32>} : memref<256x64xf32, #tpu.memory_space<vmem>>, vector<1x16xf32>,
            %get3A_350 = vector.shape_cast %get3A_349 : vector<1x16xf32> to vector<16xf32>
            %mul3A_351 = arith.mulf %broadcast_in_dim3A_346, %get3A_350 : vector<16xf32>
            %add3A_352 = arith.addf %add3A_321, %mul3A_351 : vector<16xf32>
            %get3A_353 = arith.index_cast %add3A_343 : i32 to index
            %get3A_354 = arith.constant 16 : index
            %get3A_355 = tpu.vector_load %arg18[%get3A_353, %get3A_354] {strides = array<i32>} : memref<256x64xf32, #tpu.memory_space<vmem>>, vector<1x16xf32>,
            %get3A_356 = vector.shape_cast %get3A_355 : vector<1x16xf32> to vector<16xf32>
            %mul3A_357 = arith.mulf %broadcast_in_dim3A_346, %get3A_356 : vector<16xf32>
            %add3A_358 = arith.addf %add3A_327, %mul3A_357 : vector<16xf32>
            %get3A_359 = arith.index_cast %add3A_343 : i32 to index
            %get3A_360 = arith.constant 32 : index
            %get3A_361 = tpu.vector_load %arg18[%get3A_359, %get3A_360] {strides = array<i32>} : memref<256x64xf32, #tpu.memory_space<vmem>>, vector<1x16xf32>,
            %get3A_362 = vector.shape_cast %get3A_361 : vector<1x16xf32> to vector<16xf32>
            %mul3A_363 = arith.mulf %broadcast_in_dim3A_346, %get3A_362 : vector<16xf32>
            %add3A_364 = arith.addf %add3A_333, %mul3A_363 : vector<16xf32>
            %get3A_365 = arith.index_cast %add3A_343 : i32 to index
            %get3A_366 = arith.constant 48 : index
            %get3A_367 = tpu.vector_load %arg18[%get3A_365, %get3A_366] {strides = array<i32>} : memref<256x64xf32, #tpu.memory_space<vmem>>, vector<1x16xf32>,
            %get3A_368 = vector.shape_cast %get3A_367 : vector<1x16xf32> to vector<16xf32>
            %mul3A_369 = arith.mulf %broadcast_in_dim3A_346, %get3A_368 : vector<16xf32>
            %add3A_370 = arith.addf %add3A_339, %mul3A_369 : vector<16xf32>
            %mul3A_371 = arith.constant 16 : i32
            %mul3A_372 = arith.muli %scan3A_295, %mul3A_371 : i32
            %add3A_373 = arith.constant 2 : i32
            %add3A_374 = arith.addi %mul3A_372, %add3A_373 : i32
            %slice3A_375 = vector.extract_strided_slice %get3A_303 {offsets = [2], sizes = [1], strides = [1]} : vector<16xf32> to vector<1xf32>
            %squeeze3A_376 = vector.extract %slice3A_375[0] : f32 from vector<1xf32>
            %broadcast_in_dim3A_377 = vector.broadcast %squeeze3A_376 : f32 to vector<16xf32>
            %get3A_378 = arith.index_cast %add3A_374 : i32 to index
            %get3A_379 = arith.constant 0 : index
            %get3A_380 = tpu.vector_load %arg18[%get3A_378, %get3A_379] {strides = array<i32>} : memref<256x64xf32, #tpu.memory_space<vmem>>, vector<1x16xf32>,
            %get3A_381 = vector.shape_cast %get3A_380 : vector<1x16xf32> to vector<16xf32>
            %mul3A_382 = arith.mulf %broadcast_in_dim3A_377, %get3A_381 : vector<16xf32>
            %add3A_383 = arith.addf %add3A_352, %mul3A_382 : vector<16xf32>
            %get3A_384 = arith.index_cast %add3A_374 : i32 to index
            %get3A_385 = arith.constant 16 : index
            %get3A_386 = tpu.vector_load %arg18[%get3A_384, %get3A_385] {strides = array<i32>} : memref<256x64xf32, #tpu.memory_space<vmem>>, vector<1x16xf32>,
            %get3A_387 = vector.shape_cast %get3A_386 : vector<1x16xf32> to vector<16xf32>
            %mul3A_388 = arith.mulf %broadcast_in_dim3A_377, %get3A_387 : vector<16xf32>
            %add3A_389 = arith.addf %add3A_358, %mul3A_388 : vector<16xf32>
            %get3A_390 = arith.index_cast %add3A_374 : i32 to index
            %get3A_391 = arith.constant 32 : index
            %get3A_392 = tpu.vector_load %arg18[%get3A_390, %get3A_391] {strides = array<i32>} : memref<256x64xf32, #tpu.memory_space<vmem>>, vector<1x16xf32>,
            %get3A_393 = vector.shape_cast %get3A_392 : vector<1x16xf32> to vector<16xf32>
            %mul3A_394 = arith.mulf %broadcast_in_dim3A_377, %get3A_393 : vector<16xf32>
            %add3A_395 = arith.addf %add3A_364, %mul3A_394 : vector<16xf32>
            %get3A_396 = arith.index_cast %add3A_374 : i32 to index
            %get3A_397 = arith.constant 48 : index
            %get3A_398 = tpu.vector_load %arg18[%get3A_396, %get3A_397] {strides = array<i32>} : memref<256x64xf32, #tpu.memory_space<vmem>>, vector<1x16xf32>,
            %get3A_399 = vector.shape_cast %get3A_398 : vector<1x16xf32> to vector<16xf32>
            %mul3A_400 = arith.mulf %broadcast_in_dim3A_377, %get3A_399 : vector<16xf32>
            %add3A_401 = arith.addf %add3A_370, %mul3A_400 : vector<16xf32>
            %mul3A_402 = arith.constant 16 : i32
            %mul3A_403 = arith.muli %scan3A_295, %mul3A_402 : i32
            %add3A_404 = arith.constant 3 : i32
            %add3A_405 = arith.addi %mul3A_403, %add3A_404 : i32
            %slice3A_406 = vector.extract_strided_slice %get3A_303 {offsets = [3], sizes = [1], strides = [1]} : vector<16xf32> to vector<1xf32>
            %squeeze3A_407 = vector.extract %slice3A_406[0] : f32 from vector<1xf32>
            %broadcast_in_dim3A_408 = vector.broadcast %squeeze3A_407 : f32 to vector<16xf32>
            %get3A_409 = arith.index_cast %add3A_405 : i32 to index
            %get3A_410 = arith.constant 0 : index
            %get3A_411 = tpu.vector_load %arg18[%get3A_409, %get3A_410] {strides = array<i32>} : memref<256x64xf32, #tpu.memory_space<vmem>>, vector<1x16xf32>,
            %get3A_412 = vector.shape_cast %get3A_411 : vector<1x16xf32> to vector<16xf32>
            %mul3A_413 = arith.mulf %broadcast_in_dim3A_408, %get3A_412 : vector<16xf32>
            %add3A_414 = arith.addf %add3A_383, %mul3A_413 : vector<16xf32>
            %get3A_415 = arith.index_cast %add3A_405 : i32 to index
            %get3A_416 = arith.constant 16 : index
            %get3A_417 = tpu.vector_load %arg18[%get3A_415, %get3A_416] {strides = array<i32>} : memref<256x64xf32, #tpu.memory_space<vmem>>, vector<1x16xf32>,
            %get3A_418 = vector.shape_cast %get3A_417 : vector<1x16xf32> to vector<16xf32>
            %mul3A_419 = arith.mulf %broadcast_in_dim3A_408, %get3A_418 : vector<16xf32>
            %add3A_420 = arith.addf %add3A_389, %mul3A_419 : vector<16xf32>
            %get3A_421 = arith.index_cast %add3A_405 : i32 to index
            %get3A_422 = arith.constant 32 : index
            %get3A_423 = tpu.vector_load %arg18[%get3A_421, %get3A_422] {strides = array<i32>} : memref<256x64xf32, #tpu.memory_space<vmem>>, vector<1x16xf32>,
            %get3A_424 = vector.shape_cast %get3A_423 : vector<1x16xf32> to vector<16xf32>
            %mul3A_425 = arith.mulf %broadcast_in_dim3A_408, %get3A_424 : vector<16xf32>
            %add3A_426 = arith.addf %add3A_395, %mul3A_425 : vector<16xf32>
            %get3A_427 = arith.index_cast %add3A_405 : i32 to index
            %get3A_428 = arith.constant 48 : index
            %get3A_429 = tpu.vector_load %arg18[%get3A_427, %get3A_428] {strides = array<i32>} : memref<256x64xf32, #tpu.memory_space<vmem>>, vector<1x16xf32>,
            %get3A_430 = vector.shape_cast %get3A_429 : vector<1x16xf32> to vector<16xf32>
            %mul3A_431 = arith.mulf %broadcast_in_dim3A_408, %get3A_430 : vector<16xf32>
            %add3A_432 = arith.addf %add3A_401, %mul3A_431 : vector<16xf32>
            %mul3A_433 = arith.constant 16 : i32
            %mul3A_434 = arith.muli %scan3A_295, %mul3A_433 : i32
            %add3A_435 = arith.constant 4 : i32
            %add3A_436 = arith.addi %mul3A_434, %add3A_435 : i32
            %slice3A_437 = vector.extract_strided_slice %get3A_303 {offsets = [4], sizes = [1], strides = [1]} : vector<16xf32> to vector<1xf32>
            %squeeze3A_438 = vector.extract %slice3A_437[0] : f32 from vector<1xf32>
            %broadcast_in_dim3A_439 = vector.broadcast %squeeze3A_438 : f32 to vector<16xf32>
            %get3A_440 = arith.index_cast %add3A_436 : i32 to index
            %get3A_441 = arith.constant 0 : index
            %get3A_442 = tpu.vector_load %arg18[%get3A_440, %get3A_441] {strides = array<i32>} : memref<256x64xf32, #tpu.memory_space<vmem>>, vector<1x16xf32>,
            %get3A_443 = vector.shape_cast %get3A_442 : vector<1x16xf32> to vector<16xf32>
            %mul3A_444 = arith.mulf %broadcast_in_dim3A_439, %get3A_443 : vector<16xf32>
            %add3A_445 = arith.addf %add3A_414, %mul3A_444 : vector<16xf32>
            %get3A_446 = arith.index_cast %add3A_436 : i32 to index
            %get3A_447 = arith.constant 16 : index
            %get3A_448 = tpu.vector_load %arg18[%get3A_446, %get3A_447] {strides = array<i32>} : memref<256x64xf32, #tpu.memory_space<vmem>>, vector<1x16xf32>,
            %get3A_449 = vector.shape_cast %get3A_448 : vector<1x16xf32> to vector<16xf32>
            %mul3A_450 = arith.mulf %broadcast_in_dim3A_439, %get3A_449 : vector<16xf32>
            %add3A_451 = arith.addf %add3A_420, %mul3A_450 : vector<16xf32>
            %get3A_452 = arith.index_cast %add3A_436 : i32 to index
            %get3A_453 = arith.constant 32 : index
            %get3A_454 = tpu.vector_load %arg18[%get3A_452, %get3A_453] {strides = array<i32>} : memref<256x64xf32, #tpu.memory_space<vmem>>, vector<1x16xf32>,
            %get3A_455 = vector.shape_cast %get3A_454 : vector<1x16xf32> to vector<16xf32>
            %mul3A_456 = arith.mulf %broadcast_in_dim3A_439, %get3A_455 : vector<16xf32>
            %add3A_457 = arith.addf %add3A_426, %mul3A_456 : vector<16xf32>
            %get3A_458 = arith.index_cast %add3A_436 : i32 to index
            %get3A_459 = arith.constant 48 : index
            %get3A_460 = tpu.vector_load %arg18[%get3A_458, %get3A_459] {strides = array<i32>} : memref<256x64xf32, #tpu.memory_space<vmem>>, vector<1x16xf32>,
            %get3A_461 = vector.shape_cast %get3A_460 : vector<1x16xf32> to vector<16xf32>
            %mul3A_462 = arith.mulf %broadcast_in_dim3A_439, %get3A_461 : vector<16xf32>
            %add3A_463 = arith.addf %add3A_432, %mul3A_462 : vector<16xf32>
            %mul3A_464 = arith.constant 16 : i32
            %mul3A_465 = arith.muli %scan3A_295, %mul3A_464 : i32
            %add3A_466 = arith.constant 5 : i32
            %add3A_467 = arith.addi %mul3A_465, %add3A_466 : i32
            %slice3A_468 = vector.extract_strided_slice %get3A_303 {offsets = [5], sizes = [1], strides = [1]} : vector<16xf32> to vector<1xf32>
            %squeeze3A_469 = vector.extract %slice3A_468[0] : f32 from vector<1xf32>
            %broadcast_in_dim3A_470 = vector.broadcast %squeeze3A_469 : f32 to vector<16xf32>
            %get3A_471 = arith.index_cast %add3A_467 : i32 to index
            %get3A_472 = arith.constant 0 : index
            %get3A_473 = tpu.vector_load %arg18[%get3A_471, %get3A_472] {strides = array<i32>} : memref<256x64xf32, #tpu.memory_space<vmem>>, vector<1x16xf32>,
            %get3A_474 = vector.shape_cast %get3A_473 : vector<1x16xf32> to vector<16xf32>
            %mul3A_475 = arith.mulf %broadcast_in_dim3A_470, %get3A_474 : vector<16xf32>
            %add3A_476 = arith.addf %add3A_445, %mul3A_475 : vector<16xf32>
            %get3A_477 = arith.index_cast %add3A_467 : i32 to index
            %get3A_478 = arith.constant 16 : index
            %get3A_479 = tpu.vector_load %arg18[%get3A_477, %get3A_478] {strides = array<i32>} : memref<256x64xf32, #tpu.memory_space<vmem>>, vector<1x16xf32>,
            %get3A_480 = vector.shape_cast %get3A_479 : vector<1x16xf32> to vector<16xf32>
            %mul3A_481 = arith.mulf %broadcast_in_dim3A_470, %get3A_480 : vector<16xf32>
            %add3A_482 = arith.addf %add3A_451, %mul3A_481 : vector<16xf32>
            %get3A_483 = arith.index_cast %add3A_467 : i32 to index
            %get3A_484 = arith.constant 32 : index
            %get3A_485 = tpu.vector_load %arg18[%get3A_483, %get3A_484] {strides = array<i32>} : memref<256x64xf32, #tpu.memory_space<vmem>>, vector<1x16xf32>,
            %get3A_486 = vector.shape_cast %get3A_485 : vector<1x16xf32> to vector<16xf32>
            %mul3A_487 = arith.mulf %broadcast_in_dim3A_470, %get3A_486 : vector<16xf32>
            %add3A_488 = arith.addf %add3A_457, %mul3A_487 : vector<16xf32>
            %get3A_489 = arith.index_cast %add3A_467 : i32 to index
            %get3A_490 = arith.constant 48 : index
            %get3A_491 = tpu.vector_load %arg18[%get3A_489, %get3A_490] {strides = array<i32>} : memref<256x64xf32, #tpu.memory_space<vmem>>, vector<1x16xf32>,
            %get3A_492 = vector.shape_cast %get3A_491 : vector<1x16xf32> to vector<16xf32>
            %mul3A_493 = arith.mulf %broadcast_in_dim3A_470, %get3A_492 : vector<16xf32>
            %add3A_494 = arith.addf %add3A_463, %mul3A_493 : vector<16xf32>
            %mul3A_495 = arith.constant 16 : i32
            %mul3A_496 = arith.muli %scan3A_295, %mul3A_495 : i32
            %add3A_497 = arith.constant 6 : i32
            %add3A_498 = arith.addi %mul3A_496, %add3A_497 : i32
            %slice3A_499 = vector.extract_strided_slice %get3A_303 {offsets = [6], sizes = [1], strides = [1]} : vector<16xf32> to vector<1xf32>
            %squeeze3A_500 = vector.extract %slice3A_499[0] : f32 from vector<1xf32>
            %broadcast_in_dim3A_501 = vector.broadcast %squeeze3A_500 : f32 to vector<16xf32>
            %get3A_502 = arith.index_cast %add3A_498 : i32 to index
            %get3A_503 = arith.constant 0 : index
            %get3A_504 = tpu.vector_load %arg18[%get3A_502, %get3A_503] {strides = array<i32>} : memref<256x64xf32, #tpu.memory_space<vmem>>, vector<1x16xf32>,
            %get3A_505 = vector.shape_cast %get3A_504 : vector<1x16xf32> to vector<16xf32>
            %mul3A_506 = arith.mulf %broadcast_in_dim3A_501, %get3A_505 : vector<16xf32>
            %add3A_507 = arith.addf %add3A_476, %mul3A_506 : vector<16xf32>
            %get3A_508 = arith.index_cast %add3A_498 : i32 to index
            %get3A_509 = arith.constant 16 : index
            %get3A_510 = tpu.vector_load %arg18[%get3A_508, %get3A_509] {strides = array<i32>} : memref<256x64xf32, #tpu.memory_space<vmem>>, vector<1x16xf32>,
            %get3A_511 = vector.shape_cast %get3A_510 : vector<1x16xf32> to vector<16xf32>
            %mul3A_512 = arith.mulf %broadcast_in_dim3A_501, %get3A_511 : vector<16xf32>
            %add3A_513 = arith.addf %add3A_482, %mul3A_512 : vector<16xf32>
            %get3A_514 = arith.index_cast %add3A_498 : i32 to index
            %get3A_515 = arith.constant 32 : index
            %get3A_516 = tpu.vector_load %arg18[%get3A_514, %get3A_515] {strides = array<i32>} : memref<256x64xf32, #tpu.memory_space<vmem>>, vector<1x16xf32>,
            %get3A_517 = vector.shape_cast %get3A_516 : vector<1x16xf32> to vector<16xf32>
            %mul3A_518 = arith.mulf %broadcast_in_dim3A_501, %get3A_517 : vector<16xf32>
            %add3A_519 = arith.addf %add3A_488, %mul3A_518 : vector<16xf32>
            %get3A_520 = arith.index_cast %add3A_498 : i32 to index
            %get3A_521 = arith.constant 48 : index
            %get3A_522 = tpu.vector_load %arg18[%get3A_520, %get3A_521] {strides = array<i32>} : memref<256x64xf32, #tpu.memory_space<vmem>>, vector<1x16xf32>,
            %get3A_523 = vector.shape_cast %get3A_522 : vector<1x16xf32> to vector<16xf32>
            %mul3A_524 = arith.mulf %broadcast_in_dim3A_501, %get3A_523 : vector<16xf32>
            %add3A_525 = arith.addf %add3A_494, %mul3A_524 : vector<16xf32>
            %mul3A_526 = arith.constant 16 : i32
            %mul3A_527 = arith.muli %scan3A_295, %mul3A_526 : i32
            %add3A_528 = arith.constant 7 : i32
            %add3A_529 = arith.addi %mul3A_527, %add3A_528 : i32
            %slice3A_530 = vector.extract_strided_slice %get3A_303 {offsets = [7], sizes = [1], strides = [1]} : vector<16xf32> to vector<1xf32>
            %squeeze3A_531 = vector.extract %slice3A_530[0] : f32 from vector<1xf32>
            %broadcast_in_dim3A_532 = vector.broadcast %squeeze3A_531 : f32 to vector<16xf32>
            %get3A_533 = arith.index_cast %add3A_529 : i32 to index
            %get3A_534 = arith.constant 0 : index
            %get3A_535 = tpu.vector_load %arg18[%get3A_533, %get3A_534] {strides = array<i32>} : memref<256x64xf32, #tpu.memory_space<vmem>>, vector<1x16xf32>,
            %get3A_536 = vector.shape_cast %get3A_535 : vector<1x16xf32> to vector<16xf32>
            %mul3A_537 = arith.mulf %broadcast_in_dim3A_532, %get3A_536 : vector<16xf32>
            %add3A_538 = arith.addf %add3A_507, %mul3A_537 : vector<16xf32>
            %get3A_539 = arith.index_cast %add3A_529 : i32 to index
            %get3A_540 = arith.constant 16 : index
            %get3A_541 = tpu.vector_load %arg18[%get3A_539, %get3A_540] {strides = array<i32>} : memref<256x64xf32, #tpu.memory_space<vmem>>, vector<1x16xf32>,
            %get3A_542 = vector.shape_cast %get3A_541 : vector<1x16xf32> to vector<16xf32>
            %mul3A_543 = arith.mulf %broadcast_in_dim3A_532, %get3A_542 : vector<16xf32>
            %add3A_544 = arith.addf %add3A_513, %mul3A_543 : vector<16xf32>
            %get3A_545 = arith.index_cast %add3A_529 : i32 to index
            %get3A_546 = arith.constant 32 : index
            %get3A_547 = tpu.vector_load %arg18[%get3A_545, %get3A_546] {strides = array<i32>} : memref<256x64xf32, #tpu.memory_space<vmem>>, vector<1x16xf32>,
            %get3A_548 = vector.shape_cast %get3A_547 : vector<1x16xf32> to vector<16xf32>
            %mul3A_549 = arith.mulf %broadcast_in_dim3A_532, %get3A_548 : vector<16xf32>
            %add3A_550 = arith.addf %add3A_519, %mul3A_549 : vector<16xf32>
            %get3A_551 = arith.index_cast %add3A_529 : i32 to index
            %get3A_552 = arith.constant 48 : index
            %get3A_553 = tpu.vector_load %arg18[%get3A_551, %get3A_552] {strides = array<i32>} : memref<256x64xf32, #tpu.memory_space<vmem>>, vector<1x16xf32>,
            %get3A_554 = vector.shape_cast %get3A_553 : vector<1x16xf32> to vector<16xf32>
            %mul3A_555 = arith.mulf %broadcast_in_dim3A_532, %get3A_554 : vector<16xf32>
            %add3A_556 = arith.addf %add3A_525, %mul3A_555 : vector<16xf32>
            %mul3A_557 = arith.constant 16 : i32
            %mul3A_558 = arith.muli %scan3A_295, %mul3A_557 : i32
            %add3A_559 = arith.constant 8 : i32
            %add3A_560 = arith.addi %mul3A_558, %add3A_559 : i32
            %slice3A_561 = vector.extract_strided_slice %get3A_303 {offsets = [8], sizes = [1], strides = [1]} : vector<16xf32> to vector<1xf32>
            %squeeze3A_562 = vector.extract %slice3A_561[0] : f32 from vector<1xf32>
            %broadcast_in_dim3A_563 = vector.broadcast %squeeze3A_562 : f32 to vector<16xf32>
            %get3A_564 = arith.index_cast %add3A_560 : i32 to index
            %get3A_565 = arith.constant 0 : index
            %get3A_566 = tpu.vector_load %arg18[%get3A_564, %get3A_565] {strides = array<i32>} : memref<256x64xf32, #tpu.memory_space<vmem>>, vector<1x16xf32>,
            %get3A_567 = vector.shape_cast %get3A_566 : vector<1x16xf32> to vector<16xf32>
            %mul3A_568 = arith.mulf %broadcast_in_dim3A_563, %get3A_567 : vector<16xf32>
            %add3A_569 = arith.addf %add3A_538, %mul3A_568 : vector<16xf32>
            %get3A_570 = arith.index_cast %add3A_560 : i32 to index
            %get3A_571 = arith.constant 16 : index
            %get3A_572 = tpu.vector_load %arg18[%get3A_570, %get3A_571] {strides = array<i32>} : memref<256x64xf32, #tpu.memory_space<vmem>>, vector<1x16xf32>,
            %get3A_573 = vector.shape_cast %get3A_572 : vector<1x16xf32> to vector<16xf32>
            %mul3A_574 = arith.mulf %broadcast_in_dim3A_563, %get3A_573 : vector<16xf32>
            %add3A_575 = arith.addf %add3A_544, %mul3A_574 : vector<16xf32>
            %get3A_576 = arith.index_cast %add3A_560 : i32 to index
            %get3A_577 = arith.constant 32 : index
            %get3A_578 = tpu.vector_load %arg18[%get3A_576, %get3A_577] {strides = array<i32>} : memref<256x64xf32, #tpu.memory_space<vmem>>, vector<1x16xf32>,
            %get3A_579 = vector.shape_cast %get3A_578 : vector<1x16xf32> to vector<16xf32>
            %mul3A_580 = arith.mulf %broadcast_in_dim3A_563, %get3A_579 : vector<16xf32>
            %add3A_581 = arith.addf %add3A_550, %mul3A_580 : vector<16xf32>
            %get3A_582 = arith.index_cast %add3A_560 : i32 to index
            %get3A_583 = arith.constant 48 : index
            %get3A_584 = tpu.vector_load %arg18[%get3A_582, %get3A_583] {strides = array<i32>} : memref<256x64xf32, #tpu.memory_space<vmem>>, vector<1x16xf32>,
            %get3A_585 = vector.shape_cast %get3A_584 : vector<1x16xf32> to vector<16xf32>
            %mul3A_586 = arith.mulf %broadcast_in_dim3A_563, %get3A_585 : vector<16xf32>
            %add3A_587 = arith.addf %add3A_556, %mul3A_586 : vector<16xf32>
            %mul3A_588 = arith.constant 16 : i32
            %mul3A_589 = arith.muli %scan3A_295, %mul3A_588 : i32
            %add3A_590 = arith.constant 9 : i32
            %add3A_591 = arith.addi %mul3A_589, %add3A_590 : i32
            %slice3A_592 = vector.extract_strided_slice %get3A_303 {offsets = [9], sizes = [1], strides = [1]} : vector<16xf32> to vector<1xf32>
            %squeeze3A_593 = vector.extract %slice3A_592[0] : f32 from vector<1xf32>
            %broadcast_in_dim3A_594 = vector.broadcast %squeeze3A_593 : f32 to vector<16xf32>
            %get3A_595 = arith.index_cast %add3A_591 : i32 to index
            %get3A_596 = arith.constant 0 : index
            %get3A_597 = tpu.vector_load %arg18[%get3A_595, %get3A_596] {strides = array<i32>} : memref<256x64xf32, #tpu.memory_space<vmem>>, vector<1x16xf32>,
            %get3A_598 = vector.shape_cast %get3A_597 : vector<1x16xf32> to vector<16xf32>
            %mul3A_599 = arith.mulf %broadcast_in_dim3A_594, %get3A_598 : vector<16xf32>
            %add3A_600 = arith.addf %add3A_569, %mul3A_599 : vector<16xf32>
            %get3A_601 = arith.index_cast %add3A_591 : i32 to index
            %get3A_602 = arith.constant 16 : index
            %get3A_603 = tpu.vector_load %arg18[%get3A_601, %get3A_602] {strides = array<i32>} : memref<256x64xf32, #tpu.memory_space<vmem>>, vector<1x16xf32>,
            %get3A_604 = vector.shape_cast %get3A_603 : vector<1x16xf32> to vector<16xf32>
            %mul3A_605 = arith.mulf %broadcast_in_dim3A_594, %get3A_604 : vector<16xf32>
            %add3A_606 = arith.addf %add3A_575, %mul3A_605 : vector<16xf32>
            %get3A_607 = arith.index_cast %add3A_591 : i32 to index
            %get3A_608 = arith.constant 32 : index
            %get3A_609 = tpu.vector_load %arg18[%get3A_607, %get3A_608] {strides = array<i32>} : memref<256x64xf32, #tpu.memory_space<vmem>>, vector<1x16xf32>,
            %get3A_610 = vector.shape_cast %get3A_609 : vector<1x16xf32> to vector<16xf32>
            %mul3A_611 = arith.mulf %broadcast_in_dim3A_594, %get3A_610 : vector<16xf32>
            %add3A_612 = arith.addf %add3A_581, %mul3A_611 : vector<16xf32>
            %get3A_613 = arith.index_cast %add3A_591 : i32 to index
            %get3A_614 = arith.constant 48 : index
            %get3A_615 = tpu.vector_load %arg18[%get3A_613, %get3A_614] {strides = array<i32>} : memref<256x64xf32, #tpu.memory_space<vmem>>, vector<1x16xf32>,
            %get3A_616 = vector.shape_cast %get3A_615 : vector<1x16xf32> to vector<16xf32>
            %mul3A_617 = arith.mulf %broadcast_in_dim3A_594, %get3A_616 : vector<16xf32>
            %add3A_618 = arith.addf %add3A_587, %mul3A_617 : vector<16xf32>
            %mul3A_619 = arith.constant 16 : i32
            %mul3A_620 = arith.muli %scan3A_295, %mul3A_619 : i32
            %add3A_621 = arith.constant 10 : i32
            %add3A_622 = arith.addi %mul3A_620, %add3A_621 : i32
            %slice3A_623 = vector.extract_strided_slice %get3A_303 {offsets = [10], sizes = [1], strides = [1]} : vector<16xf32> to vector<1xf32>
            %squeeze3A_624 = vector.extract %slice3A_623[0] : f32 from vector<1xf32>
            %broadcast_in_dim3A_625 = vector.broadcast %squeeze3A_624 : f32 to vector<16xf32>
            %get3A_626 = arith.index_cast %add3A_622 : i32 to index
            %get3A_627 = arith.constant 0 : index
            %get3A_628 = tpu.vector_load %arg18[%get3A_626, %get3A_627] {strides = array<i32>} : memref<256x64xf32, #tpu.memory_space<vmem>>, vector<1x16xf32>,
            %get3A_629 = vector.shape_cast %get3A_628 : vector<1x16xf32> to vector<16xf32>
            %mul3A_630 = arith.mulf %broadcast_in_dim3A_625, %get3A_629 : vector<16xf32>
            %add3A_631 = arith.addf %add3A_600, %mul3A_630 : vector<16xf32>
            %get3A_632 = arith.index_cast %add3A_622 : i32 to index
            %get3A_633 = arith.constant 16 : index
            %get3A_634 = tpu.vector_load %arg18[%get3A_632, %get3A_633] {strides = array<i32>} : memref<256x64xf32, #tpu.memory_space<vmem>>, vector<1x16xf32>,
            %get3A_635 = vector.shape_cast %get3A_634 : vector<1x16xf32> to vector<16xf32>
            %mul3A_636 = arith.mulf %broadcast_in_dim3A_625, %get3A_635 : vector<16xf32>
            %add3A_637 = arith.addf %add3A_606, %mul3A_636 : vector<16xf32>
            %get3A_638 = arith.index_cast %add3A_622 : i32 to index
            %get3A_639 = arith.constant 32 : index
            %get3A_640 = tpu.vector_load %arg18[%get3A_638, %get3A_639] {strides = array<i32>} : memref<256x64xf32, #tpu.memory_space<vmem>>, vector<1x16xf32>,
            %get3A_641 = vector.shape_cast %get3A_640 : vector<1x16xf32> to vector<16xf32>
            %mul3A_642 = arith.mulf %broadcast_in_dim3A_625, %get3A_641 : vector<16xf32>
            %add3A_643 = arith.addf %add3A_612, %mul3A_642 : vector<16xf32>
            %get3A_644 = arith.index_cast %add3A_622 : i32 to index
            %get3A_645 = arith.constant 48 : index
            %get3A_646 = tpu.vector_load %arg18[%get3A_644, %get3A_645] {strides = array<i32>} : memref<256x64xf32, #tpu.memory_space<vmem>>, vector<1x16xf32>,
            %get3A_647 = vector.shape_cast %get3A_646 : vector<1x16xf32> to vector<16xf32>
            %mul3A_648 = arith.mulf %broadcast_in_dim3A_625, %get3A_647 : vector<16xf32>
            %add3A_649 = arith.addf %add3A_618, %mul3A_648 : vector<16xf32>
            %mul3A_650 = arith.constant 16 : i32
            %mul3A_651 = arith.muli %scan3A_295, %mul3A_650 : i32
            %add3A_652 = arith.constant 11 : i32
            %add3A_653 = arith.addi %mul3A_651, %add3A_652 : i32
            %slice3A_654 = vector.extract_strided_slice %get3A_303 {offsets = [11], sizes = [1], strides = [1]} : vector<16xf32> to vector<1xf32>
            %squeeze3A_655 = vector.extract %slice3A_654[0] : f32 from vector<1xf32>
            %broadcast_in_dim3A_656 = vector.broadcast %squeeze3A_655 : f32 to vector<16xf32>
            %get3A_657 = arith.index_cast %add3A_653 : i32 to index
            %get3A_658 = arith.constant 0 : index
            %get3A_659 = tpu.vector_load %arg18[%get3A_657, %get3A_658] {strides = array<i32>} : memref<256x64xf32, #tpu.memory_space<vmem>>, vector<1x16xf32>,
            %get3A_660 = vector.shape_cast %get3A_659 : vector<1x16xf32> to vector<16xf32>
            %mul3A_661 = arith.mulf %broadcast_in_dim3A_656, %get3A_660 : vector<16xf32>
            %add3A_662 = arith.addf %add3A_631, %mul3A_661 : vector<16xf32>
            %get3A_663 = arith.index_cast %add3A_653 : i32 to index
            %get3A_664 = arith.constant 16 : index
            %get3A_665 = tpu.vector_load %arg18[%get3A_663, %get3A_664] {strides = array<i32>} : memref<256x64xf32, #tpu.memory_space<vmem>>, vector<1x16xf32>,
            %get3A_666 = vector.shape_cast %get3A_665 : vector<1x16xf32> to vector<16xf32>
            %mul3A_667 = arith.mulf %broadcast_in_dim3A_656, %get3A_666 : vector<16xf32>
            %add3A_668 = arith.addf %add3A_637, %mul3A_667 : vector<16xf32>
            %get3A_669 = arith.index_cast %add3A_653 : i32 to index
            %get3A_670 = arith.constant 32 : index
            %get3A_671 = tpu.vector_load %arg18[%get3A_669, %get3A_670] {strides = array<i32>} : memref<256x64xf32, #tpu.memory_space<vmem>>, vector<1x16xf32>,
            %get3A_672 = vector.shape_cast %get3A_671 : vector<1x16xf32> to vector<16xf32>
            %mul3A_673 = arith.mulf %broadcast_in_dim3A_656, %get3A_672 : vector<16xf32>
            %add3A_674 = arith.addf %add3A_643, %mul3A_673 : vector<16xf32>
            %get3A_675 = arith.index_cast %add3A_653 : i32 to index
            %get3A_676 = arith.constant 48 : index
            %get3A_677 = tpu.vector_load %arg18[%get3A_675, %get3A_676] {strides = array<i32>} : memref<256x64xf32, #tpu.memory_space<vmem>>, vector<1x16xf32>,
            %get3A_678 = vector.shape_cast %get3A_677 : vector<1x16xf32> to vector<16xf32>
            %mul3A_679 = arith.mulf %broadcast_in_dim3A_656, %get3A_678 : vector<16xf32>
            %add3A_680 = arith.addf %add3A_649, %mul3A_679 : vector<16xf32>
            %mul3A_681 = arith.constant 16 : i32
            %mul3A_682 = arith.muli %scan3A_295, %mul3A_681 : i32
            %add3A_683 = arith.constant 12 : i32
            %add3A_684 = arith.addi %mul3A_682, %add3A_683 : i32
            %slice3A_685 = vector.extract_strided_slice %get3A_303 {offsets = [12], sizes = [1], strides = [1]} : vector<16xf32> to vector<1xf32>
            %squeeze3A_686 = vector.extract %slice3A_685[0] : f32 from vector<1xf32>
            %broadcast_in_dim3A_687 = vector.broadcast %squeeze3A_686 : f32 to vector<16xf32>
            %get3A_688 = arith.index_cast %add3A_684 : i32 to index
            %get3A_689 = arith.constant 0 : index
            %get3A_690 = tpu.vector_load %arg18[%get3A_688, %get3A_689] {strides = array<i32>} : memref<256x64xf32, #tpu.memory_space<vmem>>, vector<1x16xf32>,
            %get3A_691 = vector.shape_cast %get3A_690 : vector<1x16xf32> to vector<16xf32>
            %mul3A_692 = arith.mulf %broadcast_in_dim3A_687, %get3A_691 : vector<16xf32>
            %add3A_693 = arith.addf %add3A_662, %mul3A_692 : vector<16xf32>
            %get3A_694 = arith.index_cast %add3A_684 : i32 to index
            %get3A_695 = arith.constant 16 : index
            %get3A_696 = tpu.vector_load %arg18[%get3A_694, %get3A_695] {strides = array<i32>} : memref<256x64xf32, #tpu.memory_space<vmem>>, vector<1x16xf32>,
            %get3A_697 = vector.shape_cast %get3A_696 : vector<1x16xf32> to vector<16xf32>
            %mul3A_698 = arith.mulf %broadcast_in_dim3A_687, %get3A_697 : vector<16xf32>
            %add3A_699 = arith.addf %add3A_668, %mul3A_698 : vector<16xf32>
            %get3A_700 = arith.index_cast %add3A_684 : i32 to index
            %get3A_701 = arith.constant 32 : index
            %get3A_702 = tpu.vector_load %arg18[%get3A_700, %get3A_701] {strides = array<i32>} : memref<256x64xf32, #tpu.memory_space<vmem>>, vector<1x16xf32>,
            %get3A_703 = vector.shape_cast %get3A_702 : vector<1x16xf32> to vector<16xf32>
            %mul3A_704 = arith.mulf %broadcast_in_dim3A_687, %get3A_703 : vector<16xf32>
            %add3A_705 = arith.addf %add3A_674, %mul3A_704 : vector<16xf32>
            %get3A_706 = arith.index_cast %add3A_684 : i32 to index
            %get3A_707 = arith.constant 48 : index
            %get3A_708 = tpu.vector_load %arg18[%get3A_706, %get3A_707] {strides = array<i32>} : memref<256x64xf32, #tpu.memory_space<vmem>>, vector<1x16xf32>,
            %get3A_709 = vector.shape_cast %get3A_708 : vector<1x16xf32> to vector<16xf32>
            %mul3A_710 = arith.mulf %broadcast_in_dim3A_687, %get3A_709 : vector<16xf32>
            %add3A_711 = arith.addf %add3A_680, %mul3A_710 : vector<16xf32>
            %mul3A_712 = arith.constant 16 : i32
            %mul3A_713 = arith.muli %scan3A_295, %mul3A_712 : i32
            %add3A_714 = arith.constant 13 : i32
            %add3A_715 = arith.addi %mul3A_713, %add3A_714 : i32
            %slice3A_716 = vector.extract_strided_slice %get3A_303 {offsets = [13], sizes = [1], strides = [1]} : vector<16xf32> to vector<1xf32>
            %squeeze3A_717 = vector.extract %slice3A_716[0] : f32 from vector<1xf32>
            %broadcast_in_dim3A_718 = vector.broadcast %squeeze3A_717 : f32 to vector<16xf32>
            %get3A_719 = arith.index_cast %add3A_715 : i32 to index
            %get3A_720 = arith.constant 0 : index
            %get3A_721 = tpu.vector_load %arg18[%get3A_719, %get3A_720] {strides = array<i32>} : memref<256x64xf32, #tpu.memory_space<vmem>>, vector<1x16xf32>,
            %get3A_722 = vector.shape_cast %get3A_721 : vector<1x16xf32> to vector<16xf32>
            %mul3A_723 = arith.mulf %broadcast_in_dim3A_718, %get3A_722 : vector<16xf32>
            %add3A_724 = arith.addf %add3A_693, %mul3A_723 : vector<16xf32>
            %get3A_725 = arith.index_cast %add3A_715 : i32 to index
            %get3A_726 = arith.constant 16 : index
            %get3A_727 = tpu.vector_load %arg18[%get3A_725, %get3A_726] {strides = array<i32>} : memref<256x64xf32, #tpu.memory_space<vmem>>, vector<1x16xf32>,
            %get3A_728 = vector.shape_cast %get3A_727 : vector<1x16xf32> to vector<16xf32>
            %mul3A_729 = arith.mulf %broadcast_in_dim3A_718, %get3A_728 : vector<16xf32>
            %add3A_730 = arith.addf %add3A_699, %mul3A_729 : vector<16xf32>
            %get3A_731 = arith.index_cast %add3A_715 : i32 to index
            %get3A_732 = arith.constant 32 : index
            %get3A_733 = tpu.vector_load %arg18[%get3A_731, %get3A_732] {strides = array<i32>} : memref<256x64xf32, #tpu.memory_space<vmem>>, vector<1x16xf32>,
            %get3A_734 = vector.shape_cast %get3A_733 : vector<1x16xf32> to vector<16xf32>
            %mul3A_735 = arith.mulf %broadcast_in_dim3A_718, %get3A_734 : vector<16xf32>
            %add3A_736 = arith.addf %add3A_705, %mul3A_735 : vector<16xf32>
            %get3A_737 = arith.index_cast %add3A_715 : i32 to index
            %get3A_738 = arith.constant 48 : index
            %get3A_739 = tpu.vector_load %arg18[%get3A_737, %get3A_738] {strides = array<i32>} : memref<256x64xf32, #tpu.memory_space<vmem>>, vector<1x16xf32>,
            %get3A_740 = vector.shape_cast %get3A_739 : vector<1x16xf32> to vector<16xf32>
            %mul3A_741 = arith.mulf %broadcast_in_dim3A_718, %get3A_740 : vector<16xf32>
            %add3A_742 = arith.addf %add3A_711, %mul3A_741 : vector<16xf32>
            %mul3A_743 = arith.constant 16 : i32
            %mul3A_744 = arith.muli %scan3A_295, %mul3A_743 : i32
            %add3A_745 = arith.constant 14 : i32
            %add3A_746 = arith.addi %mul3A_744, %add3A_745 : i32
            %slice3A_747 = vector.extract_strided_slice %get3A_303 {offsets = [14], sizes = [1], strides = [1]} : vector<16xf32> to vector<1xf32>
            %squeeze3A_748 = vector.extract %slice3A_747[0] : f32 from vector<1xf32>
            %broadcast_in_dim3A_749 = vector.broadcast %squeeze3A_748 : f32 to vector<16xf32>
            %get3A_750 = arith.index_cast %add3A_746 : i32 to index
            %get3A_751 = arith.constant 0 : index
            %get3A_752 = tpu.vector_load %arg18[%get3A_750, %get3A_751] {strides = array<i32>} : memref<256x64xf32, #tpu.memory_space<vmem>>, vector<1x16xf32>,
            %get3A_753 = vector.shape_cast %get3A_752 : vector<1x16xf32> to vector<16xf32>
            %mul3A_754 = arith.mulf %broadcast_in_dim3A_749, %get3A_753 : vector<16xf32>
            %add3A_755 = arith.addf %add3A_724, %mul3A_754 : vector<16xf32>
            %get3A_756 = arith.index_cast %add3A_746 : i32 to index
            %get3A_757 = arith.constant 16 : index
            %get3A_758 = tpu.vector_load %arg18[%get3A_756, %get3A_757] {strides = array<i32>} : memref<256x64xf32, #tpu.memory_space<vmem>>, vector<1x16xf32>,
            %get3A_759 = vector.shape_cast %get3A_758 : vector<1x16xf32> to vector<16xf32>
            %mul3A_760 = arith.mulf %broadcast_in_dim3A_749, %get3A_759 : vector<16xf32>
            %add3A_761 = arith.addf %add3A_730, %mul3A_760 : vector<16xf32>
            %get3A_762 = arith.index_cast %add3A_746 : i32 to index
            %get3A_763 = arith.constant 32 : index
            %get3A_764 = tpu.vector_load %arg18[%get3A_762, %get3A_763] {strides = array<i32>} : memref<256x64xf32, #tpu.memory_space<vmem>>, vector<1x16xf32>,
            %get3A_765 = vector.shape_cast %get3A_764 : vector<1x16xf32> to vector<16xf32>
            %mul3A_766 = arith.mulf %broadcast_in_dim3A_749, %get3A_765 : vector<16xf32>
            %add3A_767 = arith.addf %add3A_736, %mul3A_766 : vector<16xf32>
            %get3A_768 = arith.index_cast %add3A_746 : i32 to index
            %get3A_769 = arith.constant 48 : index
            %get3A_770 = tpu.vector_load %arg18[%get3A_768, %get3A_769] {strides = array<i32>} : memref<256x64xf32, #tpu.memory_space<vmem>>, vector<1x16xf32>,
            %get3A_771 = vector.shape_cast %get3A_770 : vector<1x16xf32> to vector<16xf32>
            %mul3A_772 = arith.mulf %broadcast_in_dim3A_749, %get3A_771 : vector<16xf32>
            %add3A_773 = arith.addf %add3A_742, %mul3A_772 : vector<16xf32>
            %mul3A_774 = arith.constant 16 : i32
            %mul3A_775 = arith.muli %scan3A_295, %mul3A_774 : i32
            %add3A_776 = arith.constant 15 : i32
            %add3A_777 = arith.addi %mul3A_775, %add3A_776 : i32
            %slice3A_778 = vector.extract_strided_slice %get3A_303 {offsets = [15], sizes = [1], strides = [1]} : vector<16xf32> to vector<1xf32>
            %squeeze3A_779 = vector.extract %slice3A_778[0] : f32 from vector<1xf32>
            %broadcast_in_dim3A_780 = vector.broadcast %squeeze3A_779 : f32 to vector<16xf32>
            %get3A_781 = arith.index_cast %add3A_777 : i32 to index
            %get3A_782 = arith.constant 0 : index
            %get3A_783 = tpu.vector_load %arg18[%get3A_781, %get3A_782] {strides = array<i32>} : memref<256x64xf32, #tpu.memory_space<vmem>>, vector<1x16xf32>,
            %get3A_784 = vector.shape_cast %get3A_783 : vector<1x16xf32> to vector<16xf32>
            %mul3A_785 = arith.mulf %broadcast_in_dim3A_780, %get3A_784 : vector<16xf32>
            %add3A_786 = arith.addf %add3A_755, %mul3A_785 : vector<16xf32>
            %get3A_787 = arith.index_cast %add3A_777 : i32 to index
            %get3A_788 = arith.constant 16 : index
            %get3A_789 = tpu.vector_load %arg18[%get3A_787, %get3A_788] {strides = array<i32>} : memref<256x64xf32, #tpu.memory_space<vmem>>, vector<1x16xf32>,
            %get3A_790 = vector.shape_cast %get3A_789 : vector<1x16xf32> to vector<16xf32>
            %mul3A_791 = arith.mulf %broadcast_in_dim3A_780, %get3A_790 : vector<16xf32>
            %add3A_792 = arith.addf %add3A_761, %mul3A_791 : vector<16xf32>
            %get3A_793 = arith.index_cast %add3A_777 : i32 to index
            %get3A_794 = arith.constant 32 : index
            %get3A_795 = tpu.vector_load %arg18[%get3A_793, %get3A_794] {strides = array<i32>} : memref<256x64xf32, #tpu.memory_space<vmem>>, vector<1x16xf32>,
            %get3A_796 = vector.shape_cast %get3A_795 : vector<1x16xf32> to vector<16xf32>
            %mul3A_797 = arith.mulf %broadcast_in_dim3A_780, %get3A_796 : vector<16xf32>
            %add3A_798 = arith.addf %add3A_767, %mul3A_797 : vector<16xf32>
            %get3A_799 = arith.index_cast %add3A_777 : i32 to index
            %get3A_800 = arith.constant 48 : index
            %get3A_801 = tpu.vector_load %arg18[%get3A_799, %get3A_800] {strides = array<i32>} : memref<256x64xf32, #tpu.memory_space<vmem>>, vector<1x16xf32>,
            %get3A_802 = vector.shape_cast %get3A_801 : vector<1x16xf32> to vector<16xf32>
            %mul3A_803 = arith.mulf %broadcast_in_dim3A_780, %get3A_802 : vector<16xf32>
            %add3A_804 = arith.addf %add3A_773, %mul3A_803 : vector<16xf32>
            %mul3A_805 = arith.constant 2.000000e+00 : f32
            %mul3A_806 = vector.broadcast %mul3A_805 : f32 to vector<16xf32>
            %mul3A_807 = arith.mulf %mul3A_806, %add3A_786 : vector<16xf32>
            %mul3A_808 = arith.mulf %mul3A_807, %get3A_298 : vector<16xf32>
            %get3A_809 = arith.index_cast %scan3A_295 : i32 to index
            %get3A_810 = arith.constant 0 : index
            %get3A_811 = tpu.vector_load %arg22[%get3A_809, %get3A_810] {strides = array<i32>} : memref<16x64xf32, #tpu.memory_space<vmem>>, vector<1x16xf32>,
            %get3A_812 = vector.shape_cast %get3A_811 : vector<1x16xf32> to vector<16xf32>
            %lt3A_813 = arith.cmpf olt, %mul3A_808, %get3A_812 : vector<16xf32>
            %jit3A = arith.constant 1.000000e+00 : f32
            %jit3A_814 = arith.constant -1.000000e+00 : f32
            %broadcast_in_dim3A_815 = vector.broadcast %jit3A : f32 to vector<16xf32>
            %broadcast_in_dim3A_816 = vector.broadcast %jit3A_814 : f32 to vector<16xf32>
            %select_n3A = arith.select %lt3A_813, %broadcast_in_dim3A_815, %broadcast_in_dim3A_816 : vector<16xi1>, vector<16xf32>
            %mul3A_817 = arith.constant 16 : i32
            %mul3A_818 = arith.muli %add3A_240, %mul3A_817 : i32
            %add3A_819 = arith.addi %mul3A_818, %scan3A_295 : i32
            %swap3A = arith.index_cast %add3A_819 : i32 to index
            %swap3A_820 = arith.constant 0 : index
            %swap3A_821 = tpu.vector_load %arg25[%swap3A, %swap3A_820] {strides = array<i32>} : memref<784x64xf32, #tpu.memory_space<vmem>>, vector<1x16xf32>,
            %swap3A_822 = vector.shape_cast %swap3A_821 : vector<1x16xf32> to vector<16xf32>
            %swap3A_823 = vector.shape_cast %select_n3A : vector<16xf32> to vector<1x16xf32>
            tpu.vector_store %arg25[%swap3A, %swap3A_820], %swap3A_823 {strides = array<i32>} : memref<784x64xf32, #tpu.memory_space<vmem>>, vector<1x16xf32>,
            %mul3A_824 = arith.constant 2.000000e+00 : f32
            %mul3A_825 = vector.broadcast %mul3A_824 : f32 to vector<16xf32>
            %mul3A_826 = arith.mulf %mul3A_825, %add3A_792 : vector<16xf32>
            %mul3A_827 = arith.mulf %mul3A_826, %get3A_298 : vector<16xf32>
            %get3A_828 = arith.index_cast %scan3A_295 : i32 to index
            %get3A_829 = arith.constant 16 : index
            %get3A_830 = tpu.vector_load %arg22[%get3A_828, %get3A_829] {strides = array<i32>} : memref<16x64xf32, #tpu.memory_space<vmem>>, vector<1x16xf32>,
            %get3A_831 = vector.shape_cast %get3A_830 : vector<1x16xf32> to vector<16xf32>
            %lt3A_832 = arith.cmpf olt, %mul3A_827, %get3A_831 : vector<16xf32>
            %jit3A_833 = arith.constant 1.000000e+00 : f32
            %jit3A_834 = arith.constant -1.000000e+00 : f32
            %broadcast_in_dim3A_835 = vector.broadcast %jit3A_833 : f32 to vector<16xf32>
            %broadcast_in_dim3A_836 = vector.broadcast %jit3A_834 : f32 to vector<16xf32>
            %select_n3A_837 = arith.select %lt3A_832, %broadcast_in_dim3A_835, %broadcast_in_dim3A_836 : vector<16xi1>, vector<16xf32>
            %mul3A_838 = arith.constant 16 : i32
            %mul3A_839 = arith.muli %add3A_240, %mul3A_838 : i32
            %add3A_840 = arith.addi %mul3A_839, %scan3A_295 : i32
            %swap3A_841 = arith.index_cast %add3A_840 : i32 to index
            %swap3A_842 = arith.constant 16 : index
            %swap3A_843 = tpu.vector_load %arg25[%swap3A_841, %swap3A_842] {strides = array<i32>} : memref<784x64xf32, #tpu.memory_space<vmem>>, vector<1x16xf32>,
            %swap3A_844 = vector.shape_cast %swap3A_843 : vector<1x16xf32> to vector<16xf32>
            %swap3A_845 = vector.shape_cast %select_n3A_837 : vector<16xf32> to vector<1x16xf32>
            tpu.vector_store %arg25[%swap3A_841, %swap3A_842], %swap3A_845 {strides = array<i32>} : memref<784x64xf32, #tpu.memory_space<vmem>>, vector<1x16xf32>,
            %mul3A_846 = arith.constant 2.000000e+00 : f32
            %mul3A_847 = vector.broadcast %mul3A_846 : f32 to vector<16xf32>
            %mul3A_848 = arith.mulf %mul3A_847, %add3A_798 : vector<16xf32>
            %mul3A_849 = arith.mulf %mul3A_848, %get3A_298 : vector<16xf32>
            %get3A_850 = arith.index_cast %scan3A_295 : i32 to index
            %get3A_851 = arith.constant 32 : index
            %get3A_852 = tpu.vector_load %arg22[%get3A_850, %get3A_851] {strides = array<i32>} : memref<16x64xf32, #tpu.memory_space<vmem>>, vector<1x16xf32>,
            %get3A_853 = vector.shape_cast %get3A_852 : vector<1x16xf32> to vector<16xf32>
            %lt3A_854 = arith.cmpf olt, %mul3A_849, %get3A_853 : vector<16xf32>
            %jit3A_855 = arith.constant 1.000000e+00 : f32
            %jit3A_856 = arith.constant -1.000000e+00 : f32
            %broadcast_in_dim3A_857 = vector.broadcast %jit3A_855 : f32 to vector<16xf32>
            %broadcast_in_dim3A_858 = vector.broadcast %jit3A_856 : f32 to vector<16xf32>
            %select_n3A_859 = arith.select %lt3A_854, %broadcast_in_dim3A_857, %broadcast_in_dim3A_858 : vector<16xi1>, vector<16xf32>
            %mul3A_860 = arith.constant 16 : i32
            %mul3A_861 = arith.muli %add3A_240, %mul3A_860 : i32
            %add3A_862 = arith.addi %mul3A_861, %scan3A_295 : i32
            %swap3A_863 = arith.index_cast %add3A_862 : i32 to index
            %swap3A_864 = arith.constant 32 : index
            %swap3A_865 = tpu.vector_load %arg25[%swap3A_863, %swap3A_864] {strides = array<i32>} : memref<784x64xf32, #tpu.memory_space<vmem>>, vector<1x16xf32>,
            %swap3A_866 = vector.shape_cast %swap3A_865 : vector<1x16xf32> to vector<16xf32>
            %swap3A_867 = vector.shape_cast %select_n3A_859 : vector<16xf32> to vector<1x16xf32>
            tpu.vector_store %arg25[%swap3A_863, %swap3A_864], %swap3A_867 {strides = array<i32>} : memref<784x64xf32, #tpu.memory_space<vmem>>, vector<1x16xf32>,
            %mul3A_868 = arith.constant 2.000000e+00 : f32
            %mul3A_869 = vector.broadcast %mul3A_868 : f32 to vector<16xf32>
            %mul3A_870 = arith.mulf %mul3A_869, %add3A_804 : vector<16xf32>
            %mul3A_871 = arith.mulf %mul3A_870, %get3A_298 : vector<16xf32>
            %get3A_872 = arith.index_cast %scan3A_295 : i32 to index
            %get3A_873 = arith.constant 48 : index
            %get3A_874 = tpu.vector_load %arg22[%get3A_872, %get3A_873] {strides = array<i32>} : memref<16x64xf32, #tpu.memory_space<vmem>>, vector<1x16xf32>,
            %get3A_875 = vector.shape_cast %get3A_874 : vector<1x16xf32> to vector<16xf32>
            %lt3A_876 = arith.cmpf olt, %mul3A_871, %get3A_875 : vector<16xf32>
            %jit3A_877 = arith.constant 1.000000e+00 : f32
            %jit3A_878 = arith.constant -1.000000e+00 : f32
            %broadcast_in_dim3A_879 = vector.broadcast %jit3A_877 : f32 to vector<16xf32>
            %broadcast_in_dim3A_880 = vector.broadcast %jit3A_878 : f32 to vector<16xf32>
            %select_n3A_881 = arith.select %lt3A_876, %broadcast_in_dim3A_879, %broadcast_in_dim3A_880 : vector<16xi1>, vector<16xf32>
            %mul3A_882 = arith.constant 16 : i32
            %mul3A_883 = arith.muli %add3A_240, %mul3A_882 : i32
            %add3A_884 = arith.addi %mul3A_883, %scan3A_295 : i32
            %swap3A_885 = arith.index_cast %add3A_884 : i32 to index
            %swap3A_886 = arith.constant 48 : index
            %swap3A_887 = tpu.vector_load %arg25[%swap3A_885, %swap3A_886] {strides = array<i32>} : memref<784x64xf32, #tpu.memory_space<vmem>>, vector<1x16xf32>,
            %swap3A_888 = vector.shape_cast %swap3A_887 : vector<1x16xf32> to vector<16xf32>
            %swap3A_889 = vector.shape_cast %select_n3A_881 : vector<16xf32> to vector<1x16xf32>
            tpu.vector_store %arg25[%swap3A_885, %swap3A_886], %swap3A_889 {strides = array<i32>} : memref<784x64xf32, #tpu.memory_space<vmem>>, vector<1x16xf32>,
            %scan3A_890 = arith.constant 0 : i32
            scf.yield %scan3A_890 : i32
          }
          %scan3A_280 = arith.constant 16 : i32
          %add3A_281 = arith.constant 4 : i32
          %add3A_282 = arith.addi %add3A_240, %add3A_281 : i32
          %lt3A_283 = arith.constant 49 : i32
          %lt3A_284 = arith.cmpi slt, %add3A_282, %lt3A_283 : i32
          %convert_element_type3A_285 = arith.extui %lt3A_284 : i1 to i32
          %cond3A_286 = arith.constant 0 : i32
          %cond3A_287 = arith.cmpi ne, %convert_element_type3A_285, %cond3A_286 : i32
          scf.if %cond3A_287 {
            %add3A_295 = arith.constant 4 : i32
            %add3A_296 = arith.addi %add3A_240, %add3A_295 : i32
            %add3A_297 = arith.addi %add3A_18, %add3A_296 : i32
            %mul3A_298 = arith.constant 512 : i32
            %mul3A_299 = arith.muli %add3A_297, %mul3A_298 : i32
            %mul3A_300 = arith.constant 16 : i32
            %mul3A_301 = arith.muli %add3A_297, %mul3A_300 : i32
            %mul3A_302 = arith.constant 16 : i32
            %mul3A_303 = arith.muli %add3A_297, %mul3A_302 : i32
            %dma_start3A_304 = tpu.memref_slice %arg3[%mul3A_299] : memref<3211264xi32, #tpu.memory_space<hbm>> -> memref<512xi32, #tpu.memory_space<hbm>>
            %dma_start3A_305 = tpu.memref_slice %arg3[%mul3A_299] : memref<3211264xi32, #tpu.memory_space<hbm>> -> memref<512xi32, #tpu.memory_space<hbm>>
            tpu.enqueue_dma source(%dma_start3A_305 : memref<512xi32, #tpu.memory_space<hbm>>) target(%arg10 : memref<512xi32, #tpu.memory_space<vmem>>) target_semaphore(%arg29 : memref<!tpu.dma_semaphore, #tpu.memory_space<semaphore_mem>>)
            %dma_start3A_306 = arith.constant 0 : i32
            %dma_start3A_307 = tpu.memref_slice %arg5[%mul3A_301, %dma_start3A_306] : memref<100352x64xf32, #tpu.memory_space<hbm>> -> memref<16x64xf32, #tpu.memory_space<hbm>>
            %dma_start3A_308 = arith.constant 0 : i32
            %dma_start3A_309 = tpu.memref_slice %arg5[%mul3A_301, %dma_start3A_308] : memref<100352x64xf32, #tpu.memory_space<hbm>> -> memref<16x64xf32, #tpu.memory_space<hbm>>
            tpu.enqueue_dma source(%dma_start3A_309 : memref<16x64xf32, #tpu.memory_space<hbm>>) target(%arg22 : memref<16x64xf32, #tpu.memory_space<vmem>>) target_semaphore(%arg29 : memref<!tpu.dma_semaphore, #tpu.memory_space<semaphore_mem>>)
            %dma_start3A_310 = arith.constant 0 : i32
            %dma_start3A_311 = tpu.memref_slice %arg26[%add3A_296, %dma_start3A_310] : memref<49x16xi32, #tpu.memory_space<vmem>> -> memref<1x16xi32, #tpu.memory_space<vmem>>
            %dma_start3A_312 = tpu.memref_squeeze %dma_start3A_311 : memref<1x16xi32, #tpu.memory_space<vmem>> -> memref<16xi32, #tpu.memory_space<vmem>>
            %dma_start3A_313 = tpu.memref_slice %arg6[%mul3A_303] : memref<100352xi32, #tpu.memory_space<hbm>> -> memref<16xi32, #tpu.memory_space<hbm>>
            %dma_start3A_314 = arith.constant 0 : i32
            %dma_start3A_315 = tpu.memref_slice %arg26[%add3A_296, %dma_start3A_314] : memref<49x16xi32, #tpu.memory_space<vmem>> -> memref<1x16xi32, #tpu.memory_space<vmem>>
            %dma_start3A_316 = tpu.memref_squeeze %dma_start3A_315 : memref<1x16xi32, #tpu.memory_space<vmem>> -> memref<16xi32, #tpu.memory_space<vmem>>
            %dma_start3A_317 = tpu.memref_slice %arg6[%mul3A_303] : memref<100352xi32, #tpu.memory_space<hbm>> -> memref<16xi32, #tpu.memory_space<hbm>>
            tpu.enqueue_dma source(%dma_start3A_317 : memref<16xi32, #tpu.memory_space<hbm>>) target(%dma_start3A_316 : memref<16xi32, #tpu.memory_space<vmem>>) target_semaphore(%arg29 : memref<!tpu.dma_semaphore, #tpu.memory_space<semaphore_mem>>)
          } else {
          }
          %add3A_288 = arith.constant 3 : i32
          %add3A_289 = arith.addi %add3A_240, %add3A_288 : i32
          %lt3A_290 = arith.constant 49 : i32
          %lt3A_291 = arith.cmpi slt, %add3A_289, %lt3A_290 : i32
          %convert_element_type3A_292 = arith.extui %lt3A_291 : i1 to i32
          %cond3A_293 = arith.constant 0 : i32
          %cond3A_294 = arith.cmpi ne, %convert_element_type3A_292, %cond3A_293 : i32
          scf.if %cond3A_294 {
            %add3A_295 = arith.constant 3 : i32
            %add3A_296 = arith.addi %add3A_240, %add3A_295 : i32
            %add3A_297 = arith.addi %add3A_18, %add3A_296 : i32
            %mul3A_298 = arith.constant 512 : i32
            %mul3A_299 = arith.muli %add3A_297, %mul3A_298 : i32
            %mul3A_300 = arith.constant 16 : i32
            %mul3A_301 = arith.muli %add3A_297, %mul3A_300 : i32
            %mul3A_302 = arith.constant 16 : i32
            %mul3A_303 = arith.muli %add3A_297, %mul3A_302 : i32
            %dma_wait3A_304 = tpu.memref_slice %arg3[%mul3A_299] : memref<3211264xi32, #tpu.memory_space<hbm>> -> memref<512xi32, #tpu.memory_space<hbm>>
            %dma_wait3A_305 = tpu.memref_slice %arg3[%mul3A_299] : memref<3211264xi32, #tpu.memory_space<hbm>> -> memref<512xi32, #tpu.memory_space<hbm>>
            tpu.wait_dma2 semaphore(%arg28 : memref<!tpu.dma_semaphore, #tpu.memory_space<semaphore_mem>>) src(%dma_wait3A_305 : memref<512xi32, #tpu.memory_space<hbm>>) dst(%arg9 : memref<512xi32, #tpu.memory_space<vmem>>)
            %dma_wait3A_306 = arith.constant 0 : i32
            %dma_wait3A_307 = tpu.memref_slice %arg5[%mul3A_301, %dma_wait3A_306] : memref<100352x64xf32, #tpu.memory_space<hbm>> -> memref<16x64xf32, #tpu.memory_space<hbm>>
            %dma_wait3A_308 = arith.constant 0 : i32
            %dma_wait3A_309 = tpu.memref_slice %arg5[%mul3A_301, %dma_wait3A_308] : memref<100352x64xf32, #tpu.memory_space<hbm>> -> memref<16x64xf32, #tpu.memory_space<hbm>>
            tpu.wait_dma2 semaphore(%arg28 : memref<!tpu.dma_semaphore, #tpu.memory_space<semaphore_mem>>) src(%dma_wait3A_309 : memref<16x64xf32, #tpu.memory_space<hbm>>) dst(%arg21 : memref<16x64xf32, #tpu.memory_space<vmem>>)
            %dma_wait3A_310 = arith.constant 0 : i32
            %dma_wait3A_311 = tpu.memref_slice %arg26[%add3A_296, %dma_wait3A_310] : memref<49x16xi32, #tpu.memory_space<vmem>> -> memref<1x16xi32, #tpu.memory_space<vmem>>
            %dma_wait3A_312 = tpu.memref_squeeze %dma_wait3A_311 : memref<1x16xi32, #tpu.memory_space<vmem>> -> memref<16xi32, #tpu.memory_space<vmem>>
            %dma_wait3A_313 = tpu.memref_slice %arg6[%mul3A_303] : memref<100352xi32, #tpu.memory_space<hbm>> -> memref<16xi32, #tpu.memory_space<hbm>>
            %dma_wait3A_314 = arith.constant 0 : i32
            %dma_wait3A_315 = tpu.memref_slice %arg26[%add3A_296, %dma_wait3A_314] : memref<49x16xi32, #tpu.memory_space<vmem>> -> memref<1x16xi32, #tpu.memory_space<vmem>>
            %dma_wait3A_316 = tpu.memref_squeeze %dma_wait3A_315 : memref<1x16xi32, #tpu.memory_space<vmem>> -> memref<16xi32, #tpu.memory_space<vmem>>
            %dma_wait3A_317 = tpu.memref_slice %arg6[%mul3A_303] : memref<100352xi32, #tpu.memory_space<hbm>> -> memref<16xi32, #tpu.memory_space<hbm>>
            tpu.wait_dma2 semaphore(%arg28 : memref<!tpu.dma_semaphore, #tpu.memory_space<semaphore_mem>>) src(%dma_wait3A_317 : memref<16xi32, #tpu.memory_space<hbm>>) dst(%dma_wait3A_316 : memref<16xi32, #tpu.memory_space<vmem>>)
            %dma_start3A_318 = arith.constant 0 : i32
            %dma_start3A_319 = tpu.memref_slice %arg9[%dma_start3A_318] : memref<512xi32, #tpu.memory_space<vmem>> -> memref<256xi32, #tpu.memory_space<vmem>>
            %dma_start3A_320 = arith.constant 0 : i32
            %dma_start3A_321 = arith.constant 0 : i32
            %dma_start3A_322 = tpu.memref_slice %arg8[%dma_start3A_320, %dma_start3A_321] : memref<100096x64xf32, #tpu.memory_space<hbm>> -> memref<100096x64xf32, #tpu.memory_space<hbm>>
            tpu.enqueue_indirect_dma source(%dma_start3A_322 : memref<100096x64xf32, #tpu.memory_space<hbm>>) target(%arg17 : memref<256x64xf32, #tpu.memory_space<vmem>>) offsets(%dma_start3A_319 : memref<256xi32, #tpu.memory_space<vmem>>) semaphore(%arg32 : memref<!tpu.dma_semaphore, #tpu.memory_space<semaphore_mem>>)
            %dma_start3A_323 = arith.constant 256 : i32
            %dma_start3A_324 = tpu.memref_slice %arg9[%dma_start3A_323] : memref<512xi32, #tpu.memory_space<vmem>> -> memref<256xi32, #tpu.memory_space<vmem>>
            %dma_start3A_325 = arith.constant 0 : i32
            %dma_start3A_326 = tpu.memref_slice %arg4[%dma_start3A_325] : memref<400000xf32, #tpu.memory_space<hbm>> -> memref<400000xf32, #tpu.memory_space<hbm>>
            tpu.enqueue_indirect_dma source(%dma_start3A_326 : memref<400000xf32, #tpu.memory_space<hbm>>) target(%arg13 : memref<256xf32, #tpu.memory_space<vmem>>) offsets(%dma_start3A_324 : memref<256xi32, #tpu.memory_space<vmem>>) semaphore(%arg32 : memref<!tpu.dma_semaphore, #tpu.memory_space<semaphore_mem>>)
          } else {
          }
        } else {
        }
        %mul3A_246 = arith.constant 4 : i32
        %mul3A_247 = arith.muli %mul3A_246, %scan3A_229 : i32
        %add3A_248 = arith.constant 2 : i32
        %add3A_249 = arith.addi %mul3A_247, %add3A_248 : i32
        %lt3A_250 = arith.constant 49 : i32
        %lt3A_251 = arith.cmpi slt, %add3A_249, %lt3A_250 : i32
        %convert_element_type3A_252 = arith.extui %lt3A_251 : i1 to i32
        %cond3A_253 = arith.constant 0 : i32
        %cond3A_254 = arith.cmpi ne, %convert_element_type3A_252, %cond3A_253 : i32
        scf.if %cond3A_254 {
          %dma_wait3A_265 = arith.constant 0 : i32
          %dma_wait3A_266 = tpu.memref_slice %arg11[%dma_wait3A_265] : memref<512xi32, #tpu.memory_space<vmem>> -> memref<256xi32, #tpu.memory_space<vmem>>
          %dma_wait3A_267 = arith.constant 0 : i32
          %dma_wait3A_268 = arith.constant 0 : i32
          %dma_wait3A_269 = tpu.memref_slice %arg8[%dma_wait3A_267, %dma_wait3A_268] : memref<100096x64xf32, #tpu.memory_space<hbm>> -> memref<100096x64xf32, #tpu.memory_space<hbm>>
          tpu.wait_indirect_dma semaphore(%arg34 : memref<!tpu.dma_semaphore, #tpu.memory_space<semaphore_mem>>) src(%dma_wait3A_269 : memref<100096x64xf32, #tpu.memory_space<hbm>>) dst(%arg19 : memref<256x64xf32, #tpu.memory_space<vmem>>)
          %dma_wait3A_270 = arith.constant 256 : i32
          %dma_wait3A_271 = tpu.memref_slice %arg11[%dma_wait3A_270] : memref<512xi32, #tpu.memory_space<vmem>> -> memref<256xi32, #tpu.memory_space<vmem>>
          %dma_wait3A_272 = arith.constant 0 : i32
          %dma_wait3A_273 = tpu.memref_slice %arg4[%dma_wait3A_272] : memref<400000xf32, #tpu.memory_space<hbm>> -> memref<400000xf32, #tpu.memory_space<hbm>>
          tpu.wait_indirect_dma semaphore(%arg34 : memref<!tpu.dma_semaphore, #tpu.memory_space<semaphore_mem>>) src(%dma_wait3A_273 : memref<400000xf32, #tpu.memory_space<hbm>>) dst(%arg15 : memref<256xf32, #tpu.memory_space<vmem>>)
          %scan3A_274 = arith.constant 0 : i32
          %scan3A_275 = arith.constant 0 : i32
          %scan3A_276 = arith.constant 16 : i32
          %scan3A_277 = arith.addi %scan3A_275, %scan3A_276 : i32
          %scan3A_278 = arith.constant 1 : i32
          %scan3A_279 = scf.for %scan3A_295 = %scan3A_275 to %scan3A_277 step %scan3A_278 iter_args(%scan3A_296 = %scan3A_274) -> (i32)  : i32 {
            %get3A = arith.constant 0 : index
            %get3A_297 = tpu.vector_load %arg27[%get3A] {strides = array<i32>} : memref<16xf32, #tpu.memory_space<vmem>>, vector<16xf32>,
            %get3A_298 = vector.shape_cast %get3A_297 : vector<16xf32> to vector<16xf32>
            %mul3A_299 = arith.constant 16 : i32
            %mul3A_300 = arith.muli %scan3A_295, %mul3A_299 : i32
            %get3A_301 = arith.index_cast %mul3A_300 : i32 to index
            %get3A_302 = tpu.vector_load %arg15[%get3A_301] {strides = array<i32>} : memref<256xf32, #tpu.memory_space<vmem>>, vector<16xf32>,
            %get3A_303 = vector.shape_cast %get3A_302 : vector<16xf32> to vector<16xf32>
            %broadcast_in_dim3A = arith.constant 0.000000e+00 : f32
            %broadcast_in_dim3A_304 = vector.broadcast %broadcast_in_dim3A : f32 to vector<16xf32>
            %broadcast_in_dim3A_305 = arith.constant 0.000000e+00 : f32
            %broadcast_in_dim3A_306 = vector.broadcast %broadcast_in_dim3A_305 : f32 to vector<16xf32>
            %broadcast_in_dim3A_307 = arith.constant 0.000000e+00 : f32
            %broadcast_in_dim3A_308 = vector.broadcast %broadcast_in_dim3A_307 : f32 to vector<16xf32>
            %broadcast_in_dim3A_309 = arith.constant 0.000000e+00 : f32
            %broadcast_in_dim3A_310 = vector.broadcast %broadcast_in_dim3A_309 : f32 to vector<16xf32>
            %mul3A_311 = arith.constant 16 : i32
            %mul3A_312 = arith.muli %scan3A_295, %mul3A_311 : i32
            %add3A_313 = arith.constant 0 : i32
            %add3A_314 = arith.addi %mul3A_312, %add3A_313 : i32
            %slice3A = vector.extract_strided_slice %get3A_303 {offsets = [0], sizes = [1], strides = [1]} : vector<16xf32> to vector<1xf32>
            %squeeze3A = vector.extract %slice3A[0] : f32 from vector<1xf32>
            %broadcast_in_dim3A_315 = vector.broadcast %squeeze3A : f32 to vector<16xf32>
            %get3A_316 = arith.index_cast %add3A_314 : i32 to index
            %get3A_317 = arith.constant 0 : index
            %get3A_318 = tpu.vector_load %arg19[%get3A_316, %get3A_317] {strides = array<i32>} : memref<256x64xf32, #tpu.memory_space<vmem>>, vector<1x16xf32>,
            %get3A_319 = vector.shape_cast %get3A_318 : vector<1x16xf32> to vector<16xf32>
            %mul3A_320 = arith.mulf %broadcast_in_dim3A_315, %get3A_319 : vector<16xf32>
            %add3A_321 = arith.addf %broadcast_in_dim3A_304, %mul3A_320 : vector<16xf32>
            %get3A_322 = arith.index_cast %add3A_314 : i32 to index
            %get3A_323 = arith.constant 16 : index
            %get3A_324 = tpu.vector_load %arg19[%get3A_322, %get3A_323] {strides = array<i32>} : memref<256x64xf32, #tpu.memory_space<vmem>>, vector<1x16xf32>,
            %get3A_325 = vector.shape_cast %get3A_324 : vector<1x16xf32> to vector<16xf32>
            %mul3A_326 = arith.mulf %broadcast_in_dim3A_315, %get3A_325 : vector<16xf32>
            %add3A_327 = arith.addf %broadcast_in_dim3A_306, %mul3A_326 : vector<16xf32>
            %get3A_328 = arith.index_cast %add3A_314 : i32 to index
            %get3A_329 = arith.constant 32 : index
            %get3A_330 = tpu.vector_load %arg19[%get3A_328, %get3A_329] {strides = array<i32>} : memref<256x64xf32, #tpu.memory_space<vmem>>, vector<1x16xf32>,
            %get3A_331 = vector.shape_cast %get3A_330 : vector<1x16xf32> to vector<16xf32>
            %mul3A_332 = arith.mulf %broadcast_in_dim3A_315, %get3A_331 : vector<16xf32>
            %add3A_333 = arith.addf %broadcast_in_dim3A_308, %mul3A_332 : vector<16xf32>
            %get3A_334 = arith.index_cast %add3A_314 : i32 to index
            %get3A_335 = arith.constant 48 : index
            %get3A_336 = tpu.vector_load %arg19[%get3A_334, %get3A_335] {strides = array<i32>} : memref<256x64xf32, #tpu.memory_space<vmem>>, vector<1x16xf32>,
            %get3A_337 = vector.shape_cast %get3A_336 : vector<1x16xf32> to vector<16xf32>
            %mul3A_338 = arith.mulf %broadcast_in_dim3A_315, %get3A_337 : vector<16xf32>
            %add3A_339 = arith.addf %broadcast_in_dim3A_310, %mul3A_338 : vector<16xf32>
            %mul3A_340 = arith.constant 16 : i32
            %mul3A_341 = arith.muli %scan3A_295, %mul3A_340 : i32
            %add3A_342 = arith.constant 1 : i32
            %add3A_343 = arith.addi %mul3A_341, %add3A_342 : i32
            %slice3A_344 = vector.extract_strided_slice %get3A_303 {offsets = [1], sizes = [1], strides = [1]} : vector<16xf32> to vector<1xf32>
            %squeeze3A_345 = vector.extract %slice3A_344[0] : f32 from vector<1xf32>
            %broadcast_in_dim3A_346 = vector.broadcast %squeeze3A_345 : f32 to vector<16xf32>
            %get3A_347 = arith.index_cast %add3A_343 : i32 to index
            %get3A_348 = arith.constant 0 : index
            %get3A_349 = tpu.vector_load %arg19[%get3A_347, %get3A_348] {strides = array<i32>} : memref<256x64xf32, #tpu.memory_space<vmem>>, vector<1x16xf32>,
            %get3A_350 = vector.shape_cast %get3A_349 : vector<1x16xf32> to vector<16xf32>
            %mul3A_351 = arith.mulf %broadcast_in_dim3A_346, %get3A_350 : vector<16xf32>
            %add3A_352 = arith.addf %add3A_321, %mul3A_351 : vector<16xf32>
            %get3A_353 = arith.index_cast %add3A_343 : i32 to index
            %get3A_354 = arith.constant 16 : index
            %get3A_355 = tpu.vector_load %arg19[%get3A_353, %get3A_354] {strides = array<i32>} : memref<256x64xf32, #tpu.memory_space<vmem>>, vector<1x16xf32>,
            %get3A_356 = vector.shape_cast %get3A_355 : vector<1x16xf32> to vector<16xf32>
            %mul3A_357 = arith.mulf %broadcast_in_dim3A_346, %get3A_356 : vector<16xf32>
            %add3A_358 = arith.addf %add3A_327, %mul3A_357 : vector<16xf32>
            %get3A_359 = arith.index_cast %add3A_343 : i32 to index
            %get3A_360 = arith.constant 32 : index
            %get3A_361 = tpu.vector_load %arg19[%get3A_359, %get3A_360] {strides = array<i32>} : memref<256x64xf32, #tpu.memory_space<vmem>>, vector<1x16xf32>,
            %get3A_362 = vector.shape_cast %get3A_361 : vector<1x16xf32> to vector<16xf32>
            %mul3A_363 = arith.mulf %broadcast_in_dim3A_346, %get3A_362 : vector<16xf32>
            %add3A_364 = arith.addf %add3A_333, %mul3A_363 : vector<16xf32>
            %get3A_365 = arith.index_cast %add3A_343 : i32 to index
            %get3A_366 = arith.constant 48 : index
            %get3A_367 = tpu.vector_load %arg19[%get3A_365, %get3A_366] {strides = array<i32>} : memref<256x64xf32, #tpu.memory_space<vmem>>, vector<1x16xf32>,
            %get3A_368 = vector.shape_cast %get3A_367 : vector<1x16xf32> to vector<16xf32>
            %mul3A_369 = arith.mulf %broadcast_in_dim3A_346, %get3A_368 : vector<16xf32>
            %add3A_370 = arith.addf %add3A_339, %mul3A_369 : vector<16xf32>
            %mul3A_371 = arith.constant 16 : i32
            %mul3A_372 = arith.muli %scan3A_295, %mul3A_371 : i32
            %add3A_373 = arith.constant 2 : i32
            %add3A_374 = arith.addi %mul3A_372, %add3A_373 : i32
            %slice3A_375 = vector.extract_strided_slice %get3A_303 {offsets = [2], sizes = [1], strides = [1]} : vector<16xf32> to vector<1xf32>
            %squeeze3A_376 = vector.extract %slice3A_375[0] : f32 from vector<1xf32>
            %broadcast_in_dim3A_377 = vector.broadcast %squeeze3A_376 : f32 to vector<16xf32>
            %get3A_378 = arith.index_cast %add3A_374 : i32 to index
            %get3A_379 = arith.constant 0 : index
            %get3A_380 = tpu.vector_load %arg19[%get3A_378, %get3A_379] {strides = array<i32>} : memref<256x64xf32, #tpu.memory_space<vmem>>, vector<1x16xf32>,
            %get3A_381 = vector.shape_cast %get3A_380 : vector<1x16xf32> to vector<16xf32>
            %mul3A_382 = arith.mulf %broadcast_in_dim3A_377, %get3A_381 : vector<16xf32>
            %add3A_383 = arith.addf %add3A_352, %mul3A_382 : vector<16xf32>
            %get3A_384 = arith.index_cast %add3A_374 : i32 to index
            %get3A_385 = arith.constant 16 : index
            %get3A_386 = tpu.vector_load %arg19[%get3A_384, %get3A_385] {strides = array<i32>} : memref<256x64xf32, #tpu.memory_space<vmem>>, vector<1x16xf32>,
            %get3A_387 = vector.shape_cast %get3A_386 : vector<1x16xf32> to vector<16xf32>
            %mul3A_388 = arith.mulf %broadcast_in_dim3A_377, %get3A_387 : vector<16xf32>
            %add3A_389 = arith.addf %add3A_358, %mul3A_388 : vector<16xf32>
            %get3A_390 = arith.index_cast %add3A_374 : i32 to index
            %get3A_391 = arith.constant 32 : index
            %get3A_392 = tpu.vector_load %arg19[%get3A_390, %get3A_391] {strides = array<i32>} : memref<256x64xf32, #tpu.memory_space<vmem>>, vector<1x16xf32>,
            %get3A_393 = vector.shape_cast %get3A_392 : vector<1x16xf32> to vector<16xf32>
            %mul3A_394 = arith.mulf %broadcast_in_dim3A_377, %get3A_393 : vector<16xf32>
            %add3A_395 = arith.addf %add3A_364, %mul3A_394 : vector<16xf32>
            %get3A_396 = arith.index_cast %add3A_374 : i32 to index
            %get3A_397 = arith.constant 48 : index
            %get3A_398 = tpu.vector_load %arg19[%get3A_396, %get3A_397] {strides = array<i32>} : memref<256x64xf32, #tpu.memory_space<vmem>>, vector<1x16xf32>,
            %get3A_399 = vector.shape_cast %get3A_398 : vector<1x16xf32> to vector<16xf32>
            %mul3A_400 = arith.mulf %broadcast_in_dim3A_377, %get3A_399 : vector<16xf32>
            %add3A_401 = arith.addf %add3A_370, %mul3A_400 : vector<16xf32>
            %mul3A_402 = arith.constant 16 : i32
            %mul3A_403 = arith.muli %scan3A_295, %mul3A_402 : i32
            %add3A_404 = arith.constant 3 : i32
            %add3A_405 = arith.addi %mul3A_403, %add3A_404 : i32
            %slice3A_406 = vector.extract_strided_slice %get3A_303 {offsets = [3], sizes = [1], strides = [1]} : vector<16xf32> to vector<1xf32>
            %squeeze3A_407 = vector.extract %slice3A_406[0] : f32 from vector<1xf32>
            %broadcast_in_dim3A_408 = vector.broadcast %squeeze3A_407 : f32 to vector<16xf32>
            %get3A_409 = arith.index_cast %add3A_405 : i32 to index
            %get3A_410 = arith.constant 0 : index
            %get3A_411 = tpu.vector_load %arg19[%get3A_409, %get3A_410] {strides = array<i32>} : memref<256x64xf32, #tpu.memory_space<vmem>>, vector<1x16xf32>,
            %get3A_412 = vector.shape_cast %get3A_411 : vector<1x16xf32> to vector<16xf32>
            %mul3A_413 = arith.mulf %broadcast_in_dim3A_408, %get3A_412 : vector<16xf32>
            %add3A_414 = arith.addf %add3A_383, %mul3A_413 : vector<16xf32>
            %get3A_415 = arith.index_cast %add3A_405 : i32 to index
            %get3A_416 = arith.constant 16 : index
            %get3A_417 = tpu.vector_load %arg19[%get3A_415, %get3A_416] {strides = array<i32>} : memref<256x64xf32, #tpu.memory_space<vmem>>, vector<1x16xf32>,
            %get3A_418 = vector.shape_cast %get3A_417 : vector<1x16xf32> to vector<16xf32>
            %mul3A_419 = arith.mulf %broadcast_in_dim3A_408, %get3A_418 : vector<16xf32>
            %add3A_420 = arith.addf %add3A_389, %mul3A_419 : vector<16xf32>
            %get3A_421 = arith.index_cast %add3A_405 : i32 to index
            %get3A_422 = arith.constant 32 : index
            %get3A_423 = tpu.vector_load %arg19[%get3A_421, %get3A_422] {strides = array<i32>} : memref<256x64xf32, #tpu.memory_space<vmem>>, vector<1x16xf32>,
            %get3A_424 = vector.shape_cast %get3A_423 : vector<1x16xf32> to vector<16xf32>
            %mul3A_425 = arith.mulf %broadcast_in_dim3A_408, %get3A_424 : vector<16xf32>
            %add3A_426 = arith.addf %add3A_395, %mul3A_425 : vector<16xf32>
            %get3A_427 = arith.index_cast %add3A_405 : i32 to index
            %get3A_428 = arith.constant 48 : index
            %get3A_429 = tpu.vector_load %arg19[%get3A_427, %get3A_428] {strides = array<i32>} : memref<256x64xf32, #tpu.memory_space<vmem>>, vector<1x16xf32>,
            %get3A_430 = vector.shape_cast %get3A_429 : vector<1x16xf32> to vector<16xf32>
            %mul3A_431 = arith.mulf %broadcast_in_dim3A_408, %get3A_430 : vector<16xf32>
            %add3A_432 = arith.addf %add3A_401, %mul3A_431 : vector<16xf32>
            %mul3A_433 = arith.constant 16 : i32
            %mul3A_434 = arith.muli %scan3A_295, %mul3A_433 : i32
            %add3A_435 = arith.constant 4 : i32
            %add3A_436 = arith.addi %mul3A_434, %add3A_435 : i32
            %slice3A_437 = vector.extract_strided_slice %get3A_303 {offsets = [4], sizes = [1], strides = [1]} : vector<16xf32> to vector<1xf32>
            %squeeze3A_438 = vector.extract %slice3A_437[0] : f32 from vector<1xf32>
            %broadcast_in_dim3A_439 = vector.broadcast %squeeze3A_438 : f32 to vector<16xf32>
            %get3A_440 = arith.index_cast %add3A_436 : i32 to index
            %get3A_441 = arith.constant 0 : index
            %get3A_442 = tpu.vector_load %arg19[%get3A_440, %get3A_441] {strides = array<i32>} : memref<256x64xf32, #tpu.memory_space<vmem>>, vector<1x16xf32>,
            %get3A_443 = vector.shape_cast %get3A_442 : vector<1x16xf32> to vector<16xf32>
            %mul3A_444 = arith.mulf %broadcast_in_dim3A_439, %get3A_443 : vector<16xf32>
            %add3A_445 = arith.addf %add3A_414, %mul3A_444 : vector<16xf32>
            %get3A_446 = arith.index_cast %add3A_436 : i32 to index
            %get3A_447 = arith.constant 16 : index
            %get3A_448 = tpu.vector_load %arg19[%get3A_446, %get3A_447] {strides = array<i32>} : memref<256x64xf32, #tpu.memory_space<vmem>>, vector<1x16xf32>,
            %get3A_449 = vector.shape_cast %get3A_448 : vector<1x16xf32> to vector<16xf32>
            %mul3A_450 = arith.mulf %broadcast_in_dim3A_439, %get3A_449 : vector<16xf32>
            %add3A_451 = arith.addf %add3A_420, %mul3A_450 : vector<16xf32>
            %get3A_452 = arith.index_cast %add3A_436 : i32 to index
            %get3A_453 = arith.constant 32 : index
            %get3A_454 = tpu.vector_load %arg19[%get3A_452, %get3A_453] {strides = array<i32>} : memref<256x64xf32, #tpu.memory_space<vmem>>, vector<1x16xf32>,
            %get3A_455 = vector.shape_cast %get3A_454 : vector<1x16xf32> to vector<16xf32>
            %mul3A_456 = arith.mulf %broadcast_in_dim3A_439, %get3A_455 : vector<16xf32>
            %add3A_457 = arith.addf %add3A_426, %mul3A_456 : vector<16xf32>
            %get3A_458 = arith.index_cast %add3A_436 : i32 to index
            %get3A_459 = arith.constant 48 : index
            %get3A_460 = tpu.vector_load %arg19[%get3A_458, %get3A_459] {strides = array<i32>} : memref<256x64xf32, #tpu.memory_space<vmem>>, vector<1x16xf32>,
            %get3A_461 = vector.shape_cast %get3A_460 : vector<1x16xf32> to vector<16xf32>
            %mul3A_462 = arith.mulf %broadcast_in_dim3A_439, %get3A_461 : vector<16xf32>
            %add3A_463 = arith.addf %add3A_432, %mul3A_462 : vector<16xf32>
            %mul3A_464 = arith.constant 16 : i32
            %mul3A_465 = arith.muli %scan3A_295, %mul3A_464 : i32
            %add3A_466 = arith.constant 5 : i32
            %add3A_467 = arith.addi %mul3A_465, %add3A_466 : i32
            %slice3A_468 = vector.extract_strided_slice %get3A_303 {offsets = [5], sizes = [1], strides = [1]} : vector<16xf32> to vector<1xf32>
            %squeeze3A_469 = vector.extract %slice3A_468[0] : f32 from vector<1xf32>
            %broadcast_in_dim3A_470 = vector.broadcast %squeeze3A_469 : f32 to vector<16xf32>
            %get3A_471 = arith.index_cast %add3A_467 : i32 to index
            %get3A_472 = arith.constant 0 : index
            %get3A_473 = tpu.vector_load %arg19[%get3A_471, %get3A_472] {strides = array<i32>} : memref<256x64xf32, #tpu.memory_space<vmem>>, vector<1x16xf32>,
            %get3A_474 = vector.shape_cast %get3A_473 : vector<1x16xf32> to vector<16xf32>
            %mul3A_475 = arith.mulf %broadcast_in_dim3A_470, %get3A_474 : vector<16xf32>
            %add3A_476 = arith.addf %add3A_445, %mul3A_475 : vector<16xf32>
            %get3A_477 = arith.index_cast %add3A_467 : i32 to index
            %get3A_478 = arith.constant 16 : index
            %get3A_479 = tpu.vector_load %arg19[%get3A_477, %get3A_478] {strides = array<i32>} : memref<256x64xf32, #tpu.memory_space<vmem>>, vector<1x16xf32>,
            %get3A_480 = vector.shape_cast %get3A_479 : vector<1x16xf32> to vector<16xf32>
            %mul3A_481 = arith.mulf %broadcast_in_dim3A_470, %get3A_480 : vector<16xf32>
            %add3A_482 = arith.addf %add3A_451, %mul3A_481 : vector<16xf32>
            %get3A_483 = arith.index_cast %add3A_467 : i32 to index
            %get3A_484 = arith.constant 32 : index
            %get3A_485 = tpu.vector_load %arg19[%get3A_483, %get3A_484] {strides = array<i32>} : memref<256x64xf32, #tpu.memory_space<vmem>>, vector<1x16xf32>,
            %get3A_486 = vector.shape_cast %get3A_485 : vector<1x16xf32> to vector<16xf32>
            %mul3A_487 = arith.mulf %broadcast_in_dim3A_470, %get3A_486 : vector<16xf32>
            %add3A_488 = arith.addf %add3A_457, %mul3A_487 : vector<16xf32>
            %get3A_489 = arith.index_cast %add3A_467 : i32 to index
            %get3A_490 = arith.constant 48 : index
            %get3A_491 = tpu.vector_load %arg19[%get3A_489, %get3A_490] {strides = array<i32>} : memref<256x64xf32, #tpu.memory_space<vmem>>, vector<1x16xf32>,
            %get3A_492 = vector.shape_cast %get3A_491 : vector<1x16xf32> to vector<16xf32>
            %mul3A_493 = arith.mulf %broadcast_in_dim3A_470, %get3A_492 : vector<16xf32>
            %add3A_494 = arith.addf %add3A_463, %mul3A_493 : vector<16xf32>
            %mul3A_495 = arith.constant 16 : i32
            %mul3A_496 = arith.muli %scan3A_295, %mul3A_495 : i32
            %add3A_497 = arith.constant 6 : i32
            %add3A_498 = arith.addi %mul3A_496, %add3A_497 : i32
            %slice3A_499 = vector.extract_strided_slice %get3A_303 {offsets = [6], sizes = [1], strides = [1]} : vector<16xf32> to vector<1xf32>
            %squeeze3A_500 = vector.extract %slice3A_499[0] : f32 from vector<1xf32>
            %broadcast_in_dim3A_501 = vector.broadcast %squeeze3A_500 : f32 to vector<16xf32>
            %get3A_502 = arith.index_cast %add3A_498 : i32 to index
            %get3A_503 = arith.constant 0 : index
            %get3A_504 = tpu.vector_load %arg19[%get3A_502, %get3A_503] {strides = array<i32>} : memref<256x64xf32, #tpu.memory_space<vmem>>, vector<1x16xf32>,
            %get3A_505 = vector.shape_cast %get3A_504 : vector<1x16xf32> to vector<16xf32>
            %mul3A_506 = arith.mulf %broadcast_in_dim3A_501, %get3A_505 : vector<16xf32>
            %add3A_507 = arith.addf %add3A_476, %mul3A_506 : vector<16xf32>
            %get3A_508 = arith.index_cast %add3A_498 : i32 to index
            %get3A_509 = arith.constant 16 : index
            %get3A_510 = tpu.vector_load %arg19[%get3A_508, %get3A_509] {strides = array<i32>} : memref<256x64xf32, #tpu.memory_space<vmem>>, vector<1x16xf32>,
            %get3A_511 = vector.shape_cast %get3A_510 : vector<1x16xf32> to vector<16xf32>
            %mul3A_512 = arith.mulf %broadcast_in_dim3A_501, %get3A_511 : vector<16xf32>
            %add3A_513 = arith.addf %add3A_482, %mul3A_512 : vector<16xf32>
            %get3A_514 = arith.index_cast %add3A_498 : i32 to index
            %get3A_515 = arith.constant 32 : index
            %get3A_516 = tpu.vector_load %arg19[%get3A_514, %get3A_515] {strides = array<i32>} : memref<256x64xf32, #tpu.memory_space<vmem>>, vector<1x16xf32>,
            %get3A_517 = vector.shape_cast %get3A_516 : vector<1x16xf32> to vector<16xf32>
            %mul3A_518 = arith.mulf %broadcast_in_dim3A_501, %get3A_517 : vector<16xf32>
            %add3A_519 = arith.addf %add3A_488, %mul3A_518 : vector<16xf32>
            %get3A_520 = arith.index_cast %add3A_498 : i32 to index
            %get3A_521 = arith.constant 48 : index
            %get3A_522 = tpu.vector_load %arg19[%get3A_520, %get3A_521] {strides = array<i32>} : memref<256x64xf32, #tpu.memory_space<vmem>>, vector<1x16xf32>,
            %get3A_523 = vector.shape_cast %get3A_522 : vector<1x16xf32> to vector<16xf32>
            %mul3A_524 = arith.mulf %broadcast_in_dim3A_501, %get3A_523 : vector<16xf32>
            %add3A_525 = arith.addf %add3A_494, %mul3A_524 : vector<16xf32>
            %mul3A_526 = arith.constant 16 : i32
            %mul3A_527 = arith.muli %scan3A_295, %mul3A_526 : i32
            %add3A_528 = arith.constant 7 : i32
            %add3A_529 = arith.addi %mul3A_527, %add3A_528 : i32
            %slice3A_530 = vector.extract_strided_slice %get3A_303 {offsets = [7], sizes = [1], strides = [1]} : vector<16xf32> to vector<1xf32>
            %squeeze3A_531 = vector.extract %slice3A_530[0] : f32 from vector<1xf32>
            %broadcast_in_dim3A_532 = vector.broadcast %squeeze3A_531 : f32 to vector<16xf32>
            %get3A_533 = arith.index_cast %add3A_529 : i32 to index
            %get3A_534 = arith.constant 0 : index
            %get3A_535 = tpu.vector_load %arg19[%get3A_533, %get3A_534] {strides = array<i32>} : memref<256x64xf32, #tpu.memory_space<vmem>>, vector<1x16xf32>,
            %get3A_536 = vector.shape_cast %get3A_535 : vector<1x16xf32> to vector<16xf32>
            %mul3A_537 = arith.mulf %broadcast_in_dim3A_532, %get3A_536 : vector<16xf32>
            %add3A_538 = arith.addf %add3A_507, %mul3A_537 : vector<16xf32>
            %get3A_539 = arith.index_cast %add3A_529 : i32 to index
            %get3A_540 = arith.constant 16 : index
            %get3A_541 = tpu.vector_load %arg19[%get3A_539, %get3A_540] {strides = array<i32>} : memref<256x64xf32, #tpu.memory_space<vmem>>, vector<1x16xf32>,
            %get3A_542 = vector.shape_cast %get3A_541 : vector<1x16xf32> to vector<16xf32>
            %mul3A_543 = arith.mulf %broadcast_in_dim3A_532, %get3A_542 : vector<16xf32>
            %add3A_544 = arith.addf %add3A_513, %mul3A_543 : vector<16xf32>
            %get3A_545 = arith.index_cast %add3A_529 : i32 to index
            %get3A_546 = arith.constant 32 : index
            %get3A_547 = tpu.vector_load %arg19[%get3A_545, %get3A_546] {strides = array<i32>} : memref<256x64xf32, #tpu.memory_space<vmem>>, vector<1x16xf32>,
            %get3A_548 = vector.shape_cast %get3A_547 : vector<1x16xf32> to vector<16xf32>
            %mul3A_549 = arith.mulf %broadcast_in_dim3A_532, %get3A_548 : vector<16xf32>
            %add3A_550 = arith.addf %add3A_519, %mul3A_549 : vector<16xf32>
            %get3A_551 = arith.index_cast %add3A_529 : i32 to index
            %get3A_552 = arith.constant 48 : index
            %get3A_553 = tpu.vector_load %arg19[%get3A_551, %get3A_552] {strides = array<i32>} : memref<256x64xf32, #tpu.memory_space<vmem>>, vector<1x16xf32>,
            %get3A_554 = vector.shape_cast %get3A_553 : vector<1x16xf32> to vector<16xf32>
            %mul3A_555 = arith.mulf %broadcast_in_dim3A_532, %get3A_554 : vector<16xf32>
            %add3A_556 = arith.addf %add3A_525, %mul3A_555 : vector<16xf32>
            %mul3A_557 = arith.constant 16 : i32
            %mul3A_558 = arith.muli %scan3A_295, %mul3A_557 : i32
            %add3A_559 = arith.constant 8 : i32
            %add3A_560 = arith.addi %mul3A_558, %add3A_559 : i32
            %slice3A_561 = vector.extract_strided_slice %get3A_303 {offsets = [8], sizes = [1], strides = [1]} : vector<16xf32> to vector<1xf32>
            %squeeze3A_562 = vector.extract %slice3A_561[0] : f32 from vector<1xf32>
            %broadcast_in_dim3A_563 = vector.broadcast %squeeze3A_562 : f32 to vector<16xf32>
            %get3A_564 = arith.index_cast %add3A_560 : i32 to index
            %get3A_565 = arith.constant 0 : index
            %get3A_566 = tpu.vector_load %arg19[%get3A_564, %get3A_565] {strides = array<i32>} : memref<256x64xf32, #tpu.memory_space<vmem>>, vector<1x16xf32>,
            %get3A_567 = vector.shape_cast %get3A_566 : vector<1x16xf32> to vector<16xf32>
            %mul3A_568 = arith.mulf %broadcast_in_dim3A_563, %get3A_567 : vector<16xf32>
            %add3A_569 = arith.addf %add3A_538, %mul3A_568 : vector<16xf32>
            %get3A_570 = arith.index_cast %add3A_560 : i32 to index
            %get3A_571 = arith.constant 16 : index
            %get3A_572 = tpu.vector_load %arg19[%get3A_570, %get3A_571] {strides = array<i32>} : memref<256x64xf32, #tpu.memory_space<vmem>>, vector<1x16xf32>,
            %get3A_573 = vector.shape_cast %get3A_572 : vector<1x16xf32> to vector<16xf32>
            %mul3A_574 = arith.mulf %broadcast_in_dim3A_563, %get3A_573 : vector<16xf32>
            %add3A_575 = arith.addf %add3A_544, %mul3A_574 : vector<16xf32>
            %get3A_576 = arith.index_cast %add3A_560 : i32 to index
            %get3A_577 = arith.constant 32 : index
            %get3A_578 = tpu.vector_load %arg19[%get3A_576, %get3A_577] {strides = array<i32>} : memref<256x64xf32, #tpu.memory_space<vmem>>, vector<1x16xf32>,
            %get3A_579 = vector.shape_cast %get3A_578 : vector<1x16xf32> to vector<16xf32>
            %mul3A_580 = arith.mulf %broadcast_in_dim3A_563, %get3A_579 : vector<16xf32>
            %add3A_581 = arith.addf %add3A_550, %mul3A_580 : vector<16xf32>
            %get3A_582 = arith.index_cast %add3A_560 : i32 to index
            %get3A_583 = arith.constant 48 : index
            %get3A_584 = tpu.vector_load %arg19[%get3A_582, %get3A_583] {strides = array<i32>} : memref<256x64xf32, #tpu.memory_space<vmem>>, vector<1x16xf32>,
            %get3A_585 = vector.shape_cast %get3A_584 : vector<1x16xf32> to vector<16xf32>
            %mul3A_586 = arith.mulf %broadcast_in_dim3A_563, %get3A_585 : vector<16xf32>
            %add3A_587 = arith.addf %add3A_556, %mul3A_586 : vector<16xf32>
            %mul3A_588 = arith.constant 16 : i32
            %mul3A_589 = arith.muli %scan3A_295, %mul3A_588 : i32
            %add3A_590 = arith.constant 9 : i32
            %add3A_591 = arith.addi %mul3A_589, %add3A_590 : i32
            %slice3A_592 = vector.extract_strided_slice %get3A_303 {offsets = [9], sizes = [1], strides = [1]} : vector<16xf32> to vector<1xf32>
            %squeeze3A_593 = vector.extract %slice3A_592[0] : f32 from vector<1xf32>
            %broadcast_in_dim3A_594 = vector.broadcast %squeeze3A_593 : f32 to vector<16xf32>
            %get3A_595 = arith.index_cast %add3A_591 : i32 to index
            %get3A_596 = arith.constant 0 : index
            %get3A_597 = tpu.vector_load %arg19[%get3A_595, %get3A_596] {strides = array<i32>} : memref<256x64xf32, #tpu.memory_space<vmem>>, vector<1x16xf32>,
            %get3A_598 = vector.shape_cast %get3A_597 : vector<1x16xf32> to vector<16xf32>
            %mul3A_599 = arith.mulf %broadcast_in_dim3A_594, %get3A_598 : vector<16xf32>
            %add3A_600 = arith.addf %add3A_569, %mul3A_599 : vector<16xf32>
            %get3A_601 = arith.index_cast %add3A_591 : i32 to index
            %get3A_602 = arith.constant 16 : index
            %get3A_603 = tpu.vector_load %arg19[%get3A_601, %get3A_602] {strides = array<i32>} : memref<256x64xf32, #tpu.memory_space<vmem>>, vector<1x16xf32>,
            %get3A_604 = vector.shape_cast %get3A_603 : vector<1x16xf32> to vector<16xf32>
            %mul3A_605 = arith.mulf %broadcast_in_dim3A_594, %get3A_604 : vector<16xf32>
            %add3A_606 = arith.addf %add3A_575, %mul3A_605 : vector<16xf32>
            %get3A_607 = arith.index_cast %add3A_591 : i32 to index
            %get3A_608 = arith.constant 32 : index
            %get3A_609 = tpu.vector_load %arg19[%get3A_607, %get3A_608] {strides = array<i32>} : memref<256x64xf32, #tpu.memory_space<vmem>>, vector<1x16xf32>,
            %get3A_610 = vector.shape_cast %get3A_609 : vector<1x16xf32> to vector<16xf32>
            %mul3A_611 = arith.mulf %broadcast_in_dim3A_594, %get3A_610 : vector<16xf32>
            %add3A_612 = arith.addf %add3A_581, %mul3A_611 : vector<16xf32>
            %get3A_613 = arith.index_cast %add3A_591 : i32 to index
            %get3A_614 = arith.constant 48 : index
            %get3A_615 = tpu.vector_load %arg19[%get3A_613, %get3A_614] {strides = array<i32>} : memref<256x64xf32, #tpu.memory_space<vmem>>, vector<1x16xf32>,
            %get3A_616 = vector.shape_cast %get3A_615 : vector<1x16xf32> to vector<16xf32>
            %mul3A_617 = arith.mulf %broadcast_in_dim3A_594, %get3A_616 : vector<16xf32>
            %add3A_618 = arith.addf %add3A_587, %mul3A_617 : vector<16xf32>
            %mul3A_619 = arith.constant 16 : i32
            %mul3A_620 = arith.muli %scan3A_295, %mul3A_619 : i32
            %add3A_621 = arith.constant 10 : i32
            %add3A_622 = arith.addi %mul3A_620, %add3A_621 : i32
            %slice3A_623 = vector.extract_strided_slice %get3A_303 {offsets = [10], sizes = [1], strides = [1]} : vector<16xf32> to vector<1xf32>
            %squeeze3A_624 = vector.extract %slice3A_623[0] : f32 from vector<1xf32>
            %broadcast_in_dim3A_625 = vector.broadcast %squeeze3A_624 : f32 to vector<16xf32>
            %get3A_626 = arith.index_cast %add3A_622 : i32 to index
            %get3A_627 = arith.constant 0 : index
            %get3A_628 = tpu.vector_load %arg19[%get3A_626, %get3A_627] {strides = array<i32>} : memref<256x64xf32, #tpu.memory_space<vmem>>, vector<1x16xf32>,
            %get3A_629 = vector.shape_cast %get3A_628 : vector<1x16xf32> to vector<16xf32>
            %mul3A_630 = arith.mulf %broadcast_in_dim3A_625, %get3A_629 : vector<16xf32>
            %add3A_631 = arith.addf %add3A_600, %mul3A_630 : vector<16xf32>
            %get3A_632 = arith.index_cast %add3A_622 : i32 to index
            %get3A_633 = arith.constant 16 : index
            %get3A_634 = tpu.vector_load %arg19[%get3A_632, %get3A_633] {strides = array<i32>} : memref<256x64xf32, #tpu.memory_space<vmem>>, vector<1x16xf32>,
            %get3A_635 = vector.shape_cast %get3A_634 : vector<1x16xf32> to vector<16xf32>
            %mul3A_636 = arith.mulf %broadcast_in_dim3A_625, %get3A_635 : vector<16xf32>
            %add3A_637 = arith.addf %add3A_606, %mul3A_636 : vector<16xf32>
            %get3A_638 = arith.index_cast %add3A_622 : i32 to index
            %get3A_639 = arith.constant 32 : index
            %get3A_640 = tpu.vector_load %arg19[%get3A_638, %get3A_639] {strides = array<i32>} : memref<256x64xf32, #tpu.memory_space<vmem>>, vector<1x16xf32>,
            %get3A_641 = vector.shape_cast %get3A_640 : vector<1x16xf32> to vector<16xf32>
            %mul3A_642 = arith.mulf %broadcast_in_dim3A_625, %get3A_641 : vector<16xf32>
            %add3A_643 = arith.addf %add3A_612, %mul3A_642 : vector<16xf32>
            %get3A_644 = arith.index_cast %add3A_622 : i32 to index
            %get3A_645 = arith.constant 48 : index
            %get3A_646 = tpu.vector_load %arg19[%get3A_644, %get3A_645] {strides = array<i32>} : memref<256x64xf32, #tpu.memory_space<vmem>>, vector<1x16xf32>,
            %get3A_647 = vector.shape_cast %get3A_646 : vector<1x16xf32> to vector<16xf32>
            %mul3A_648 = arith.mulf %broadcast_in_dim3A_625, %get3A_647 : vector<16xf32>
            %add3A_649 = arith.addf %add3A_618, %mul3A_648 : vector<16xf32>
            %mul3A_650 = arith.constant 16 : i32
            %mul3A_651 = arith.muli %scan3A_295, %mul3A_650 : i32
            %add3A_652 = arith.constant 11 : i32
            %add3A_653 = arith.addi %mul3A_651, %add3A_652 : i32
            %slice3A_654 = vector.extract_strided_slice %get3A_303 {offsets = [11], sizes = [1], strides = [1]} : vector<16xf32> to vector<1xf32>
            %squeeze3A_655 = vector.extract %slice3A_654[0] : f32 from vector<1xf32>
            %broadcast_in_dim3A_656 = vector.broadcast %squeeze3A_655 : f32 to vector<16xf32>
            %get3A_657 = arith.index_cast %add3A_653 : i32 to index
            %get3A_658 = arith.constant 0 : index
            %get3A_659 = tpu.vector_load %arg19[%get3A_657, %get3A_658] {strides = array<i32>} : memref<256x64xf32, #tpu.memory_space<vmem>>, vector<1x16xf32>,
            %get3A_660 = vector.shape_cast %get3A_659 : vector<1x16xf32> to vector<16xf32>
            %mul3A_661 = arith.mulf %broadcast_in_dim3A_656, %get3A_660 : vector<16xf32>
            %add3A_662 = arith.addf %add3A_631, %mul3A_661 : vector<16xf32>
            %get3A_663 = arith.index_cast %add3A_653 : i32 to index
            %get3A_664 = arith.constant 16 : index
            %get3A_665 = tpu.vector_load %arg19[%get3A_663, %get3A_664] {strides = array<i32>} : memref<256x64xf32, #tpu.memory_space<vmem>>, vector<1x16xf32>,
            %get3A_666 = vector.shape_cast %get3A_665 : vector<1x16xf32> to vector<16xf32>
            %mul3A_667 = arith.mulf %broadcast_in_dim3A_656, %get3A_666 : vector<16xf32>
            %add3A_668 = arith.addf %add3A_637, %mul3A_667 : vector<16xf32>
            %get3A_669 = arith.index_cast %add3A_653 : i32 to index
            %get3A_670 = arith.constant 32 : index
            %get3A_671 = tpu.vector_load %arg19[%get3A_669, %get3A_670] {strides = array<i32>} : memref<256x64xf32, #tpu.memory_space<vmem>>, vector<1x16xf32>,
            %get3A_672 = vector.shape_cast %get3A_671 : vector<1x16xf32> to vector<16xf32>
            %mul3A_673 = arith.mulf %broadcast_in_dim3A_656, %get3A_672 : vector<16xf32>
            %add3A_674 = arith.addf %add3A_643, %mul3A_673 : vector<16xf32>
            %get3A_675 = arith.index_cast %add3A_653 : i32 to index
            %get3A_676 = arith.constant 48 : index
            %get3A_677 = tpu.vector_load %arg19[%get3A_675, %get3A_676] {strides = array<i32>} : memref<256x64xf32, #tpu.memory_space<vmem>>, vector<1x16xf32>,
            %get3A_678 = vector.shape_cast %get3A_677 : vector<1x16xf32> to vector<16xf32>
            %mul3A_679 = arith.mulf %broadcast_in_dim3A_656, %get3A_678 : vector<16xf32>
            %add3A_680 = arith.addf %add3A_649, %mul3A_679 : vector<16xf32>
            %mul3A_681 = arith.constant 16 : i32
            %mul3A_682 = arith.muli %scan3A_295, %mul3A_681 : i32
            %add3A_683 = arith.constant 12 : i32
            %add3A_684 = arith.addi %mul3A_682, %add3A_683 : i32
            %slice3A_685 = vector.extract_strided_slice %get3A_303 {offsets = [12], sizes = [1], strides = [1]} : vector<16xf32> to vector<1xf32>
            %squeeze3A_686 = vector.extract %slice3A_685[0] : f32 from vector<1xf32>
            %broadcast_in_dim3A_687 = vector.broadcast %squeeze3A_686 : f32 to vector<16xf32>
            %get3A_688 = arith.index_cast %add3A_684 : i32 to index
            %get3A_689 = arith.constant 0 : index
            %get3A_690 = tpu.vector_load %arg19[%get3A_688, %get3A_689] {strides = array<i32>} : memref<256x64xf32, #tpu.memory_space<vmem>>, vector<1x16xf32>,
            %get3A_691 = vector.shape_cast %get3A_690 : vector<1x16xf32> to vector<16xf32>
            %mul3A_692 = arith.mulf %broadcast_in_dim3A_687, %get3A_691 : vector<16xf32>
            %add3A_693 = arith.addf %add3A_662, %mul3A_692 : vector<16xf32>
            %get3A_694 = arith.index_cast %add3A_684 : i32 to index
            %get3A_695 = arith.constant 16 : index
            %get3A_696 = tpu.vector_load %arg19[%get3A_694, %get3A_695] {strides = array<i32>} : memref<256x64xf32, #tpu.memory_space<vmem>>, vector<1x16xf32>,
            %get3A_697 = vector.shape_cast %get3A_696 : vector<1x16xf32> to vector<16xf32>
            %mul3A_698 = arith.mulf %broadcast_in_dim3A_687, %get3A_697 : vector<16xf32>
            %add3A_699 = arith.addf %add3A_668, %mul3A_698 : vector<16xf32>
            %get3A_700 = arith.index_cast %add3A_684 : i32 to index
            %get3A_701 = arith.constant 32 : index
            %get3A_702 = tpu.vector_load %arg19[%get3A_700, %get3A_701] {strides = array<i32>} : memref<256x64xf32, #tpu.memory_space<vmem>>, vector<1x16xf32>,
            %get3A_703 = vector.shape_cast %get3A_702 : vector<1x16xf32> to vector<16xf32>
            %mul3A_704 = arith.mulf %broadcast_in_dim3A_687, %get3A_703 : vector<16xf32>
            %add3A_705 = arith.addf %add3A_674, %mul3A_704 : vector<16xf32>
            %get3A_706 = arith.index_cast %add3A_684 : i32 to index
            %get3A_707 = arith.constant 48 : index
            %get3A_708 = tpu.vector_load %arg19[%get3A_706, %get3A_707] {strides = array<i32>} : memref<256x64xf32, #tpu.memory_space<vmem>>, vector<1x16xf32>,
            %get3A_709 = vector.shape_cast %get3A_708 : vector<1x16xf32> to vector<16xf32>
            %mul3A_710 = arith.mulf %broadcast_in_dim3A_687, %get3A_709 : vector<16xf32>
            %add3A_711 = arith.addf %add3A_680, %mul3A_710 : vector<16xf32>
            %mul3A_712 = arith.constant 16 : i32
            %mul3A_713 = arith.muli %scan3A_295, %mul3A_712 : i32
            %add3A_714 = arith.constant 13 : i32
            %add3A_715 = arith.addi %mul3A_713, %add3A_714 : i32
            %slice3A_716 = vector.extract_strided_slice %get3A_303 {offsets = [13], sizes = [1], strides = [1]} : vector<16xf32> to vector<1xf32>
            %squeeze3A_717 = vector.extract %slice3A_716[0] : f32 from vector<1xf32>
            %broadcast_in_dim3A_718 = vector.broadcast %squeeze3A_717 : f32 to vector<16xf32>
            %get3A_719 = arith.index_cast %add3A_715 : i32 to index
            %get3A_720 = arith.constant 0 : index
            %get3A_721 = tpu.vector_load %arg19[%get3A_719, %get3A_720] {strides = array<i32>} : memref<256x64xf32, #tpu.memory_space<vmem>>, vector<1x16xf32>,
            %get3A_722 = vector.shape_cast %get3A_721 : vector<1x16xf32> to vector<16xf32>
            %mul3A_723 = arith.mulf %broadcast_in_dim3A_718, %get3A_722 : vector<16xf32>
            %add3A_724 = arith.addf %add3A_693, %mul3A_723 : vector<16xf32>
            %get3A_725 = arith.index_cast %add3A_715 : i32 to index
            %get3A_726 = arith.constant 16 : index
            %get3A_727 = tpu.vector_load %arg19[%get3A_725, %get3A_726] {strides = array<i32>} : memref<256x64xf32, #tpu.memory_space<vmem>>, vector<1x16xf32>,
            %get3A_728 = vector.shape_cast %get3A_727 : vector<1x16xf32> to vector<16xf32>
            %mul3A_729 = arith.mulf %broadcast_in_dim3A_718, %get3A_728 : vector<16xf32>
            %add3A_730 = arith.addf %add3A_699, %mul3A_729 : vector<16xf32>
            %get3A_731 = arith.index_cast %add3A_715 : i32 to index
            %get3A_732 = arith.constant 32 : index
            %get3A_733 = tpu.vector_load %arg19[%get3A_731, %get3A_732] {strides = array<i32>} : memref<256x64xf32, #tpu.memory_space<vmem>>, vector<1x16xf32>,
            %get3A_734 = vector.shape_cast %get3A_733 : vector<1x16xf32> to vector<16xf32>
            %mul3A_735 = arith.mulf %broadcast_in_dim3A_718, %get3A_734 : vector<16xf32>
            %add3A_736 = arith.addf %add3A_705, %mul3A_735 : vector<16xf32>
            %get3A_737 = arith.index_cast %add3A_715 : i32 to index
            %get3A_738 = arith.constant 48 : index
            %get3A_739 = tpu.vector_load %arg19[%get3A_737, %get3A_738] {strides = array<i32>} : memref<256x64xf32, #tpu.memory_space<vmem>>, vector<1x16xf32>,
            %get3A_740 = vector.shape_cast %get3A_739 : vector<1x16xf32> to vector<16xf32>
            %mul3A_741 = arith.mulf %broadcast_in_dim3A_718, %get3A_740 : vector<16xf32>
            %add3A_742 = arith.addf %add3A_711, %mul3A_741 : vector<16xf32>
            %mul3A_743 = arith.constant 16 : i32
            %mul3A_744 = arith.muli %scan3A_295, %mul3A_743 : i32
            %add3A_745 = arith.constant 14 : i32
            %add3A_746 = arith.addi %mul3A_744, %add3A_745 : i32
            %slice3A_747 = vector.extract_strided_slice %get3A_303 {offsets = [14], sizes = [1], strides = [1]} : vector<16xf32> to vector<1xf32>
            %squeeze3A_748 = vector.extract %slice3A_747[0] : f32 from vector<1xf32>
            %broadcast_in_dim3A_749 = vector.broadcast %squeeze3A_748 : f32 to vector<16xf32>
            %get3A_750 = arith.index_cast %add3A_746 : i32 to index
            %get3A_751 = arith.constant 0 : index
            %get3A_752 = tpu.vector_load %arg19[%get3A_750, %get3A_751] {strides = array<i32>} : memref<256x64xf32, #tpu.memory_space<vmem>>, vector<1x16xf32>,
            %get3A_753 = vector.shape_cast %get3A_752 : vector<1x16xf32> to vector<16xf32>
            %mul3A_754 = arith.mulf %broadcast_in_dim3A_749, %get3A_753 : vector<16xf32>
            %add3A_755 = arith.addf %add3A_724, %mul3A_754 : vector<16xf32>
            %get3A_756 = arith.index_cast %add3A_746 : i32 to index
            %get3A_757 = arith.constant 16 : index
            %get3A_758 = tpu.vector_load %arg19[%get3A_756, %get3A_757] {strides = array<i32>} : memref<256x64xf32, #tpu.memory_space<vmem>>, vector<1x16xf32>,
            %get3A_759 = vector.shape_cast %get3A_758 : vector<1x16xf32> to vector<16xf32>
            %mul3A_760 = arith.mulf %broadcast_in_dim3A_749, %get3A_759 : vector<16xf32>
            %add3A_761 = arith.addf %add3A_730, %mul3A_760 : vector<16xf32>
            %get3A_762 = arith.index_cast %add3A_746 : i32 to index
            %get3A_763 = arith.constant 32 : index
            %get3A_764 = tpu.vector_load %arg19[%get3A_762, %get3A_763] {strides = array<i32>} : memref<256x64xf32, #tpu.memory_space<vmem>>, vector<1x16xf32>,
            %get3A_765 = vector.shape_cast %get3A_764 : vector<1x16xf32> to vector<16xf32>
            %mul3A_766 = arith.mulf %broadcast_in_dim3A_749, %get3A_765 : vector<16xf32>
            %add3A_767 = arith.addf %add3A_736, %mul3A_766 : vector<16xf32>
            %get3A_768 = arith.index_cast %add3A_746 : i32 to index
            %get3A_769 = arith.constant 48 : index
            %get3A_770 = tpu.vector_load %arg19[%get3A_768, %get3A_769] {strides = array<i32>} : memref<256x64xf32, #tpu.memory_space<vmem>>, vector<1x16xf32>,
            %get3A_771 = vector.shape_cast %get3A_770 : vector<1x16xf32> to vector<16xf32>
            %mul3A_772 = arith.mulf %broadcast_in_dim3A_749, %get3A_771 : vector<16xf32>
            %add3A_773 = arith.addf %add3A_742, %mul3A_772 : vector<16xf32>
            %mul3A_774 = arith.constant 16 : i32
            %mul3A_775 = arith.muli %scan3A_295, %mul3A_774 : i32
            %add3A_776 = arith.constant 15 : i32
            %add3A_777 = arith.addi %mul3A_775, %add3A_776 : i32
            %slice3A_778 = vector.extract_strided_slice %get3A_303 {offsets = [15], sizes = [1], strides = [1]} : vector<16xf32> to vector<1xf32>
            %squeeze3A_779 = vector.extract %slice3A_778[0] : f32 from vector<1xf32>
            %broadcast_in_dim3A_780 = vector.broadcast %squeeze3A_779 : f32 to vector<16xf32>
            %get3A_781 = arith.index_cast %add3A_777 : i32 to index
            %get3A_782 = arith.constant 0 : index
            %get3A_783 = tpu.vector_load %arg19[%get3A_781, %get3A_782] {strides = array<i32>} : memref<256x64xf32, #tpu.memory_space<vmem>>, vector<1x16xf32>,
            %get3A_784 = vector.shape_cast %get3A_783 : vector<1x16xf32> to vector<16xf32>
            %mul3A_785 = arith.mulf %broadcast_in_dim3A_780, %get3A_784 : vector<16xf32>
            %add3A_786 = arith.addf %add3A_755, %mul3A_785 : vector<16xf32>
            %get3A_787 = arith.index_cast %add3A_777 : i32 to index
            %get3A_788 = arith.constant 16 : index
            %get3A_789 = tpu.vector_load %arg19[%get3A_787, %get3A_788] {strides = array<i32>} : memref<256x64xf32, #tpu.memory_space<vmem>>, vector<1x16xf32>,
            %get3A_790 = vector.shape_cast %get3A_789 : vector<1x16xf32> to vector<16xf32>
            %mul3A_791 = arith.mulf %broadcast_in_dim3A_780, %get3A_790 : vector<16xf32>
            %add3A_792 = arith.addf %add3A_761, %mul3A_791 : vector<16xf32>
            %get3A_793 = arith.index_cast %add3A_777 : i32 to index
            %get3A_794 = arith.constant 32 : index
            %get3A_795 = tpu.vector_load %arg19[%get3A_793, %get3A_794] {strides = array<i32>} : memref<256x64xf32, #tpu.memory_space<vmem>>, vector<1x16xf32>,
            %get3A_796 = vector.shape_cast %get3A_795 : vector<1x16xf32> to vector<16xf32>
            %mul3A_797 = arith.mulf %broadcast_in_dim3A_780, %get3A_796 : vector<16xf32>
            %add3A_798 = arith.addf %add3A_767, %mul3A_797 : vector<16xf32>
            %get3A_799 = arith.index_cast %add3A_777 : i32 to index
            %get3A_800 = arith.constant 48 : index
            %get3A_801 = tpu.vector_load %arg19[%get3A_799, %get3A_800] {strides = array<i32>} : memref<256x64xf32, #tpu.memory_space<vmem>>, vector<1x16xf32>,
            %get3A_802 = vector.shape_cast %get3A_801 : vector<1x16xf32> to vector<16xf32>
            %mul3A_803 = arith.mulf %broadcast_in_dim3A_780, %get3A_802 : vector<16xf32>
            %add3A_804 = arith.addf %add3A_773, %mul3A_803 : vector<16xf32>
            %mul3A_805 = arith.constant 2.000000e+00 : f32
            %mul3A_806 = vector.broadcast %mul3A_805 : f32 to vector<16xf32>
            %mul3A_807 = arith.mulf %mul3A_806, %add3A_786 : vector<16xf32>
            %mul3A_808 = arith.mulf %mul3A_807, %get3A_298 : vector<16xf32>
            %get3A_809 = arith.index_cast %scan3A_295 : i32 to index
            %get3A_810 = arith.constant 0 : index
            %get3A_811 = tpu.vector_load %arg23[%get3A_809, %get3A_810] {strides = array<i32>} : memref<16x64xf32, #tpu.memory_space<vmem>>, vector<1x16xf32>,
            %get3A_812 = vector.shape_cast %get3A_811 : vector<1x16xf32> to vector<16xf32>
            %lt3A_813 = arith.cmpf olt, %mul3A_808, %get3A_812 : vector<16xf32>
            %jit3A = arith.constant 1.000000e+00 : f32
            %jit3A_814 = arith.constant -1.000000e+00 : f32
            %broadcast_in_dim3A_815 = vector.broadcast %jit3A : f32 to vector<16xf32>
            %broadcast_in_dim3A_816 = vector.broadcast %jit3A_814 : f32 to vector<16xf32>
            %select_n3A = arith.select %lt3A_813, %broadcast_in_dim3A_815, %broadcast_in_dim3A_816 : vector<16xi1>, vector<16xf32>
            %mul3A_817 = arith.constant 16 : i32
            %mul3A_818 = arith.muli %add3A_249, %mul3A_817 : i32
            %add3A_819 = arith.addi %mul3A_818, %scan3A_295 : i32
            %swap3A = arith.index_cast %add3A_819 : i32 to index
            %swap3A_820 = arith.constant 0 : index
            %swap3A_821 = tpu.vector_load %arg25[%swap3A, %swap3A_820] {strides = array<i32>} : memref<784x64xf32, #tpu.memory_space<vmem>>, vector<1x16xf32>,
            %swap3A_822 = vector.shape_cast %swap3A_821 : vector<1x16xf32> to vector<16xf32>
            %swap3A_823 = vector.shape_cast %select_n3A : vector<16xf32> to vector<1x16xf32>
            tpu.vector_store %arg25[%swap3A, %swap3A_820], %swap3A_823 {strides = array<i32>} : memref<784x64xf32, #tpu.memory_space<vmem>>, vector<1x16xf32>,
            %mul3A_824 = arith.constant 2.000000e+00 : f32
            %mul3A_825 = vector.broadcast %mul3A_824 : f32 to vector<16xf32>
            %mul3A_826 = arith.mulf %mul3A_825, %add3A_792 : vector<16xf32>
            %mul3A_827 = arith.mulf %mul3A_826, %get3A_298 : vector<16xf32>
            %get3A_828 = arith.index_cast %scan3A_295 : i32 to index
            %get3A_829 = arith.constant 16 : index
            %get3A_830 = tpu.vector_load %arg23[%get3A_828, %get3A_829] {strides = array<i32>} : memref<16x64xf32, #tpu.memory_space<vmem>>, vector<1x16xf32>,
            %get3A_831 = vector.shape_cast %get3A_830 : vector<1x16xf32> to vector<16xf32>
            %lt3A_832 = arith.cmpf olt, %mul3A_827, %get3A_831 : vector<16xf32>
            %jit3A_833 = arith.constant 1.000000e+00 : f32
            %jit3A_834 = arith.constant -1.000000e+00 : f32
            %broadcast_in_dim3A_835 = vector.broadcast %jit3A_833 : f32 to vector<16xf32>
            %broadcast_in_dim3A_836 = vector.broadcast %jit3A_834 : f32 to vector<16xf32>
            %select_n3A_837 = arith.select %lt3A_832, %broadcast_in_dim3A_835, %broadcast_in_dim3A_836 : vector<16xi1>, vector<16xf32>
            %mul3A_838 = arith.constant 16 : i32
            %mul3A_839 = arith.muli %add3A_249, %mul3A_838 : i32
            %add3A_840 = arith.addi %mul3A_839, %scan3A_295 : i32
            %swap3A_841 = arith.index_cast %add3A_840 : i32 to index
            %swap3A_842 = arith.constant 16 : index
            %swap3A_843 = tpu.vector_load %arg25[%swap3A_841, %swap3A_842] {strides = array<i32>} : memref<784x64xf32, #tpu.memory_space<vmem>>, vector<1x16xf32>,
            %swap3A_844 = vector.shape_cast %swap3A_843 : vector<1x16xf32> to vector<16xf32>
            %swap3A_845 = vector.shape_cast %select_n3A_837 : vector<16xf32> to vector<1x16xf32>
            tpu.vector_store %arg25[%swap3A_841, %swap3A_842], %swap3A_845 {strides = array<i32>} : memref<784x64xf32, #tpu.memory_space<vmem>>, vector<1x16xf32>,
            %mul3A_846 = arith.constant 2.000000e+00 : f32
            %mul3A_847 = vector.broadcast %mul3A_846 : f32 to vector<16xf32>
            %mul3A_848 = arith.mulf %mul3A_847, %add3A_798 : vector<16xf32>
            %mul3A_849 = arith.mulf %mul3A_848, %get3A_298 : vector<16xf32>
            %get3A_850 = arith.index_cast %scan3A_295 : i32 to index
            %get3A_851 = arith.constant 32 : index
            %get3A_852 = tpu.vector_load %arg23[%get3A_850, %get3A_851] {strides = array<i32>} : memref<16x64xf32, #tpu.memory_space<vmem>>, vector<1x16xf32>,
            %get3A_853 = vector.shape_cast %get3A_852 : vector<1x16xf32> to vector<16xf32>
            %lt3A_854 = arith.cmpf olt, %mul3A_849, %get3A_853 : vector<16xf32>
            %jit3A_855 = arith.constant 1.000000e+00 : f32
            %jit3A_856 = arith.constant -1.000000e+00 : f32
            %broadcast_in_dim3A_857 = vector.broadcast %jit3A_855 : f32 to vector<16xf32>
            %broadcast_in_dim3A_858 = vector.broadcast %jit3A_856 : f32 to vector<16xf32>
            %select_n3A_859 = arith.select %lt3A_854, %broadcast_in_dim3A_857, %broadcast_in_dim3A_858 : vector<16xi1>, vector<16xf32>
            %mul3A_860 = arith.constant 16 : i32
            %mul3A_861 = arith.muli %add3A_249, %mul3A_860 : i32
            %add3A_862 = arith.addi %mul3A_861, %scan3A_295 : i32
            %swap3A_863 = arith.index_cast %add3A_862 : i32 to index
            %swap3A_864 = arith.constant 32 : index
            %swap3A_865 = tpu.vector_load %arg25[%swap3A_863, %swap3A_864] {strides = array<i32>} : memref<784x64xf32, #tpu.memory_space<vmem>>, vector<1x16xf32>,
            %swap3A_866 = vector.shape_cast %swap3A_865 : vector<1x16xf32> to vector<16xf32>
            %swap3A_867 = vector.shape_cast %select_n3A_859 : vector<16xf32> to vector<1x16xf32>
            tpu.vector_store %arg25[%swap3A_863, %swap3A_864], %swap3A_867 {strides = array<i32>} : memref<784x64xf32, #tpu.memory_space<vmem>>, vector<1x16xf32>,
            %mul3A_868 = arith.constant 2.000000e+00 : f32
            %mul3A_869 = vector.broadcast %mul3A_868 : f32 to vector<16xf32>
            %mul3A_870 = arith.mulf %mul3A_869, %add3A_804 : vector<16xf32>
            %mul3A_871 = arith.mulf %mul3A_870, %get3A_298 : vector<16xf32>
            %get3A_872 = arith.index_cast %scan3A_295 : i32 to index
            %get3A_873 = arith.constant 48 : index
            %get3A_874 = tpu.vector_load %arg23[%get3A_872, %get3A_873] {strides = array<i32>} : memref<16x64xf32, #tpu.memory_space<vmem>>, vector<1x16xf32>,
            %get3A_875 = vector.shape_cast %get3A_874 : vector<1x16xf32> to vector<16xf32>
            %lt3A_876 = arith.cmpf olt, %mul3A_871, %get3A_875 : vector<16xf32>
            %jit3A_877 = arith.constant 1.000000e+00 : f32
            %jit3A_878 = arith.constant -1.000000e+00 : f32
            %broadcast_in_dim3A_879 = vector.broadcast %jit3A_877 : f32 to vector<16xf32>
            %broadcast_in_dim3A_880 = vector.broadcast %jit3A_878 : f32 to vector<16xf32>
            %select_n3A_881 = arith.select %lt3A_876, %broadcast_in_dim3A_879, %broadcast_in_dim3A_880 : vector<16xi1>, vector<16xf32>
            %mul3A_882 = arith.constant 16 : i32
            %mul3A_883 = arith.muli %add3A_249, %mul3A_882 : i32
            %add3A_884 = arith.addi %mul3A_883, %scan3A_295 : i32
            %swap3A_885 = arith.index_cast %add3A_884 : i32 to index
            %swap3A_886 = arith.constant 48 : index
            %swap3A_887 = tpu.vector_load %arg25[%swap3A_885, %swap3A_886] {strides = array<i32>} : memref<784x64xf32, #tpu.memory_space<vmem>>, vector<1x16xf32>,
            %swap3A_888 = vector.shape_cast %swap3A_887 : vector<1x16xf32> to vector<16xf32>
            %swap3A_889 = vector.shape_cast %select_n3A_881 : vector<16xf32> to vector<1x16xf32>
            tpu.vector_store %arg25[%swap3A_885, %swap3A_886], %swap3A_889 {strides = array<i32>} : memref<784x64xf32, #tpu.memory_space<vmem>>, vector<1x16xf32>,
            %scan3A_890 = arith.constant 0 : i32
            scf.yield %scan3A_890 : i32
          }
          %scan3A_280 = arith.constant 16 : i32
          %add3A_281 = arith.constant 4 : i32
          %add3A_282 = arith.addi %add3A_249, %add3A_281 : i32
          %lt3A_283 = arith.constant 49 : i32
          %lt3A_284 = arith.cmpi slt, %add3A_282, %lt3A_283 : i32
          %convert_element_type3A_285 = arith.extui %lt3A_284 : i1 to i32
          %cond3A_286 = arith.constant 0 : i32
          %cond3A_287 = arith.cmpi ne, %convert_element_type3A_285, %cond3A_286 : i32
          scf.if %cond3A_287 {
            %add3A_295 = arith.constant 4 : i32
            %add3A_296 = arith.addi %add3A_249, %add3A_295 : i32
            %add3A_297 = arith.addi %add3A_18, %add3A_296 : i32
            %mul3A_298 = arith.constant 512 : i32
            %mul3A_299 = arith.muli %add3A_297, %mul3A_298 : i32
            %mul3A_300 = arith.constant 16 : i32
            %mul3A_301 = arith.muli %add3A_297, %mul3A_300 : i32
            %mul3A_302 = arith.constant 16 : i32
            %mul3A_303 = arith.muli %add3A_297, %mul3A_302 : i32
            %dma_start3A_304 = tpu.memref_slice %arg3[%mul3A_299] : memref<3211264xi32, #tpu.memory_space<hbm>> -> memref<512xi32, #tpu.memory_space<hbm>>
            %dma_start3A_305 = tpu.memref_slice %arg3[%mul3A_299] : memref<3211264xi32, #tpu.memory_space<hbm>> -> memref<512xi32, #tpu.memory_space<hbm>>
            tpu.enqueue_dma source(%dma_start3A_305 : memref<512xi32, #tpu.memory_space<hbm>>) target(%arg11 : memref<512xi32, #tpu.memory_space<vmem>>) target_semaphore(%arg30 : memref<!tpu.dma_semaphore, #tpu.memory_space<semaphore_mem>>)
            %dma_start3A_306 = arith.constant 0 : i32
            %dma_start3A_307 = tpu.memref_slice %arg5[%mul3A_301, %dma_start3A_306] : memref<100352x64xf32, #tpu.memory_space<hbm>> -> memref<16x64xf32, #tpu.memory_space<hbm>>
            %dma_start3A_308 = arith.constant 0 : i32
            %dma_start3A_309 = tpu.memref_slice %arg5[%mul3A_301, %dma_start3A_308] : memref<100352x64xf32, #tpu.memory_space<hbm>> -> memref<16x64xf32, #tpu.memory_space<hbm>>
            tpu.enqueue_dma source(%dma_start3A_309 : memref<16x64xf32, #tpu.memory_space<hbm>>) target(%arg23 : memref<16x64xf32, #tpu.memory_space<vmem>>) target_semaphore(%arg30 : memref<!tpu.dma_semaphore, #tpu.memory_space<semaphore_mem>>)
            %dma_start3A_310 = arith.constant 0 : i32
            %dma_start3A_311 = tpu.memref_slice %arg26[%add3A_296, %dma_start3A_310] : memref<49x16xi32, #tpu.memory_space<vmem>> -> memref<1x16xi32, #tpu.memory_space<vmem>>
            %dma_start3A_312 = tpu.memref_squeeze %dma_start3A_311 : memref<1x16xi32, #tpu.memory_space<vmem>> -> memref<16xi32, #tpu.memory_space<vmem>>
            %dma_start3A_313 = tpu.memref_slice %arg6[%mul3A_303] : memref<100352xi32, #tpu.memory_space<hbm>> -> memref<16xi32, #tpu.memory_space<hbm>>
            %dma_start3A_314 = arith.constant 0 : i32
            %dma_start3A_315 = tpu.memref_slice %arg26[%add3A_296, %dma_start3A_314] : memref<49x16xi32, #tpu.memory_space<vmem>> -> memref<1x16xi32, #tpu.memory_space<vmem>>
            %dma_start3A_316 = tpu.memref_squeeze %dma_start3A_315 : memref<1x16xi32, #tpu.memory_space<vmem>> -> memref<16xi32, #tpu.memory_space<vmem>>
            %dma_start3A_317 = tpu.memref_slice %arg6[%mul3A_303] : memref<100352xi32, #tpu.memory_space<hbm>> -> memref<16xi32, #tpu.memory_space<hbm>>
            tpu.enqueue_dma source(%dma_start3A_317 : memref<16xi32, #tpu.memory_space<hbm>>) target(%dma_start3A_316 : memref<16xi32, #tpu.memory_space<vmem>>) target_semaphore(%arg30 : memref<!tpu.dma_semaphore, #tpu.memory_space<semaphore_mem>>)
          } else {
          }
          %add3A_288 = arith.constant 3 : i32
          %add3A_289 = arith.addi %add3A_249, %add3A_288 : i32
          %lt3A_290 = arith.constant 49 : i32
          %lt3A_291 = arith.cmpi slt, %add3A_289, %lt3A_290 : i32
          %convert_element_type3A_292 = arith.extui %lt3A_291 : i1 to i32
          %cond3A_293 = arith.constant 0 : i32
          %cond3A_294 = arith.cmpi ne, %convert_element_type3A_292, %cond3A_293 : i32
          scf.if %cond3A_294 {
            %add3A_295 = arith.constant 3 : i32
            %add3A_296 = arith.addi %add3A_249, %add3A_295 : i32
            %add3A_297 = arith.addi %add3A_18, %add3A_296 : i32
            %mul3A_298 = arith.constant 512 : i32
            %mul3A_299 = arith.muli %add3A_297, %mul3A_298 : i32
            %mul3A_300 = arith.constant 16 : i32
            %mul3A_301 = arith.muli %add3A_297, %mul3A_300 : i32
            %mul3A_302 = arith.constant 16 : i32
            %mul3A_303 = arith.muli %add3A_297, %mul3A_302 : i32
            %dma_wait3A_304 = tpu.memref_slice %arg3[%mul3A_299] : memref<3211264xi32, #tpu.memory_space<hbm>> -> memref<512xi32, #tpu.memory_space<hbm>>
            %dma_wait3A_305 = tpu.memref_slice %arg3[%mul3A_299] : memref<3211264xi32, #tpu.memory_space<hbm>> -> memref<512xi32, #tpu.memory_space<hbm>>
            tpu.wait_dma2 semaphore(%arg29 : memref<!tpu.dma_semaphore, #tpu.memory_space<semaphore_mem>>) src(%dma_wait3A_305 : memref<512xi32, #tpu.memory_space<hbm>>) dst(%arg10 : memref<512xi32, #tpu.memory_space<vmem>>)
            %dma_wait3A_306 = arith.constant 0 : i32
            %dma_wait3A_307 = tpu.memref_slice %arg5[%mul3A_301, %dma_wait3A_306] : memref<100352x64xf32, #tpu.memory_space<hbm>> -> memref<16x64xf32, #tpu.memory_space<hbm>>
            %dma_wait3A_308 = arith.constant 0 : i32
            %dma_wait3A_309 = tpu.memref_slice %arg5[%mul3A_301, %dma_wait3A_308] : memref<100352x64xf32, #tpu.memory_space<hbm>> -> memref<16x64xf32, #tpu.memory_space<hbm>>
            tpu.wait_dma2 semaphore(%arg29 : memref<!tpu.dma_semaphore, #tpu.memory_space<semaphore_mem>>) src(%dma_wait3A_309 : memref<16x64xf32, #tpu.memory_space<hbm>>) dst(%arg22 : memref<16x64xf32, #tpu.memory_space<vmem>>)
            %dma_wait3A_310 = arith.constant 0 : i32
            %dma_wait3A_311 = tpu.memref_slice %arg26[%add3A_296, %dma_wait3A_310] : memref<49x16xi32, #tpu.memory_space<vmem>> -> memref<1x16xi32, #tpu.memory_space<vmem>>
            %dma_wait3A_312 = tpu.memref_squeeze %dma_wait3A_311 : memref<1x16xi32, #tpu.memory_space<vmem>> -> memref<16xi32, #tpu.memory_space<vmem>>
            %dma_wait3A_313 = tpu.memref_slice %arg6[%mul3A_303] : memref<100352xi32, #tpu.memory_space<hbm>> -> memref<16xi32, #tpu.memory_space<hbm>>
            %dma_wait3A_314 = arith.constant 0 : i32
            %dma_wait3A_315 = tpu.memref_slice %arg26[%add3A_296, %dma_wait3A_314] : memref<49x16xi32, #tpu.memory_space<vmem>> -> memref<1x16xi32, #tpu.memory_space<vmem>>
            %dma_wait3A_316 = tpu.memref_squeeze %dma_wait3A_315 : memref<1x16xi32, #tpu.memory_space<vmem>> -> memref<16xi32, #tpu.memory_space<vmem>>
            %dma_wait3A_317 = tpu.memref_slice %arg6[%mul3A_303] : memref<100352xi32, #tpu.memory_space<hbm>> -> memref<16xi32, #tpu.memory_space<hbm>>
            tpu.wait_dma2 semaphore(%arg29 : memref<!tpu.dma_semaphore, #tpu.memory_space<semaphore_mem>>) src(%dma_wait3A_317 : memref<16xi32, #tpu.memory_space<hbm>>) dst(%dma_wait3A_316 : memref<16xi32, #tpu.memory_space<vmem>>)
            %dma_start3A_318 = arith.constant 0 : i32
            %dma_start3A_319 = tpu.memref_slice %arg10[%dma_start3A_318] : memref<512xi32, #tpu.memory_space<vmem>> -> memref<256xi32, #tpu.memory_space<vmem>>
            %dma_start3A_320 = arith.constant 0 : i32
            %dma_start3A_321 = arith.constant 0 : i32
            %dma_start3A_322 = tpu.memref_slice %arg8[%dma_start3A_320, %dma_start3A_321] : memref<100096x64xf32, #tpu.memory_space<hbm>> -> memref<100096x64xf32, #tpu.memory_space<hbm>>
            tpu.enqueue_indirect_dma source(%dma_start3A_322 : memref<100096x64xf32, #tpu.memory_space<hbm>>) target(%arg18 : memref<256x64xf32, #tpu.memory_space<vmem>>) offsets(%dma_start3A_319 : memref<256xi32, #tpu.memory_space<vmem>>) semaphore(%arg33 : memref<!tpu.dma_semaphore, #tpu.memory_space<semaphore_mem>>)
            %dma_start3A_323 = arith.constant 256 : i32
            %dma_start3A_324 = tpu.memref_slice %arg10[%dma_start3A_323] : memref<512xi32, #tpu.memory_space<vmem>> -> memref<256xi32, #tpu.memory_space<vmem>>
            %dma_start3A_325 = arith.constant 0 : i32
            %dma_start3A_326 = tpu.memref_slice %arg4[%dma_start3A_325] : memref<400000xf32, #tpu.memory_space<hbm>> -> memref<400000xf32, #tpu.memory_space<hbm>>
            tpu.enqueue_indirect_dma source(%dma_start3A_326 : memref<400000xf32, #tpu.memory_space<hbm>>) target(%arg14 : memref<256xf32, #tpu.memory_space<vmem>>) offsets(%dma_start3A_324 : memref<256xi32, #tpu.memory_space<vmem>>) semaphore(%arg33 : memref<!tpu.dma_semaphore, #tpu.memory_space<semaphore_mem>>)
          } else {
          }
        } else {
        }
        %mul3A_255 = arith.constant 4 : i32
        %mul3A_256 = arith.muli %mul3A_255, %scan3A_229 : i32
        %add3A_257 = arith.constant 3 : i32
        %add3A_258 = arith.addi %mul3A_256, %add3A_257 : i32
        %lt3A_259 = arith.constant 49 : i32
        %lt3A_260 = arith.cmpi slt, %add3A_258, %lt3A_259 : i32
        %convert_element_type3A_261 = arith.extui %lt3A_260 : i1 to i32
        %cond3A_262 = arith.constant 0 : i32
        %cond3A_263 = arith.cmpi ne, %convert_element_type3A_261, %cond3A_262 : i32
        scf.if %cond3A_263 {
          %dma_wait3A_265 = arith.constant 0 : i32
          %dma_wait3A_266 = tpu.memref_slice %arg12[%dma_wait3A_265] : memref<512xi32, #tpu.memory_space<vmem>> -> memref<256xi32, #tpu.memory_space<vmem>>
          %dma_wait3A_267 = arith.constant 0 : i32
          %dma_wait3A_268 = arith.constant 0 : i32
          %dma_wait3A_269 = tpu.memref_slice %arg8[%dma_wait3A_267, %dma_wait3A_268] : memref<100096x64xf32, #tpu.memory_space<hbm>> -> memref<100096x64xf32, #tpu.memory_space<hbm>>
          tpu.wait_indirect_dma semaphore(%arg35 : memref<!tpu.dma_semaphore, #tpu.memory_space<semaphore_mem>>) src(%dma_wait3A_269 : memref<100096x64xf32, #tpu.memory_space<hbm>>) dst(%arg20 : memref<256x64xf32, #tpu.memory_space<vmem>>)
          %dma_wait3A_270 = arith.constant 256 : i32
          %dma_wait3A_271 = tpu.memref_slice %arg12[%dma_wait3A_270] : memref<512xi32, #tpu.memory_space<vmem>> -> memref<256xi32, #tpu.memory_space<vmem>>
          %dma_wait3A_272 = arith.constant 0 : i32
          %dma_wait3A_273 = tpu.memref_slice %arg4[%dma_wait3A_272] : memref<400000xf32, #tpu.memory_space<hbm>> -> memref<400000xf32, #tpu.memory_space<hbm>>
          tpu.wait_indirect_dma semaphore(%arg35 : memref<!tpu.dma_semaphore, #tpu.memory_space<semaphore_mem>>) src(%dma_wait3A_273 : memref<400000xf32, #tpu.memory_space<hbm>>) dst(%arg16 : memref<256xf32, #tpu.memory_space<vmem>>)
          %scan3A_274 = arith.constant 0 : i32
          %scan3A_275 = arith.constant 0 : i32
          %scan3A_276 = arith.constant 16 : i32
          %scan3A_277 = arith.addi %scan3A_275, %scan3A_276 : i32
          %scan3A_278 = arith.constant 1 : i32
          %scan3A_279 = scf.for %scan3A_295 = %scan3A_275 to %scan3A_277 step %scan3A_278 iter_args(%scan3A_296 = %scan3A_274) -> (i32)  : i32 {
            %get3A = arith.constant 0 : index
            %get3A_297 = tpu.vector_load %arg27[%get3A] {strides = array<i32>} : memref<16xf32, #tpu.memory_space<vmem>>, vector<16xf32>,
            %get3A_298 = vector.shape_cast %get3A_297 : vector<16xf32> to vector<16xf32>
            %mul3A_299 = arith.constant 16 : i32
            %mul3A_300 = arith.muli %scan3A_295, %mul3A_299 : i32
            %get3A_301 = arith.index_cast %mul3A_300 : i32 to index
            %get3A_302 = tpu.vector_load %arg16[%get3A_301] {strides = array<i32>} : memref<256xf32, #tpu.memory_space<vmem>>, vector<16xf32>,
            %get3A_303 = vector.shape_cast %get3A_302 : vector<16xf32> to vector<16xf32>
            %broadcast_in_dim3A = arith.constant 0.000000e+00 : f32
            %broadcast_in_dim3A_304 = vector.broadcast %broadcast_in_dim3A : f32 to vector<16xf32>
            %broadcast_in_dim3A_305 = arith.constant 0.000000e+00 : f32
            %broadcast_in_dim3A_306 = vector.broadcast %broadcast_in_dim3A_305 : f32 to vector<16xf32>
            %broadcast_in_dim3A_307 = arith.constant 0.000000e+00 : f32
            %broadcast_in_dim3A_308 = vector.broadcast %broadcast_in_dim3A_307 : f32 to vector<16xf32>
            %broadcast_in_dim3A_309 = arith.constant 0.000000e+00 : f32
            %broadcast_in_dim3A_310 = vector.broadcast %broadcast_in_dim3A_309 : f32 to vector<16xf32>
            %mul3A_311 = arith.constant 16 : i32
            %mul3A_312 = arith.muli %scan3A_295, %mul3A_311 : i32
            %add3A_313 = arith.constant 0 : i32
            %add3A_314 = arith.addi %mul3A_312, %add3A_313 : i32
            %slice3A = vector.extract_strided_slice %get3A_303 {offsets = [0], sizes = [1], strides = [1]} : vector<16xf32> to vector<1xf32>
            %squeeze3A = vector.extract %slice3A[0] : f32 from vector<1xf32>
            %broadcast_in_dim3A_315 = vector.broadcast %squeeze3A : f32 to vector<16xf32>
            %get3A_316 = arith.index_cast %add3A_314 : i32 to index
            %get3A_317 = arith.constant 0 : index
            %get3A_318 = tpu.vector_load %arg20[%get3A_316, %get3A_317] {strides = array<i32>} : memref<256x64xf32, #tpu.memory_space<vmem>>, vector<1x16xf32>,
            %get3A_319 = vector.shape_cast %get3A_318 : vector<1x16xf32> to vector<16xf32>
            %mul3A_320 = arith.mulf %broadcast_in_dim3A_315, %get3A_319 : vector<16xf32>
            %add3A_321 = arith.addf %broadcast_in_dim3A_304, %mul3A_320 : vector<16xf32>
            %get3A_322 = arith.index_cast %add3A_314 : i32 to index
            %get3A_323 = arith.constant 16 : index
            %get3A_324 = tpu.vector_load %arg20[%get3A_322, %get3A_323] {strides = array<i32>} : memref<256x64xf32, #tpu.memory_space<vmem>>, vector<1x16xf32>,
            %get3A_325 = vector.shape_cast %get3A_324 : vector<1x16xf32> to vector<16xf32>
            %mul3A_326 = arith.mulf %broadcast_in_dim3A_315, %get3A_325 : vector<16xf32>
            %add3A_327 = arith.addf %broadcast_in_dim3A_306, %mul3A_326 : vector<16xf32>
            %get3A_328 = arith.index_cast %add3A_314 : i32 to index
            %get3A_329 = arith.constant 32 : index
            %get3A_330 = tpu.vector_load %arg20[%get3A_328, %get3A_329] {strides = array<i32>} : memref<256x64xf32, #tpu.memory_space<vmem>>, vector<1x16xf32>,
            %get3A_331 = vector.shape_cast %get3A_330 : vector<1x16xf32> to vector<16xf32>
            %mul3A_332 = arith.mulf %broadcast_in_dim3A_315, %get3A_331 : vector<16xf32>
            %add3A_333 = arith.addf %broadcast_in_dim3A_308, %mul3A_332 : vector<16xf32>
            %get3A_334 = arith.index_cast %add3A_314 : i32 to index
            %get3A_335 = arith.constant 48 : index
            %get3A_336 = tpu.vector_load %arg20[%get3A_334, %get3A_335] {strides = array<i32>} : memref<256x64xf32, #tpu.memory_space<vmem>>, vector<1x16xf32>,
            %get3A_337 = vector.shape_cast %get3A_336 : vector<1x16xf32> to vector<16xf32>
            %mul3A_338 = arith.mulf %broadcast_in_dim3A_315, %get3A_337 : vector<16xf32>
            %add3A_339 = arith.addf %broadcast_in_dim3A_310, %mul3A_338 : vector<16xf32>
            %mul3A_340 = arith.constant 16 : i32
            %mul3A_341 = arith.muli %scan3A_295, %mul3A_340 : i32
            %add3A_342 = arith.constant 1 : i32
            %add3A_343 = arith.addi %mul3A_341, %add3A_342 : i32
            %slice3A_344 = vector.extract_strided_slice %get3A_303 {offsets = [1], sizes = [1], strides = [1]} : vector<16xf32> to vector<1xf32>
            %squeeze3A_345 = vector.extract %slice3A_344[0] : f32 from vector<1xf32>
            %broadcast_in_dim3A_346 = vector.broadcast %squeeze3A_345 : f32 to vector<16xf32>
            %get3A_347 = arith.index_cast %add3A_343 : i32 to index
            %get3A_348 = arith.constant 0 : index
            %get3A_349 = tpu.vector_load %arg20[%get3A_347, %get3A_348] {strides = array<i32>} : memref<256x64xf32, #tpu.memory_space<vmem>>, vector<1x16xf32>,
            %get3A_350 = vector.shape_cast %get3A_349 : vector<1x16xf32> to vector<16xf32>
            %mul3A_351 = arith.mulf %broadcast_in_dim3A_346, %get3A_350 : vector<16xf32>
            %add3A_352 = arith.addf %add3A_321, %mul3A_351 : vector<16xf32>
            %get3A_353 = arith.index_cast %add3A_343 : i32 to index
            %get3A_354 = arith.constant 16 : index
            %get3A_355 = tpu.vector_load %arg20[%get3A_353, %get3A_354] {strides = array<i32>} : memref<256x64xf32, #tpu.memory_space<vmem>>, vector<1x16xf32>,
            %get3A_356 = vector.shape_cast %get3A_355 : vector<1x16xf32> to vector<16xf32>
            %mul3A_357 = arith.mulf %broadcast_in_dim3A_346, %get3A_356 : vector<16xf32>
            %add3A_358 = arith.addf %add3A_327, %mul3A_357 : vector<16xf32>
            %get3A_359 = arith.index_cast %add3A_343 : i32 to index
            %get3A_360 = arith.constant 32 : index
            %get3A_361 = tpu.vector_load %arg20[%get3A_359, %get3A_360] {strides = array<i32>} : memref<256x64xf32, #tpu.memory_space<vmem>>, vector<1x16xf32>,
            %get3A_362 = vector.shape_cast %get3A_361 : vector<1x16xf32> to vector<16xf32>
            %mul3A_363 = arith.mulf %broadcast_in_dim3A_346, %get3A_362 : vector<16xf32>
            %add3A_364 = arith.addf %add3A_333, %mul3A_363 : vector<16xf32>
            %get3A_365 = arith.index_cast %add3A_343 : i32 to index
            %get3A_366 = arith.constant 48 : index
            %get3A_367 = tpu.vector_load %arg20[%get3A_365, %get3A_366] {strides = array<i32>} : memref<256x64xf32, #tpu.memory_space<vmem>>, vector<1x16xf32>,
            %get3A_368 = vector.shape_cast %get3A_367 : vector<1x16xf32> to vector<16xf32>
            %mul3A_369 = arith.mulf %broadcast_in_dim3A_346, %get3A_368 : vector<16xf32>
            %add3A_370 = arith.addf %add3A_339, %mul3A_369 : vector<16xf32>
            %mul3A_371 = arith.constant 16 : i32
            %mul3A_372 = arith.muli %scan3A_295, %mul3A_371 : i32
            %add3A_373 = arith.constant 2 : i32
            %add3A_374 = arith.addi %mul3A_372, %add3A_373 : i32
            %slice3A_375 = vector.extract_strided_slice %get3A_303 {offsets = [2], sizes = [1], strides = [1]} : vector<16xf32> to vector<1xf32>
            %squeeze3A_376 = vector.extract %slice3A_375[0] : f32 from vector<1xf32>
            %broadcast_in_dim3A_377 = vector.broadcast %squeeze3A_376 : f32 to vector<16xf32>
            %get3A_378 = arith.index_cast %add3A_374 : i32 to index
            %get3A_379 = arith.constant 0 : index
            %get3A_380 = tpu.vector_load %arg20[%get3A_378, %get3A_379] {strides = array<i32>} : memref<256x64xf32, #tpu.memory_space<vmem>>, vector<1x16xf32>,
            %get3A_381 = vector.shape_cast %get3A_380 : vector<1x16xf32> to vector<16xf32>
            %mul3A_382 = arith.mulf %broadcast_in_dim3A_377, %get3A_381 : vector<16xf32>
            %add3A_383 = arith.addf %add3A_352, %mul3A_382 : vector<16xf32>
            %get3A_384 = arith.index_cast %add3A_374 : i32 to index
            %get3A_385 = arith.constant 16 : index
            %get3A_386 = tpu.vector_load %arg20[%get3A_384, %get3A_385] {strides = array<i32>} : memref<256x64xf32, #tpu.memory_space<vmem>>, vector<1x16xf32>,
            %get3A_387 = vector.shape_cast %get3A_386 : vector<1x16xf32> to vector<16xf32>
            %mul3A_388 = arith.mulf %broadcast_in_dim3A_377, %get3A_387 : vector<16xf32>
            %add3A_389 = arith.addf %add3A_358, %mul3A_388 : vector<16xf32>
            %get3A_390 = arith.index_cast %add3A_374 : i32 to index
            %get3A_391 = arith.constant 32 : index
            %get3A_392 = tpu.vector_load %arg20[%get3A_390, %get3A_391] {strides = array<i32>} : memref<256x64xf32, #tpu.memory_space<vmem>>, vector<1x16xf32>,
            %get3A_393 = vector.shape_cast %get3A_392 : vector<1x16xf32> to vector<16xf32>
            %mul3A_394 = arith.mulf %broadcast_in_dim3A_377, %get3A_393 : vector<16xf32>
            %add3A_395 = arith.addf %add3A_364, %mul3A_394 : vector<16xf32>
            %get3A_396 = arith.index_cast %add3A_374 : i32 to index
            %get3A_397 = arith.constant 48 : index
            %get3A_398 = tpu.vector_load %arg20[%get3A_396, %get3A_397] {strides = array<i32>} : memref<256x64xf32, #tpu.memory_space<vmem>>, vector<1x16xf32>,
            %get3A_399 = vector.shape_cast %get3A_398 : vector<1x16xf32> to vector<16xf32>
            %mul3A_400 = arith.mulf %broadcast_in_dim3A_377, %get3A_399 : vector<16xf32>
            %add3A_401 = arith.addf %add3A_370, %mul3A_400 : vector<16xf32>
            %mul3A_402 = arith.constant 16 : i32
            %mul3A_403 = arith.muli %scan3A_295, %mul3A_402 : i32
            %add3A_404 = arith.constant 3 : i32
            %add3A_405 = arith.addi %mul3A_403, %add3A_404 : i32
            %slice3A_406 = vector.extract_strided_slice %get3A_303 {offsets = [3], sizes = [1], strides = [1]} : vector<16xf32> to vector<1xf32>
            %squeeze3A_407 = vector.extract %slice3A_406[0] : f32 from vector<1xf32>
            %broadcast_in_dim3A_408 = vector.broadcast %squeeze3A_407 : f32 to vector<16xf32>
            %get3A_409 = arith.index_cast %add3A_405 : i32 to index
            %get3A_410 = arith.constant 0 : index
            %get3A_411 = tpu.vector_load %arg20[%get3A_409, %get3A_410] {strides = array<i32>} : memref<256x64xf32, #tpu.memory_space<vmem>>, vector<1x16xf32>,
            %get3A_412 = vector.shape_cast %get3A_411 : vector<1x16xf32> to vector<16xf32>
            %mul3A_413 = arith.mulf %broadcast_in_dim3A_408, %get3A_412 : vector<16xf32>
            %add3A_414 = arith.addf %add3A_383, %mul3A_413 : vector<16xf32>
            %get3A_415 = arith.index_cast %add3A_405 : i32 to index
            %get3A_416 = arith.constant 16 : index
            %get3A_417 = tpu.vector_load %arg20[%get3A_415, %get3A_416] {strides = array<i32>} : memref<256x64xf32, #tpu.memory_space<vmem>>, vector<1x16xf32>,
            %get3A_418 = vector.shape_cast %get3A_417 : vector<1x16xf32> to vector<16xf32>
            %mul3A_419 = arith.mulf %broadcast_in_dim3A_408, %get3A_418 : vector<16xf32>
            %add3A_420 = arith.addf %add3A_389, %mul3A_419 : vector<16xf32>
            %get3A_421 = arith.index_cast %add3A_405 : i32 to index
            %get3A_422 = arith.constant 32 : index
            %get3A_423 = tpu.vector_load %arg20[%get3A_421, %get3A_422] {strides = array<i32>} : memref<256x64xf32, #tpu.memory_space<vmem>>, vector<1x16xf32>,
            %get3A_424 = vector.shape_cast %get3A_423 : vector<1x16xf32> to vector<16xf32>
            %mul3A_425 = arith.mulf %broadcast_in_dim3A_408, %get3A_424 : vector<16xf32>
            %add3A_426 = arith.addf %add3A_395, %mul3A_425 : vector<16xf32>
            %get3A_427 = arith.index_cast %add3A_405 : i32 to index
            %get3A_428 = arith.constant 48 : index
            %get3A_429 = tpu.vector_load %arg20[%get3A_427, %get3A_428] {strides = array<i32>} : memref<256x64xf32, #tpu.memory_space<vmem>>, vector<1x16xf32>,
            %get3A_430 = vector.shape_cast %get3A_429 : vector<1x16xf32> to vector<16xf32>
            %mul3A_431 = arith.mulf %broadcast_in_dim3A_408, %get3A_430 : vector<16xf32>
            %add3A_432 = arith.addf %add3A_401, %mul3A_431 : vector<16xf32>
            %mul3A_433 = arith.constant 16 : i32
            %mul3A_434 = arith.muli %scan3A_295, %mul3A_433 : i32
            %add3A_435 = arith.constant 4 : i32
            %add3A_436 = arith.addi %mul3A_434, %add3A_435 : i32
            %slice3A_437 = vector.extract_strided_slice %get3A_303 {offsets = [4], sizes = [1], strides = [1]} : vector<16xf32> to vector<1xf32>
            %squeeze3A_438 = vector.extract %slice3A_437[0] : f32 from vector<1xf32>
            %broadcast_in_dim3A_439 = vector.broadcast %squeeze3A_438 : f32 to vector<16xf32>
            %get3A_440 = arith.index_cast %add3A_436 : i32 to index
            %get3A_441 = arith.constant 0 : index
            %get3A_442 = tpu.vector_load %arg20[%get3A_440, %get3A_441] {strides = array<i32>} : memref<256x64xf32, #tpu.memory_space<vmem>>, vector<1x16xf32>,
            %get3A_443 = vector.shape_cast %get3A_442 : vector<1x16xf32> to vector<16xf32>
            %mul3A_444 = arith.mulf %broadcast_in_dim3A_439, %get3A_443 : vector<16xf32>
            %add3A_445 = arith.addf %add3A_414, %mul3A_444 : vector<16xf32>
            %get3A_446 = arith.index_cast %add3A_436 : i32 to index
            %get3A_447 = arith.constant 16 : index
            %get3A_448 = tpu.vector_load %arg20[%get3A_446, %get3A_447] {strides = array<i32>} : memref<256x64xf32, #tpu.memory_space<vmem>>, vector<1x16xf32>,
            %get3A_449 = vector.shape_cast %get3A_448 : vector<1x16xf32> to vector<16xf32>
            %mul3A_450 = arith.mulf %broadcast_in_dim3A_439, %get3A_449 : vector<16xf32>
            %add3A_451 = arith.addf %add3A_420, %mul3A_450 : vector<16xf32>
            %get3A_452 = arith.index_cast %add3A_436 : i32 to index
            %get3A_453 = arith.constant 32 : index
            %get3A_454 = tpu.vector_load %arg20[%get3A_452, %get3A_453] {strides = array<i32>} : memref<256x64xf32, #tpu.memory_space<vmem>>, vector<1x16xf32>,
            %get3A_455 = vector.shape_cast %get3A_454 : vector<1x16xf32> to vector<16xf32>
            %mul3A_456 = arith.mulf %broadcast_in_dim3A_439, %get3A_455 : vector<16xf32>
            %add3A_457 = arith.addf %add3A_426, %mul3A_456 : vector<16xf32>
            %get3A_458 = arith.index_cast %add3A_436 : i32 to index
            %get3A_459 = arith.constant 48 : index
            %get3A_460 = tpu.vector_load %arg20[%get3A_458, %get3A_459] {strides = array<i32>} : memref<256x64xf32, #tpu.memory_space<vmem>>, vector<1x16xf32>,
            %get3A_461 = vector.shape_cast %get3A_460 : vector<1x16xf32> to vector<16xf32>
            %mul3A_462 = arith.mulf %broadcast_in_dim3A_439, %get3A_461 : vector<16xf32>
            %add3A_463 = arith.addf %add3A_432, %mul3A_462 : vector<16xf32>
            %mul3A_464 = arith.constant 16 : i32
            %mul3A_465 = arith.muli %scan3A_295, %mul3A_464 : i32
            %add3A_466 = arith.constant 5 : i32
            %add3A_467 = arith.addi %mul3A_465, %add3A_466 : i32
            %slice3A_468 = vector.extract_strided_slice %get3A_303 {offsets = [5], sizes = [1], strides = [1]} : vector<16xf32> to vector<1xf32>
            %squeeze3A_469 = vector.extract %slice3A_468[0] : f32 from vector<1xf32>
            %broadcast_in_dim3A_470 = vector.broadcast %squeeze3A_469 : f32 to vector<16xf32>
            %get3A_471 = arith.index_cast %add3A_467 : i32 to index
            %get3A_472 = arith.constant 0 : index
            %get3A_473 = tpu.vector_load %arg20[%get3A_471, %get3A_472] {strides = array<i32>} : memref<256x64xf32, #tpu.memory_space<vmem>>, vector<1x16xf32>,
            %get3A_474 = vector.shape_cast %get3A_473 : vector<1x16xf32> to vector<16xf32>
            %mul3A_475 = arith.mulf %broadcast_in_dim3A_470, %get3A_474 : vector<16xf32>
            %add3A_476 = arith.addf %add3A_445, %mul3A_475 : vector<16xf32>
            %get3A_477 = arith.index_cast %add3A_467 : i32 to index
            %get3A_478 = arith.constant 16 : index
            %get3A_479 = tpu.vector_load %arg20[%get3A_477, %get3A_478] {strides = array<i32>} : memref<256x64xf32, #tpu.memory_space<vmem>>, vector<1x16xf32>,
            %get3A_480 = vector.shape_cast %get3A_479 : vector<1x16xf32> to vector<16xf32>
            %mul3A_481 = arith.mulf %broadcast_in_dim3A_470, %get3A_480 : vector<16xf32>
            %add3A_482 = arith.addf %add3A_451, %mul3A_481 : vector<16xf32>
            %get3A_483 = arith.index_cast %add3A_467 : i32 to index
            %get3A_484 = arith.constant 32 : index
            %get3A_485 = tpu.vector_load %arg20[%get3A_483, %get3A_484] {strides = array<i32>} : memref<256x64xf32, #tpu.memory_space<vmem>>, vector<1x16xf32>,
            %get3A_486 = vector.shape_cast %get3A_485 : vector<1x16xf32> to vector<16xf32>
            %mul3A_487 = arith.mulf %broadcast_in_dim3A_470, %get3A_486 : vector<16xf32>
            %add3A_488 = arith.addf %add3A_457, %mul3A_487 : vector<16xf32>
            %get3A_489 = arith.index_cast %add3A_467 : i32 to index
            %get3A_490 = arith.constant 48 : index
            %get3A_491 = tpu.vector_load %arg20[%get3A_489, %get3A_490] {strides = array<i32>} : memref<256x64xf32, #tpu.memory_space<vmem>>, vector<1x16xf32>,
            %get3A_492 = vector.shape_cast %get3A_491 : vector<1x16xf32> to vector<16xf32>
            %mul3A_493 = arith.mulf %broadcast_in_dim3A_470, %get3A_492 : vector<16xf32>
            %add3A_494 = arith.addf %add3A_463, %mul3A_493 : vector<16xf32>
            %mul3A_495 = arith.constant 16 : i32
            %mul3A_496 = arith.muli %scan3A_295, %mul3A_495 : i32
            %add3A_497 = arith.constant 6 : i32
            %add3A_498 = arith.addi %mul3A_496, %add3A_497 : i32
            %slice3A_499 = vector.extract_strided_slice %get3A_303 {offsets = [6], sizes = [1], strides = [1]} : vector<16xf32> to vector<1xf32>
            %squeeze3A_500 = vector.extract %slice3A_499[0] : f32 from vector<1xf32>
            %broadcast_in_dim3A_501 = vector.broadcast %squeeze3A_500 : f32 to vector<16xf32>
            %get3A_502 = arith.index_cast %add3A_498 : i32 to index
            %get3A_503 = arith.constant 0 : index
            %get3A_504 = tpu.vector_load %arg20[%get3A_502, %get3A_503] {strides = array<i32>} : memref<256x64xf32, #tpu.memory_space<vmem>>, vector<1x16xf32>,
            %get3A_505 = vector.shape_cast %get3A_504 : vector<1x16xf32> to vector<16xf32>
            %mul3A_506 = arith.mulf %broadcast_in_dim3A_501, %get3A_505 : vector<16xf32>
            %add3A_507 = arith.addf %add3A_476, %mul3A_506 : vector<16xf32>
            %get3A_508 = arith.index_cast %add3A_498 : i32 to index
            %get3A_509 = arith.constant 16 : index
            %get3A_510 = tpu.vector_load %arg20[%get3A_508, %get3A_509] {strides = array<i32>} : memref<256x64xf32, #tpu.memory_space<vmem>>, vector<1x16xf32>,
            %get3A_511 = vector.shape_cast %get3A_510 : vector<1x16xf32> to vector<16xf32>
            %mul3A_512 = arith.mulf %broadcast_in_dim3A_501, %get3A_511 : vector<16xf32>
            %add3A_513 = arith.addf %add3A_482, %mul3A_512 : vector<16xf32>
            %get3A_514 = arith.index_cast %add3A_498 : i32 to index
            %get3A_515 = arith.constant 32 : index
            %get3A_516 = tpu.vector_load %arg20[%get3A_514, %get3A_515] {strides = array<i32>} : memref<256x64xf32, #tpu.memory_space<vmem>>, vector<1x16xf32>,
            %get3A_517 = vector.shape_cast %get3A_516 : vector<1x16xf32> to vector<16xf32>
            %mul3A_518 = arith.mulf %broadcast_in_dim3A_501, %get3A_517 : vector<16xf32>
            %add3A_519 = arith.addf %add3A_488, %mul3A_518 : vector<16xf32>
            %get3A_520 = arith.index_cast %add3A_498 : i32 to index
            %get3A_521 = arith.constant 48 : index
            %get3A_522 = tpu.vector_load %arg20[%get3A_520, %get3A_521] {strides = array<i32>} : memref<256x64xf32, #tpu.memory_space<vmem>>, vector<1x16xf32>,
            %get3A_523 = vector.shape_cast %get3A_522 : vector<1x16xf32> to vector<16xf32>
            %mul3A_524 = arith.mulf %broadcast_in_dim3A_501, %get3A_523 : vector<16xf32>
            %add3A_525 = arith.addf %add3A_494, %mul3A_524 : vector<16xf32>
            %mul3A_526 = arith.constant 16 : i32
            %mul3A_527 = arith.muli %scan3A_295, %mul3A_526 : i32
            %add3A_528 = arith.constant 7 : i32
            %add3A_529 = arith.addi %mul3A_527, %add3A_528 : i32
            %slice3A_530 = vector.extract_strided_slice %get3A_303 {offsets = [7], sizes = [1], strides = [1]} : vector<16xf32> to vector<1xf32>
            %squeeze3A_531 = vector.extract %slice3A_530[0] : f32 from vector<1xf32>
            %broadcast_in_dim3A_532 = vector.broadcast %squeeze3A_531 : f32 to vector<16xf32>
            %get3A_533 = arith.index_cast %add3A_529 : i32 to index
            %get3A_534 = arith.constant 0 : index
            %get3A_535 = tpu.vector_load %arg20[%get3A_533, %get3A_534] {strides = array<i32>} : memref<256x64xf32, #tpu.memory_space<vmem>>, vector<1x16xf32>,
            %get3A_536 = vector.shape_cast %get3A_535 : vector<1x16xf32> to vector<16xf32>
            %mul3A_537 = arith.mulf %broadcast_in_dim3A_532, %get3A_536 : vector<16xf32>
            %add3A_538 = arith.addf %add3A_507, %mul3A_537 : vector<16xf32>
            %get3A_539 = arith.index_cast %add3A_529 : i32 to index
            %get3A_540 = arith.constant 16 : index
            %get3A_541 = tpu.vector_load %arg20[%get3A_539, %get3A_540] {strides = array<i32>} : memref<256x64xf32, #tpu.memory_space<vmem>>, vector<1x16xf32>,
            %get3A_542 = vector.shape_cast %get3A_541 : vector<1x16xf32> to vector<16xf32>
            %mul3A_543 = arith.mulf %broadcast_in_dim3A_532, %get3A_542 : vector<16xf32>
            %add3A_544 = arith.addf %add3A_513, %mul3A_543 : vector<16xf32>
            %get3A_545 = arith.index_cast %add3A_529 : i32 to index
            %get3A_546 = arith.constant 32 : index
            %get3A_547 = tpu.vector_load %arg20[%get3A_545, %get3A_546] {strides = array<i32>} : memref<256x64xf32, #tpu.memory_space<vmem>>, vector<1x16xf32>,
            %get3A_548 = vector.shape_cast %get3A_547 : vector<1x16xf32> to vector<16xf32>
            %mul3A_549 = arith.mulf %broadcast_in_dim3A_532, %get3A_548 : vector<16xf32>
            %add3A_550 = arith.addf %add3A_519, %mul3A_549 : vector<16xf32>
            %get3A_551 = arith.index_cast %add3A_529 : i32 to index
            %get3A_552 = arith.constant 48 : index
            %get3A_553 = tpu.vector_load %arg20[%get3A_551, %get3A_552] {strides = array<i32>} : memref<256x64xf32, #tpu.memory_space<vmem>>, vector<1x16xf32>,
            %get3A_554 = vector.shape_cast %get3A_553 : vector<1x16xf32> to vector<16xf32>
            %mul3A_555 = arith.mulf %broadcast_in_dim3A_532, %get3A_554 : vector<16xf32>
            %add3A_556 = arith.addf %add3A_525, %mul3A_555 : vector<16xf32>
            %mul3A_557 = arith.constant 16 : i32
            %mul3A_558 = arith.muli %scan3A_295, %mul3A_557 : i32
            %add3A_559 = arith.constant 8 : i32
            %add3A_560 = arith.addi %mul3A_558, %add3A_559 : i32
            %slice3A_561 = vector.extract_strided_slice %get3A_303 {offsets = [8], sizes = [1], strides = [1]} : vector<16xf32> to vector<1xf32>
            %squeeze3A_562 = vector.extract %slice3A_561[0] : f32 from vector<1xf32>
            %broadcast_in_dim3A_563 = vector.broadcast %squeeze3A_562 : f32 to vector<16xf32>
            %get3A_564 = arith.index_cast %add3A_560 : i32 to index
            %get3A_565 = arith.constant 0 : index
            %get3A_566 = tpu.vector_load %arg20[%get3A_564, %get3A_565] {strides = array<i32>} : memref<256x64xf32, #tpu.memory_space<vmem>>, vector<1x16xf32>,
            %get3A_567 = vector.shape_cast %get3A_566 : vector<1x16xf32> to vector<16xf32>
            %mul3A_568 = arith.mulf %broadcast_in_dim3A_563, %get3A_567 : vector<16xf32>
            %add3A_569 = arith.addf %add3A_538, %mul3A_568 : vector<16xf32>
            %get3A_570 = arith.index_cast %add3A_560 : i32 to index
            %get3A_571 = arith.constant 16 : index
            %get3A_572 = tpu.vector_load %arg20[%get3A_570, %get3A_571] {strides = array<i32>} : memref<256x64xf32, #tpu.memory_space<vmem>>, vector<1x16xf32>,
            %get3A_573 = vector.shape_cast %get3A_572 : vector<1x16xf32> to vector<16xf32>
            %mul3A_574 = arith.mulf %broadcast_in_dim3A_563, %get3A_573 : vector<16xf32>
            %add3A_575 = arith.addf %add3A_544, %mul3A_574 : vector<16xf32>
            %get3A_576 = arith.index_cast %add3A_560 : i32 to index
            %get3A_577 = arith.constant 32 : index
            %get3A_578 = tpu.vector_load %arg20[%get3A_576, %get3A_577] {strides = array<i32>} : memref<256x64xf32, #tpu.memory_space<vmem>>, vector<1x16xf32>,
            %get3A_579 = vector.shape_cast %get3A_578 : vector<1x16xf32> to vector<16xf32>
            %mul3A_580 = arith.mulf %broadcast_in_dim3A_563, %get3A_579 : vector<16xf32>
            %add3A_581 = arith.addf %add3A_550, %mul3A_580 : vector<16xf32>
            %get3A_582 = arith.index_cast %add3A_560 : i32 to index
            %get3A_583 = arith.constant 48 : index
            %get3A_584 = tpu.vector_load %arg20[%get3A_582, %get3A_583] {strides = array<i32>} : memref<256x64xf32, #tpu.memory_space<vmem>>, vector<1x16xf32>,
            %get3A_585 = vector.shape_cast %get3A_584 : vector<1x16xf32> to vector<16xf32>
            %mul3A_586 = arith.mulf %broadcast_in_dim3A_563, %get3A_585 : vector<16xf32>
            %add3A_587 = arith.addf %add3A_556, %mul3A_586 : vector<16xf32>
            %mul3A_588 = arith.constant 16 : i32
            %mul3A_589 = arith.muli %scan3A_295, %mul3A_588 : i32
            %add3A_590 = arith.constant 9 : i32
            %add3A_591 = arith.addi %mul3A_589, %add3A_590 : i32
            %slice3A_592 = vector.extract_strided_slice %get3A_303 {offsets = [9], sizes = [1], strides = [1]} : vector<16xf32> to vector<1xf32>
            %squeeze3A_593 = vector.extract %slice3A_592[0] : f32 from vector<1xf32>
            %broadcast_in_dim3A_594 = vector.broadcast %squeeze3A_593 : f32 to vector<16xf32>
            %get3A_595 = arith.index_cast %add3A_591 : i32 to index
            %get3A_596 = arith.constant 0 : index
            %get3A_597 = tpu.vector_load %arg20[%get3A_595, %get3A_596] {strides = array<i32>} : memref<256x64xf32, #tpu.memory_space<vmem>>, vector<1x16xf32>,
            %get3A_598 = vector.shape_cast %get3A_597 : vector<1x16xf32> to vector<16xf32>
            %mul3A_599 = arith.mulf %broadcast_in_dim3A_594, %get3A_598 : vector<16xf32>
            %add3A_600 = arith.addf %add3A_569, %mul3A_599 : vector<16xf32>
            %get3A_601 = arith.index_cast %add3A_591 : i32 to index
            %get3A_602 = arith.constant 16 : index
            %get3A_603 = tpu.vector_load %arg20[%get3A_601, %get3A_602] {strides = array<i32>} : memref<256x64xf32, #tpu.memory_space<vmem>>, vector<1x16xf32>,
            %get3A_604 = vector.shape_cast %get3A_603 : vector<1x16xf32> to vector<16xf32>
            %mul3A_605 = arith.mulf %broadcast_in_dim3A_594, %get3A_604 : vector<16xf32>
            %add3A_606 = arith.addf %add3A_575, %mul3A_605 : vector<16xf32>
            %get3A_607 = arith.index_cast %add3A_591 : i32 to index
            %get3A_608 = arith.constant 32 : index
            %get3A_609 = tpu.vector_load %arg20[%get3A_607, %get3A_608] {strides = array<i32>} : memref<256x64xf32, #tpu.memory_space<vmem>>, vector<1x16xf32>,
            %get3A_610 = vector.shape_cast %get3A_609 : vector<1x16xf32> to vector<16xf32>
            %mul3A_611 = arith.mulf %broadcast_in_dim3A_594, %get3A_610 : vector<16xf32>
            %add3A_612 = arith.addf %add3A_581, %mul3A_611 : vector<16xf32>
            %get3A_613 = arith.index_cast %add3A_591 : i32 to index
            %get3A_614 = arith.constant 48 : index
            %get3A_615 = tpu.vector_load %arg20[%get3A_613, %get3A_614] {strides = array<i32>} : memref<256x64xf32, #tpu.memory_space<vmem>>, vector<1x16xf32>,
            %get3A_616 = vector.shape_cast %get3A_615 : vector<1x16xf32> to vector<16xf32>
            %mul3A_617 = arith.mulf %broadcast_in_dim3A_594, %get3A_616 : vector<16xf32>
            %add3A_618 = arith.addf %add3A_587, %mul3A_617 : vector<16xf32>
            %mul3A_619 = arith.constant 16 : i32
            %mul3A_620 = arith.muli %scan3A_295, %mul3A_619 : i32
            %add3A_621 = arith.constant 10 : i32
            %add3A_622 = arith.addi %mul3A_620, %add3A_621 : i32
            %slice3A_623 = vector.extract_strided_slice %get3A_303 {offsets = [10], sizes = [1], strides = [1]} : vector<16xf32> to vector<1xf32>
            %squeeze3A_624 = vector.extract %slice3A_623[0] : f32 from vector<1xf32>
            %broadcast_in_dim3A_625 = vector.broadcast %squeeze3A_624 : f32 to vector<16xf32>
            %get3A_626 = arith.index_cast %add3A_622 : i32 to index
            %get3A_627 = arith.constant 0 : index
            %get3A_628 = tpu.vector_load %arg20[%get3A_626, %get3A_627] {strides = array<i32>} : memref<256x64xf32, #tpu.memory_space<vmem>>, vector<1x16xf32>,
            %get3A_629 = vector.shape_cast %get3A_628 : vector<1x16xf32> to vector<16xf32>
            %mul3A_630 = arith.mulf %broadcast_in_dim3A_625, %get3A_629 : vector<16xf32>
            %add3A_631 = arith.addf %add3A_600, %mul3A_630 : vector<16xf32>
            %get3A_632 = arith.index_cast %add3A_622 : i32 to index
            %get3A_633 = arith.constant 16 : index
            %get3A_634 = tpu.vector_load %arg20[%get3A_632, %get3A_633] {strides = array<i32>} : memref<256x64xf32, #tpu.memory_space<vmem>>, vector<1x16xf32>,
            %get3A_635 = vector.shape_cast %get3A_634 : vector<1x16xf32> to vector<16xf32>
            %mul3A_636 = arith.mulf %broadcast_in_dim3A_625, %get3A_635 : vector<16xf32>
            %add3A_637 = arith.addf %add3A_606, %mul3A_636 : vector<16xf32>
            %get3A_638 = arith.index_cast %add3A_622 : i32 to index
            %get3A_639 = arith.constant 32 : index
            %get3A_640 = tpu.vector_load %arg20[%get3A_638, %get3A_639] {strides = array<i32>} : memref<256x64xf32, #tpu.memory_space<vmem>>, vector<1x16xf32>,
            %get3A_641 = vector.shape_cast %get3A_640 : vector<1x16xf32> to vector<16xf32>
            %mul3A_642 = arith.mulf %broadcast_in_dim3A_625, %get3A_641 : vector<16xf32>
            %add3A_643 = arith.addf %add3A_612, %mul3A_642 : vector<16xf32>
            %get3A_644 = arith.index_cast %add3A_622 : i32 to index
            %get3A_645 = arith.constant 48 : index
            %get3A_646 = tpu.vector_load %arg20[%get3A_644, %get3A_645] {strides = array<i32>} : memref<256x64xf32, #tpu.memory_space<vmem>>, vector<1x16xf32>,
            %get3A_647 = vector.shape_cast %get3A_646 : vector<1x16xf32> to vector<16xf32>
            %mul3A_648 = arith.mulf %broadcast_in_dim3A_625, %get3A_647 : vector<16xf32>
            %add3A_649 = arith.addf %add3A_618, %mul3A_648 : vector<16xf32>
            %mul3A_650 = arith.constant 16 : i32
            %mul3A_651 = arith.muli %scan3A_295, %mul3A_650 : i32
            %add3A_652 = arith.constant 11 : i32
            %add3A_653 = arith.addi %mul3A_651, %add3A_652 : i32
            %slice3A_654 = vector.extract_strided_slice %get3A_303 {offsets = [11], sizes = [1], strides = [1]} : vector<16xf32> to vector<1xf32>
            %squeeze3A_655 = vector.extract %slice3A_654[0] : f32 from vector<1xf32>
            %broadcast_in_dim3A_656 = vector.broadcast %squeeze3A_655 : f32 to vector<16xf32>
            %get3A_657 = arith.index_cast %add3A_653 : i32 to index
            %get3A_658 = arith.constant 0 : index
            %get3A_659 = tpu.vector_load %arg20[%get3A_657, %get3A_658] {strides = array<i32>} : memref<256x64xf32, #tpu.memory_space<vmem>>, vector<1x16xf32>,
            %get3A_660 = vector.shape_cast %get3A_659 : vector<1x16xf32> to vector<16xf32>
            %mul3A_661 = arith.mulf %broadcast_in_dim3A_656, %get3A_660 : vector<16xf32>
            %add3A_662 = arith.addf %add3A_631, %mul3A_661 : vector<16xf32>
            %get3A_663 = arith.index_cast %add3A_653 : i32 to index
            %get3A_664 = arith.constant 16 : index
            %get3A_665 = tpu.vector_load %arg20[%get3A_663, %get3A_664] {strides = array<i32>} : memref<256x64xf32, #tpu.memory_space<vmem>>, vector<1x16xf32>,
            %get3A_666 = vector.shape_cast %get3A_665 : vector<1x16xf32> to vector<16xf32>
            %mul3A_667 = arith.mulf %broadcast_in_dim3A_656, %get3A_666 : vector<16xf32>
            %add3A_668 = arith.addf %add3A_637, %mul3A_667 : vector<16xf32>
            %get3A_669 = arith.index_cast %add3A_653 : i32 to index
            %get3A_670 = arith.constant 32 : index
            %get3A_671 = tpu.vector_load %arg20[%get3A_669, %get3A_670] {strides = array<i32>} : memref<256x64xf32, #tpu.memory_space<vmem>>, vector<1x16xf32>,
            %get3A_672 = vector.shape_cast %get3A_671 : vector<1x16xf32> to vector<16xf32>
            %mul3A_673 = arith.mulf %broadcast_in_dim3A_656, %get3A_672 : vector<16xf32>
            %add3A_674 = arith.addf %add3A_643, %mul3A_673 : vector<16xf32>
            %get3A_675 = arith.index_cast %add3A_653 : i32 to index
            %get3A_676 = arith.constant 48 : index
            %get3A_677 = tpu.vector_load %arg20[%get3A_675, %get3A_676] {strides = array<i32>} : memref<256x64xf32, #tpu.memory_space<vmem>>, vector<1x16xf32>,
            %get3A_678 = vector.shape_cast %get3A_677 : vector<1x16xf32> to vector<16xf32>
            %mul3A_679 = arith.mulf %broadcast_in_dim3A_656, %get3A_678 : vector<16xf32>
            %add3A_680 = arith.addf %add3A_649, %mul3A_679 : vector<16xf32>
            %mul3A_681 = arith.constant 16 : i32
            %mul3A_682 = arith.muli %scan3A_295, %mul3A_681 : i32
            %add3A_683 = arith.constant 12 : i32
            %add3A_684 = arith.addi %mul3A_682, %add3A_683 : i32
            %slice3A_685 = vector.extract_strided_slice %get3A_303 {offsets = [12], sizes = [1], strides = [1]} : vector<16xf32> to vector<1xf32>
            %squeeze3A_686 = vector.extract %slice3A_685[0] : f32 from vector<1xf32>
            %broadcast_in_dim3A_687 = vector.broadcast %squeeze3A_686 : f32 to vector<16xf32>
            %get3A_688 = arith.index_cast %add3A_684 : i32 to index
            %get3A_689 = arith.constant 0 : index
            %get3A_690 = tpu.vector_load %arg20[%get3A_688, %get3A_689] {strides = array<i32>} : memref<256x64xf32, #tpu.memory_space<vmem>>, vector<1x16xf32>,
            %get3A_691 = vector.shape_cast %get3A_690 : vector<1x16xf32> to vector<16xf32>
            %mul3A_692 = arith.mulf %broadcast_in_dim3A_687, %get3A_691 : vector<16xf32>
            %add3A_693 = arith.addf %add3A_662, %mul3A_692 : vector<16xf32>
            %get3A_694 = arith.index_cast %add3A_684 : i32 to index
            %get3A_695 = arith.constant 16 : index
            %get3A_696 = tpu.vector_load %arg20[%get3A_694, %get3A_695] {strides = array<i32>} : memref<256x64xf32, #tpu.memory_space<vmem>>, vector<1x16xf32>,
            %get3A_697 = vector.shape_cast %get3A_696 : vector<1x16xf32> to vector<16xf32>
            %mul3A_698 = arith.mulf %broadcast_in_dim3A_687, %get3A_697 : vector<16xf32>
            %add3A_699 = arith.addf %add3A_668, %mul3A_698 : vector<16xf32>
            %get3A_700 = arith.index_cast %add3A_684 : i32 to index
            %get3A_701 = arith.constant 32 : index
            %get3A_702 = tpu.vector_load %arg20[%get3A_700, %get3A_701] {strides = array<i32>} : memref<256x64xf32, #tpu.memory_space<vmem>>, vector<1x16xf32>,
            %get3A_703 = vector.shape_cast %get3A_702 : vector<1x16xf32> to vector<16xf32>
            %mul3A_704 = arith.mulf %broadcast_in_dim3A_687, %get3A_703 : vector<16xf32>
            %add3A_705 = arith.addf %add3A_674, %mul3A_704 : vector<16xf32>
            %get3A_706 = arith.index_cast %add3A_684 : i32 to index
            %get3A_707 = arith.constant 48 : index
            %get3A_708 = tpu.vector_load %arg20[%get3A_706, %get3A_707] {strides = array<i32>} : memref<256x64xf32, #tpu.memory_space<vmem>>, vector<1x16xf32>,
            %get3A_709 = vector.shape_cast %get3A_708 : vector<1x16xf32> to vector<16xf32>
            %mul3A_710 = arith.mulf %broadcast_in_dim3A_687, %get3A_709 : vector<16xf32>
            %add3A_711 = arith.addf %add3A_680, %mul3A_710 : vector<16xf32>
            %mul3A_712 = arith.constant 16 : i32
            %mul3A_713 = arith.muli %scan3A_295, %mul3A_712 : i32
            %add3A_714 = arith.constant 13 : i32
            %add3A_715 = arith.addi %mul3A_713, %add3A_714 : i32
            %slice3A_716 = vector.extract_strided_slice %get3A_303 {offsets = [13], sizes = [1], strides = [1]} : vector<16xf32> to vector<1xf32>
            %squeeze3A_717 = vector.extract %slice3A_716[0] : f32 from vector<1xf32>
            %broadcast_in_dim3A_718 = vector.broadcast %squeeze3A_717 : f32 to vector<16xf32>
            %get3A_719 = arith.index_cast %add3A_715 : i32 to index
            %get3A_720 = arith.constant 0 : index
            %get3A_721 = tpu.vector_load %arg20[%get3A_719, %get3A_720] {strides = array<i32>} : memref<256x64xf32, #tpu.memory_space<vmem>>, vector<1x16xf32>,
            %get3A_722 = vector.shape_cast %get3A_721 : vector<1x16xf32> to vector<16xf32>
            %mul3A_723 = arith.mulf %broadcast_in_dim3A_718, %get3A_722 : vector<16xf32>
            %add3A_724 = arith.addf %add3A_693, %mul3A_723 : vector<16xf32>
            %get3A_725 = arith.index_cast %add3A_715 : i32 to index
            %get3A_726 = arith.constant 16 : index
            %get3A_727 = tpu.vector_load %arg20[%get3A_725, %get3A_726] {strides = array<i32>} : memref<256x64xf32, #tpu.memory_space<vmem>>, vector<1x16xf32>,
            %get3A_728 = vector.shape_cast %get3A_727 : vector<1x16xf32> to vector<16xf32>
            %mul3A_729 = arith.mulf %broadcast_in_dim3A_718, %get3A_728 : vector<16xf32>
            %add3A_730 = arith.addf %add3A_699, %mul3A_729 : vector<16xf32>
            %get3A_731 = arith.index_cast %add3A_715 : i32 to index
            %get3A_732 = arith.constant 32 : index
            %get3A_733 = tpu.vector_load %arg20[%get3A_731, %get3A_732] {strides = array<i32>} : memref<256x64xf32, #tpu.memory_space<vmem>>, vector<1x16xf32>,
            %get3A_734 = vector.shape_cast %get3A_733 : vector<1x16xf32> to vector<16xf32>
            %mul3A_735 = arith.mulf %broadcast_in_dim3A_718, %get3A_734 : vector<16xf32>
            %add3A_736 = arith.addf %add3A_705, %mul3A_735 : vector<16xf32>
            %get3A_737 = arith.index_cast %add3A_715 : i32 to index
            %get3A_738 = arith.constant 48 : index
            %get3A_739 = tpu.vector_load %arg20[%get3A_737, %get3A_738] {strides = array<i32>} : memref<256x64xf32, #tpu.memory_space<vmem>>, vector<1x16xf32>,
            %get3A_740 = vector.shape_cast %get3A_739 : vector<1x16xf32> to vector<16xf32>
            %mul3A_741 = arith.mulf %broadcast_in_dim3A_718, %get3A_740 : vector<16xf32>
            %add3A_742 = arith.addf %add3A_711, %mul3A_741 : vector<16xf32>
            %mul3A_743 = arith.constant 16 : i32
            %mul3A_744 = arith.muli %scan3A_295, %mul3A_743 : i32
            %add3A_745 = arith.constant 14 : i32
            %add3A_746 = arith.addi %mul3A_744, %add3A_745 : i32
            %slice3A_747 = vector.extract_strided_slice %get3A_303 {offsets = [14], sizes = [1], strides = [1]} : vector<16xf32> to vector<1xf32>
            %squeeze3A_748 = vector.extract %slice3A_747[0] : f32 from vector<1xf32>
            %broadcast_in_dim3A_749 = vector.broadcast %squeeze3A_748 : f32 to vector<16xf32>
            %get3A_750 = arith.index_cast %add3A_746 : i32 to index
            %get3A_751 = arith.constant 0 : index
            %get3A_752 = tpu.vector_load %arg20[%get3A_750, %get3A_751] {strides = array<i32>} : memref<256x64xf32, #tpu.memory_space<vmem>>, vector<1x16xf32>,
            %get3A_753 = vector.shape_cast %get3A_752 : vector<1x16xf32> to vector<16xf32>
            %mul3A_754 = arith.mulf %broadcast_in_dim3A_749, %get3A_753 : vector<16xf32>
            %add3A_755 = arith.addf %add3A_724, %mul3A_754 : vector<16xf32>
            %get3A_756 = arith.index_cast %add3A_746 : i32 to index
            %get3A_757 = arith.constant 16 : index
            %get3A_758 = tpu.vector_load %arg20[%get3A_756, %get3A_757] {strides = array<i32>} : memref<256x64xf32, #tpu.memory_space<vmem>>, vector<1x16xf32>,
            %get3A_759 = vector.shape_cast %get3A_758 : vector<1x16xf32> to vector<16xf32>
            %mul3A_760 = arith.mulf %broadcast_in_dim3A_749, %get3A_759 : vector<16xf32>
            %add3A_761 = arith.addf %add3A_730, %mul3A_760 : vector<16xf32>
            %get3A_762 = arith.index_cast %add3A_746 : i32 to index
            %get3A_763 = arith.constant 32 : index
            %get3A_764 = tpu.vector_load %arg20[%get3A_762, %get3A_763] {strides = array<i32>} : memref<256x64xf32, #tpu.memory_space<vmem>>, vector<1x16xf32>,
            %get3A_765 = vector.shape_cast %get3A_764 : vector<1x16xf32> to vector<16xf32>
            %mul3A_766 = arith.mulf %broadcast_in_dim3A_749, %get3A_765 : vector<16xf32>
            %add3A_767 = arith.addf %add3A_736, %mul3A_766 : vector<16xf32>
            %get3A_768 = arith.index_cast %add3A_746 : i32 to index
            %get3A_769 = arith.constant 48 : index
            %get3A_770 = tpu.vector_load %arg20[%get3A_768, %get3A_769] {strides = array<i32>} : memref<256x64xf32, #tpu.memory_space<vmem>>, vector<1x16xf32>,
            %get3A_771 = vector.shape_cast %get3A_770 : vector<1x16xf32> to vector<16xf32>
            %mul3A_772 = arith.mulf %broadcast_in_dim3A_749, %get3A_771 : vector<16xf32>
            %add3A_773 = arith.addf %add3A_742, %mul3A_772 : vector<16xf32>
            %mul3A_774 = arith.constant 16 : i32
            %mul3A_775 = arith.muli %scan3A_295, %mul3A_774 : i32
            %add3A_776 = arith.constant 15 : i32
            %add3A_777 = arith.addi %mul3A_775, %add3A_776 : i32
            %slice3A_778 = vector.extract_strided_slice %get3A_303 {offsets = [15], sizes = [1], strides = [1]} : vector<16xf32> to vector<1xf32>
            %squeeze3A_779 = vector.extract %slice3A_778[0] : f32 from vector<1xf32>
            %broadcast_in_dim3A_780 = vector.broadcast %squeeze3A_779 : f32 to vector<16xf32>
            %get3A_781 = arith.index_cast %add3A_777 : i32 to index
            %get3A_782 = arith.constant 0 : index
            %get3A_783 = tpu.vector_load %arg20[%get3A_781, %get3A_782] {strides = array<i32>} : memref<256x64xf32, #tpu.memory_space<vmem>>, vector<1x16xf32>,
            %get3A_784 = vector.shape_cast %get3A_783 : vector<1x16xf32> to vector<16xf32>
            %mul3A_785 = arith.mulf %broadcast_in_dim3A_780, %get3A_784 : vector<16xf32>
            %add3A_786 = arith.addf %add3A_755, %mul3A_785 : vector<16xf32>
            %get3A_787 = arith.index_cast %add3A_777 : i32 to index
            %get3A_788 = arith.constant 16 : index
            %get3A_789 = tpu.vector_load %arg20[%get3A_787, %get3A_788] {strides = array<i32>} : memref<256x64xf32, #tpu.memory_space<vmem>>, vector<1x16xf32>,
            %get3A_790 = vector.shape_cast %get3A_789 : vector<1x16xf32> to vector<16xf32>
            %mul3A_791 = arith.mulf %broadcast_in_dim3A_780, %get3A_790 : vector<16xf32>
            %add3A_792 = arith.addf %add3A_761, %mul3A_791 : vector<16xf32>
            %get3A_793 = arith.index_cast %add3A_777 : i32 to index
            %get3A_794 = arith.constant 32 : index
            %get3A_795 = tpu.vector_load %arg20[%get3A_793, %get3A_794] {strides = array<i32>} : memref<256x64xf32, #tpu.memory_space<vmem>>, vector<1x16xf32>,
            %get3A_796 = vector.shape_cast %get3A_795 : vector<1x16xf32> to vector<16xf32>
            %mul3A_797 = arith.mulf %broadcast_in_dim3A_780, %get3A_796 : vector<16xf32>
            %add3A_798 = arith.addf %add3A_767, %mul3A_797 : vector<16xf32>
            %get3A_799 = arith.index_cast %add3A_777 : i32 to index
            %get3A_800 = arith.constant 48 : index
            %get3A_801 = tpu.vector_load %arg20[%get3A_799, %get3A_800] {strides = array<i32>} : memref<256x64xf32, #tpu.memory_space<vmem>>, vector<1x16xf32>,
            %get3A_802 = vector.shape_cast %get3A_801 : vector<1x16xf32> to vector<16xf32>
            %mul3A_803 = arith.mulf %broadcast_in_dim3A_780, %get3A_802 : vector<16xf32>
            %add3A_804 = arith.addf %add3A_773, %mul3A_803 : vector<16xf32>
            %mul3A_805 = arith.constant 2.000000e+00 : f32
            %mul3A_806 = vector.broadcast %mul3A_805 : f32 to vector<16xf32>
            %mul3A_807 = arith.mulf %mul3A_806, %add3A_786 : vector<16xf32>
            %mul3A_808 = arith.mulf %mul3A_807, %get3A_298 : vector<16xf32>
            %get3A_809 = arith.index_cast %scan3A_295 : i32 to index
            %get3A_810 = arith.constant 0 : index
            %get3A_811 = tpu.vector_load %arg24[%get3A_809, %get3A_810] {strides = array<i32>} : memref<16x64xf32, #tpu.memory_space<vmem>>, vector<1x16xf32>,
            %get3A_812 = vector.shape_cast %get3A_811 : vector<1x16xf32> to vector<16xf32>
            %lt3A_813 = arith.cmpf olt, %mul3A_808, %get3A_812 : vector<16xf32>
            %jit3A = arith.constant 1.000000e+00 : f32
            %jit3A_814 = arith.constant -1.000000e+00 : f32
            %broadcast_in_dim3A_815 = vector.broadcast %jit3A : f32 to vector<16xf32>
            %broadcast_in_dim3A_816 = vector.broadcast %jit3A_814 : f32 to vector<16xf32>
            %select_n3A = arith.select %lt3A_813, %broadcast_in_dim3A_815, %broadcast_in_dim3A_816 : vector<16xi1>, vector<16xf32>
            %mul3A_817 = arith.constant 16 : i32
            %mul3A_818 = arith.muli %add3A_258, %mul3A_817 : i32
            %add3A_819 = arith.addi %mul3A_818, %scan3A_295 : i32
            %swap3A = arith.index_cast %add3A_819 : i32 to index
            %swap3A_820 = arith.constant 0 : index
            %swap3A_821 = tpu.vector_load %arg25[%swap3A, %swap3A_820] {strides = array<i32>} : memref<784x64xf32, #tpu.memory_space<vmem>>, vector<1x16xf32>,
            %swap3A_822 = vector.shape_cast %swap3A_821 : vector<1x16xf32> to vector<16xf32>
            %swap3A_823 = vector.shape_cast %select_n3A : vector<16xf32> to vector<1x16xf32>
            tpu.vector_store %arg25[%swap3A, %swap3A_820], %swap3A_823 {strides = array<i32>} : memref<784x64xf32, #tpu.memory_space<vmem>>, vector<1x16xf32>,
            %mul3A_824 = arith.constant 2.000000e+00 : f32
            %mul3A_825 = vector.broadcast %mul3A_824 : f32 to vector<16xf32>
            %mul3A_826 = arith.mulf %mul3A_825, %add3A_792 : vector<16xf32>
            %mul3A_827 = arith.mulf %mul3A_826, %get3A_298 : vector<16xf32>
            %get3A_828 = arith.index_cast %scan3A_295 : i32 to index
            %get3A_829 = arith.constant 16 : index
            %get3A_830 = tpu.vector_load %arg24[%get3A_828, %get3A_829] {strides = array<i32>} : memref<16x64xf32, #tpu.memory_space<vmem>>, vector<1x16xf32>,
            %get3A_831 = vector.shape_cast %get3A_830 : vector<1x16xf32> to vector<16xf32>
            %lt3A_832 = arith.cmpf olt, %mul3A_827, %get3A_831 : vector<16xf32>
            %jit3A_833 = arith.constant 1.000000e+00 : f32
            %jit3A_834 = arith.constant -1.000000e+00 : f32
            %broadcast_in_dim3A_835 = vector.broadcast %jit3A_833 : f32 to vector<16xf32>
            %broadcast_in_dim3A_836 = vector.broadcast %jit3A_834 : f32 to vector<16xf32>
            %select_n3A_837 = arith.select %lt3A_832, %broadcast_in_dim3A_835, %broadcast_in_dim3A_836 : vector<16xi1>, vector<16xf32>
            %mul3A_838 = arith.constant 16 : i32
            %mul3A_839 = arith.muli %add3A_258, %mul3A_838 : i32
            %add3A_840 = arith.addi %mul3A_839, %scan3A_295 : i32
            %swap3A_841 = arith.index_cast %add3A_840 : i32 to index
            %swap3A_842 = arith.constant 16 : index
            %swap3A_843 = tpu.vector_load %arg25[%swap3A_841, %swap3A_842] {strides = array<i32>} : memref<784x64xf32, #tpu.memory_space<vmem>>, vector<1x16xf32>,
            %swap3A_844 = vector.shape_cast %swap3A_843 : vector<1x16xf32> to vector<16xf32>
            %swap3A_845 = vector.shape_cast %select_n3A_837 : vector<16xf32> to vector<1x16xf32>
            tpu.vector_store %arg25[%swap3A_841, %swap3A_842], %swap3A_845 {strides = array<i32>} : memref<784x64xf32, #tpu.memory_space<vmem>>, vector<1x16xf32>,
            %mul3A_846 = arith.constant 2.000000e+00 : f32
            %mul3A_847 = vector.broadcast %mul3A_846 : f32 to vector<16xf32>
            %mul3A_848 = arith.mulf %mul3A_847, %add3A_798 : vector<16xf32>
            %mul3A_849 = arith.mulf %mul3A_848, %get3A_298 : vector<16xf32>
            %get3A_850 = arith.index_cast %scan3A_295 : i32 to index
            %get3A_851 = arith.constant 32 : index
            %get3A_852 = tpu.vector_load %arg24[%get3A_850, %get3A_851] {strides = array<i32>} : memref<16x64xf32, #tpu.memory_space<vmem>>, vector<1x16xf32>,
            %get3A_853 = vector.shape_cast %get3A_852 : vector<1x16xf32> to vector<16xf32>
            %lt3A_854 = arith.cmpf olt, %mul3A_849, %get3A_853 : vector<16xf32>
            %jit3A_855 = arith.constant 1.000000e+00 : f32
            %jit3A_856 = arith.constant -1.000000e+00 : f32
            %broadcast_in_dim3A_857 = vector.broadcast %jit3A_855 : f32 to vector<16xf32>
            %broadcast_in_dim3A_858 = vector.broadcast %jit3A_856 : f32 to vector<16xf32>
            %select_n3A_859 = arith.select %lt3A_854, %broadcast_in_dim3A_857, %broadcast_in_dim3A_858 : vector<16xi1>, vector<16xf32>
            %mul3A_860 = arith.constant 16 : i32
            %mul3A_861 = arith.muli %add3A_258, %mul3A_860 : i32
            %add3A_862 = arith.addi %mul3A_861, %scan3A_295 : i32
            %swap3A_863 = arith.index_cast %add3A_862 : i32 to index
            %swap3A_864 = arith.constant 32 : index
            %swap3A_865 = tpu.vector_load %arg25[%swap3A_863, %swap3A_864] {strides = array<i32>} : memref<784x64xf32, #tpu.memory_space<vmem>>, vector<1x16xf32>,
            %swap3A_866 = vector.shape_cast %swap3A_865 : vector<1x16xf32> to vector<16xf32>
            %swap3A_867 = vector.shape_cast %select_n3A_859 : vector<16xf32> to vector<1x16xf32>
            tpu.vector_store %arg25[%swap3A_863, %swap3A_864], %swap3A_867 {strides = array<i32>} : memref<784x64xf32, #tpu.memory_space<vmem>>, vector<1x16xf32>,
            %mul3A_868 = arith.constant 2.000000e+00 : f32
            %mul3A_869 = vector.broadcast %mul3A_868 : f32 to vector<16xf32>
            %mul3A_870 = arith.mulf %mul3A_869, %add3A_804 : vector<16xf32>
            %mul3A_871 = arith.mulf %mul3A_870, %get3A_298 : vector<16xf32>
            %get3A_872 = arith.index_cast %scan3A_295 : i32 to index
            %get3A_873 = arith.constant 48 : index
            %get3A_874 = tpu.vector_load %arg24[%get3A_872, %get3A_873] {strides = array<i32>} : memref<16x64xf32, #tpu.memory_space<vmem>>, vector<1x16xf32>,
            %get3A_875 = vector.shape_cast %get3A_874 : vector<1x16xf32> to vector<16xf32>
            %lt3A_876 = arith.cmpf olt, %mul3A_871, %get3A_875 : vector<16xf32>
            %jit3A_877 = arith.constant 1.000000e+00 : f32
            %jit3A_878 = arith.constant -1.000000e+00 : f32
            %broadcast_in_dim3A_879 = vector.broadcast %jit3A_877 : f32 to vector<16xf32>
            %broadcast_in_dim3A_880 = vector.broadcast %jit3A_878 : f32 to vector<16xf32>
            %select_n3A_881 = arith.select %lt3A_876, %broadcast_in_dim3A_879, %broadcast_in_dim3A_880 : vector<16xi1>, vector<16xf32>
            %mul3A_882 = arith.constant 16 : i32
            %mul3A_883 = arith.muli %add3A_258, %mul3A_882 : i32
            %add3A_884 = arith.addi %mul3A_883, %scan3A_295 : i32
            %swap3A_885 = arith.index_cast %add3A_884 : i32 to index
            %swap3A_886 = arith.constant 48 : index
            %swap3A_887 = tpu.vector_load %arg25[%swap3A_885, %swap3A_886] {strides = array<i32>} : memref<784x64xf32, #tpu.memory_space<vmem>>, vector<1x16xf32>,
            %swap3A_888 = vector.shape_cast %swap3A_887 : vector<1x16xf32> to vector<16xf32>
            %swap3A_889 = vector.shape_cast %select_n3A_881 : vector<16xf32> to vector<1x16xf32>
            tpu.vector_store %arg25[%swap3A_885, %swap3A_886], %swap3A_889 {strides = array<i32>} : memref<784x64xf32, #tpu.memory_space<vmem>>, vector<1x16xf32>,
            %scan3A_890 = arith.constant 0 : i32
            scf.yield %scan3A_890 : i32
          }
          %scan3A_280 = arith.constant 16 : i32
          %add3A_281 = arith.constant 4 : i32
          %add3A_282 = arith.addi %add3A_258, %add3A_281 : i32
          %lt3A_283 = arith.constant 49 : i32
          %lt3A_284 = arith.cmpi slt, %add3A_282, %lt3A_283 : i32
          %convert_element_type3A_285 = arith.extui %lt3A_284 : i1 to i32
          %cond3A_286 = arith.constant 0 : i32
          %cond3A_287 = arith.cmpi ne, %convert_element_type3A_285, %cond3A_286 : i32
          scf.if %cond3A_287 {
            %add3A_295 = arith.constant 4 : i32
            %add3A_296 = arith.addi %add3A_258, %add3A_295 : i32
            %add3A_297 = arith.addi %add3A_18, %add3A_296 : i32
            %mul3A_298 = arith.constant 512 : i32
            %mul3A_299 = arith.muli %add3A_297, %mul3A_298 : i32
            %mul3A_300 = arith.constant 16 : i32
            %mul3A_301 = arith.muli %add3A_297, %mul3A_300 : i32
            %mul3A_302 = arith.constant 16 : i32
            %mul3A_303 = arith.muli %add3A_297, %mul3A_302 : i32
            %dma_start3A_304 = tpu.memref_slice %arg3[%mul3A_299] : memref<3211264xi32, #tpu.memory_space<hbm>> -> memref<512xi32, #tpu.memory_space<hbm>>
            %dma_start3A_305 = tpu.memref_slice %arg3[%mul3A_299] : memref<3211264xi32, #tpu.memory_space<hbm>> -> memref<512xi32, #tpu.memory_space<hbm>>
            tpu.enqueue_dma source(%dma_start3A_305 : memref<512xi32, #tpu.memory_space<hbm>>) target(%arg12 : memref<512xi32, #tpu.memory_space<vmem>>) target_semaphore(%arg31 : memref<!tpu.dma_semaphore, #tpu.memory_space<semaphore_mem>>)
            %dma_start3A_306 = arith.constant 0 : i32
            %dma_start3A_307 = tpu.memref_slice %arg5[%mul3A_301, %dma_start3A_306] : memref<100352x64xf32, #tpu.memory_space<hbm>> -> memref<16x64xf32, #tpu.memory_space<hbm>>
            %dma_start3A_308 = arith.constant 0 : i32
            %dma_start3A_309 = tpu.memref_slice %arg5[%mul3A_301, %dma_start3A_308] : memref<100352x64xf32, #tpu.memory_space<hbm>> -> memref<16x64xf32, #tpu.memory_space<hbm>>
            tpu.enqueue_dma source(%dma_start3A_309 : memref<16x64xf32, #tpu.memory_space<hbm>>) target(%arg24 : memref<16x64xf32, #tpu.memory_space<vmem>>) target_semaphore(%arg31 : memref<!tpu.dma_semaphore, #tpu.memory_space<semaphore_mem>>)
            %dma_start3A_310 = arith.constant 0 : i32
            %dma_start3A_311 = tpu.memref_slice %arg26[%add3A_296, %dma_start3A_310] : memref<49x16xi32, #tpu.memory_space<vmem>> -> memref<1x16xi32, #tpu.memory_space<vmem>>
            %dma_start3A_312 = tpu.memref_squeeze %dma_start3A_311 : memref<1x16xi32, #tpu.memory_space<vmem>> -> memref<16xi32, #tpu.memory_space<vmem>>
            %dma_start3A_313 = tpu.memref_slice %arg6[%mul3A_303] : memref<100352xi32, #tpu.memory_space<hbm>> -> memref<16xi32, #tpu.memory_space<hbm>>
            %dma_start3A_314 = arith.constant 0 : i32
            %dma_start3A_315 = tpu.memref_slice %arg26[%add3A_296, %dma_start3A_314] : memref<49x16xi32, #tpu.memory_space<vmem>> -> memref<1x16xi32, #tpu.memory_space<vmem>>
            %dma_start3A_316 = tpu.memref_squeeze %dma_start3A_315 : memref<1x16xi32, #tpu.memory_space<vmem>> -> memref<16xi32, #tpu.memory_space<vmem>>
            %dma_start3A_317 = tpu.memref_slice %arg6[%mul3A_303] : memref<100352xi32, #tpu.memory_space<hbm>> -> memref<16xi32, #tpu.memory_space<hbm>>
            tpu.enqueue_dma source(%dma_start3A_317 : memref<16xi32, #tpu.memory_space<hbm>>) target(%dma_start3A_316 : memref<16xi32, #tpu.memory_space<vmem>>) target_semaphore(%arg31 : memref<!tpu.dma_semaphore, #tpu.memory_space<semaphore_mem>>)
          } else {
          }
          %add3A_288 = arith.constant 3 : i32
          %add3A_289 = arith.addi %add3A_258, %add3A_288 : i32
          %lt3A_290 = arith.constant 49 : i32
          %lt3A_291 = arith.cmpi slt, %add3A_289, %lt3A_290 : i32
          %convert_element_type3A_292 = arith.extui %lt3A_291 : i1 to i32
          %cond3A_293 = arith.constant 0 : i32
          %cond3A_294 = arith.cmpi ne, %convert_element_type3A_292, %cond3A_293 : i32
          scf.if %cond3A_294 {
            %add3A_295 = arith.constant 3 : i32
            %add3A_296 = arith.addi %add3A_258, %add3A_295 : i32
            %add3A_297 = arith.addi %add3A_18, %add3A_296 : i32
            %mul3A_298 = arith.constant 512 : i32
            %mul3A_299 = arith.muli %add3A_297, %mul3A_298 : i32
            %mul3A_300 = arith.constant 16 : i32
            %mul3A_301 = arith.muli %add3A_297, %mul3A_300 : i32
            %mul3A_302 = arith.constant 16 : i32
            %mul3A_303 = arith.muli %add3A_297, %mul3A_302 : i32
            %dma_wait3A_304 = tpu.memref_slice %arg3[%mul3A_299] : memref<3211264xi32, #tpu.memory_space<hbm>> -> memref<512xi32, #tpu.memory_space<hbm>>
            %dma_wait3A_305 = tpu.memref_slice %arg3[%mul3A_299] : memref<3211264xi32, #tpu.memory_space<hbm>> -> memref<512xi32, #tpu.memory_space<hbm>>
            tpu.wait_dma2 semaphore(%arg30 : memref<!tpu.dma_semaphore, #tpu.memory_space<semaphore_mem>>) src(%dma_wait3A_305 : memref<512xi32, #tpu.memory_space<hbm>>) dst(%arg11 : memref<512xi32, #tpu.memory_space<vmem>>)
            %dma_wait3A_306 = arith.constant 0 : i32
            %dma_wait3A_307 = tpu.memref_slice %arg5[%mul3A_301, %dma_wait3A_306] : memref<100352x64xf32, #tpu.memory_space<hbm>> -> memref<16x64xf32, #tpu.memory_space<hbm>>
            %dma_wait3A_308 = arith.constant 0 : i32
            %dma_wait3A_309 = tpu.memref_slice %arg5[%mul3A_301, %dma_wait3A_308] : memref<100352x64xf32, #tpu.memory_space<hbm>> -> memref<16x64xf32, #tpu.memory_space<hbm>>
            tpu.wait_dma2 semaphore(%arg30 : memref<!tpu.dma_semaphore, #tpu.memory_space<semaphore_mem>>) src(%dma_wait3A_309 : memref<16x64xf32, #tpu.memory_space<hbm>>) dst(%arg23 : memref<16x64xf32, #tpu.memory_space<vmem>>)
            %dma_wait3A_310 = arith.constant 0 : i32
            %dma_wait3A_311 = tpu.memref_slice %arg26[%add3A_296, %dma_wait3A_310] : memref<49x16xi32, #tpu.memory_space<vmem>> -> memref<1x16xi32, #tpu.memory_space<vmem>>
            %dma_wait3A_312 = tpu.memref_squeeze %dma_wait3A_311 : memref<1x16xi32, #tpu.memory_space<vmem>> -> memref<16xi32, #tpu.memory_space<vmem>>
            %dma_wait3A_313 = tpu.memref_slice %arg6[%mul3A_303] : memref<100352xi32, #tpu.memory_space<hbm>> -> memref<16xi32, #tpu.memory_space<hbm>>
            %dma_wait3A_314 = arith.constant 0 : i32
            %dma_wait3A_315 = tpu.memref_slice %arg26[%add3A_296, %dma_wait3A_314] : memref<49x16xi32, #tpu.memory_space<vmem>> -> memref<1x16xi32, #tpu.memory_space<vmem>>
            %dma_wait3A_316 = tpu.memref_squeeze %dma_wait3A_315 : memref<1x16xi32, #tpu.memory_space<vmem>> -> memref<16xi32, #tpu.memory_space<vmem>>
            %dma_wait3A_317 = tpu.memref_slice %arg6[%mul3A_303] : memref<100352xi32, #tpu.memory_space<hbm>> -> memref<16xi32, #tpu.memory_space<hbm>>
            tpu.wait_dma2 semaphore(%arg30 : memref<!tpu.dma_semaphore, #tpu.memory_space<semaphore_mem>>) src(%dma_wait3A_317 : memref<16xi32, #tpu.memory_space<hbm>>) dst(%dma_wait3A_316 : memref<16xi32, #tpu.memory_space<vmem>>)
            %dma_start3A_318 = arith.constant 0 : i32
            %dma_start3A_319 = tpu.memref_slice %arg11[%dma_start3A_318] : memref<512xi32, #tpu.memory_space<vmem>> -> memref<256xi32, #tpu.memory_space<vmem>>
            %dma_start3A_320 = arith.constant 0 : i32
            %dma_start3A_321 = arith.constant 0 : i32
            %dma_start3A_322 = tpu.memref_slice %arg8[%dma_start3A_320, %dma_start3A_321] : memref<100096x64xf32, #tpu.memory_space<hbm>> -> memref<100096x64xf32, #tpu.memory_space<hbm>>
            tpu.enqueue_indirect_dma source(%dma_start3A_322 : memref<100096x64xf32, #tpu.memory_space<hbm>>) target(%arg19 : memref<256x64xf32, #tpu.memory_space<vmem>>) offsets(%dma_start3A_319 : memref<256xi32, #tpu.memory_space<vmem>>) semaphore(%arg34 : memref<!tpu.dma_semaphore, #tpu.memory_space<semaphore_mem>>)
            %dma_start3A_323 = arith.constant 256 : i32
            %dma_start3A_324 = tpu.memref_slice %arg11[%dma_start3A_323] : memref<512xi32, #tpu.memory_space<vmem>> -> memref<256xi32, #tpu.memory_space<vmem>>
            %dma_start3A_325 = arith.constant 0 : i32
            %dma_start3A_326 = tpu.memref_slice %arg4[%dma_start3A_325] : memref<400000xf32, #tpu.memory_space<hbm>> -> memref<400000xf32, #tpu.memory_space<hbm>>
            tpu.enqueue_indirect_dma source(%dma_start3A_326 : memref<400000xf32, #tpu.memory_space<hbm>>) target(%arg15 : memref<256xf32, #tpu.memory_space<vmem>>) offsets(%dma_start3A_324 : memref<256xi32, #tpu.memory_space<vmem>>) semaphore(%arg34 : memref<!tpu.dma_semaphore, #tpu.memory_space<semaphore_mem>>)
          } else {
          }
        } else {
        }
        %scan3A_264 = arith.constant 0 : i32
        scf.yield %scan3A_264 : i32
      }
      %scan3A_211 = arith.constant 13 : i32
      %barrier3A_212 = arith.constant 0 : index
      tpu.barrier barrier_id(%barrier3A_212)
      %scan3A_213 = arith.constant 0 : i32
      %scan3A_214 = arith.constant 0 : i32
      %scan3A_215 = arith.constant 49 : i32
      %scan3A_216 = arith.addi %scan3A_214, %scan3A_215 : i32
      %scan3A_217 = arith.constant 1 : i32
      %scan3A_218 = scf.for %scan3A_229 = %scan3A_214 to %scan3A_216 step %scan3A_217 iter_args(%scan3A_230 = %scan3A_213) -> (i32)  : i32 {
        %mul3A_231 = arith.constant 16 : i32
        %mul3A_232 = arith.muli %scan3A_229, %mul3A_231 : i32
        %dma_start3A_233 = arith.constant 0 : i32
        %dma_start3A_234 = tpu.memref_slice %arg25[%mul3A_232, %dma_start3A_233] : memref<784x64xf32, #tpu.memory_space<vmem>> -> memref<16x64xf32, #tpu.memory_space<vmem>>
        %dma_start3A_235 = arith.constant 0 : i32
        %dma_start3A_236 = tpu.memref_slice %arg26[%scan3A_229, %dma_start3A_235] : memref<49x16xi32, #tpu.memory_space<vmem>> -> memref<1x16xi32, #tpu.memory_space<vmem>>
        %dma_start3A_237 = tpu.memref_squeeze %dma_start3A_236 : memref<1x16xi32, #tpu.memory_space<vmem>> -> memref<16xi32, #tpu.memory_space<vmem>>
        %dma_start3A_238 = arith.constant 0 : i32
        %dma_start3A_239 = arith.constant 0 : i32
        %dma_start3A_240 = tpu.memref_slice %arg8[%dma_start3A_238, %dma_start3A_239] : memref<100096x64xf32, #tpu.memory_space<hbm>> -> memref<100096x64xf32, #tpu.memory_space<hbm>>
        tpu.enqueue_indirect_dma source(%dma_start3A_234 : memref<16x64xf32, #tpu.memory_space<vmem>>) target(%dma_start3A_240 : memref<100096x64xf32, #tpu.memory_space<hbm>>) offsets(%dma_start3A_237 : memref<16xi32, #tpu.memory_space<vmem>>) semaphore(%arg36 : memref<!tpu.dma_semaphore, #tpu.memory_space<semaphore_mem>>)
        %scan3A_241 = arith.constant 0 : i32
        scf.yield %scan3A_241 : i32
      }
      %scan3A_219 = arith.constant 49 : i32
      %scan3A_220 = arith.constant 0 : i32
      %scan3A_221 = arith.constant 0 : i32
      %scan3A_222 = arith.constant 49 : i32
      %scan3A_223 = arith.addi %scan3A_221, %scan3A_222 : i32
      %scan3A_224 = arith.constant 1 : i32
      %scan3A_225 = scf.for %scan3A_229 = %scan3A_221 to %scan3A_223 step %scan3A_224 iter_args(%scan3A_230 = %scan3A_220) -> (i32)  : i32 {
        %mul3A_231 = arith.constant 16 : i32
        %mul3A_232 = arith.muli %scan3A_229, %mul3A_231 : i32
        %dma_wait3A_233 = arith.constant 0 : i32
        %dma_wait3A_234 = tpu.memref_slice %arg25[%mul3A_232, %dma_wait3A_233] : memref<784x64xf32, #tpu.memory_space<vmem>> -> memref<16x64xf32, #tpu.memory_space<vmem>>
        %dma_wait3A_235 = arith.constant 0 : i32
        %dma_wait3A_236 = tpu.memref_slice %arg26[%scan3A_229, %dma_wait3A_235] : memref<49x16xi32, #tpu.memory_space<vmem>> -> memref<1x16xi32, #tpu.memory_space<vmem>>
        %dma_wait3A_237 = tpu.memref_squeeze %dma_wait3A_236 : memref<1x16xi32, #tpu.memory_space<vmem>> -> memref<16xi32, #tpu.memory_space<vmem>>
        %dma_wait3A_238 = arith.constant 0 : i32
        %dma_wait3A_239 = arith.constant 0 : i32
        %dma_wait3A_240 = tpu.memref_slice %arg8[%dma_wait3A_238, %dma_wait3A_239] : memref<100096x64xf32, #tpu.memory_space<hbm>> -> memref<100096x64xf32, #tpu.memory_space<hbm>>
        tpu.wait_indirect_dma semaphore(%arg36 : memref<!tpu.dma_semaphore, #tpu.memory_space<semaphore_mem>>) src(%dma_wait3A_234 : memref<16x64xf32, #tpu.memory_space<vmem>>) dst(%dma_wait3A_240 : memref<100096x64xf32, #tpu.memory_space<hbm>>)
        %scan3A_241 = arith.constant 0 : i32
        scf.yield %scan3A_241 : i32
      }
      %scan3A_226 = arith.constant 49 : i32
      %barrier3A_227 = arith.constant 0 : index
      tpu.barrier barrier_id(%barrier3A_227)
      %scan3A_228 = arith.constant 0 : i32
      scf.yield %scan3A_228 : i32
    }
    %scan3A_8 = arith.constant 4 : i32
    return
  }
}

</mosaic_0001>

<sc_bundles>
// kernel: kernel.3.cloned.1.call-start
scs
__scs_entry_jumppad:
0x0: {  	(pc) =	sbr.rel $0x88, $3  }
0x1: {  	(tag) =	ssettag $0x0;
	lr =	simm.s32 $0x1  }
0x2: {  	[smem:$0x3F9B] =	sst lr;
	_ =	strace $0xD0000000  }
0x3: {  	_ = 	snop  }
0x4: {  	_ = 	snop  }
0x5: {  	_ = 	snop  }
0x6: {  	_ = 	snop  }
0x7: {  	_ = 	snop  }
__scs_overlays_trampoline_lowered:
0x8: {  	[smem:$0x3FAA] =	sst s0  }
0x9: {  	[smem:$0x3FAB] =	sst s1  }
0xa: {  	[smem:$0x3FAC] =	sst s2  }
0xb: {  	[smem:$0x3FAD] =	sst s3  }
0xc: {  	[smem:$0x3FAE] =	sst s4  }
0xd: {  	[smem:$0x3FAF] =	sst s5  }
0xe: {  	[smem:$0x3FB0] =	sst s6  }
0xf: {  	[smem:$0x3FB1] =	sst s7  }
0x10: {  	[smem:$0x3FB2] =	sst s8  }
0x11: {  	[smem:$0x3FB3] =	sst s9;
	s0 =	simm.s32 @!p0 $0x0  }
0x12: {  	s1 =	sld [smem:$0x3F99];
	s0 =	simm.s32 @p0 $0x1  }
0x13: {  	[smem:$0x3FB4] =	sst s0;
	s0 =	simm.s32 @!p1 $0x0  }
0x14: {  	s2 =	sld [smem:$0x3F98];
	s0 =	simm.s32 @p1 $0x1  }
0x15: {  	[smem:$0x3FB5] =	sst s0;
	s0 =	simm.s32 @!p2 $0x0  }
0x16: {  	s3 =	sld [smem:$0x3FDB];
	s0 =	simm.s32 @p2 $0x1  }
0x17: {  	s4 =	simm.s32 $0x1BF5;
	[smem:$0x3FB7] =	sst s0  }
0x18: {  	s0 =	sld [smem:$0x3F9A];
	_ =	swait.ge [sflag:s4], $0x0  }
0x19: {  	s7 =	sld [smem:$0x3F9B]  }
0x1a: {  	s8 =	sadd.s32 $0xFFFFE003, lr  }
0x1b: {  	s9 =	sadd.s32 $0xFFFFFEF7, lr;
	s5 =	simm.s32 $0xFFFFFFFF;
	p2 =	slt.u32 s8, $0xFFFFF086  }
0x1c: {  	p1 =	slt.u32 s9, $0xF7A;
	s5 =	simm.s32 @!p2 $0x0  }
0x1d: {  	s5 =	simm.s32 @p1 $0x1;
	p0 =	seq.s32 s7, s2  }
0x1e: {  	s7 =	smul.u32 @!p0 $0xF7A, s2;
	p2 =	seq.s32 @!p0 s5, $0x0  }
0x1f: {  	s9 =	smul.u32 $0xF7A, s1;
	s8 =	simm.s32 @!p0 $0x1BF5;
	p2 =	por !p2, p0  }
0x20: {  	[sflag:s8] =	ssyncset.s32 @!p0 $0xFFFFF086;
	s6 =	sadd.s32 @!p0 s3, s7;
	s7 =	simm.s32 @!p0 $0x108  }
0x21: {  	s3 =	sadd.s32 s3, s9;
	s6 =	sadd.s32 @!p0 $0x88, s6;
	s7 =	simm.s32 @p2 $0x1082  }
0x22: {  	[simem:s7], [sflag:s8] =	dma.local @!p0 [hbm:s6], $0xF7A  }
0x23: {  	s9 =	sor.u32 $0xD0000000, s2;
	s6 =	simm.s32 $0x108;
	_ =	swait.ge @!p0 [sflag:s8], $0x0  }
0x24: {  	s3 =	sadd.s32 $0x88, s3;
	s6 =	simm.s32 @!p1 $0x1082;
	[sflag:s4] =	ssyncset.s32 $0xFFFFF086  }
0x25: {  	[simem:s6], [sflag:s4] =	dma.local [hbm:s3], $0xF7A  }
0x26: {  	[smem:$0x3F9B] =	sst s1;
	(tag) =	ssettag s2;
	_ =	strace s9  }
0x27: {  	s1 =	sld [smem:$0x3FAB]  }
0x28: {  	s2 =	sld [smem:$0x3FAC]  }
0x29: {  	s4 =	sld [smem:$0x3FAE]  }
0x2a: {  	p0 =	seq.s32 s5, $0x0;
	s5 =	sld [smem:$0x3FAF]  }
0x2b: {  	s6 =	sld [smem:$0x3FB0]  }
0x2c: {  	s7 =	sld [smem:$0x3FB1]  }
0x2d: {  	s3 =	simm.s32 $0x108;
	s8 =	sld [smem:$0x3FB2]  }
0x2e: {  	s3 =	simm.s32 @!p0 $0x1082;
	s9 =	sld [smem:$0x3FB3]  }
0x2f: {  	lr =	sadd.s32 s0, s3;
	s0 =	sld [smem:$0x3FAA]  }
0x30: {  	s3 =	sld [smem:$0x3FAD]  }
0x31: {  	[smem:$0x3FB6] =	sst s10  }
0x32: {  	s10 =	sld [smem:$0x3FB4];
	_ =	sdelay $0x3  }
0x33: {  	p0 =	seq.s32 s10, $0x1;
	s10 =	sld [smem:$0x3FB6];
	_ =	sdelay $0x3  }
0x34: {  	[smem:$0x3FB6] =	sst s10  }
0x35: {  	s10 =	sld [smem:$0x3FB5];
	_ =	sdelay $0x3  }
0x36: {  	p1 =	seq.s32 s10, $0x1;
	s10 =	sld [smem:$0x3FB6];
	_ =	sdelay $0x3  }
0x37: {  	[smem:$0x3FB6] =	sst s10  }
0x38: {  	s10 =	sld [smem:$0x3FB7]  }
0x39: {  	_ = 	snop;
	(pc) =	sbr.ind lr, $3  }
0x3a: {  	_ = 	snop  }
0x3b: {  	_ = 	snop  }
0x3c: {  	p2 =	seq.s32 s10, $0x1;
	s10 =	sld [smem:$0x3FB6]  }
0x3d: {  	_ =	shalt  }
0x3e: {  	_ =	shalt  }
0x3f: {  	_ =	shalt  }
0x40: {  	_ =	shalt  }
0x41: {  	_ =	shalt  }
0x42: {  	_ =	shalt  }
0x43: {  	_ =	shalt  }
0x44: {  	_ =	shalt  }
0x45: {  	_ =	shalt  }
0x46: {  	_ =	shalt  }
0x47: {  	_ =	shalt  }
0x48: {  	_ =	shalt  }
0x49: {  	_ =	shalt  }
0x4a: {  	_ =	shalt  }
0x4b: {  	_ =	shalt  }
0x4c: {  	_ =	shalt  }
0x4d: {  	_ =	shalt  }
0x4e: {  	_ =	shalt  }
0x4f: {  	_ =	shalt  }
0x50: {  	_ =	shalt  }
0x51: {  	_ =	shalt  }
0x52: {  	_ =	shalt  }
0x53: {  	_ =	shalt  }
0x54: {  	_ =	shalt  }
0x55: {  	_ =	shalt  }
0x56: {  	_ =	shalt  }
0x57: {  	_ =	shalt  }
0x58: {  	_ =	shalt  }
0x59: {  	_ =	shalt  }
0x5a: {  	_ =	shalt  }
0x5b: {  	_ =	shalt  }
0x5c: {  	_ =	shalt  }
0x5d: {  	_ =	shalt  }
0x5e: {  	_ =	shalt  }
0x5f: {  	_ =	shalt  }
0x60: {  	_ =	shalt  }
0x61: {  	_ =	shalt  }
0x62: {  	_ =	shalt  }
0x63: {  	_ =	shalt  }
0x64: {  	_ =	shalt  }
0x65: {  	_ =	shalt  }
0x66: {  	_ =	shalt  }
0x67: {  	_ =	shalt  }
0x68: {  	_ =	shalt  }
0x69: {  	_ =	shalt  }
0x6a: {  	_ =	shalt  }
0x6b: {  	_ =	shalt  }
0x6c: {  	_ =	shalt  }
0x6d: {  	_ =	shalt  }
0x6e: {  	_ =	shalt  }
0x6f: {  	_ =	shalt  }
0x70: {  	_ =	shalt  }
0x71: {  	_ =	shalt  }
0x72: {  	_ =	shalt  }
0x73: {  	_ =	shalt  }
0x74: {  	_ =	shalt  }
0x75: {  	_ =	shalt  }
0x76: {  	_ =	shalt  }
0x77: {  	_ =	shalt  }
0x78: {  	_ =	shalt  }
0x79: {  	_ =	shalt  }
0x7a: {  	_ =	shalt  }
0x7b: {  	_ =	shalt  }
0x7c: {  	_ =	shalt  }
0x7d: {  	_ =	shalt  }
0x7e: {  	_ =	shalt  }
0x7f: {  	_ =	shalt  }
0x80: {  	_ =	shalt  }
0x81: {  	_ =	shalt  }
0x82: {  	_ =	shalt  }
0x83: {  	_ =	shalt  }
0x84: {  	_ =	shalt  }
0x85: {  	_ =	shalt  }
0x86: {  	_ =	shalt  }
0x87: {  	_ =	shalt  }
.Lfunc_end0:
.L_simem_size_0:
called_computation_lowered:
.L_overlay_start_0:
0x88: {  	s2 =	sld [smem:$0x3FD9]  }
0x89: {  	s3 =	sld [smem:$0x3FFE];
	_ =	sdelay $0x1  }
0x8a: {  	s1 =	srdreg.scid  }
0x8b: {  	s0 =	sand.u32 $0x1, s1  }
0x8c: {  	s17 =	sshll.u32 s0, $0xA;
	s2 =	sadd.s32 s3, s2  }
0x8d: {  	s2 =	sadd.s32 s2, s17  }
0x8e: {  	[smem:$0x3FC2] =	sst s2  }
0x8f: {  	_ = 	snop  }
0x90: {  	s2 =	sld [smem:$0x3FC7]  }
0x91: {  	s18 =	sld [smem:$0x3FD0];
	(tm) =	ssettm $0x1  }
0x92: {  	s4 =	sld [smem:$0x3FFB];
	_ =	sdelay $0x3  }
0x93: {  	_ =	strace s4  }
0x94: {  	s4 =	sld [smem:$0x3FFC];
	_ =	sdelay $0x3  }
0x95: {  	_ =	strace s4  }
0x96: {  	s4 =	sld [smem:$0x3FFD];
	_ =	sdelay $0x3  }
0x97: {  	_ =	strace s4  }
0x98: {  	_ =	strace $0x8FFFFFFF  }
0x99: {  	s19 =	sld [smem:$0x3FDB];
	_ =	sdelay $0x1  }
0x9a: {  	s5 =	simm.s32 $_scs_section_size  }
0x9b: {  	s6 =	simm.s32 $_size__tile_overlayer_lowered;
	s7 =	simm.s32 $_tile_overlayer_lowered  }
0x9c: {  	s22 =	simm.s32 $0x1BFF;
	s21 =	sshll.u32 s7, $0x1;
	s4 =	sadd.s32 s5, s19  }
0x9d: {  	s8 =	simm.s32 $0x0;
	s20 =	sshll.u32 s6, $0x1;
	s6 =	sadd.s32 s21, s4  }
0x9e: {  	[timem:s8], [sflag:s22] =	dma.local [hbm:s6], s20  }
0x9f: {  	_ =	swait.ge [sflag:s22], s20  }
0xa0: {  	s5 =	ssub.s32 $0x0, s20;
	[sflag:s22] =	ssyncset.done $0x0  }
0xa1: {  	[sflag:s22] =	ssyncadd.s32 s5;
	_ =	sdelay $0x1  }
0xa2: {  	s23 =	simm.s32 $0x1B8B  }
0xa3: {  	_ =	swait.ge [sflag:s23], $0x1  }
0xa4: {  	[sflag:s23] =	ssyncset.done $0x0  }
0xa5: {  	s25 =	simm.s32 $0x1B8E;
	s24 =	sld [smem:$0x3FFE];
	[sflag:s23] =	ssyncadd.s32 $0xFFFFFFFF  }
0xa6: {  	s26 =	simm.s32 $execute0_lowered;
	[smem:$0x3FD2] =	sst s25  }
0xa7: {  	s6 =	sshll.u32 s26, $0x1;
	_ =	strace $0x80000046;
	[dreg:$0x1] =	wrdreg $0xFFFFFFFF  }
0xa8: {  	s28 =	simm.s32 $_size_execute0_lowered;
	s4 =	sadd.s32 s4, s6;
	[dreg:$0x0] =	wrdreg $0x0  }
0xa9: {  	s6 =	sshll.u32 s28, $0x1;
	[dreg:$0x2] =	wrdreg s4  }
0xaa: {  	[dreg:$0x3] =	wrdreg s6  }
0xab: {  	[dreg:$0x4] =	wrdreg $0xC0  }
0xac: {  	_ =	task [dreg:s8], $0x5FFFF  }
0xad: {  	[dreg:$0x1] =	wrdreg $0xFFFFFFFF  }
0xae: {  	[dreg:$0x0] =	wrdreg $0x60  }
0xaf: {  	[dreg:$0x2] =	wrdreg s24  }
0xb0: {  	[dreg:$0x3] =	wrdreg s18  }
0xb1: {  	[dreg:$0x4] =	wrdreg s2  }
0xb2: {  	[dreg:$0x5] =	wrdreg $0x9  }
0xb3: {  	_ =	task.clear_ibuf [dreg:s8], $0x6FFFF;
	_ =	strace $0x90000046  }
0xb4: {  	s29 =	simm.s32 $0x9;
	_ =	strace $0x80000048  }
0xb5: {  	_ =	swait.ge [sflag:s29], $0x1  }
0xb6: {  	[sflag:s29] =	ssyncadd.s32 $0xFFFFFFFF  }
0xb7: {  	_ =	strace $0x90000048  }
0xb8: {  	_ =	sfence  }
0xb9: {  	s30 =	sld [smem:$0x0];
	_ =	sdelay $0x2  }
0xba: {  	s31 =	sshll.u32 s1, $0xD;
	s1 =	sshrl.u32 s1, $0x2  }
0xbb: {  	s3 =	sand.u32 $0x4000, s31;
	s1 =	sadd.s32 s1, s30  }
0xbc: {  	s0 =	sor.u32 s3, s0;
	s1 =	sshll.u32 s1, $0x11  }
0xbd: {  	s0 =	sor.u32 s1, s0  }
0xbe: {  	s0 =	sadd.s32 $0x8F2B, s0  }
0xbf: {  	[sflag:s0] =	ssyncadd.remote.s32 $0x1  }
0xc0: {  	_ =	sfence.sel $0xFFFF  }
0xc1: {  	[dreg:$0x0] =	wrdreg $0xFFFFFFFF;
	(pc) =	sbr.abs _section_cstart, $3  }
0xc2: {  	[dreg:$0x1] =	wrdreg $0xFFFFFFFF  }
0xc3: {  	_ =	task.clear_ibuf [dreg:s8], $0x2FFFF;
	_ =	strace $0x9FFFFFFF  }
0xc4: {  	(tm) =	ssettm $0x7FFFFFFF  }
0xc5: {  	_ =	shalt  }
tec
execute0_lowered:
.L_overlay_start_1:
0x0: {  	(tag) =	ssettag $0x1  }
0x1: {  	s0 =	rddreg [dreg:$0x0]  }
0x2: {  	s1 =	srdreg.scid;
	s2 =	rddreg [dreg:$0x1]  }
0x3: {  	s12 =	stileid.u32;
	s3 =	rddreg [dreg:$0x2];
	s4 =	simm.s32 $0x0  }
0x4: {  	s17 =	simm.s32 $0x1;
	s18 =	simm.s32 $0x10C00;
	s30 =	simm.s32 $0x100  }
0x5: {  	s19 =	simm.s32 $0x5;
	s21 =	simm.s32 $0x10;
	s22 =	simm.s32 $0x9  }
0x6: {  	s29 =	simm.s32 $0xB00;
	s15 =	simm.s32 $0x6;
	s6 =	smul.u32 $0xC38, s12  }
0x7: {  	s1 =	sand.u32 $0x1, s1;
	[smem:$0x7FF] =	sst s4;
	s31 =	smul.u32 $0x31, s12  }
0x8: {  	s8 =	sadd.s32 $0x3800, s0;
	s25 =	sshll.u32 s12, $0x6;
	s5 =	smul.u32 $0xC380, s1  }
0x9: {  	_ =	strace $0x80000047;
	[dreg:$0x4] =	wrdreg s8;
	s28 =	sor.u32 $0x1C0A, s25  }
0xa: {  	s10 =	ssub.s32 $0x2, s1;
	s1 =	sshll.u32 s1, $0x2;
	[dreg:$0x7] =	wrdreg s28  }
0xb: {  	s8 =	sadd.s32 $0xCAE00, s0;
	s11 =	sshrl.u32 s10, $0x1;
	[dreg:$0x8] =	wrdreg s1  }
0xc: {  	[dreg:$0x9] =	wrdreg s31;
	s1 =	simm.s32 $0x0;
	s5 =	sadd.s32 s6, s5  }
0xd: {  	s6 =	sadd.s32 $0xC7C00, s0;
	s24 =	ssub.s32 s10, s11;
	s7 =	sshll.u32 s5, $0x3  }
0xe: {  	s5 =	sadd.s32 $0x3C00, s0;
	s9 =	sadd.s32 s7, s0;
	s7 =	sadd.s32 s8, s7  }
0xf: {  	s0 =	smax.u32 s24, $0x1;
	s24 =	simm.s32 $0x4;
	[dreg:$0x5] =	wrdreg s7  }
0x10: {  	s26 =	sadd.s32 $0x251E00, s9;
	[dreg:$0xa] =	wrdreg s0;
	s7 =	simm.s32 $0x7  }
0x11: {  	v0 =	vimm.f32 $-1.000000000e+00;
	s9 =	simm.s32 $0x8;
	[dreg:$0x6] =	wrdreg s26;
	s26 =	simm.s32 $0x600  }
.LBB2_1:
0x12: {  	[dreg:$0xb] =	wrdreg s1  }
0x13: {  	s0 =	rddreg [dreg:$0x4]  }
0x14: {  	s25 =	rddreg [dreg:$0x5]  }
0x15: {  	s28 =	rddreg [dreg:$0x6]  }
0x16: {  	s23 =	simm.s32 $0x1E310;
	s10 =	rddreg [dreg:$0x7];
	s31 =	simm.s32 $0xA  }
0x17: {  	[tilespmem:s23], [sflag:$0x1] =	stream.linear.gather [hbm4b:s0+s4], $0x10, $0x38;
	[tilespmem:$0x1E320] =	vst v63  }
0x18: {  	[hbm:s25], [sflag:s10] =	dma.local [hbm:s28], $0x61C0  }
0x19: {  	_ =	swait.ge [sflag:s31], $0x61C0  }
0x1a: {  	[sflag:s31] =	ssyncset.done $0x0  }
0x1b: {  	[sflag:s31] =	ssyncadd.s32 $0xFFFF9E40  }
0x1c: {  	_ =	swait.ge [sflag:s17], $0x10  }
0x1d: {  	[sflag:s17] =	ssyncset.done $0x0  }
0x1e: {  	[sflag:s17] =	ssyncadd.s32 $0xFFFFFFF0  }
0x1f: {  	s11 =	simm.s32 $0x0;
	[bflag:$0x0] =	sbarrier.arrive $0xFFFF  }
.LBB2_2:
0x20: {  	s0 =	rddreg [dreg:$0x8]  }
0x21: {  	s0 =	sadd.s32 s0, s11  }
0x22: {  	s0 =	smul.u32 $0x310, s0  }
0x23: {  	s1 =	rddreg [dreg:$0x9]  }
0x24: {  	s16 =	simm.s32 $0x0;
	s14 =	sadd.s32 s1, s0  }
0x25: {  	s13 =	simm.s32 $0x1E000;
	s28 =	simm.s32 $0x1E010;
	s0 =	sshll.u32 s14, $0x6  }
0x26: {  	s10 =	sshll.u32 s14, $0x7;
	s20 =	sadd.s32 $0x1, s14;
	s0 =	sadd.s32 s2, s0  }
0x27: {  	[tilespmem:s16], [sflag:$0x1] =	stream.linear.gather [hbm4b:s0+s16], $0x200, $0x38;
	[tilespmem:$0x1E320] =	vst v63  }
0x28: {  	s12 =	sshll.u32 s14, $0x1;
	s23 =	sshll.u32 s20, $0x6;
	s0 =	sadd.s32 s5, s10  }
0x29: {  	[tilespmem:s18], [sflag:$0x1] =	stream.linear.gather [hbm4b:s0+s16], $0x400, $0x38;
	[tilespmem:$0x1E320] =	vst v63  }
0x2a: {  	s31 =	sadd.s32 $0x2, s14;
	s1 =	sand.u32 $0x1FFFFFC0, s23;
	s0 =	sadd.s32 s6, s12  }
0x2b: {  	[tilespmem:s13], [sflag:$0x1] =	stream.linear.gather [hbm4b:s0+s16], $0x10, $0x38;
	[tilespmem:$0x1E320] =	vst v63  }
0x2c: {  	s25 =	sshll.u32 s20, $0x7;
	s10 =	simm.s32 $0x200;
	s1 =	sadd.s32 s2, s1  }
0x2d: {  	[tilespmem:s10], [sflag:$0x2] =	stream.linear.gather [hbm4b:s1+s16], $0x200, $0x38;
	[tilespmem:$0x1E320] =	vst v63  }
0x2e: {  	s12 =	simm.s32 $0x11000;
	s0 =	sshll.u32 s20, $0x1;
	s1 =	sand.u32 $0x1FFFFF80, s25  }
0x2f: {  	s20 =	sshll.u32 s31, $0x6;
	s0 =	sand.u32 $0x1FFFFFFE, s0;
	s1 =	sadd.s32 s5, s1  }
0x30: {  	[tilespmem:s12], [sflag:$0x2] =	stream.linear.gather [hbm4b:s1+s16], $0x400, $0x38;
	[tilespmem:$0x1E320] =	vst v63  }
0x31: {  	s23 =	sshll.u32 s31, $0x7;
	s0 =	sadd.s32 s6, s0;
	s1 =	sand.u32 $0x1FFFFFC0, s20  }
0x32: {  	[tilespmem:s28], [sflag:$0x2] =	stream.linear.gather [hbm4b:s0+s16], $0x10, $0x38;
	[tilespmem:$0x1E320] =	vst v63  }
0x33: {  	s13 =	simm.s32 $0x11400;
	s12 =	simm.s32 $0x400;
	s1 =	sadd.s32 s2, s1  }
0x34: {  	[tilespmem:s12], [sflag:$0x3] =	stream.linear.gather [hbm4b:s1+s16], $0x200, $0x38;
	[tilespmem:$0x1E320] =	vst v63  }
0x35: {  	s0 =	sshll.u32 s31, $0x1;
	s28 =	sadd.s32 $0x3, s14;
	s1 =	sand.u32 $0x1FFFFF80, s23  }
0x36: {  	s0 =	sand.u32 $0x1FFFFFFE, s0;
	s31 =	sshll.u32 s28, $0x6;
	s1 =	sadd.s32 s5, s1  }
0x37: {  	[tilespmem:s13], [sflag:$0x3] =	stream.linear.gather [hbm4b:s1+s16], $0x400, $0x38;
	[tilespmem:$0x1E320] =	vst v63  }
0x38: {  	s25 =	simm.s32 $0x1E020;
	s0 =	sadd.s32 s6, s0;
	s1 =	sand.u32 $0x1FFFFFC0, s31  }
0x39: {  	[tilespmem:s25], [sflag:$0x3] =	stream.linear.gather [hbm4b:s0+s16], $0x10, $0x38;
	[tilespmem:$0x1E320] =	vst v63  }
0x3a: {  	s13 =	sshll.u32 s28, $0x7;
	s1 =	sadd.s32 s2, s1  }
0x3b: {  	[tilespmem:s26], [sflag:$0x4] =	stream.linear.gather [hbm4b:s1+s16], $0x200, $0x38;
	[tilespmem:$0x1E320] =	vst v63  }
0x3c: {  	s0 =	sshll.u32 s28, $0x1;
	s1 =	sand.u32 $0x1FFFFF80, s13  }
0x3d: {  	s20 =	simm.s32 $0x11800;
	s0 =	sand.u32 $0x1FFFFFFE, s0;
	s1 =	sadd.s32 s5, s1  }
0x3e: {  	[tilespmem:s20], [sflag:$0x4] =	stream.linear.gather [hbm4b:s1+s16], $0x400, $0x38;
	[tilespmem:$0x1E320] =	vst v63  }
0x3f: {  	s23 =	simm.s32 $0x1E030;
	s0 =	sadd.s32 s6, s0  }
0x40: {  	[tilespmem:s23], [sflag:$0x4] =	stream.linear.gather [hbm4b:s0+s16], $0x10, $0x38;
	[tilespmem:$0x1E320] =	vst v63  }
0x41: {  	_ =	swait.ge [sflag:s17], $0x200  }
0x42: {  	[sflag:s17] =	ssyncset.done $0x0  }
0x43: {  	[sflag:s17] =	ssyncadd.s32 $0xFFFFFE00  }
0x44: {  	_ =	swait.ge [sflag:s17], $0x400  }
0x45: {  	[sflag:s17] =	ssyncset.done $0x0  }
0x46: {  	[sflag:s17] =	ssyncadd.s32 $0xFFFFFC00  }
0x47: {  	_ =	swait.ge [sflag:s17], $0x10  }
0x48: {  	[sflag:s17] =	ssyncset.done $0x0  }
0x49: {  	s25 =	simm.s32 $0xC00;
	[sflag:s17] =	ssyncadd.s32 $0xFFFFFFF0  }
0x4a: {  	[tilespmem:s25], [sflag:$0x5] =	stream.indirect.gather [hbm4b:s8+s30], $0x40, s16, s30, $0xb8;
	[tilespmem:$0x1E320] =	vst v63  }
0x4b: {  	s31 =	simm.s32 $0x2;
	s28 =	simm.s32 $0x800  }
0x4c: {  	[tilespmem:s28], [sflag:$0x5] =	stream.indirect.gather [hbm4b:s3+s30], $0x1, s30, s30, $0xb8;
	[tilespmem:$0x1E320] =	vst v63  }
0x4d: {  	_ =	swait.ge [sflag:s31], $0x200  }
0x4e: {  	[sflag:s31] =	ssyncset.done $0x0  }
0x4f: {  	[sflag:s31] =	ssyncadd.s32 $0xFFFFFE00  }
0x50: {  	_ =	swait.ge [sflag:s31], $0x400  }
0x51: {  	[sflag:s31] =	ssyncset.done $0x0  }
0x52: {  	[sflag:s31] =	ssyncadd.s32 $0xFFFFFC00  }
0x53: {  	_ =	swait.ge [sflag:s31], $0x10  }
0x54: {  	[sflag:s31] =	ssyncset.done $0x0  }
0x55: {  	s1 =	simm.s32 $0x4C00;
	[sflag:s31] =	ssyncadd.s32 $0xFFFFFFF0  }
0x56: {  	[tilespmem:s1], [sflag:$0x6] =	stream.indirect.gather [hbm4b:s8+s30], $0x40, s10, s30, $0xb8;
	[tilespmem:$0x1E320] =	vst v63  }
0x57: {  	s13 =	simm.s32 $0x300;
	s20 =	simm.s32 $0x900;
	s23 =	simm.s32 $0x3  }
0x58: {  	[tilespmem:s20], [sflag:$0x6] =	stream.indirect.gather [hbm4b:s3+s30], $0x1, s13, s30, $0xb8;
	[tilespmem:$0x1E320] =	vst v63  }
0x59: {  	_ =	swait.ge [sflag:s23], $0x200  }
0x5a: {  	[sflag:s23] =	ssyncset.done $0x0  }
0x5b: {  	[sflag:s23] =	ssyncadd.s32 $0xFFFFFE00  }
0x5c: {  	_ =	swait.ge [sflag:s23], $0x400  }
0x5d: {  	[sflag:s23] =	ssyncset.done $0x0  }
0x5e: {  	[sflag:s23] =	ssyncadd.s32 $0xFFFFFC00  }
0x5f: {  	s25 =	simm.s32 $0x8C00;
	_ =	swait.ge [sflag:s23], $0x10  }
.Ltmp0:
0x60: {  	s28 =	simm.s32 $0x500;
	[sflag:s23] =	ssyncset.done $0x0;
	(pc) =	sbr.rel .LBB2_3-.Ltmp0, $4  }
0x61: {  	s31 =	simm.s32 $0xA00;
	s13 =	simm.s32 $0x12030;
	[sflag:s23] =	ssyncadd.s32 $0xFFFFFFF0  }
0x62: {  	[tilespmem:s25], [sflag:$0x7] =	stream.indirect.gather [hbm4b:s8+s30], $0x40, s12, s30, $0xb8;
	[tilespmem:$0x1E320] =	vst v63  }
0x63: {  	s20 =	simm.s32 $0x12430;
	s23 =	simm.s32 $0x12830;
	s12 =	simm.s32 $0x11C30  }
0x64: {  	[tilespmem:s31], [sflag:$0x7] =	stream.indirect.gather [hbm4b:s3+s30], $0x1, s28, s30, $0xb8;
	[tilespmem:$0x1E320] =	vst v63  }
.LBB2_18:
0x65: {  	s16 =	sadd.s32 $0x1, s16  }
0x66: {  	p0 =	sne.s32 s16, $0xD  }
.Ltmp1:
0x67: {  	_ = 	snop;
	(pc) =	sbr.rel @!p0 .LBB2_19-.Ltmp1, $3  }
0x68: {  	_ =	sdelay $0x1  }
0x69: {  	s12 =	sadd.s32 $0x1000, s12  }
0x6a: {  	s13 =	sadd.s32 $0x1000, s13;
	s20 =	sadd.s32 $0x1000, s20;
	s23 =	sadd.s32 $0x1000, s23  }
.LBB2_3:
0x6b: {  	_ =	swait.ge [sflag:s19], $0x4000  }
0x6c: {  	[sflag:s19] =	ssyncset.done $0x0  }
0x6d: {  	[sflag:s19] =	ssyncadd.s32 $0xFFFFC000  }
0x6e: {  	_ =	swait.ge [sflag:s19], $0x100  }
0x6f: {  	[sflag:s19] =	ssyncset.done $0x0  }
0x70: {  	[sflag:s19] =	ssyncadd.s32 $0xFFFFFF00  }
0x71: {  	s31 =	simm.s32 $0xE00;
	v1 =	vld [tilespmem:$0x1E310]  }
0x72: {  	v3 =	vld [tilespmem:s31+$0x1A0]  }
0x73: {  	v8 =	vld [tilespmem:s31+$0x1D0]  }
0x74: {  	v2 =	vld [tilespmem:s31+$0x100]  }
0x75: {  	v9 =	vld [tilespmem:s31+$0xFFFFFFF0]  }
0x76: {  	v13 =	vld [tilespmem:s31+$0xC0]  }
0x77: {  	v14 =	vld [tilespmem:s31+$0xFFFFFED0]  }
0x78: {  	s1 =	simm.s32 $0x800;
	v15 =	vld [tilespmem:s31+$0xFFFFFEF0]  }
0x79: {  	s0 =	simm.s32 $0x0;
	v16 =	vld [tilespmem:s1+$0x0]  }
0x7a: {  	v10 =	vld [tilespmem:s0+$0x10C00]  }
0x7b: {  	v17 =	vld [tilespmem:s31+$0xFFFFFE50]  }
0x7c: {  	v18 =	vld [tilespmem:s31+$0xFFFFFE60]  }
0x7d: {  	v19 =	vld [tilespmem:s31+$0xFFFFFE20]  }
0x7e: {  	v20 =	vld [tilespmem:s31+$0xFFFFFE90]  }
0x7f: {  	v21 =	vld [tilespmem:s31+$0xFFFFFE80]  }
0x80: {  	v22 =	vld [tilespmem:s31+$0xFFFFFE10]  }
0x81: {  	v12 =	vld [tilespmem:s31+$0xFFFFFE00]  }
0x82: {  	v23 =	vld [tilespmem:s31+$0xFFFFFEA0]  }
0x83: {  	v24 =	vld [tilespmem:s31+$0xFFFFFEC0]  }
0x84: {  	v25 =	vld [tilespmem:s31+$0xFFFFFE30]  }
0x85: {  	v26 =	vld [tilespmem:s31+$0xFFFFFF10]  }
0x86: {  	v27 =	vld [tilespmem:s31+$0xFFFFFF80];
	v7 =	vbroadcast v16, $0xC;
	v6 =	vbroadcast v16, $0xD  }
0x87: {  	v28 =	vld [tilespmem:s31+$0xFFFFFF90];
	v5 =	vbroadcast v16, $0xE;
	v4 =	vbroadcast v16, $0xF  }
0x88: {  	v30 =	vld [tilespmem:s31+$0xFFFFFE40];
	v32 =	vbroadcast v16, $0x0;
	v11 =	vbroadcast v16, $0xA  }
0x89: {  	v29 =	vld [tilespmem:s31+$0xFFFFFFD0];
	v34 =	vbroadcast v16, $0x3;
	v36 =	vbroadcast v16, $0x1  }
0x8a: {  	v33 =	vld [tilespmem:s31+$0xFFFFFF00];
	v38 =	vbroadcast v16, $0x2;
	v43 =	vbroadcast v16, $0x4  }
0x8b: {  	v35 =	vld [tilespmem:s31+$0xFFFFFEE0];
	v31 =	vmul.f32 v2, v7;
	v2 =	vmul.f32 v12, v32  }
0x8c: {  	v37 =	vld [tilespmem:s31+$0xFFFFFF40];
	v45 =	vbroadcast v16, $0x5;
	v12 =	vbroadcast v16, $0xB  }
0x8d: {  	v39 =	vld [tilespmem:s31+$0xFFFFFF50];
	v15 =	vmul.f32 v15, v34;
	v30 =	vmul.f32 v30, v36;
	v2 =	vadd.f32 $0.0e+00, v2  }
0x8e: {  	v40 =	vld [tilespmem:s31+$0xFFFFFF20];
	v21 =	vmul.f32 v21, v38;
	v20 =	vmul.f32 v20, v38  }
0x8f: {  	v41 =	vld [tilespmem:s31+$0xFFFFFF60];
	v22 =	vmul.f32 v22, v32;
	v25 =	vmul.f32 v25, v32;
	v30 =	vadd.f32 v30, v2  }
0x90: {  	v42 =	vld [tilespmem:s31+$0xFFFFFFC0];
	v23 =	vmul.f32 v23, v38;
	v19 =	vmul.f32 v19, v32  }
0x91: {  	v62 =	vld [tilespmem:s31+$0xFFFFFFA0];
	v24 =	vmul.f32 v24, v34;
	v18 =	vmul.f32 v18, v36;
	v21 =	vadd.f32 v21, v30  }
0x92: {  	v46 =	vld [tilespmem:s31+$0xFFFFFE70];
	v47 =	vmul.f32 v33, v43;
	v48 =	vmul.f32 v35, v34  }
0x93: {  	v63 =	vld [tilespmem:s31+$0x0];
	v17 =	vmul.f32 v17, v36;
	v35 =	vbroadcast v16, $0x6;
	v21 =	vadd.f32 v24, v21  }
0x94: {  	v44 =	vld [tilespmem:s31+$0x10];
	v37 =	vmul.f32 v37, v45;
	v14 =	vmul.f32 v14, v34;
	v22 =	vadd.f32 $0.0e+00, v22  }
0x95: {  	v49 =	vld [tilespmem:s31+$0xFFFFFFE0];
	v26 =	vmul.f32 v26, v43;
	v39 =	vmul.f32 v39, v45;
	v21 =	vadd.f32 v47, v21  }
0x96: {  	v50 =	vld [tilespmem:s31+$0xFFFFFEB0];
	v51 =	vmul.f32 v27, v35;
	v27 =	vbroadcast v16, $0x7;
	v17 =	vadd.f32 v17, v22  }
0x97: {  	v52 =	vld [tilespmem:s31+$0x50];
	v40 =	vmul.f32 v40, v43;
	v36 =	vmul.f32 v46, v36;
	v21 =	vadd.f32 v37, v21  }
0x98: {  	v53 =	vld [tilespmem:s31+$0x40];
	v8 =	vmul.f32 v8, v4;
	v54 =	vmul.f32 v42, v27;
	v17 =	vadd.f32 v20, v17  }
0x99: {  	v55 =	vld [tilespmem:s31+$0x90];
	v37 =	vbroadcast v16, $0x9;
	v16 =	vbroadcast v16, $0x8;
	v21 =	vadd.f32 v51, v21  }
0x9a: {  	v56 =	vld [tilespmem:s31+$0x80];
	v19 =	vadd.f32 $0.0e+00, v19;
	v28 =	vmul.f32 v28, v35;
	v14 =	vadd.f32 v14, v17  }
0x9b: {  	v58 =	vld [tilespmem:s31+$0xD0];
	v25 =	vadd.f32 $0.0e+00, v25;
	v57 =	vmul.f32 v63, v16;
	v21 =	vadd.f32 v54, v21  }
0x9c: {  	v59 =	vld [tilespmem:s31+$0xFFFFFFB0];
	v60 =	vmul.f32 v62, v35;
	v13 =	vmul.f32 v13, v12;
	v14 =	vadd.f32 v26, v14  }
0x9d: {  	v46 =	vld [tilespmem:s31+$0x190];
	v18 =	vadd.f32 v18, v19;
	v20 =	vmul.f32 v53, v37;
	v21 =	vadd.f32 v57, v21  }
0x9e: {  	v62 =	vld [tilespmem:s31+$0xFFFFFF30];
	v2 =	vmov s12;
	v29 =	vmul.f32 v29, v27;
	v14 =	vadd.f32 v39, v14  }
0x9f: {  	v22 =	vld [tilespmem:s31+$0x20];
	v18 =	vadd.f32 v23, v18;
	v17 =	vmul.f32 v56, v11;
	v20 =	vadd.f32 v20, v21  }
0xa0: {  	v25 =	vadd.f32 v36, v25;
	v19 =	vmul.f32 v49, v27;
	v47 =	vld [tilespmem:s31+$0x140];
	v14 =	vadd.f32 v28, v14  }
0xa1: {  	v49 =	vld [tilespmem:s31+$0x60];
	v9 =	vmul.f32 v9, v27;
	v18 =	vadd.f32 v48, v18;
	v17 =	vadd.f32 v17, v20  }
0xa2: {  	v30 =	vmul.f32 v58, v12;
	v48 =	vld [tilespmem:s31+$0x180];
	v61 =	vmul.f32 v44, v16;
	v14 =	vadd.f32 v29, v14  }
0xa3: {  	v58 =	vmul.f32 v59, v35;
	v56 =	vld [tilespmem:s31+$0x110];
	v18 =	vadd.f32 v40, v18;
	v13 =	vadd.f32 v13, v17  }
0xa4: {  	v63 =	vld [tilespmem:s31+$0x1C0];
	v44 =	vmul.f32 v41, v45;
	v34 =	vmul.f32 v52, v37;
	v14 =	vadd.f32 v61, v14  }
0xa5: {  	v59 =	vld [tilespmem:s31+$0xE0];
	v24 =	vmul.f32 v50, v38;
	v57 =	vmul.f32 v47, v6;
	v13 =	vadd.f32 v31, v13  }
0xa6: {  	v50 =	vmul.f32 v55, v11;
	v51 =	vld [tilespmem:s31+$0xFFFFFF70];
	v52 =	vadd.f32 v44, v18;
	v14 =	vadd.f32 v34, v14  }
0xa7: {  	v35 =	vld [tilespmem:s31+$0x160];
	v54 =	vadd.f32 v24, v25;
	v20 =	vmul.f32 v48, v5;
	v13 =	vadd.f32 v57, v13  }
0xa8: {  	v36 =	vmul.f32 v56, v7;
	v14 =	vadd.f32 v50, v14;
	v17 =	vadd.f32 v60, v52;
	v60 =	vld [tilespmem:s31+$0x150]  }
0xa9: {  	v55 =	vld [tilespmem:s31+$0xA0];
	v53 =	vmul.f32 v22, v16;
	v21 =	vmul.f32 v63, v4;
	v13 =	vadd.f32 v20, v13  }
0xaa: {  	v38 =	vld [tilespmem:s31+$0x70];
	v15 =	vadd.f32 v15, v54;
	v61 =	vmul.f32 v62, v43;
	v14 =	vadd.f32 v30, v14  }
0xab: {  	v39 =	vmul.f32 v51, v45;
	v63 =	vld [tilespmem:s31+$0x30];
	v17 =	vadd.f32 v19, v17;
	v13 =	vadd.f32 v21, v13  }
0xac: {  	v41 =	vld [tilespmem:s31+$0xB0];
	v15 =	vadd.f32 v61, v15;
	v34 =	vmul.f32 v49, v37;
	v14 =	vadd.f32 v36, v14  }
0xad: {  	v62 =	vld [tilespmem:s31+$0x120];
	v17 =	vadd.f32 v53, v17;
	v42 =	vmul.f32 v60, v6;
	v13 =	vadd.f32 v13, v13  }
0xae: {  	v40 =	vmul.f32 v55, v11;
	v44 =	vmul.f32 v46, v5;
	v43 =	vld [tilespmem:s31+$0x1F0];
	v15 =	vadd.f32 v39, v15  }
0xaf: {  	v47 =	vld [tilespmem:s31+$0xF0];
	v17 =	vadd.f32 v34, v17;
	v14 =	vadd.f32 v42, v14;
	v13 =	vmul.f32 v13, v1  }
0xb0: {  	v46 =	vmul.f32 v59, v12;
	v45 =	vld [tilespmem:s31+$0x1E0];
	v15 =	vadd.f32 v58, v15;
	v50 =	vmul.f32 v63, v16  }
0xb1: {  	v51 =	vld [tilespmem:s31+$0x170];
	v17 =	vadd.f32 v40, v17;
	v14 =	vadd.f32 v44, v14;
	vm0 =	vlt.f32 v13, v10  }
0xb2: {  	v49 =	vld [tilespmem:s31+$0x130];
	v9 =	vadd.f32 v9, v15;
	v53 =	vmul.f32 v62, v7;
	v52 =	vsel vm0, $0x3F800000, v0  }
0xb3: {  	v48 =	vld [tilespmem:s31+$0x1B0];
	v17 =	vadd.f32 v46, v17;
	v8 =	vadd.f32 v8, v14;
	[tilespmem:v2+s0+$0xFFFFFFD0 ss:$0x1] =	vst.idx.msk $0xffff, v52  }
0xb4: {  	v54 =	vmul.f32 v38, v37;
	v9 =	vadd.f32 v50, v9;
	v55 =	vld [tilespmem:s0+$0x10C10]  }
0xb5: {  	v57 =	vmul.f32 v35, v6;
	v56 =	vadd.f32 v53, v17;
	v8 =	vadd.f32 v8, v8  }
0xb6: {  	v11 =	vmul.f32 v41, v11;
	v9 =	vadd.f32 v54, v9  }
0xb7: {  	v3 =	vmul.f32 v3, v5;
	v58 =	vadd.f32 v57, v56;
	v8 =	vmul.f32 v8, v1  }
0xb8: {  	v59 =	vmul.f32 v47, v12;
	v9 =	vadd.f32 v11, v9  }
0xb9: {  	v60 =	vmul.f32 v45, v4;
	v3 =	vadd.f32 v3, v58;
	vm14 =	vlt.f32 v8, v55  }
0xba: {  	v7 =	vmul.f32 v49, v7;
	v61 =	vadd.f32 v59, v9;
	v62 =	vsel vm14, $0x3F800000, v0  }
0xbb: {  	v3 =	vadd.f32 v60, v3;
	[tilespmem:v2+s0+$0xFFFFFFE0 ss:$0x1] =	vst.idx.msk $0xffff, v62  }
0xbc: {  	v6 =	vmul.f32 v51, v6;
	v7 =	vadd.f32 v7, v61;
	v63 =	vld [tilespmem:s0+$0x10C20]  }
0xbd: {  	v3 =	vadd.f32 v3, v3  }
0xbe: {  	v5 =	vmul.f32 v48, v5;
	v6 =	vadd.f32 v6, v7  }
0xbf: {  	v3 =	vmul.f32 v3, v1  }
0xc0: {  	v4 =	vmul.f32 v43, v4;
	v5 =	vadd.f32 v5, v6  }
0xc1: {  	vm15 =	vlt.f32 v3, v63  }
0xc2: {  	v3 =	vadd.f32 v4, v5;
	v4 =	vsel vm15, $0x3F800000, v0  }
0xc3: {  	[tilespmem:v2+s0+$0xFFFFFFF0 ss:$0x1] =	vst.idx.msk $0xffff, v4  }
0xc4: {  	s10 =	simm.s32 $0x100;
	v3 =	vadd.f32 v3, v3;
	v4 =	vld [tilespmem:s0+$0x10C30]  }
.LBB2_4:
0xc5: {  	_ = 	snop  }
0xc6: {  	p0 =	sne.s32 s10, $0xF00;
	s31 =	sadd.s32 $0x400, s31;
	s1 =	sadd.s32 $0x10, s1  }
0xc7: {  	v1 =	vmul.f32 v3, v1;
	s25 =	smov.u32 s10;
	s10 =	sadd.s32 $0x100, s10;
	_ =	sdelay $0x1  }
0xc8: {  	vm0 =	vlt.f32 v1, v4  }
0xc9: {  	v1 =	vsel vm0, $0x3F800000, v0  }
0xca: {  	[tilespmem:v2+s0+$0x0 ss:$0x1] =	vst.idx.msk $0xffff, v1;
	_ =	sdelay $0x2  }
0xcb: {  	v1 =	vld [tilespmem:$0x1E310]  }
0xcc: {  	v8 =	vld [tilespmem:s31+$0x1A0]  }
0xcd: {  	v9 =	vld [tilespmem:s31+$0x1D0]  }
0xce: {  	v10 =	vld [tilespmem:s31+$0x100]  }
0xcf: {  	v13 =	vld [tilespmem:s31+$0xFFFFFFF0]  }
0xd0: {  	v16 =	vld [tilespmem:s31+$0xC0]  }
0xd1: {  	v17 =	vld [tilespmem:s31+$0xFFFFFED0]  }
0xd2: {  	v14 =	vld [tilespmem:s31+$0xFFFFFEF0]  }
0xd3: {  	s0 =	sshra.s32 s25, $0x2;
	v18 =	vld [tilespmem:s1+$0x0]  }
0xd4: {  	v7 =	vld [tilespmem:s0+$0x10C00]  }
0xd5: {  	v19 =	vld [tilespmem:s31+$0xFFFFFE50]  }
0xd6: {  	v20 =	vld [tilespmem:s31+$0xFFFFFE60]  }
0xd7: {  	v21 =	vld [tilespmem:s31+$0xFFFFFE20]  }
0xd8: {  	v22 =	vld [tilespmem:s31+$0xFFFFFE90];
	v4 =	vbroadcast v18, $0xC;
	v3 =	vbroadcast v18, $0xD  }
0xd9: {  	v6 =	vbroadcast v18, $0xE;
	v5 =	vbroadcast v18, $0xF;
	v23 =	vld [tilespmem:s31+$0xFFFFFE80]  }
0xda: {  	v24 =	vld [tilespmem:s31+$0xFFFFFE10]  }
0xdb: {  	v25 =	vld [tilespmem:s31+$0xFFFFFE00]  }
0xdc: {  	v26 =	vld [tilespmem:s31+$0xFFFFFEA0]  }
0xdd: {  	v27 =	vld [tilespmem:s31+$0xFFFFFEC0]  }
0xde: {  	v28 =	vld [tilespmem:s31+$0xFFFFFE30]  }
0xdf: {  	v8 =	vmul.f32 v8, v6;
	v29 =	vld [tilespmem:s31+$0xFFFFFF10]  }
0xe0: {  	v15 =	vmul.f32 v10, v4;
	v10 =	vmul.f32 v9, v5;
	v30 =	vld [tilespmem:s31+$0xFFFFFF80]  }
0xe1: {  	v11 =	vbroadcast v18, $0xA;
	v9 =	vbroadcast v18, $0xB;
	v31 =	vld [tilespmem:s31+$0xFFFFFF90]  }
0xe2: {  	v32 =	vbroadcast v18, $0x0;
	v33 =	vbroadcast v18, $0x3;
	v34 =	vld [tilespmem:s31+$0xFFFFFFD0]  }
0xe3: {  	v36 =	vbroadcast v18, $0x2;
	v12 =	vbroadcast v18, $0x9;
	v35 =	vld [tilespmem:s31+$0xFFFFFE40]  }
0xe4: {  	v37 =	vmul.f32 v14, v33;
	v25 =	vmul.f32 v25, v32;
	v38 =	vld [tilespmem:s31+$0xFFFFFF00]  }
0xe5: {  	v22 =	vmul.f32 v22, v36;
	v23 =	vmul.f32 v23, v36;
	v14 =	vld [tilespmem:s31+$0xFFFFFEE0]  }
0xe6: {  	v39 =	vbroadcast v18, $0x1;
	v24 =	vmul.f32 v24, v32;
	v40 =	vld [tilespmem:s31+$0xFFFFFF40]  }
0xe7: {  	v26 =	vmul.f32 v26, v36;
	v28 =	vmul.f32 v28, v32;
	v41 =	vld [tilespmem:s31+$0xFFFFFF50]  }
0xe8: {  	v24 =	vadd.f32 $0.0e+00, v24;
	v25 =	vadd.f32 $0.0e+00, v25;
	v35 =	vmul.f32 v35, v39;
	v42 =	vld [tilespmem:s31+$0xFFFFFF20]  }
0xe9: {  	v20 =	vmul.f32 v20, v39;
	v21 =	vmul.f32 v21, v32;
	v32 =	vld [tilespmem:s31+$0xFFFFFF60]  }
0xea: {  	v25 =	vadd.f32 v35, v25;
	v35 =	vmul.f32 v14, v33;
	v43 =	vld [tilespmem:s31+$0xFFFFFFC0];
	v14 =	vbroadcast v18, $0x8  }
0xeb: {  	v44 =	vbroadcast v18, $0x4;
	v17 =	vmul.f32 v17, v33;
	v21 =	vadd.f32 $0.0e+00, v21;
	v45 =	vld [tilespmem:s31+$0xFFFFFFA0]  }
0xec: {  	v19 =	vmul.f32 v19, v39;
	v23 =	vadd.f32 v23, v25;
	v25 =	vmul.f32 v27, v33;
	v27 =	vld [tilespmem:s31+$0x0]  }
0xed: {  	v20 =	vadd.f32 v20, v21;
	v21 =	vmul.f32 v29, v44;
	v29 =	vbroadcast v18, $0x5;
	v33 =	vld [tilespmem:s31+$0x10]  }
0xee: {  	v19 =	vadd.f32 v19, v24;
	v24 =	vld [tilespmem:s31+$0xFFFFFE70];
	v23 =	vadd.f32 v25, v23;
	v25 =	vmul.f32 v38, v44  }
0xef: {  	v20 =	vadd.f32 v26, v20;
	v26 =	vmul.f32 v41, v29;
	v38 =	vbroadcast v18, $0x6;
	v41 =	vld [tilespmem:s31+$0xFFFFFFE0]  }
0xf0: {  	v40 =	vmul.f32 v40, v29;
	v46 =	vld [tilespmem:s31+$0xFFFFFEB0];
	v23 =	vadd.f32 v25, v23;
	v25 =	vmul.f32 v42, v44  }
0xf1: {  	v19 =	vadd.f32 v22, v19;
	v18 =	vbroadcast v18, $0x7;
	v22 =	vmul.f32 v30, v38;
	v30 =	vld [tilespmem:s31+$0x20]  }
0xf2: {  	v28 =	vadd.f32 $0.0e+00, v28;
	v31 =	vmul.f32 v31, v38;
	v23 =	vadd.f32 v40, v23;
	v40 =	vld [tilespmem:s31+$0x50]  }
0xf3: {  	v20 =	vadd.f32 v35, v20;
	v34 =	vmul.f32 v34, v18;
	v24 =	vmul.f32 v24, v39;
	v35 =	vld [tilespmem:s31+$0x40]  }
0xf4: {  	v39 =	vmul.f32 v43, v18;
	v22 =	vadd.f32 v22, v23;
	v23 =	vmul.f32 v45, v38;
	v42 =	vld [tilespmem:s31+$0x90]  }
0xf5: {  	v17 =	vadd.f32 v17, v19;
	v19 =	vmul.f32 v33, v14;
	v24 =	vadd.f32 v24, v28;
	v28 =	vld [tilespmem:s31+$0x80]  }
0xf6: {  	v32 =	vmul.f32 v32, v29;
	v27 =	vmul.f32 v27, v14;
	v22 =	vadd.f32 v39, v22;
	v33 =	vld [tilespmem:s31+$0xD0]  }
0xf7: {  	v16 =	vmul.f32 v16, v9;
	v17 =	vadd.f32 v21, v17;
	v21 =	vmul.f32 v40, v12;
	v39 =	vld [tilespmem:s31+$0x190]  }
0xf8: {  	v20 =	vadd.f32 v25, v20;
	v25 =	vld [tilespmem:s31+$0xFFFFFFB0];
	v22 =	vadd.f32 v27, v22;
	v27 =	vmul.f32 v35, v12  }
0xf9: {  	v17 =	vadd.f32 v26, v17;
	v26 =	vmul.f32 v41, v18;
	v35 =	vld [tilespmem:s31+$0xFFFFFF30];
	v40 =	vmul.f32 v42, v11  }
0xfa: {  	v36 =	vmul.f32 v46, v36;
	v22 =	vadd.f32 v27, v22;
	v27 =	vmul.f32 v28, v11;
	v28 =	vld [tilespmem:s31+$0x1C0]  }
0xfb: {  	v17 =	vadd.f32 v31, v17;
	v20 =	vadd.f32 v32, v20;
	v30 =	vmul.f32 v30, v14;
	v31 =	vld [tilespmem:s31+$0x140]  }
0xfc: {  	v24 =	vadd.f32 v36, v24;
	v22 =	vadd.f32 v27, v22;
	v27 =	vmul.f32 v33, v9;
	v32 =	vld [tilespmem:s31+$0x180]  }
0xfd: {  	v17 =	vadd.f32 v34, v17;
	v20 =	vadd.f32 v23, v20;
	v23 =	vmul.f32 v25, v38;
	v25 =	vld [tilespmem:s31+$0x60]  }
0xfe: {  	v24 =	vadd.f32 v37, v24;
	v33 =	vmul.f32 v35, v44;
	v34 =	vld [tilespmem:s31+$0xFFFFFF70];
	v16 =	vadd.f32 v16, v22  }
0xff: {  	v13 =	vmul.f32 v13, v18;
	v17 =	vadd.f32 v19, v17;
	v20 =	vadd.f32 v26, v20;
	v18 =	vld [tilespmem:s31+$0xA0]  }
0x100: {  	v19 =	vadd.f32 v33, v24;
	v15 =	vadd.f32 v15, v16;
	v16 =	vld [tilespmem:s31+$0x110];
	v22 =	vmul.f32 v31, v3  }
0x101: {  	v17 =	vadd.f32 v21, v17;
	v20 =	vadd.f32 v30, v20;
	v24 =	vmul.f32 v39, v6;
	v21 =	vld [tilespmem:s31+$0xE0]  }
0x102: {  	v26 =	vmul.f32 v32, v6;
	v25 =	vmul.f32 v25, v12;
	v15 =	vadd.f32 v22, v15;
	v22 =	vld [tilespmem:s31+$0x150]  }
0x103: {  	v17 =	vadd.f32 v40, v17;
	v28 =	vmul.f32 v28, v5;
	v29 =	vmul.f32 v34, v29;
	v30 =	vld [tilespmem:s31+$0x120]  }
0x104: {  	v31 =	vld [tilespmem:s31+$0x30];
	v20 =	vadd.f32 v25, v20;
	v18 =	vmul.f32 v18, v11;
	v15 =	vadd.f32 v26, v15  }
0x105: {  	v17 =	vadd.f32 v27, v17;
	v19 =	vadd.f32 v29, v19;
	v16 =	vmul.f32 v16, v4;
	v25 =	vld [tilespmem:s31+$0x160]  }
0x106: {  	v26 =	vld [tilespmem:s31+$0x70];
	v18 =	vadd.f32 v18, v20;
	v20 =	vmul.f32 v21, v9;
	v15 =	vadd.f32 v28, v15  }
0x107: {  	v19 =	vadd.f32 v23, v19;
	v21 =	vld [tilespmem:s31+$0xB0];
	v16 =	vadd.f32 v16, v17;
	v17 =	vmul.f32 v22, v3  }
0x108: {  	v18 =	vadd.f32 v20, v18;
	v20 =	vmul.f32 v30, v4;
	v22 =	vld [tilespmem:s31+$0x1F0];
	v15 =	vadd.f32 v15, v15  }
0x109: {  	v13 =	vadd.f32 v13, v19;
	v14 =	vmul.f32 v31, v14;
	v16 =	vadd.f32 v17, v16;
	v17 =	vld [tilespmem:s31+$0x1E0]  }
0x10a: {  	v19 =	vld [tilespmem:s31+$0xF0];
	v18 =	vadd.f32 v20, v18;
	v20 =	vmul.f32 v25, v3;
	v15 =	vmul.f32 v15, v1  }
0x10b: {  	v13 =	vadd.f32 v14, v13;
	v12 =	vmul.f32 v26, v12;
	v14 =	vadd.f32 v24, v16;
	v16 =	vld [tilespmem:s31+$0x1B0]  }
0x10c: {  	v11 =	vmul.f32 v21, v11;
	v21 =	vld [tilespmem:s31+$0x130];
	v18 =	vadd.f32 v20, v18;
	vm0 =	vlt.f32 v15, v7  }
0x10d: {  	v7 =	vadd.f32 v12, v13;
	v12 =	vld [tilespmem:s31+$0x170];
	v10 =	vadd.f32 v10, v14;
	v13 =	vsel vm0, $0x3F800000, v0  }
0x10e: {  	v8 =	vadd.f32 v8, v18;
	v14 =	vmul.f32 v17, v5;
	[tilespmem:v2+s0+$0xFFFFFFD0 ss:$0x1] =	vst.idx.msk $0xffff, v13  }
0x10f: {  	v7 =	vadd.f32 v11, v7;
	v9 =	vmul.f32 v19, v9;
	v10 =	vadd.f32 v10, v10;
	v11 =	vld [tilespmem:s0+$0x10C10]  }
0x110: {  	v5 =	vmul.f32 v22, v5;
	v6 =	vmul.f32 v16, v6;
	v8 =	vadd.f32 v14, v8  }
0x111: {  	v7 =	vadd.f32 v9, v7;
	v4 =	vmul.f32 v21, v4  }
0x112: {  	v9 =	vmul.f32 v10, v1;
	v3 =	vmul.f32 v12, v3;
	v8 =	vadd.f32 v8, v8  }
0x113: {  	v4 =	vadd.f32 v4, v7  }
0x114: {  	vm0 =	vlt.f32 v9, v11  }
0x115: {  	v3 =	vadd.f32 v3, v4;
	v4 =	vsel vm0, $0x3F800000, v0  }
0x116: {  	[tilespmem:v2+s0+$0xFFFFFFE0 ss:$0x1] =	vst.idx.msk $0xffff, v4  }
0x117: {  	v3 =	vadd.f32 v6, v3;
	v4 =	vld [tilespmem:s0+$0x10C20];
	_ =	sdelay $0x1  }
0x118: {  	v3 =	vadd.f32 v5, v3  }
0x119: {  	v5 =	vmul.f32 v8, v1  }
.Ltmp2:
0x11a: {  	v3 =	vadd.f32 v3, v3;
	(pc) =	sbr.rel @p0 .LBB2_4-.Ltmp2, $4  }
0x11b: {  	vm0 =	vlt.f32 v5, v4  }
0x11c: {  	v4 =	vsel vm0, $0x3F800000, v0  }
0x11d: {  	[tilespmem:v2+s0+$0xFFFFFFF0 ss:$0x1] =	vst.idx.msk $0xffff, v4  }
0x11e: {  	v4 =	vld [tilespmem:s0+$0x10C30]  }
0x11f: {  	_ = 	snop  }
0x120: {  	p0 =	seq.s32 s16, $0xC  }
.Ltmp3:
0x121: {  	v1 =	vmul.f32 v3, v1;
	(pc) =	sbr.rel @p0 .LBB2_19-.Ltmp3, $4  }
0x122: {  	_ = 	snop  }
0x123: {  	vm0 =	vlt.f32 v1, v4  }
0x124: {  	v1 =	vsel vm0, $0x3F800000, v0  }
0x125: {  	[tilespmem:v2+s0+$0x0 ss:$0x1] =	vst.idx.msk $0xffff, v1  }
0x126: {  	s31 =	sshll.u32 s16, $0x2  }
0x127: {  	s0 =	sadd.s32 $0x4, s31  }
0x128: {  	s1 =	sadd.s32 s14, s0  }
0x129: {  	s10 =	sshll.u32 s1, $0x6  }
0x12a: {  	s10 =	sand.u32 $0x1FFFFFC0, s10  }
0x12b: {  	s28 =	sshll.u32 s1, $0x7;
	s10 =	sadd.s32 s2, s10  }
0x12c: {  	[tilespmem:s4], [sflag:$0x1] =	stream.linear.gather [hbm4b:s10+s4], $0x200, $0x38;
	[tilespmem:$0x1E320] =	vst v63  }
0x12d: {  	s0 =	sshll.u32 s0, $0x4;
	s1 =	sshll.u32 s1, $0x1;
	s10 =	sand.u32 $0x1FFFFF80, s28  }
0x12e: {  	s0 =	sand.u32 $0x3FFFFFF0, s0;
	s1 =	sand.u32 $0x1FFFFFFE, s1;
	s10 =	sadd.s32 s5, s10  }
0x12f: {  	[tilespmem:s18], [sflag:$0x1] =	stream.linear.gather [hbm4b:s10+s4], $0x400, $0x38;
	[tilespmem:$0x1E320] =	vst v63  }
0x130: {  	s0 =	sadd.s32 $0x1E000, s0;
	s1 =	sadd.s32 s6, s1  }
0x131: {  	[tilespmem:s0], [sflag:$0x1] =	stream.linear.gather [hbm4b:s1+s4], $0x10, $0x38;
	[tilespmem:$0x1E320] =	vst v63  }
0x132: {  	_ =	swait.ge [sflag:s24], $0x200  }
0x133: {  	[sflag:s24] =	ssyncset.done $0x0  }
0x134: {  	[sflag:s24] =	ssyncadd.s32 $0xFFFFFE00  }
0x135: {  	_ =	swait.ge [sflag:s24], $0x400  }
0x136: {  	[sflag:s24] =	ssyncset.done $0x0  }
0x137: {  	s28 =	sor.u32 $0x1, s31;
	[sflag:s24] =	ssyncadd.s32 $0xFFFFFC00  }
0x138: {  	p0 =	sgt.u32 s28, $0x30;
	_ =	swait.ge [sflag:s24], $0x10  }
.Ltmp4:
0x139: {  	[sflag:s24] =	ssyncset.done $0x0;
	(pc) =	sbr.rel @p0 .LBB2_10-.Ltmp4, $4  }
0x13a: {  	s10 =	simm.s32 $0xCC00;
	[sflag:s24] =	ssyncadd.s32 $0xFFFFFFF0  }
0x13b: {  	[tilespmem:s10], [sflag:$0x8] =	stream.indirect.gather [hbm4b:s8+s30], $0x40, s26, s30, $0xb8;
	[tilespmem:$0x1E320] =	vst v63  }
0x13c: {  	s25 =	simm.s32 $0x700  }
0x13d: {  	[tilespmem:s29], [sflag:$0x8] =	stream.indirect.gather [hbm4b:s3+s30], $0x1, s25, s30, $0xb8;
	[tilespmem:$0x1E320] =	vst v63  }
0x13e: {  	_ =	swait.ge [sflag:s15], $0x4000  }
0x13f: {  	[sflag:s15] =	ssyncset.done $0x0  }
0x140: {  	[sflag:s15] =	ssyncadd.s32 $0xFFFFC000  }
0x141: {  	_ =	swait.ge [sflag:s15], $0x100  }
0x142: {  	[sflag:s15] =	ssyncset.done $0x0  }
0x143: {  	[sflag:s15] =	ssyncadd.s32 $0xFFFFFF00  }
0x144: {  	s1 =	simm.s32 $0x4E00;
	v1 =	vld [tilespmem:$0x1E310]  }
0x145: {  	v3 =	vld [tilespmem:s1+$0x1A0]  }
0x146: {  	v8 =	vld [tilespmem:s1+$0x1D0]  }
0x147: {  	v2 =	vld [tilespmem:s1+$0x100]  }
0x148: {  	v9 =	vld [tilespmem:s1+$0xFFFFFFF0]  }
0x149: {  	v13 =	vld [tilespmem:s1+$0xC0]  }
0x14a: {  	v14 =	vld [tilespmem:s1+$0xFFFFFED0]  }
0x14b: {  	s0 =	simm.s32 $0x900;
	v15 =	vld [tilespmem:s1+$0xFFFFFEF0]  }
0x14c: {  	s10 =	simm.s32 $0x0;
	v16 =	vld [tilespmem:s0+$0x0]  }
0x14d: {  	v10 =	vld [tilespmem:s10+$0x11000]  }
0x14e: {  	v17 =	vld [tilespmem:s1+$0xFFFFFE50]  }
0x14f: {  	v18 =	vld [tilespmem:s1+$0xFFFFFE60]  }
0x150: {  	v19 =	vld [tilespmem:s1+$0xFFFFFE20]  }
0x151: {  	v20 =	vld [tilespmem:s1+$0xFFFFFE90]  }
0x152: {  	v21 =	vld [tilespmem:s1+$0xFFFFFE80]  }
0x153: {  	v22 =	vld [tilespmem:s1+$0xFFFFFE10]  }
0x154: {  	v12 =	vld [tilespmem:s1+$0xFFFFFE00]  }
0x155: {  	v23 =	vld [tilespmem:s1+$0xFFFFFEA0]  }
0x156: {  	v24 =	vld [tilespmem:s1+$0xFFFFFEC0]  }
0x157: {  	v25 =	vld [tilespmem:s1+$0xFFFFFE30]  }
0x158: {  	v26 =	vld [tilespmem:s1+$0xFFFFFF10]  }
0x159: {  	v27 =	vld [tilespmem:s1+$0xFFFFFF80];
	v7 =	vbroadcast v16, $0xC;
	v6 =	vbroadcast v16, $0xD  }
0x15a: {  	v28 =	vld [tilespmem:s1+$0xFFFFFF90];
	v5 =	vbroadcast v16, $0xE;
	v4 =	vbroadcast v16, $0xF  }
0x15b: {  	v30 =	vld [tilespmem:s1+$0xFFFFFE40];
	v32 =	vbroadcast v16, $0x0;
	v11 =	vbroadcast v16, $0xA  }
0x15c: {  	v29 =	vld [tilespmem:s1+$0xFFFFFFD0];
	v34 =	vbroadcast v16, $0x3;
	v36 =	vbroadcast v16, $0x1  }
0x15d: {  	v33 =	vld [tilespmem:s1+$0xFFFFFF00];
	v38 =	vbroadcast v16, $0x2;
	v43 =	vbroadcast v16, $0x4  }
0x15e: {  	v35 =	vld [tilespmem:s1+$0xFFFFFEE0];
	v31 =	vmul.f32 v2, v7;
	v2 =	vmul.f32 v12, v32  }
0x15f: {  	v37 =	vld [tilespmem:s1+$0xFFFFFF40];
	v45 =	vbroadcast v16, $0x5;
	v12 =	vbroadcast v16, $0xB  }
0x160: {  	v39 =	vld [tilespmem:s1+$0xFFFFFF50];
	v15 =	vmul.f32 v15, v34;
	v30 =	vmul.f32 v30, v36;
	v2 =	vadd.f32 $0.0e+00, v2  }
0x161: {  	v40 =	vld [tilespmem:s1+$0xFFFFFF20];
	v21 =	vmul.f32 v21, v38;
	v20 =	vmul.f32 v20, v38  }
0x162: {  	v41 =	vld [tilespmem:s1+$0xFFFFFF60];
	v22 =	vmul.f32 v22, v32;
	v25 =	vmul.f32 v25, v32;
	v30 =	vadd.f32 v30, v2  }
0x163: {  	v42 =	vld [tilespmem:s1+$0xFFFFFFC0];
	v23 =	vmul.f32 v23, v38;
	v19 =	vmul.f32 v19, v32  }
0x164: {  	v62 =	vld [tilespmem:s1+$0xFFFFFFA0];
	v24 =	vmul.f32 v24, v34;
	v18 =	vmul.f32 v18, v36;
	v21 =	vadd.f32 v21, v30  }
0x165: {  	v46 =	vld [tilespmem:s1+$0xFFFFFE70];
	v47 =	vmul.f32 v33, v43;
	v48 =	vmul.f32 v35, v34  }
0x166: {  	v63 =	vld [tilespmem:s1+$0x0];
	v17 =	vmul.f32 v17, v36;
	v35 =	vbroadcast v16, $0x6;
	v21 =	vadd.f32 v24, v21  }
0x167: {  	v44 =	vld [tilespmem:s1+$0x10];
	v37 =	vmul.f32 v37, v45;
	v14 =	vmul.f32 v14, v34;
	v22 =	vadd.f32 $0.0e+00, v22  }
0x168: {  	v49 =	vld [tilespmem:s1+$0xFFFFFFE0];
	v26 =	vmul.f32 v26, v43;
	v39 =	vmul.f32 v39, v45;
	v21 =	vadd.f32 v47, v21  }
0x169: {  	v50 =	vld [tilespmem:s1+$0xFFFFFEB0];
	v51 =	vmul.f32 v27, v35;
	v27 =	vbroadcast v16, $0x7;
	v17 =	vadd.f32 v17, v22  }
0x16a: {  	v52 =	vld [tilespmem:s1+$0x50];
	v40 =	vmul.f32 v40, v43;
	v36 =	vmul.f32 v46, v36;
	v21 =	vadd.f32 v37, v21  }
0x16b: {  	v53 =	vld [tilespmem:s1+$0x40];
	v8 =	vmul.f32 v8, v4;
	v54 =	vmul.f32 v42, v27;
	v17 =	vadd.f32 v20, v17  }
0x16c: {  	v55 =	vld [tilespmem:s1+$0x90];
	v37 =	vbroadcast v16, $0x9;
	v16 =	vbroadcast v16, $0x8;
	v21 =	vadd.f32 v51, v21  }
0x16d: {  	v56 =	vld [tilespmem:s1+$0x80];
	v19 =	vadd.f32 $0.0e+00, v19;
	v28 =	vmul.f32 v28, v35;
	v14 =	vadd.f32 v14, v17  }
0x16e: {  	v58 =	vld [tilespmem:s1+$0xD0];
	v25 =	vadd.f32 $0.0e+00, v25;
	v57 =	vmul.f32 v63, v16;
	v21 =	vadd.f32 v54, v21  }
0x16f: {  	v59 =	vld [tilespmem:s1+$0xFFFFFFB0];
	v60 =	vmul.f32 v62, v35;
	v13 =	vmul.f32 v13, v12;
	v14 =	vadd.f32 v26, v14  }
0x170: {  	v46 =	vld [tilespmem:s1+$0x190];
	v18 =	vadd.f32 v18, v19;
	v20 =	vmul.f32 v53, v37;
	v21 =	vadd.f32 v57, v21  }
0x171: {  	v62 =	vld [tilespmem:s1+$0xFFFFFF30];
	v2 =	vmov s13;
	v29 =	vmul.f32 v29, v27;
	v14 =	vadd.f32 v39, v14  }
0x172: {  	v22 =	vld [tilespmem:s1+$0x20];
	v18 =	vadd.f32 v23, v18;
	v17 =	vmul.f32 v56, v11;
	v20 =	vadd.f32 v20, v21  }
0x173: {  	v25 =	vadd.f32 v36, v25;
	v19 =	vmul.f32 v49, v27;
	v47 =	vld [tilespmem:s1+$0x140];
	v14 =	vadd.f32 v28, v14  }
0x174: {  	v49 =	vld [tilespmem:s1+$0x60];
	v9 =	vmul.f32 v9, v27;
	v18 =	vadd.f32 v48, v18;
	v17 =	vadd.f32 v17, v20  }
0x175: {  	v30 =	vmul.f32 v58, v12;
	v48 =	vld [tilespmem:s1+$0x180];
	v61 =	vmul.f32 v44, v16;
	v14 =	vadd.f32 v29, v14  }
0x176: {  	v58 =	vmul.f32 v59, v35;
	v56 =	vld [tilespmem:s1+$0x110];
	v18 =	vadd.f32 v40, v18;
	v13 =	vadd.f32 v13, v17  }
0x177: {  	v63 =	vld [tilespmem:s1+$0x1C0];
	v44 =	vmul.f32 v41, v45;
	v34 =	vmul.f32 v52, v37;
	v14 =	vadd.f32 v61, v14  }
0x178: {  	v59 =	vld [tilespmem:s1+$0xE0];
	v24 =	vmul.f32 v50, v38;
	v57 =	vmul.f32 v47, v6;
	v13 =	vadd.f32 v31, v13  }
0x179: {  	v50 =	vmul.f32 v55, v11;
	v51 =	vld [tilespmem:s1+$0xFFFFFF70];
	v52 =	vadd.f32 v44, v18;
	v14 =	vadd.f32 v34, v14  }
0x17a: {  	v35 =	vld [tilespmem:s1+$0x160];
	v54 =	vadd.f32 v24, v25;
	v20 =	vmul.f32 v48, v5;
	v13 =	vadd.f32 v57, v13  }
0x17b: {  	v36 =	vmul.f32 v56, v7;
	v14 =	vadd.f32 v50, v14;
	v17 =	vadd.f32 v60, v52;
	v60 =	vld [tilespmem:s1+$0x150]  }
0x17c: {  	v55 =	vld [tilespmem:s1+$0xA0];
	v53 =	vmul.f32 v22, v16;
	v21 =	vmul.f32 v63, v4;
	v13 =	vadd.f32 v20, v13  }
0x17d: {  	v38 =	vld [tilespmem:s1+$0x70];
	v15 =	vadd.f32 v15, v54;
	v61 =	vmul.f32 v62, v43;
	v14 =	vadd.f32 v30, v14  }
0x17e: {  	v39 =	vmul.f32 v51, v45;
	v63 =	vld [tilespmem:s1+$0x30];
	v17 =	vadd.f32 v19, v17;
	v13 =	vadd.f32 v21, v13  }
0x17f: {  	v41 =	vld [tilespmem:s1+$0xB0];
	v15 =	vadd.f32 v61, v15;
	v34 =	vmul.f32 v49, v37;
	v14 =	vadd.f32 v36, v14  }
0x180: {  	v62 =	vld [tilespmem:s1+$0x120];
	v17 =	vadd.f32 v53, v17;
	v42 =	vmul.f32 v60, v6;
	v13 =	vadd.f32 v13, v13  }
0x181: {  	v40 =	vmul.f32 v55, v11;
	v44 =	vmul.f32 v46, v5;
	v43 =	vld [tilespmem:s1+$0x1F0];
	v15 =	vadd.f32 v39, v15  }
0x182: {  	v47 =	vld [tilespmem:s1+$0xF0];
	v17 =	vadd.f32 v34, v17;
	v14 =	vadd.f32 v42, v14;
	v13 =	vmul.f32 v13, v1  }
0x183: {  	v46 =	vmul.f32 v59, v12;
	v45 =	vld [tilespmem:s1+$0x1E0];
	v15 =	vadd.f32 v58, v15;
	v50 =	vmul.f32 v63, v16  }
0x184: {  	v51 =	vld [tilespmem:s1+$0x170];
	v17 =	vadd.f32 v40, v17;
	v14 =	vadd.f32 v44, v14;
	vm0 =	vlt.f32 v13, v10  }
0x185: {  	v49 =	vld [tilespmem:s1+$0x130];
	v9 =	vadd.f32 v9, v15;
	v53 =	vmul.f32 v62, v7;
	v52 =	vsel vm0, $0x3F800000, v0  }
0x186: {  	v48 =	vld [tilespmem:s1+$0x1B0];
	v17 =	vadd.f32 v46, v17;
	v8 =	vadd.f32 v8, v14;
	[tilespmem:v2+s10+$0xFFFFFFD0 ss:$0x1] =	vst.idx.msk $0xffff, v52  }
0x187: {  	v54 =	vmul.f32 v38, v37;
	v9 =	vadd.f32 v50, v9;
	v55 =	vld [tilespmem:s10+$0x11010]  }
0x188: {  	v57 =	vmul.f32 v35, v6;
	v56 =	vadd.f32 v53, v17;
	v8 =	vadd.f32 v8, v8  }
0x189: {  	v11 =	vmul.f32 v41, v11;
	v9 =	vadd.f32 v54, v9  }
0x18a: {  	v3 =	vmul.f32 v3, v5;
	v58 =	vadd.f32 v57, v56;
	v8 =	vmul.f32 v8, v1  }
0x18b: {  	v59 =	vmul.f32 v47, v12;
	v9 =	vadd.f32 v11, v9  }
0x18c: {  	v60 =	vmul.f32 v45, v4;
	v3 =	vadd.f32 v3, v58;
	vm14 =	vlt.f32 v8, v55  }
0x18d: {  	v7 =	vmul.f32 v49, v7;
	v61 =	vadd.f32 v59, v9;
	v62 =	vsel vm14, $0x3F800000, v0  }
0x18e: {  	v3 =	vadd.f32 v60, v3;
	[tilespmem:v2+s10+$0xFFFFFFE0 ss:$0x1] =	vst.idx.msk $0xffff, v62  }
0x18f: {  	v6 =	vmul.f32 v51, v6;
	v7 =	vadd.f32 v7, v61;
	v63 =	vld [tilespmem:s10+$0x11020]  }
0x190: {  	v3 =	vadd.f32 v3, v3  }
0x191: {  	v5 =	vmul.f32 v48, v5;
	v6 =	vadd.f32 v6, v7  }
0x192: {  	v3 =	vmul.f32 v3, v1  }
0x193: {  	v4 =	vmul.f32 v43, v4;
	v5 =	vadd.f32 v5, v6  }
0x194: {  	vm15 =	vlt.f32 v3, v63  }
0x195: {  	v3 =	vadd.f32 v4, v5;
	v4 =	vsel vm15, $0x3F800000, v0  }
0x196: {  	[tilespmem:v2+s10+$0xFFFFFFF0 ss:$0x1] =	vst.idx.msk $0xffff, v4  }
0x197: {  	s25 =	simm.s32 $0x100;
	v3 =	vadd.f32 v3, v3;
	v4 =	vld [tilespmem:s10+$0x11030]  }
.LBB2_8:
0x198: {  	_ = 	snop  }
0x199: {  	p0 =	sne.s32 s25, $0xF00;
	s1 =	sadd.s32 $0x400, s1;
	s0 =	sadd.s32 $0x10, s0  }
0x19a: {  	v1 =	vmul.f32 v3, v1;
	s28 =	smov.u32 s25;
	s25 =	sadd.s32 $0x100, s25;
	_ =	sdelay $0x1  }
0x19b: {  	vm0 =	vlt.f32 v1, v4  }
0x19c: {  	v1 =	vsel vm0, $0x3F800000, v0  }
0x19d: {  	[tilespmem:v2+s10+$0x0 ss:$0x1] =	vst.idx.msk $0xffff, v1;
	_ =	sdelay $0x2  }
0x19e: {  	v1 =	vld [tilespmem:$0x1E310]  }
0x19f: {  	v8 =	vld [tilespmem:s1+$0x1A0]  }
0x1a0: {  	v9 =	vld [tilespmem:s1+$0x1D0]  }
0x1a1: {  	v10 =	vld [tilespmem:s1+$0x100]  }
0x1a2: {  	v13 =	vld [tilespmem:s1+$0xFFFFFFF0]  }
0x1a3: {  	v16 =	vld [tilespmem:s1+$0xC0]  }
0x1a4: {  	v17 =	vld [tilespmem:s1+$0xFFFFFED0]  }
0x1a5: {  	v14 =	vld [tilespmem:s1+$0xFFFFFEF0]  }
0x1a6: {  	s10 =	sshra.s32 s28, $0x2;
	v18 =	vld [tilespmem:s0+$0x0]  }
0x1a7: {  	v7 =	vld [tilespmem:s10+$0x11000]  }
0x1a8: {  	v19 =	vld [tilespmem:s1+$0xFFFFFE50]  }
0x1a9: {  	v20 =	vld [tilespmem:s1+$0xFFFFFE60]  }
0x1aa: {  	v21 =	vld [tilespmem:s1+$0xFFFFFE20]  }
0x1ab: {  	v22 =	vld [tilespmem:s1+$0xFFFFFE90];
	v4 =	vbroadcast v18, $0xC;
	v3 =	vbroadcast v18, $0xD  }
0x1ac: {  	v6 =	vbroadcast v18, $0xE;
	v5 =	vbroadcast v18, $0xF;
	v23 =	vld [tilespmem:s1+$0xFFFFFE80]  }
0x1ad: {  	v24 =	vld [tilespmem:s1+$0xFFFFFE10]  }
0x1ae: {  	v25 =	vld [tilespmem:s1+$0xFFFFFE00]  }
0x1af: {  	v26 =	vld [tilespmem:s1+$0xFFFFFEA0]  }
0x1b0: {  	v27 =	vld [tilespmem:s1+$0xFFFFFEC0]  }
0x1b1: {  	v28 =	vld [tilespmem:s1+$0xFFFFFE30]  }
0x1b2: {  	v8 =	vmul.f32 v8, v6;
	v29 =	vld [tilespmem:s1+$0xFFFFFF10]  }
0x1b3: {  	v15 =	vmul.f32 v10, v4;
	v10 =	vmul.f32 v9, v5;
	v30 =	vld [tilespmem:s1+$0xFFFFFF80]  }
0x1b4: {  	v11 =	vbroadcast v18, $0xA;
	v9 =	vbroadcast v18, $0xB;
	v31 =	vld [tilespmem:s1+$0xFFFFFF90]  }
0x1b5: {  	v32 =	vbroadcast v18, $0x0;
	v33 =	vbroadcast v18, $0x3;
	v34 =	vld [tilespmem:s1+$0xFFFFFFD0]  }
0x1b6: {  	v36 =	vbroadcast v18, $0x2;
	v12 =	vbroadcast v18, $0x9;
	v35 =	vld [tilespmem:s1+$0xFFFFFE40]  }
0x1b7: {  	v37 =	vmul.f32 v14, v33;
	v25 =	vmul.f32 v25, v32;
	v38 =	vld [tilespmem:s1+$0xFFFFFF00]  }
0x1b8: {  	v22 =	vmul.f32 v22, v36;
	v23 =	vmul.f32 v23, v36;
	v14 =	vld [tilespmem:s1+$0xFFFFFEE0]  }
0x1b9: {  	v39 =	vbroadcast v18, $0x1;
	v24 =	vmul.f32 v24, v32;
	v40 =	vld [tilespmem:s1+$0xFFFFFF40]  }
0x1ba: {  	v26 =	vmul.f32 v26, v36;
	v28 =	vmul.f32 v28, v32;
	v41 =	vld [tilespmem:s1+$0xFFFFFF50]  }
0x1bb: {  	v24 =	vadd.f32 $0.0e+00, v24;
	v25 =	vadd.f32 $0.0e+00, v25;
	v35 =	vmul.f32 v35, v39;
	v42 =	vld [tilespmem:s1+$0xFFFFFF20]  }
0x1bc: {  	v20 =	vmul.f32 v20, v39;
	v21 =	vmul.f32 v21, v32;
	v32 =	vld [tilespmem:s1+$0xFFFFFF60]  }
0x1bd: {  	v25 =	vadd.f32 v35, v25;
	v35 =	vmul.f32 v14, v33;
	v43 =	vld [tilespmem:s1+$0xFFFFFFC0];
	v14 =	vbroadcast v18, $0x8  }
0x1be: {  	v44 =	vbroadcast v18, $0x4;
	v17 =	vmul.f32 v17, v33;
	v21 =	vadd.f32 $0.0e+00, v21;
	v45 =	vld [tilespmem:s1+$0xFFFFFFA0]  }
0x1bf: {  	v19 =	vmul.f32 v19, v39;
	v23 =	vadd.f32 v23, v25;
	v25 =	vmul.f32 v27, v33;
	v27 =	vld [tilespmem:s1+$0x0]  }
0x1c0: {  	v20 =	vadd.f32 v20, v21;
	v21 =	vmul.f32 v29, v44;
	v29 =	vbroadcast v18, $0x5;
	v33 =	vld [tilespmem:s1+$0x10]  }
0x1c1: {  	v19 =	vadd.f32 v19, v24;
	v24 =	vld [tilespmem:s1+$0xFFFFFE70];
	v23 =	vadd.f32 v25, v23;
	v25 =	vmul.f32 v38, v44  }
0x1c2: {  	v20 =	vadd.f32 v26, v20;
	v26 =	vmul.f32 v41, v29;
	v38 =	vbroadcast v18, $0x6;
	v41 =	vld [tilespmem:s1+$0xFFFFFFE0]  }
0x1c3: {  	v40 =	vmul.f32 v40, v29;
	v46 =	vld [tilespmem:s1+$0xFFFFFEB0];
	v23 =	vadd.f32 v25, v23;
	v25 =	vmul.f32 v42, v44  }
0x1c4: {  	v19 =	vadd.f32 v22, v19;
	v18 =	vbroadcast v18, $0x7;
	v22 =	vmul.f32 v30, v38;
	v30 =	vld [tilespmem:s1+$0x20]  }
0x1c5: {  	v28 =	vadd.f32 $0.0e+00, v28;
	v31 =	vmul.f32 v31, v38;
	v23 =	vadd.f32 v40, v23;
	v40 =	vld [tilespmem:s1+$0x50]  }
0x1c6: {  	v20 =	vadd.f32 v35, v20;
	v34 =	vmul.f32 v34, v18;
	v24 =	vmul.f32 v24, v39;
	v35 =	vld [tilespmem:s1+$0x40]  }
0x1c7: {  	v39 =	vmul.f32 v43, v18;
	v22 =	vadd.f32 v22, v23;
	v23 =	vmul.f32 v45, v38;
	v42 =	vld [tilespmem:s1+$0x90]  }
0x1c8: {  	v17 =	vadd.f32 v17, v19;
	v19 =	vmul.f32 v33, v14;
	v24 =	vadd.f32 v24, v28;
	v28 =	vld [tilespmem:s1+$0x80]  }
0x1c9: {  	v32 =	vmul.f32 v32, v29;
	v27 =	vmul.f32 v27, v14;
	v22 =	vadd.f32 v39, v22;
	v33 =	vld [tilespmem:s1+$0xD0]  }
0x1ca: {  	v16 =	vmul.f32 v16, v9;
	v17 =	vadd.f32 v21, v17;
	v21 =	vmul.f32 v40, v12;
	v39 =	vld [tilespmem:s1+$0x190]  }
0x1cb: {  	v20 =	vadd.f32 v25, v20;
	v25 =	vld [tilespmem:s1+$0xFFFFFFB0];
	v22 =	vadd.f32 v27, v22;
	v27 =	vmul.f32 v35, v12  }
0x1cc: {  	v17 =	vadd.f32 v26, v17;
	v26 =	vmul.f32 v41, v18;
	v35 =	vld [tilespmem:s1+$0xFFFFFF30];
	v40 =	vmul.f32 v42, v11  }
0x1cd: {  	v36 =	vmul.f32 v46, v36;
	v22 =	vadd.f32 v27, v22;
	v27 =	vmul.f32 v28, v11;
	v28 =	vld [tilespmem:s1+$0x1C0]  }
0x1ce: {  	v17 =	vadd.f32 v31, v17;
	v20 =	vadd.f32 v32, v20;
	v30 =	vmul.f32 v30, v14;
	v31 =	vld [tilespmem:s1+$0x140]  }
0x1cf: {  	v24 =	vadd.f32 v36, v24;
	v22 =	vadd.f32 v27, v22;
	v27 =	vmul.f32 v33, v9;
	v32 =	vld [tilespmem:s1+$0x180]  }
0x1d0: {  	v17 =	vadd.f32 v34, v17;
	v20 =	vadd.f32 v23, v20;
	v23 =	vmul.f32 v25, v38;
	v25 =	vld [tilespmem:s1+$0x60]  }
0x1d1: {  	v24 =	vadd.f32 v37, v24;
	v33 =	vmul.f32 v35, v44;
	v34 =	vld [tilespmem:s1+$0xFFFFFF70];
	v16 =	vadd.f32 v16, v22  }
0x1d2: {  	v13 =	vmul.f32 v13, v18;
	v17 =	vadd.f32 v19, v17;
	v20 =	vadd.f32 v26, v20;
	v18 =	vld [tilespmem:s1+$0xA0]  }
0x1d3: {  	v19 =	vadd.f32 v33, v24;
	v15 =	vadd.f32 v15, v16;
	v16 =	vld [tilespmem:s1+$0x110];
	v22 =	vmul.f32 v31, v3  }
0x1d4: {  	v17 =	vadd.f32 v21, v17;
	v20 =	vadd.f32 v30, v20;
	v24 =	vmul.f32 v39, v6;
	v21 =	vld [tilespmem:s1+$0xE0]  }
0x1d5: {  	v26 =	vmul.f32 v32, v6;
	v25 =	vmul.f32 v25, v12;
	v15 =	vadd.f32 v22, v15;
	v22 =	vld [tilespmem:s1+$0x150]  }
0x1d6: {  	v17 =	vadd.f32 v40, v17;
	v28 =	vmul.f32 v28, v5;
	v29 =	vmul.f32 v34, v29;
	v30 =	vld [tilespmem:s1+$0x120]  }
0x1d7: {  	v31 =	vld [tilespmem:s1+$0x30];
	v20 =	vadd.f32 v25, v20;
	v18 =	vmul.f32 v18, v11;
	v15 =	vadd.f32 v26, v15  }
0x1d8: {  	v17 =	vadd.f32 v27, v17;
	v19 =	vadd.f32 v29, v19;
	v16 =	vmul.f32 v16, v4;
	v25 =	vld [tilespmem:s1+$0x160]  }
0x1d9: {  	v26 =	vld [tilespmem:s1+$0x70];
	v18 =	vadd.f32 v18, v20;
	v20 =	vmul.f32 v21, v9;
	v15 =	vadd.f32 v28, v15  }
0x1da: {  	v19 =	vadd.f32 v23, v19;
	v21 =	vld [tilespmem:s1+$0xB0];
	v16 =	vadd.f32 v16, v17;
	v17 =	vmul.f32 v22, v3  }
0x1db: {  	v18 =	vadd.f32 v20, v18;
	v20 =	vmul.f32 v30, v4;
	v22 =	vld [tilespmem:s1+$0x1F0];
	v15 =	vadd.f32 v15, v15  }
0x1dc: {  	v13 =	vadd.f32 v13, v19;
	v14 =	vmul.f32 v31, v14;
	v16 =	vadd.f32 v17, v16;
	v17 =	vld [tilespmem:s1+$0x1E0]  }
0x1dd: {  	v19 =	vld [tilespmem:s1+$0xF0];
	v18 =	vadd.f32 v20, v18;
	v20 =	vmul.f32 v25, v3;
	v15 =	vmul.f32 v15, v1  }
0x1de: {  	v13 =	vadd.f32 v14, v13;
	v12 =	vmul.f32 v26, v12;
	v14 =	vadd.f32 v24, v16;
	v16 =	vld [tilespmem:s1+$0x1B0]  }
0x1df: {  	v11 =	vmul.f32 v21, v11;
	v21 =	vld [tilespmem:s1+$0x130];
	v18 =	vadd.f32 v20, v18;
	vm0 =	vlt.f32 v15, v7  }
0x1e0: {  	v7 =	vadd.f32 v12, v13;
	v12 =	vld [tilespmem:s1+$0x170];
	v10 =	vadd.f32 v10, v14;
	v13 =	vsel vm0, $0x3F800000, v0  }
0x1e1: {  	v8 =	vadd.f32 v8, v18;
	v14 =	vmul.f32 v17, v5;
	[tilespmem:v2+s10+$0xFFFFFFD0 ss:$0x1] =	vst.idx.msk $0xffff, v13  }
0x1e2: {  	v7 =	vadd.f32 v11, v7;
	v9 =	vmul.f32 v19, v9;
	v10 =	vadd.f32 v10, v10;
	v11 =	vld [tilespmem:s10+$0x11010]  }
0x1e3: {  	v5 =	vmul.f32 v22, v5;
	v6 =	vmul.f32 v16, v6;
	v8 =	vadd.f32 v14, v8  }
0x1e4: {  	v7 =	vadd.f32 v9, v7;
	v4 =	vmul.f32 v21, v4  }
0x1e5: {  	v9 =	vmul.f32 v10, v1;
	v3 =	vmul.f32 v12, v3;
	v8 =	vadd.f32 v8, v8  }
0x1e6: {  	v4 =	vadd.f32 v4, v7  }
0x1e7: {  	vm0 =	vlt.f32 v9, v11  }
0x1e8: {  	v3 =	vadd.f32 v3, v4;
	v4 =	vsel vm0, $0x3F800000, v0  }
0x1e9: {  	[tilespmem:v2+s10+$0xFFFFFFE0 ss:$0x1] =	vst.idx.msk $0xffff, v4  }
0x1ea: {  	v3 =	vadd.f32 v6, v3;
	v4 =	vld [tilespmem:s10+$0x11020];
	_ =	sdelay $0x1  }
0x1eb: {  	v3 =	vadd.f32 v5, v3  }
0x1ec: {  	v5 =	vmul.f32 v8, v1  }
.Ltmp5:
0x1ed: {  	v3 =	vadd.f32 v3, v3;
	(pc) =	sbr.rel @p0 .LBB2_8-.Ltmp5, $4  }
0x1ee: {  	vm0 =	vlt.f32 v5, v4  }
0x1ef: {  	v4 =	vsel vm0, $0x3F800000, v0  }
0x1f0: {  	[tilespmem:v2+s10+$0xFFFFFFF0 ss:$0x1] =	vst.idx.msk $0xffff, v4  }
0x1f1: {  	v4 =	vld [tilespmem:s10+$0x11030]  }
0x1f2: {  	_ = 	snop  }
0x1f3: {  	p0 =	sgt.u32 s16, $0xA  }
0x1f4: {  	v1 =	vmul.f32 v3, v1;
	s0 =	sadd.s32 @!p0 $0x5, s31  }
0x1f5: {  	s1 =	sadd.s32 @!p0 s14, s0  }
0x1f6: {  	s25 =	sshll.u32 @!p0 s1, $0x6;
	vm0 =	vlt.f32 v1, v4  }
0x1f7: {  	s25 =	sand.u32 @!p0 $0x1FFFFFC0, s25;
	v1 =	vsel vm0, $0x3F800000, v0  }
0x1f8: {  	s28 =	simm.s32 @!p0 $0x200;
	[tilespmem:v2+s10+$0x0 ss:$0x1] =	vst.idx.msk $0xffff, v1;
	s10 =	sadd.s32 @!p0 s2, s25;
	s25 =	simm.s32 @!p0 $0x0  }
0x1f9: {  	[tilespmem:s28], [sflag:$0x2] =	stream.linear.gather @!p0 [hbm4b:s10+s25], $0x200, $0x38;
	[tilespmem:$0x1E320] =	vst v63  }
0x1fa: {  	s0 =	sshll.u32 @!p0 s0, $0x4;
	s10 =	sshll.u32 @!p0 s1, $0x7  }
0x1fb: {  	s0 =	sand.u32 @!p0 $0x3FFFFFF0, s0;
	s1 =	sshll.u32 @!p0 s1, $0x1;
	s10 =	sand.u32 @!p0 $0x1FFFFF80, s10  }
0x1fc: {  	s28 =	simm.s32 @!p0 $0x11000;
	s1 =	sand.u32 @!p0 $0x1FFFFFFE, s1;
	s10 =	sadd.s32 @!p0 s5, s10  }
0x1fd: {  	[tilespmem:s28], [sflag:$0x2] =	stream.linear.gather @!p0 [hbm4b:s10+s25], $0x400, $0x38;
	[tilespmem:$0x1E320] =	vst v63  }
0x1fe: {  	s0 =	sadd.s32 @!p0 $0x1E000, s0;
	s1 =	sadd.s32 @!p0 s6, s1  }
0x1ff: {  	[tilespmem:s0], [sflag:$0x2] =	stream.linear.gather @!p0 [hbm4b:s1+s25], $0x10, $0x38;
	[tilespmem:$0x1E320] =	vst v63  }
0x200: {  	_ =	swait.ge [sflag:s17], $0x200  }
0x201: {  	[sflag:s17] =	ssyncset.done $0x0  }
0x202: {  	[sflag:s17] =	ssyncadd.s32 $0xFFFFFE00  }
0x203: {  	_ =	swait.ge [sflag:s17], $0x400  }
0x204: {  	[sflag:s17] =	ssyncset.done $0x0  }
0x205: {  	[sflag:s17] =	ssyncadd.s32 $0xFFFFFC00  }
0x206: {  	_ =	swait.ge [sflag:s17], $0x10  }
0x207: {  	[sflag:s17] =	ssyncset.done $0x0  }
0x208: {  	s25 =	simm.s32 $0xC00;
	[sflag:s17] =	ssyncadd.s32 $0xFFFFFFF0  }
0x209: {  	[tilespmem:s25], [sflag:$0x5] =	stream.indirect.gather [hbm4b:s8+s30], $0x40, s4, s30, $0xb8;
	[tilespmem:$0x1E320] =	vst v63  }
0x20a: {  	s28 =	simm.s32 $0x800  }
0x20b: {  	[tilespmem:s28], [sflag:$0x5] =	stream.indirect.gather [hbm4b:s3+s30], $0x1, s30, s30, $0xb8;
	[tilespmem:$0x1E320] =	vst v63  }
.LBB2_10:
0x20c: {  	s0 =	sor.u32 $0x2, s31  }
0x20d: {  	p0 =	sgt.u32 s0, $0x30  }
.Ltmp6:
0x20e: {  	_ = 	snop;
	(pc) =	sbr.rel @p0 .LBB2_14-.Ltmp6, $1  }
0x20f: {  	_ =	sdelay $0x3  }
0x210: {  	_ =	swait.ge [sflag:s7], $0x4000  }
0x211: {  	[sflag:s7] =	ssyncset.done $0x0  }
0x212: {  	[sflag:s7] =	ssyncadd.s32 $0xFFFFC000  }
0x213: {  	_ =	swait.ge [sflag:s7], $0x100  }
0x214: {  	[sflag:s7] =	ssyncset.done $0x0  }
0x215: {  	[sflag:s7] =	ssyncadd.s32 $0xFFFFFF00  }
0x216: {  	s1 =	simm.s32 $0x8E00;
	v1 =	vld [tilespmem:$0x1E310]  }
0x217: {  	v3 =	vld [tilespmem:s1+$0x1A0]  }
0x218: {  	v8 =	vld [tilespmem:s1+$0x1D0]  }
0x219: {  	v2 =	vld [tilespmem:s1+$0x100]  }
0x21a: {  	v9 =	vld [tilespmem:s1+$0xFFFFFFF0]  }
0x21b: {  	v13 =	vld [tilespmem:s1+$0xC0]  }
0x21c: {  	v14 =	vld [tilespmem:s1+$0xFFFFFED0]  }
0x21d: {  	s0 =	simm.s32 $0xA00;
	v15 =	vld [tilespmem:s1+$0xFFFFFEF0]  }
0x21e: {  	s10 =	simm.s32 $0x0;
	v16 =	vld [tilespmem:s0+$0x0]  }
0x21f: {  	v10 =	vld [tilespmem:s10+$0x11400]  }
0x220: {  	v17 =	vld [tilespmem:s1+$0xFFFFFE50]  }
0x221: {  	v18 =	vld [tilespmem:s1+$0xFFFFFE60]  }
0x222: {  	v19 =	vld [tilespmem:s1+$0xFFFFFE20]  }
0x223: {  	v20 =	vld [tilespmem:s1+$0xFFFFFE90]  }
0x224: {  	v21 =	vld [tilespmem:s1+$0xFFFFFE80]  }
0x225: {  	v22 =	vld [tilespmem:s1+$0xFFFFFE10]  }
0x226: {  	v12 =	vld [tilespmem:s1+$0xFFFFFE00]  }
0x227: {  	v23 =	vld [tilespmem:s1+$0xFFFFFEA0]  }
0x228: {  	v24 =	vld [tilespmem:s1+$0xFFFFFEC0]  }
0x229: {  	v25 =	vld [tilespmem:s1+$0xFFFFFE30]  }
0x22a: {  	v26 =	vld [tilespmem:s1+$0xFFFFFF10]  }
0x22b: {  	v27 =	vld [tilespmem:s1+$0xFFFFFF80];
	v7 =	vbroadcast v16, $0xC;
	v6 =	vbroadcast v16, $0xD  }
0x22c: {  	v28 =	vld [tilespmem:s1+$0xFFFFFF90];
	v5 =	vbroadcast v16, $0xE;
	v4 =	vbroadcast v16, $0xF  }
0x22d: {  	v30 =	vld [tilespmem:s1+$0xFFFFFE40];
	v32 =	vbroadcast v16, $0x0;
	v11 =	vbroadcast v16, $0xA  }
0x22e: {  	v29 =	vld [tilespmem:s1+$0xFFFFFFD0];
	v34 =	vbroadcast v16, $0x3;
	v36 =	vbroadcast v16, $0x1  }
0x22f: {  	v33 =	vld [tilespmem:s1+$0xFFFFFF00];
	v38 =	vbroadcast v16, $0x2;
	v43 =	vbroadcast v16, $0x4  }
0x230: {  	v35 =	vld [tilespmem:s1+$0xFFFFFEE0];
	v31 =	vmul.f32 v2, v7;
	v2 =	vmul.f32 v12, v32  }
0x231: {  	v37 =	vld [tilespmem:s1+$0xFFFFFF40];
	v45 =	vbroadcast v16, $0x5;
	v12 =	vbroadcast v16, $0xB  }
0x232: {  	v39 =	vld [tilespmem:s1+$0xFFFFFF50];
	v15 =	vmul.f32 v15, v34;
	v30 =	vmul.f32 v30, v36;
	v2 =	vadd.f32 $0.0e+00, v2  }
0x233: {  	v40 =	vld [tilespmem:s1+$0xFFFFFF20];
	v21 =	vmul.f32 v21, v38;
	v20 =	vmul.f32 v20, v38  }
0x234: {  	v41 =	vld [tilespmem:s1+$0xFFFFFF60];
	v22 =	vmul.f32 v22, v32;
	v25 =	vmul.f32 v25, v32;
	v30 =	vadd.f32 v30, v2  }
0x235: {  	v42 =	vld [tilespmem:s1+$0xFFFFFFC0];
	v23 =	vmul.f32 v23, v38;
	v19 =	vmul.f32 v19, v32  }
0x236: {  	v62 =	vld [tilespmem:s1+$0xFFFFFFA0];
	v24 =	vmul.f32 v24, v34;
	v18 =	vmul.f32 v18, v36;
	v21 =	vadd.f32 v21, v30  }
0x237: {  	v46 =	vld [tilespmem:s1+$0xFFFFFE70];
	v47 =	vmul.f32 v33, v43;
	v48 =	vmul.f32 v35, v34  }
0x238: {  	v63 =	vld [tilespmem:s1+$0x0];
	v17 =	vmul.f32 v17, v36;
	v35 =	vbroadcast v16, $0x6;
	v21 =	vadd.f32 v24, v21  }
0x239: {  	v44 =	vld [tilespmem:s1+$0x10];
	v37 =	vmul.f32 v37, v45;
	v14 =	vmul.f32 v14, v34;
	v22 =	vadd.f32 $0.0e+00, v22  }
0x23a: {  	v49 =	vld [tilespmem:s1+$0xFFFFFFE0];
	v26 =	vmul.f32 v26, v43;
	v39 =	vmul.f32 v39, v45;
	v21 =	vadd.f32 v47, v21  }
0x23b: {  	v50 =	vld [tilespmem:s1+$0xFFFFFEB0];
	v51 =	vmul.f32 v27, v35;
	v27 =	vbroadcast v16, $0x7;
	v17 =	vadd.f32 v17, v22  }
0x23c: {  	v52 =	vld [tilespmem:s1+$0x50];
	v40 =	vmul.f32 v40, v43;
	v36 =	vmul.f32 v46, v36;
	v21 =	vadd.f32 v37, v21  }
0x23d: {  	v53 =	vld [tilespmem:s1+$0x40];
	v8 =	vmul.f32 v8, v4;
	v54 =	vmul.f32 v42, v27;
	v17 =	vadd.f32 v20, v17  }
0x23e: {  	v55 =	vld [tilespmem:s1+$0x90];
	v37 =	vbroadcast v16, $0x9;
	v16 =	vbroadcast v16, $0x8;
	v21 =	vadd.f32 v51, v21  }
0x23f: {  	v56 =	vld [tilespmem:s1+$0x80];
	v19 =	vadd.f32 $0.0e+00, v19;
	v28 =	vmul.f32 v28, v35;
	v14 =	vadd.f32 v14, v17  }
0x240: {  	v58 =	vld [tilespmem:s1+$0xD0];
	v25 =	vadd.f32 $0.0e+00, v25;
	v57 =	vmul.f32 v63, v16;
	v21 =	vadd.f32 v54, v21  }
0x241: {  	v59 =	vld [tilespmem:s1+$0xFFFFFFB0];
	v60 =	vmul.f32 v62, v35;
	v13 =	vmul.f32 v13, v12;
	v14 =	vadd.f32 v26, v14  }
0x242: {  	v46 =	vld [tilespmem:s1+$0x190];
	v18 =	vadd.f32 v18, v19;
	v20 =	vmul.f32 v53, v37;
	v21 =	vadd.f32 v57, v21  }
0x243: {  	v62 =	vld [tilespmem:s1+$0xFFFFFF30];
	v2 =	vmov s20;
	v29 =	vmul.f32 v29, v27;
	v14 =	vadd.f32 v39, v14  }
0x244: {  	v22 =	vld [tilespmem:s1+$0x20];
	v18 =	vadd.f32 v23, v18;
	v17 =	vmul.f32 v56, v11;
	v20 =	vadd.f32 v20, v21  }
0x245: {  	v25 =	vadd.f32 v36, v25;
	v19 =	vmul.f32 v49, v27;
	v47 =	vld [tilespmem:s1+$0x140];
	v14 =	vadd.f32 v28, v14  }
0x246: {  	v49 =	vld [tilespmem:s1+$0x60];
	v9 =	vmul.f32 v9, v27;
	v18 =	vadd.f32 v48, v18;
	v17 =	vadd.f32 v17, v20  }
0x247: {  	v30 =	vmul.f32 v58, v12;
	v48 =	vld [tilespmem:s1+$0x180];
	v61 =	vmul.f32 v44, v16;
	v14 =	vadd.f32 v29, v14  }
0x248: {  	v58 =	vmul.f32 v59, v35;
	v56 =	vld [tilespmem:s1+$0x110];
	v18 =	vadd.f32 v40, v18;
	v13 =	vadd.f32 v13, v17  }
0x249: {  	v63 =	vld [tilespmem:s1+$0x1C0];
	v44 =	vmul.f32 v41, v45;
	v34 =	vmul.f32 v52, v37;
	v14 =	vadd.f32 v61, v14  }
0x24a: {  	v59 =	vld [tilespmem:s1+$0xE0];
	v24 =	vmul.f32 v50, v38;
	v57 =	vmul.f32 v47, v6;
	v13 =	vadd.f32 v31, v13  }
0x24b: {  	v50 =	vmul.f32 v55, v11;
	v51 =	vld [tilespmem:s1+$0xFFFFFF70];
	v52 =	vadd.f32 v44, v18;
	v14 =	vadd.f32 v34, v14  }
0x24c: {  	v35 =	vld [tilespmem:s1+$0x160];
	v54 =	vadd.f32 v24, v25;
	v20 =	vmul.f32 v48, v5;
	v13 =	vadd.f32 v57, v13  }
0x24d: {  	v36 =	vmul.f32 v56, v7;
	v14 =	vadd.f32 v50, v14;
	v17 =	vadd.f32 v60, v52;
	v60 =	vld [tilespmem:s1+$0x150]  }
0x24e: {  	v55 =	vld [tilespmem:s1+$0xA0];
	v53 =	vmul.f32 v22, v16;
	v21 =	vmul.f32 v63, v4;
	v13 =	vadd.f32 v20, v13  }
0x24f: {  	v38 =	vld [tilespmem:s1+$0x70];
	v15 =	vadd.f32 v15, v54;
	v61 =	vmul.f32 v62, v43;
	v14 =	vadd.f32 v30, v14  }
0x250: {  	v39 =	vmul.f32 v51, v45;
	v63 =	vld [tilespmem:s1+$0x30];
	v17 =	vadd.f32 v19, v17;
	v13 =	vadd.f32 v21, v13  }
0x251: {  	v41 =	vld [tilespmem:s1+$0xB0];
	v15 =	vadd.f32 v61, v15;
	v34 =	vmul.f32 v49, v37;
	v14 =	vadd.f32 v36, v14  }
0x252: {  	v62 =	vld [tilespmem:s1+$0x120];
	v17 =	vadd.f32 v53, v17;
	v42 =	vmul.f32 v60, v6;
	v13 =	vadd.f32 v13, v13  }
0x253: {  	v40 =	vmul.f32 v55, v11;
	v44 =	vmul.f32 v46, v5;
	v43 =	vld [tilespmem:s1+$0x1F0];
	v15 =	vadd.f32 v39, v15  }
0x254: {  	v47 =	vld [tilespmem:s1+$0xF0];
	v17 =	vadd.f32 v34, v17;
	v14 =	vadd.f32 v42, v14;
	v13 =	vmul.f32 v13, v1  }
0x255: {  	v46 =	vmul.f32 v59, v12;
	v45 =	vld [tilespmem:s1+$0x1E0];
	v15 =	vadd.f32 v58, v15;
	v50 =	vmul.f32 v63, v16  }
0x256: {  	v51 =	vld [tilespmem:s1+$0x170];
	v17 =	vadd.f32 v40, v17;
	v14 =	vadd.f32 v44, v14;
	vm0 =	vlt.f32 v13, v10  }
0x257: {  	v49 =	vld [tilespmem:s1+$0x130];
	v9 =	vadd.f32 v9, v15;
	v53 =	vmul.f32 v62, v7;
	v52 =	vsel vm0, $0x3F800000, v0  }
0x258: {  	v48 =	vld [tilespmem:s1+$0x1B0];
	v17 =	vadd.f32 v46, v17;
	v8 =	vadd.f32 v8, v14;
	[tilespmem:v2+s10+$0xFFFFFFD0 ss:$0x1] =	vst.idx.msk $0xffff, v52  }
0x259: {  	v54 =	vmul.f32 v38, v37;
	v9 =	vadd.f32 v50, v9;
	v55 =	vld [tilespmem:s10+$0x11410]  }
0x25a: {  	v57 =	vmul.f32 v35, v6;
	v56 =	vadd.f32 v53, v17;
	v8 =	vadd.f32 v8, v8  }
0x25b: {  	v11 =	vmul.f32 v41, v11;
	v9 =	vadd.f32 v54, v9  }
0x25c: {  	v3 =	vmul.f32 v3, v5;
	v58 =	vadd.f32 v57, v56;
	v8 =	vmul.f32 v8, v1  }
0x25d: {  	v59 =	vmul.f32 v47, v12;
	v9 =	vadd.f32 v11, v9  }
0x25e: {  	v60 =	vmul.f32 v45, v4;
	v3 =	vadd.f32 v3, v58;
	vm14 =	vlt.f32 v8, v55  }
0x25f: {  	v7 =	vmul.f32 v49, v7;
	v61 =	vadd.f32 v59, v9;
	v62 =	vsel vm14, $0x3F800000, v0  }
0x260: {  	v3 =	vadd.f32 v60, v3;
	[tilespmem:v2+s10+$0xFFFFFFE0 ss:$0x1] =	vst.idx.msk $0xffff, v62  }
0x261: {  	v6 =	vmul.f32 v51, v6;
	v7 =	vadd.f32 v7, v61;
	v63 =	vld [tilespmem:s10+$0x11420]  }
0x262: {  	v3 =	vadd.f32 v3, v3  }
0x263: {  	v5 =	vmul.f32 v48, v5;
	v6 =	vadd.f32 v6, v7  }
0x264: {  	v3 =	vmul.f32 v3, v1  }
0x265: {  	v4 =	vmul.f32 v43, v4;
	v5 =	vadd.f32 v5, v6  }
0x266: {  	vm15 =	vlt.f32 v3, v63  }
0x267: {  	v3 =	vadd.f32 v4, v5;
	v4 =	vsel vm15, $0x3F800000, v0  }
0x268: {  	[tilespmem:v2+s10+$0xFFFFFFF0 ss:$0x1] =	vst.idx.msk $0xffff, v4  }
0x269: {  	s25 =	simm.s32 $0x100;
	v3 =	vadd.f32 v3, v3;
	v4 =	vld [tilespmem:s10+$0x11430]  }
.LBB2_12:
0x26a: {  	_ = 	snop  }
0x26b: {  	p0 =	sne.s32 s25, $0xF00;
	s1 =	sadd.s32 $0x400, s1;
	s0 =	sadd.s32 $0x10, s0  }
0x26c: {  	v1 =	vmul.f32 v3, v1;
	s28 =	smov.u32 s25;
	s25 =	sadd.s32 $0x100, s25;
	_ =	sdelay $0x1  }
0x26d: {  	vm0 =	vlt.f32 v1, v4  }
0x26e: {  	v1 =	vsel vm0, $0x3F800000, v0  }
0x26f: {  	[tilespmem:v2+s10+$0x0 ss:$0x1] =	vst.idx.msk $0xffff, v1;
	_ =	sdelay $0x2  }
0x270: {  	v1 =	vld [tilespmem:$0x1E310]  }
0x271: {  	v8 =	vld [tilespmem:s1+$0x1A0]  }
0x272: {  	v9 =	vld [tilespmem:s1+$0x1D0]  }
0x273: {  	v10 =	vld [tilespmem:s1+$0x100]  }
0x274: {  	v13 =	vld [tilespmem:s1+$0xFFFFFFF0]  }
0x275: {  	v16 =	vld [tilespmem:s1+$0xC0]  }
0x276: {  	v17 =	vld [tilespmem:s1+$0xFFFFFED0]  }
0x277: {  	v14 =	vld [tilespmem:s1+$0xFFFFFEF0]  }
0x278: {  	s10 =	sshra.s32 s28, $0x2;
	v18 =	vld [tilespmem:s0+$0x0]  }
0x279: {  	v7 =	vld [tilespmem:s10+$0x11400]  }
0x27a: {  	v19 =	vld [tilespmem:s1+$0xFFFFFE50]  }
0x27b: {  	v20 =	vld [tilespmem:s1+$0xFFFFFE60]  }
0x27c: {  	v21 =	vld [tilespmem:s1+$0xFFFFFE20]  }
0x27d: {  	v22 =	vld [tilespmem:s1+$0xFFFFFE90];
	v4 =	vbroadcast v18, $0xC;
	v3 =	vbroadcast v18, $0xD  }
0x27e: {  	v6 =	vbroadcast v18, $0xE;
	v5 =	vbroadcast v18, $0xF;
	v23 =	vld [tilespmem:s1+$0xFFFFFE80]  }
0x27f: {  	v24 =	vld [tilespmem:s1+$0xFFFFFE10]  }
0x280: {  	v25 =	vld [tilespmem:s1+$0xFFFFFE00]  }
0x281: {  	v26 =	vld [tilespmem:s1+$0xFFFFFEA0]  }
0x282: {  	v27 =	vld [tilespmem:s1+$0xFFFFFEC0]  }
0x283: {  	v28 =	vld [tilespmem:s1+$0xFFFFFE30]  }
0x284: {  	v8 =	vmul.f32 v8, v6;
	v29 =	vld [tilespmem:s1+$0xFFFFFF10]  }
0x285: {  	v15 =	vmul.f32 v10, v4;
	v10 =	vmul.f32 v9, v5;
	v30 =	vld [tilespmem:s1+$0xFFFFFF80]  }
0x286: {  	v11 =	vbroadcast v18, $0xA;
	v9 =	vbroadcast v18, $0xB;
	v31 =	vld [tilespmem:s1+$0xFFFFFF90]  }
0x287: {  	v32 =	vbroadcast v18, $0x0;
	v33 =	vbroadcast v18, $0x3;
	v34 =	vld [tilespmem:s1+$0xFFFFFFD0]  }
0x288: {  	v36 =	vbroadcast v18, $0x2;
	v12 =	vbroadcast v18, $0x9;
	v35 =	vld [tilespmem:s1+$0xFFFFFE40]  }
0x289: {  	v37 =	vmul.f32 v14, v33;
	v25 =	vmul.f32 v25, v32;
	v38 =	vld [tilespmem:s1+$0xFFFFFF00]  }
0x28a: {  	v22 =	vmul.f32 v22, v36;
	v23 =	vmul.f32 v23, v36;
	v14 =	vld [tilespmem:s1+$0xFFFFFEE0]  }
0x28b: {  	v39 =	vbroadcast v18, $0x1;
	v24 =	vmul.f32 v24, v32;
	v40 =	vld [tilespmem:s1+$0xFFFFFF40]  }
0x28c: {  	v26 =	vmul.f32 v26, v36;
	v28 =	vmul.f32 v28, v32;
	v41 =	vld [tilespmem:s1+$0xFFFFFF50]  }
0x28d: {  	v24 =	vadd.f32 $0.0e+00, v24;
	v25 =	vadd.f32 $0.0e+00, v25;
	v35 =	vmul.f32 v35, v39;
	v42 =	vld [tilespmem:s1+$0xFFFFFF20]  }
0x28e: {  	v20 =	vmul.f32 v20, v39;
	v21 =	vmul.f32 v21, v32;
	v32 =	vld [tilespmem:s1+$0xFFFFFF60]  }
0x28f: {  	v25 =	vadd.f32 v35, v25;
	v35 =	vmul.f32 v14, v33;
	v43 =	vld [tilespmem:s1+$0xFFFFFFC0];
	v14 =	vbroadcast v18, $0x8  }
0x290: {  	v44 =	vbroadcast v18, $0x4;
	v17 =	vmul.f32 v17, v33;
	v21 =	vadd.f32 $0.0e+00, v21;
	v45 =	vld [tilespmem:s1+$0xFFFFFFA0]  }
0x291: {  	v19 =	vmul.f32 v19, v39;
	v23 =	vadd.f32 v23, v25;
	v25 =	vmul.f32 v27, v33;
	v27 =	vld [tilespmem:s1+$0x0]  }
0x292: {  	v20 =	vadd.f32 v20, v21;
	v21 =	vmul.f32 v29, v44;
	v29 =	vbroadcast v18, $0x5;
	v33 =	vld [tilespmem:s1+$0x10]  }
0x293: {  	v19 =	vadd.f32 v19, v24;
	v24 =	vld [tilespmem:s1+$0xFFFFFE70];
	v23 =	vadd.f32 v25, v23;
	v25 =	vmul.f32 v38, v44  }
0x294: {  	v20 =	vadd.f32 v26, v20;
	v26 =	vmul.f32 v41, v29;
	v38 =	vbroadcast v18, $0x6;
	v41 =	vld [tilespmem:s1+$0xFFFFFFE0]  }
0x295: {  	v40 =	vmul.f32 v40, v29;
	v46 =	vld [tilespmem:s1+$0xFFFFFEB0];
	v23 =	vadd.f32 v25, v23;
	v25 =	vmul.f32 v42, v44  }
0x296: {  	v19 =	vadd.f32 v22, v19;
	v18 =	vbroadcast v18, $0x7;
	v22 =	vmul.f32 v30, v38;
	v30 =	vld [tilespmem:s1+$0x20]  }
0x297: {  	v28 =	vadd.f32 $0.0e+00, v28;
	v31 =	vmul.f32 v31, v38;
	v23 =	vadd.f32 v40, v23;
	v40 =	vld [tilespmem:s1+$0x50]  }
0x298: {  	v20 =	vadd.f32 v35, v20;
	v34 =	vmul.f32 v34, v18;
	v24 =	vmul.f32 v24, v39;
	v35 =	vld [tilespmem:s1+$0x40]  }
0x299: {  	v39 =	vmul.f32 v43, v18;
	v22 =	vadd.f32 v22, v23;
	v23 =	vmul.f32 v45, v38;
	v42 =	vld [tilespmem:s1+$0x90]  }
0x29a: {  	v17 =	vadd.f32 v17, v19;
	v19 =	vmul.f32 v33, v14;
	v24 =	vadd.f32 v24, v28;
	v28 =	vld [tilespmem:s1+$0x80]  }
0x29b: {  	v32 =	vmul.f32 v32, v29;
	v27 =	vmul.f32 v27, v14;
	v22 =	vadd.f32 v39, v22;
	v33 =	vld [tilespmem:s1+$0xD0]  }
0x29c: {  	v16 =	vmul.f32 v16, v9;
	v17 =	vadd.f32 v21, v17;
	v21 =	vmul.f32 v40, v12;
	v39 =	vld [tilespmem:s1+$0x190]  }
0x29d: {  	v20 =	vadd.f32 v25, v20;
	v25 =	vld [tilespmem:s1+$0xFFFFFFB0];
	v22 =	vadd.f32 v27, v22;
	v27 =	vmul.f32 v35, v12  }
0x29e: {  	v17 =	vadd.f32 v26, v17;
	v26 =	vmul.f32 v41, v18;
	v35 =	vld [tilespmem:s1+$0xFFFFFF30];
	v40 =	vmul.f32 v42, v11  }
0x29f: {  	v36 =	vmul.f32 v46, v36;
	v22 =	vadd.f32 v27, v22;
	v27 =	vmul.f32 v28, v11;
	v28 =	vld [tilespmem:s1+$0x1C0]  }
0x2a0: {  	v17 =	vadd.f32 v31, v17;
	v20 =	vadd.f32 v32, v20;
	v30 =	vmul.f32 v30, v14;
	v31 =	vld [tilespmem:s1+$0x140]  }
0x2a1: {  	v24 =	vadd.f32 v36, v24;
	v22 =	vadd.f32 v27, v22;
	v27 =	vmul.f32 v33, v9;
	v32 =	vld [tilespmem:s1+$0x180]  }
0x2a2: {  	v17 =	vadd.f32 v34, v17;
	v20 =	vadd.f32 v23, v20;
	v23 =	vmul.f32 v25, v38;
	v25 =	vld [tilespmem:s1+$0x60]  }
0x2a3: {  	v24 =	vadd.f32 v37, v24;
	v33 =	vmul.f32 v35, v44;
	v34 =	vld [tilespmem:s1+$0xFFFFFF70];
	v16 =	vadd.f32 v16, v22  }
0x2a4: {  	v13 =	vmul.f32 v13, v18;
	v17 =	vadd.f32 v19, v17;
	v20 =	vadd.f32 v26, v20;
	v18 =	vld [tilespmem:s1+$0xA0]  }
0x2a5: {  	v19 =	vadd.f32 v33, v24;
	v15 =	vadd.f32 v15, v16;
	v16 =	vld [tilespmem:s1+$0x110];
	v22 =	vmul.f32 v31, v3  }
0x2a6: {  	v17 =	vadd.f32 v21, v17;
	v20 =	vadd.f32 v30, v20;
	v24 =	vmul.f32 v39, v6;
	v21 =	vld [tilespmem:s1+$0xE0]  }
0x2a7: {  	v26 =	vmul.f32 v32, v6;
	v25 =	vmul.f32 v25, v12;
	v15 =	vadd.f32 v22, v15;
	v22 =	vld [tilespmem:s1+$0x150]  }
0x2a8: {  	v17 =	vadd.f32 v40, v17;
	v28 =	vmul.f32 v28, v5;
	v29 =	vmul.f32 v34, v29;
	v30 =	vld [tilespmem:s1+$0x120]  }
0x2a9: {  	v31 =	vld [tilespmem:s1+$0x30];
	v20 =	vadd.f32 v25, v20;
	v18 =	vmul.f32 v18, v11;
	v15 =	vadd.f32 v26, v15  }
0x2aa: {  	v17 =	vadd.f32 v27, v17;
	v19 =	vadd.f32 v29, v19;
	v16 =	vmul.f32 v16, v4;
	v25 =	vld [tilespmem:s1+$0x160]  }
0x2ab: {  	v26 =	vld [tilespmem:s1+$0x70];
	v18 =	vadd.f32 v18, v20;
	v20 =	vmul.f32 v21, v9;
	v15 =	vadd.f32 v28, v15  }
0x2ac: {  	v19 =	vadd.f32 v23, v19;
	v21 =	vld [tilespmem:s1+$0xB0];
	v16 =	vadd.f32 v16, v17;
	v17 =	vmul.f32 v22, v3  }
0x2ad: {  	v18 =	vadd.f32 v20, v18;
	v20 =	vmul.f32 v30, v4;
	v22 =	vld [tilespmem:s1+$0x1F0];
	v15 =	vadd.f32 v15, v15  }
0x2ae: {  	v13 =	vadd.f32 v13, v19;
	v14 =	vmul.f32 v31, v14;
	v16 =	vadd.f32 v17, v16;
	v17 =	vld [tilespmem:s1+$0x1E0]  }
0x2af: {  	v19 =	vld [tilespmem:s1+$0xF0];
	v18 =	vadd.f32 v20, v18;
	v20 =	vmul.f32 v25, v3;
	v15 =	vmul.f32 v15, v1  }
0x2b0: {  	v13 =	vadd.f32 v14, v13;
	v12 =	vmul.f32 v26, v12;
	v14 =	vadd.f32 v24, v16;
	v16 =	vld [tilespmem:s1+$0x1B0]  }
0x2b1: {  	v11 =	vmul.f32 v21, v11;
	v21 =	vld [tilespmem:s1+$0x130];
	v18 =	vadd.f32 v20, v18;
	vm0 =	vlt.f32 v15, v7  }
0x2b2: {  	v7 =	vadd.f32 v12, v13;
	v12 =	vld [tilespmem:s1+$0x170];
	v10 =	vadd.f32 v10, v14;
	v13 =	vsel vm0, $0x3F800000, v0  }
0x2b3: {  	v8 =	vadd.f32 v8, v18;
	v14 =	vmul.f32 v17, v5;
	[tilespmem:v2+s10+$0xFFFFFFD0 ss:$0x1] =	vst.idx.msk $0xffff, v13  }
0x2b4: {  	v7 =	vadd.f32 v11, v7;
	v9 =	vmul.f32 v19, v9;
	v10 =	vadd.f32 v10, v10;
	v11 =	vld [tilespmem:s10+$0x11410]  }
0x2b5: {  	v5 =	vmul.f32 v22, v5;
	v6 =	vmul.f32 v16, v6;
	v8 =	vadd.f32 v14, v8  }
0x2b6: {  	v7 =	vadd.f32 v9, v7;
	v4 =	vmul.f32 v21, v4  }
0x2b7: {  	v9 =	vmul.f32 v10, v1;
	v3 =	vmul.f32 v12, v3;
	v8 =	vadd.f32 v8, v8  }
0x2b8: {  	v4 =	vadd.f32 v4, v7  }
0x2b9: {  	vm0 =	vlt.f32 v9, v11  }
0x2ba: {  	v3 =	vadd.f32 v3, v4;
	v4 =	vsel vm0, $0x3F800000, v0  }
0x2bb: {  	[tilespmem:v2+s10+$0xFFFFFFE0 ss:$0x1] =	vst.idx.msk $0xffff, v4  }
0x2bc: {  	v3 =	vadd.f32 v6, v3;
	v4 =	vld [tilespmem:s10+$0x11420];
	_ =	sdelay $0x1  }
0x2bd: {  	v3 =	vadd.f32 v5, v3  }
0x2be: {  	v5 =	vmul.f32 v8, v1  }
.Ltmp7:
0x2bf: {  	v3 =	vadd.f32 v3, v3;
	(pc) =	sbr.rel @p0 .LBB2_12-.Ltmp7, $4  }
0x2c0: {  	vm0 =	vlt.f32 v5, v4  }
0x2c1: {  	v4 =	vsel vm0, $0x3F800000, v0  }
0x2c2: {  	[tilespmem:v2+s10+$0xFFFFFFF0 ss:$0x1] =	vst.idx.msk $0xffff, v4  }
0x2c3: {  	v4 =	vld [tilespmem:s10+$0x11430]  }
0x2c4: {  	_ = 	snop  }
0x2c5: {  	p0 =	sgt.u32 s16, $0xA  }
0x2c6: {  	v1 =	vmul.f32 v3, v1;
	s0 =	sadd.s32 @!p0 $0x6, s31  }
0x2c7: {  	s1 =	sadd.s32 @!p0 s14, s0  }
0x2c8: {  	s25 =	sshll.u32 @!p0 s1, $0x6;
	vm0 =	vlt.f32 v1, v4  }
0x2c9: {  	s25 =	sand.u32 @!p0 $0x1FFFFFC0, s25;
	v1 =	vsel vm0, $0x3F800000, v0  }
0x2ca: {  	s28 =	simm.s32 @!p0 $0x400;
	[tilespmem:v2+s10+$0x0 ss:$0x1] =	vst.idx.msk $0xffff, v1;
	s10 =	sadd.s32 @!p0 s2, s25;
	s25 =	simm.s32 @!p0 $0x0  }
0x2cb: {  	[tilespmem:s28], [sflag:$0x3] =	stream.linear.gather @!p0 [hbm4b:s10+s25], $0x200, $0x38;
	[tilespmem:$0x1E320] =	vst v63  }
0x2cc: {  	s0 =	sshll.u32 @!p0 s0, $0x4;
	s10 =	sshll.u32 @!p0 s1, $0x7  }
0x2cd: {  	s0 =	sand.u32 @!p0 $0x3FFFFFF0, s0;
	s1 =	sshll.u32 @!p0 s1, $0x1;
	s10 =	sand.u32 @!p0 $0x1FFFFF80, s10  }
0x2ce: {  	s28 =	simm.s32 @!p0 $0x11400;
	s1 =	sand.u32 @!p0 $0x1FFFFFFE, s1;
	s10 =	sadd.s32 @!p0 s5, s10  }
0x2cf: {  	[tilespmem:s28], [sflag:$0x3] =	stream.linear.gather @!p0 [hbm4b:s10+s25], $0x400, $0x38;
	[tilespmem:$0x1E320] =	vst v63  }
0x2d0: {  	s0 =	sadd.s32 @!p0 $0x1E000, s0;
	s1 =	sadd.s32 @!p0 s6, s1  }
0x2d1: {  	[tilespmem:s0], [sflag:$0x3] =	stream.linear.gather @!p0 [hbm4b:s1+s25], $0x10, $0x38;
	[tilespmem:$0x1E320] =	vst v63  }
0x2d2: {  	s0 =	simm.s32 @!p0 $0x2  }
0x2d3: {  	_ =	swait.ge @!p0 [sflag:s0], $0x200  }
0x2d4: {  	[sflag:s0] =	ssyncset.done @!p0 $0x0  }
0x2d5: {  	[sflag:s0] =	ssyncadd.s32 @!p0 $0xFFFFFE00  }
0x2d6: {  	_ =	swait.ge @!p0 [sflag:s0], $0x400  }
0x2d7: {  	[sflag:s0] =	ssyncset.done @!p0 $0x0  }
0x2d8: {  	[sflag:s0] =	ssyncadd.s32 @!p0 $0xFFFFFC00  }
0x2d9: {  	_ =	swait.ge @!p0 [sflag:s0], $0x10  }
0x2da: {  	s10 =	simm.s32 @!p0 $0x4C00;
	[sflag:s0] =	ssyncset.done @!p0 $0x0  }
0x2db: {  	s1 =	simm.s32 @!p0 $0x200;
	[sflag:s0] =	ssyncadd.s32 @!p0 $0xFFFFFFF0;
	s0 =	simm.s32 @!p0 $0x100  }
0x2dc: {  	[tilespmem:s10], [sflag:$0x6] =	stream.indirect.gather @!p0 [hbm4b:s8+s0], $0x40, s1, s0, $0xb8;
	[tilespmem:$0x1E320] =	vst v63  }
0x2dd: {  	s1 =	simm.s32 @!p0 $0x300;
	s10 =	simm.s32 @!p0 $0x900  }
0x2de: {  	[tilespmem:s10], [sflag:$0x6] =	stream.indirect.gather @!p0 [hbm4b:s3+s0], $0x1, s1, s0, $0xb8;
	[tilespmem:$0x1E320] =	vst v63  }
.LBB2_14:
0x2df: {  	s0 =	sor.u32 $0x3, s31  }
0x2e0: {  	p0 =	sgt.u32 s0, $0x30  }
.Ltmp8:
0x2e1: {  	_ = 	snop;
	(pc) =	sbr.rel @p0 .LBB2_18-.Ltmp8, $1  }
0x2e2: {  	_ =	sdelay $0x3  }
0x2e3: {  	_ =	swait.ge [sflag:s9], $0x4000  }
0x2e4: {  	[sflag:s9] =	ssyncset.done $0x0  }
0x2e5: {  	[sflag:s9] =	ssyncadd.s32 $0xFFFFC000  }
0x2e6: {  	_ =	swait.ge [sflag:s9], $0x100  }
0x2e7: {  	[sflag:s9] =	ssyncset.done $0x0  }
0x2e8: {  	[sflag:s9] =	ssyncadd.s32 $0xFFFFFF00  }
0x2e9: {  	s1 =	simm.s32 $0xCE00;
	v1 =	vld [tilespmem:$0x1E310]  }
0x2ea: {  	v3 =	vld [tilespmem:s1+$0x1A0]  }
0x2eb: {  	v8 =	vld [tilespmem:s1+$0x1D0]  }
0x2ec: {  	v2 =	vld [tilespmem:s1+$0x100]  }
0x2ed: {  	v9 =	vld [tilespmem:s1+$0xFFFFFFF0]  }
0x2ee: {  	v13 =	vld [tilespmem:s1+$0xC0]  }
0x2ef: {  	v14 =	vld [tilespmem:s1+$0xFFFFFED0]  }
0x2f0: {  	s0 =	simm.s32 $0xB00;
	v15 =	vld [tilespmem:s1+$0xFFFFFEF0]  }
0x2f1: {  	s10 =	simm.s32 $0x0;
	v16 =	vld [tilespmem:s0+$0x0]  }
0x2f2: {  	v10 =	vld [tilespmem:s10+$0x11800]  }
0x2f3: {  	v17 =	vld [tilespmem:s1+$0xFFFFFE50]  }
0x2f4: {  	v18 =	vld [tilespmem:s1+$0xFFFFFE60]  }
0x2f5: {  	v19 =	vld [tilespmem:s1+$0xFFFFFE20]  }
0x2f6: {  	v20 =	vld [tilespmem:s1+$0xFFFFFE90]  }
0x2f7: {  	v21 =	vld [tilespmem:s1+$0xFFFFFE80]  }
0x2f8: {  	v22 =	vld [tilespmem:s1+$0xFFFFFE10]  }
0x2f9: {  	v12 =	vld [tilespmem:s1+$0xFFFFFE00]  }
0x2fa: {  	v23 =	vld [tilespmem:s1+$0xFFFFFEA0]  }
0x2fb: {  	v24 =	vld [tilespmem:s1+$0xFFFFFEC0]  }
0x2fc: {  	v25 =	vld [tilespmem:s1+$0xFFFFFE30]  }
0x2fd: {  	v26 =	vld [tilespmem:s1+$0xFFFFFF10]  }
0x2fe: {  	v27 =	vld [tilespmem:s1+$0xFFFFFF80];
	v7 =	vbroadcast v16, $0xC;
	v6 =	vbroadcast v16, $0xD  }
0x2ff: {  	v28 =	vld [tilespmem:s1+$0xFFFFFF90];
	v5 =	vbroadcast v16, $0xE;
	v4 =	vbroadcast v16, $0xF  }
0x300: {  	v30 =	vld [tilespmem:s1+$0xFFFFFE40];
	v32 =	vbroadcast v16, $0x0;
	v11 =	vbroadcast v16, $0xA  }
0x301: {  	v29 =	vld [tilespmem:s1+$0xFFFFFFD0];
	v34 =	vbroadcast v16, $0x3;
	v36 =	vbroadcast v16, $0x1  }
0x302: {  	v33 =	vld [tilespmem:s1+$0xFFFFFF00];
	v38 =	vbroadcast v16, $0x2;
	v43 =	vbroadcast v16, $0x4  }
0x303: {  	v35 =	vld [tilespmem:s1+$0xFFFFFEE0];
	v31 =	vmul.f32 v2, v7;
	v2 =	vmul.f32 v12, v32  }
0x304: {  	v37 =	vld [tilespmem:s1+$0xFFFFFF40];
	v45 =	vbroadcast v16, $0x5;
	v12 =	vbroadcast v16, $0xB  }
0x305: {  	v39 =	vld [tilespmem:s1+$0xFFFFFF50];
	v15 =	vmul.f32 v15, v34;
	v30 =	vmul.f32 v30, v36;
	v2 =	vadd.f32 $0.0e+00, v2  }
0x306: {  	v40 =	vld [tilespmem:s1+$0xFFFFFF20];
	v21 =	vmul.f32 v21, v38;
	v20 =	vmul.f32 v20, v38  }
0x307: {  	v41 =	vld [tilespmem:s1+$0xFFFFFF60];
	v22 =	vmul.f32 v22, v32;
	v25 =	vmul.f32 v25, v32;
	v30 =	vadd.f32 v30, v2  }
0x308: {  	v42 =	vld [tilespmem:s1+$0xFFFFFFC0];
	v23 =	vmul.f32 v23, v38;
	v19 =	vmul.f32 v19, v32  }
0x309: {  	v62 =	vld [tilespmem:s1+$0xFFFFFFA0];
	v24 =	vmul.f32 v24, v34;
	v18 =	vmul.f32 v18, v36;
	v21 =	vadd.f32 v21, v30  }
0x30a: {  	v46 =	vld [tilespmem:s1+$0xFFFFFE70];
	v47 =	vmul.f32 v33, v43;
	v48 =	vmul.f32 v35, v34  }
0x30b: {  	v63 =	vld [tilespmem:s1+$0x0];
	v17 =	vmul.f32 v17, v36;
	v35 =	vbroadcast v16, $0x6;
	v21 =	vadd.f32 v24, v21  }
0x30c: {  	v44 =	vld [tilespmem:s1+$0x10];
	v37 =	vmul.f32 v37, v45;
	v14 =	vmul.f32 v14, v34;
	v22 =	vadd.f32 $0.0e+00, v22  }
0x30d: {  	v49 =	vld [tilespmem:s1+$0xFFFFFFE0];
	v26 =	vmul.f32 v26, v43;
	v39 =	vmul.f32 v39, v45;
	v21 =	vadd.f32 v47, v21  }
0x30e: {  	v50 =	vld [tilespmem:s1+$0xFFFFFEB0];
	v51 =	vmul.f32 v27, v35;
	v27 =	vbroadcast v16, $0x7;
	v17 =	vadd.f32 v17, v22  }
0x30f: {  	v52 =	vld [tilespmem:s1+$0x50];
	v40 =	vmul.f32 v40, v43;
	v36 =	vmul.f32 v46, v36;
	v21 =	vadd.f32 v37, v21  }
0x310: {  	v53 =	vld [tilespmem:s1+$0x40];
	v8 =	vmul.f32 v8, v4;
	v54 =	vmul.f32 v42, v27;
	v17 =	vadd.f32 v20, v17  }
0x311: {  	v55 =	vld [tilespmem:s1+$0x90];
	v37 =	vbroadcast v16, $0x9;
	v16 =	vbroadcast v16, $0x8;
	v21 =	vadd.f32 v51, v21  }
0x312: {  	v56 =	vld [tilespmem:s1+$0x80];
	v19 =	vadd.f32 $0.0e+00, v19;
	v28 =	vmul.f32 v28, v35;
	v14 =	vadd.f32 v14, v17  }
0x313: {  	v58 =	vld [tilespmem:s1+$0xD0];
	v25 =	vadd.f32 $0.0e+00, v25;
	v57 =	vmul.f32 v63, v16;
	v21 =	vadd.f32 v54, v21  }
0x314: {  	v59 =	vld [tilespmem:s1+$0xFFFFFFB0];
	v60 =	vmul.f32 v62, v35;
	v13 =	vmul.f32 v13, v12;
	v14 =	vadd.f32 v26, v14  }
0x315: {  	v46 =	vld [tilespmem:s1+$0x190];
	v18 =	vadd.f32 v18, v19;
	v20 =	vmul.f32 v53, v37;
	v21 =	vadd.f32 v57, v21  }
0x316: {  	v62 =	vld [tilespmem:s1+$0xFFFFFF30];
	v2 =	vmov s23;
	v29 =	vmul.f32 v29, v27;
	v14 =	vadd.f32 v39, v14  }
0x317: {  	v22 =	vld [tilespmem:s1+$0x20];
	v18 =	vadd.f32 v23, v18;
	v17 =	vmul.f32 v56, v11;
	v20 =	vadd.f32 v20, v21  }
0x318: {  	v25 =	vadd.f32 v36, v25;
	v19 =	vmul.f32 v49, v27;
	v47 =	vld [tilespmem:s1+$0x140];
	v14 =	vadd.f32 v28, v14  }
0x319: {  	v49 =	vld [tilespmem:s1+$0x60];
	v9 =	vmul.f32 v9, v27;
	v18 =	vadd.f32 v48, v18;
	v17 =	vadd.f32 v17, v20  }
0x31a: {  	v30 =	vmul.f32 v58, v12;
	v48 =	vld [tilespmem:s1+$0x180];
	v61 =	vmul.f32 v44, v16;
	v14 =	vadd.f32 v29, v14  }
0x31b: {  	v58 =	vmul.f32 v59, v35;
	v56 =	vld [tilespmem:s1+$0x110];
	v18 =	vadd.f32 v40, v18;
	v13 =	vadd.f32 v13, v17  }
0x31c: {  	v63 =	vld [tilespmem:s1+$0x1C0];
	v44 =	vmul.f32 v41, v45;
	v34 =	vmul.f32 v52, v37;
	v14 =	vadd.f32 v61, v14  }
0x31d: {  	v59 =	vld [tilespmem:s1+$0xE0];
	v24 =	vmul.f32 v50, v38;
	v57 =	vmul.f32 v47, v6;
	v13 =	vadd.f32 v31, v13  }
0x31e: {  	v50 =	vmul.f32 v55, v11;
	v51 =	vld [tilespmem:s1+$0xFFFFFF70];
	v52 =	vadd.f32 v44, v18;
	v14 =	vadd.f32 v34, v14  }
0x31f: {  	v35 =	vld [tilespmem:s1+$0x160];
	v54 =	vadd.f32 v24, v25;
	v20 =	vmul.f32 v48, v5;
	v13 =	vadd.f32 v57, v13  }
0x320: {  	v36 =	vmul.f32 v56, v7;
	v14 =	vadd.f32 v50, v14;
	v17 =	vadd.f32 v60, v52;
	v60 =	vld [tilespmem:s1+$0x150]  }
0x321: {  	v55 =	vld [tilespmem:s1+$0xA0];
	v53 =	vmul.f32 v22, v16;
	v21 =	vmul.f32 v63, v4;
	v13 =	vadd.f32 v20, v13  }
0x322: {  	v38 =	vld [tilespmem:s1+$0x70];
	v15 =	vadd.f32 v15, v54;
	v61 =	vmul.f32 v62, v43;
	v14 =	vadd.f32 v30, v14  }
0x323: {  	v39 =	vmul.f32 v51, v45;
	v63 =	vld [tilespmem:s1+$0x30];
	v17 =	vadd.f32 v19, v17;
	v13 =	vadd.f32 v21, v13  }
0x324: {  	v41 =	vld [tilespmem:s1+$0xB0];
	v15 =	vadd.f32 v61, v15;
	v34 =	vmul.f32 v49, v37;
	v14 =	vadd.f32 v36, v14  }
0x325: {  	v62 =	vld [tilespmem:s1+$0x120];
	v17 =	vadd.f32 v53, v17;
	v42 =	vmul.f32 v60, v6;
	v13 =	vadd.f32 v13, v13  }
0x326: {  	v40 =	vmul.f32 v55, v11;
	v44 =	vmul.f32 v46, v5;
	v43 =	vld [tilespmem:s1+$0x1F0];
	v15 =	vadd.f32 v39, v15  }
0x327: {  	v47 =	vld [tilespmem:s1+$0xF0];
	v17 =	vadd.f32 v34, v17;
	v14 =	vadd.f32 v42, v14;
	v13 =	vmul.f32 v13, v1  }
0x328: {  	v46 =	vmul.f32 v59, v12;
	v45 =	vld [tilespmem:s1+$0x1E0];
	v15 =	vadd.f32 v58, v15;
	v50 =	vmul.f32 v63, v16  }
0x329: {  	v51 =	vld [tilespmem:s1+$0x170];
	v17 =	vadd.f32 v40, v17;
	v14 =	vadd.f32 v44, v14;
	vm0 =	vlt.f32 v13, v10  }
0x32a: {  	v49 =	vld [tilespmem:s1+$0x130];
	v9 =	vadd.f32 v9, v15;
	v53 =	vmul.f32 v62, v7;
	v52 =	vsel vm0, $0x3F800000, v0  }
0x32b: {  	v48 =	vld [tilespmem:s1+$0x1B0];
	v17 =	vadd.f32 v46, v17;
	v8 =	vadd.f32 v8, v14;
	[tilespmem:v2+s10+$0xFFFFFFD0 ss:$0x1] =	vst.idx.msk $0xffff, v52  }
0x32c: {  	v54 =	vmul.f32 v38, v37;
	v9 =	vadd.f32 v50, v9;
	v55 =	vld [tilespmem:s10+$0x11810]  }
0x32d: {  	v57 =	vmul.f32 v35, v6;
	v56 =	vadd.f32 v53, v17;
	v8 =	vadd.f32 v8, v8  }
0x32e: {  	v11 =	vmul.f32 v41, v11;
	v9 =	vadd.f32 v54, v9  }
0x32f: {  	v3 =	vmul.f32 v3, v5;
	v58 =	vadd.f32 v57, v56;
	v8 =	vmul.f32 v8, v1  }
0x330: {  	v59 =	vmul.f32 v47, v12;
	v9 =	vadd.f32 v11, v9  }
0x331: {  	v60 =	vmul.f32 v45, v4;
	v3 =	vadd.f32 v3, v58;
	vm14 =	vlt.f32 v8, v55  }
0x332: {  	v7 =	vmul.f32 v49, v7;
	v61 =	vadd.f32 v59, v9;
	v62 =	vsel vm14, $0x3F800000, v0  }
0x333: {  	v3 =	vadd.f32 v60, v3;
	[tilespmem:v2+s10+$0xFFFFFFE0 ss:$0x1] =	vst.idx.msk $0xffff, v62  }
0x334: {  	v6 =	vmul.f32 v51, v6;
	v7 =	vadd.f32 v7, v61;
	v63 =	vld [tilespmem:s10+$0x11820]  }
0x335: {  	v3 =	vadd.f32 v3, v3  }
0x336: {  	v5 =	vmul.f32 v48, v5;
	v6 =	vadd.f32 v6, v7  }
0x337: {  	v3 =	vmul.f32 v3, v1  }
0x338: {  	v4 =	vmul.f32 v43, v4;
	v5 =	vadd.f32 v5, v6  }
0x339: {  	vm15 =	vlt.f32 v3, v63  }
0x33a: {  	v3 =	vadd.f32 v4, v5;
	v4 =	vsel vm15, $0x3F800000, v0  }
0x33b: {  	[tilespmem:v2+s10+$0xFFFFFFF0 ss:$0x1] =	vst.idx.msk $0xffff, v4  }
0x33c: {  	s25 =	simm.s32 $0x100;
	v3 =	vadd.f32 v3, v3;
	v4 =	vld [tilespmem:s10+$0x11830]  }
.LBB2_16:
0x33d: {  	_ = 	snop  }
0x33e: {  	p0 =	sne.s32 s25, $0xF00;
	s1 =	sadd.s32 $0x400, s1;
	s0 =	sadd.s32 $0x10, s0  }
0x33f: {  	v1 =	vmul.f32 v3, v1;
	s28 =	smov.u32 s25;
	s25 =	sadd.s32 $0x100, s25;
	_ =	sdelay $0x1  }
0x340: {  	vm0 =	vlt.f32 v1, v4  }
0x341: {  	v1 =	vsel vm0, $0x3F800000, v0  }
0x342: {  	[tilespmem:v2+s10+$0x0 ss:$0x1] =	vst.idx.msk $0xffff, v1;
	_ =	sdelay $0x2  }
0x343: {  	v1 =	vld [tilespmem:$0x1E310]  }
0x344: {  	v8 =	vld [tilespmem:s1+$0x1A0]  }
0x345: {  	v9 =	vld [tilespmem:s1+$0x1D0]  }
0x346: {  	v10 =	vld [tilespmem:s1+$0x100]  }
0x347: {  	v13 =	vld [tilespmem:s1+$0xFFFFFFF0]  }
0x348: {  	v16 =	vld [tilespmem:s1+$0xC0]  }
0x349: {  	v17 =	vld [tilespmem:s1+$0xFFFFFED0]  }
0x34a: {  	v14 =	vld [tilespmem:s1+$0xFFFFFEF0]  }
0x34b: {  	s10 =	sshra.s32 s28, $0x2;
	v18 =	vld [tilespmem:s0+$0x0]  }
0x34c: {  	v7 =	vld [tilespmem:s10+$0x11800]  }
0x34d: {  	v19 =	vld [tilespmem:s1+$0xFFFFFE50]  }
0x34e: {  	v20 =	vld [tilespmem:s1+$0xFFFFFE60]  }
0x34f: {  	v21 =	vld [tilespmem:s1+$0xFFFFFE20]  }
0x350: {  	v22 =	vld [tilespmem:s1+$0xFFFFFE90];
	v4 =	vbroadcast v18, $0xC;
	v3 =	vbroadcast v18, $0xD  }
0x351: {  	v6 =	vbroadcast v18, $0xE;
	v5 =	vbroadcast v18, $0xF;
	v23 =	vld [tilespmem:s1+$0xFFFFFE80]  }
0x352: {  	v24 =	vld [tilespmem:s1+$0xFFFFFE10]  }
0x353: {  	v25 =	vld [tilespmem:s1+$0xFFFFFE00]  }
0x354: {  	v26 =	vld [tilespmem:s1+$0xFFFFFEA0]  }
0x355: {  	v27 =	vld [tilespmem:s1+$0xFFFFFEC0]  }
0x356: {  	v28 =	vld [tilespmem:s1+$0xFFFFFE30]  }
0x357: {  	v8 =	vmul.f32 v8, v6;
	v29 =	vld [tilespmem:s1+$0xFFFFFF10]  }
0x358: {  	v15 =	vmul.f32 v10, v4;
	v10 =	vmul.f32 v9, v5;
	v30 =	vld [tilespmem:s1+$0xFFFFFF80]  }
0x359: {  	v11 =	vbroadcast v18, $0xA;
	v9 =	vbroadcast v18, $0xB;
	v31 =	vld [tilespmem:s1+$0xFFFFFF90]  }
0x35a: {  	v32 =	vbroadcast v18, $0x0;
	v33 =	vbroadcast v18, $0x3;
	v34 =	vld [tilespmem:s1+$0xFFFFFFD0]  }
0x35b: {  	v36 =	vbroadcast v18, $0x2;
	v12 =	vbroadcast v18, $0x9;
	v35 =	vld [tilespmem:s1+$0xFFFFFE40]  }
0x35c: {  	v37 =	vmul.f32 v14, v33;
	v25 =	vmul.f32 v25, v32;
	v38 =	vld [tilespmem:s1+$0xFFFFFF00]  }
0x35d: {  	v22 =	vmul.f32 v22, v36;
	v23 =	vmul.f32 v23, v36;
	v14 =	vld [tilespmem:s1+$0xFFFFFEE0]  }
0x35e: {  	v39 =	vbroadcast v18, $0x1;
	v24 =	vmul.f32 v24, v32;
	v40 =	vld [tilespmem:s1+$0xFFFFFF40]  }
0x35f: {  	v26 =	vmul.f32 v26, v36;
	v28 =	vmul.f32 v28, v32;
	v41 =	vld [tilespmem:s1+$0xFFFFFF50]  }
0x360: {  	v24 =	vadd.f32 $0.0e+00, v24;
	v25 =	vadd.f32 $0.0e+00, v25;
	v35 =	vmul.f32 v35, v39;
	v42 =	vld [tilespmem:s1+$0xFFFFFF20]  }
0x361: {  	v20 =	vmul.f32 v20, v39;
	v21 =	vmul.f32 v21, v32;
	v32 =	vld [tilespmem:s1+$0xFFFFFF60]  }
0x362: {  	v25 =	vadd.f32 v35, v25;
	v35 =	vmul.f32 v14, v33;
	v43 =	vld [tilespmem:s1+$0xFFFFFFC0];
	v14 =	vbroadcast v18, $0x8  }
0x363: {  	v44 =	vbroadcast v18, $0x4;
	v17 =	vmul.f32 v17, v33;
	v21 =	vadd.f32 $0.0e+00, v21;
	v45 =	vld [tilespmem:s1+$0xFFFFFFA0]  }
0x364: {  	v19 =	vmul.f32 v19, v39;
	v23 =	vadd.f32 v23, v25;
	v25 =	vmul.f32 v27, v33;
	v27 =	vld [tilespmem:s1+$0x0]  }
0x365: {  	v20 =	vadd.f32 v20, v21;
	v21 =	vmul.f32 v29, v44;
	v29 =	vbroadcast v18, $0x5;
	v33 =	vld [tilespmem:s1+$0x10]  }
0x366: {  	v19 =	vadd.f32 v19, v24;
	v24 =	vld [tilespmem:s1+$0xFFFFFE70];
	v23 =	vadd.f32 v25, v23;
	v25 =	vmul.f32 v38, v44  }
0x367: {  	v20 =	vadd.f32 v26, v20;
	v26 =	vmul.f32 v41, v29;
	v38 =	vbroadcast v18, $0x6;
	v41 =	vld [tilespmem:s1+$0xFFFFFFE0]  }
0x368: {  	v40 =	vmul.f32 v40, v29;
	v46 =	vld [tilespmem:s1+$0xFFFFFEB0];
	v23 =	vadd.f32 v25, v23;
	v25 =	vmul.f32 v42, v44  }
0x369: {  	v19 =	vadd.f32 v22, v19;
	v18 =	vbroadcast v18, $0x7;
	v22 =	vmul.f32 v30, v38;
	v30 =	vld [tilespmem:s1+$0x20]  }
0x36a: {  	v28 =	vadd.f32 $0.0e+00, v28;
	v31 =	vmul.f32 v31, v38;
	v23 =	vadd.f32 v40, v23;
	v40 =	vld [tilespmem:s1+$0x50]  }
0x36b: {  	v20 =	vadd.f32 v35, v20;
	v34 =	vmul.f32 v34, v18;
	v24 =	vmul.f32 v24, v39;
	v35 =	vld [tilespmem:s1+$0x40]  }
0x36c: {  	v39 =	vmul.f32 v43, v18;
	v22 =	vadd.f32 v22, v23;
	v23 =	vmul.f32 v45, v38;
	v42 =	vld [tilespmem:s1+$0x90]  }
0x36d: {  	v17 =	vadd.f32 v17, v19;
	v19 =	vmul.f32 v33, v14;
	v24 =	vadd.f32 v24, v28;
	v28 =	vld [tilespmem:s1+$0x80]  }
0x36e: {  	v32 =	vmul.f32 v32, v29;
	v27 =	vmul.f32 v27, v14;
	v22 =	vadd.f32 v39, v22;
	v33 =	vld [tilespmem:s1+$0xD0]  }
0x36f: {  	v16 =	vmul.f32 v16, v9;
	v17 =	vadd.f32 v21, v17;
	v21 =	vmul.f32 v40, v12;
	v39 =	vld [tilespmem:s1+$0x190]  }
0x370: {  	v20 =	vadd.f32 v25, v20;
	v25 =	vld [tilespmem:s1+$0xFFFFFFB0];
	v22 =	vadd.f32 v27, v22;
	v27 =	vmul.f32 v35, v12  }
0x371: {  	v17 =	vadd.f32 v26, v17;
	v26 =	vmul.f32 v41, v18;
	v35 =	vld [tilespmem:s1+$0xFFFFFF30];
	v40 =	vmul.f32 v42, v11  }
0x372: {  	v36 =	vmul.f32 v46, v36;
	v22 =	vadd.f32 v27, v22;
	v27 =	vmul.f32 v28, v11;
	v28 =	vld [tilespmem:s1+$0x1C0]  }
0x373: {  	v17 =	vadd.f32 v31, v17;
	v20 =	vadd.f32 v32, v20;
	v30 =	vmul.f32 v30, v14;
	v31 =	vld [tilespmem:s1+$0x140]  }
0x374: {  	v24 =	vadd.f32 v36, v24;
	v22 =	vadd.f32 v27, v22;
	v27 =	vmul.f32 v33, v9;
	v32 =	vld [tilespmem:s1+$0x180]  }
0x375: {  	v17 =	vadd.f32 v34, v17;
	v20 =	vadd.f32 v23, v20;
	v23 =	vmul.f32 v25, v38;
	v25 =	vld [tilespmem:s1+$0x60]  }
0x376: {  	v24 =	vadd.f32 v37, v24;
	v33 =	vmul.f32 v35, v44;
	v34 =	vld [tilespmem:s1+$0xFFFFFF70];
	v16 =	vadd.f32 v16, v22  }
0x377: {  	v13 =	vmul.f32 v13, v18;
	v17 =	vadd.f32 v19, v17;
	v20 =	vadd.f32 v26, v20;
	v18 =	vld [tilespmem:s1+$0xA0]  }
0x378: {  	v19 =	vadd.f32 v33, v24;
	v15 =	vadd.f32 v15, v16;
	v16 =	vld [tilespmem:s1+$0x110];
	v22 =	vmul.f32 v31, v3  }
0x379: {  	v17 =	vadd.f32 v21, v17;
	v20 =	vadd.f32 v30, v20;
	v24 =	vmul.f32 v39, v6;
	v21 =	vld [tilespmem:s1+$0xE0]  }
0x37a: {  	v26 =	vmul.f32 v32, v6;
	v25 =	vmul.f32 v25, v12;
	v15 =	vadd.f32 v22, v15;
	v22 =	vld [tilespmem:s1+$0x150]  }
0x37b: {  	v17 =	vadd.f32 v40, v17;
	v28 =	vmul.f32 v28, v5;
	v29 =	vmul.f32 v34, v29;
	v30 =	vld [tilespmem:s1+$0x120]  }
0x37c: {  	v31 =	vld [tilespmem:s1+$0x30];
	v20 =	vadd.f32 v25, v20;
	v18 =	vmul.f32 v18, v11;
	v15 =	vadd.f32 v26, v15  }
0x37d: {  	v17 =	vadd.f32 v27, v17;
	v19 =	vadd.f32 v29, v19;
	v16 =	vmul.f32 v16, v4;
	v25 =	vld [tilespmem:s1+$0x160]  }
0x37e: {  	v26 =	vld [tilespmem:s1+$0x70];
	v18 =	vadd.f32 v18, v20;
	v20 =	vmul.f32 v21, v9;
	v15 =	vadd.f32 v28, v15  }
0x37f: {  	v19 =	vadd.f32 v23, v19;
	v21 =	vld [tilespmem:s1+$0xB0];
	v16 =	vadd.f32 v16, v17;
	v17 =	vmul.f32 v22, v3  }
0x380: {  	v18 =	vadd.f32 v20, v18;
	v20 =	vmul.f32 v30, v4;
	v22 =	vld [tilespmem:s1+$0x1F0];
	v15 =	vadd.f32 v15, v15  }
0x381: {  	v13 =	vadd.f32 v13, v19;
	v14 =	vmul.f32 v31, v14;
	v16 =	vadd.f32 v17, v16;
	v17 =	vld [tilespmem:s1+$0x1E0]  }
0x382: {  	v19 =	vld [tilespmem:s1+$0xF0];
	v18 =	vadd.f32 v20, v18;
	v20 =	vmul.f32 v25, v3;
	v15 =	vmul.f32 v15, v1  }
0x383: {  	v13 =	vadd.f32 v14, v13;
	v12 =	vmul.f32 v26, v12;
	v14 =	vadd.f32 v24, v16;
	v16 =	vld [tilespmem:s1+$0x1B0]  }
0x384: {  	v11 =	vmul.f32 v21, v11;
	v21 =	vld [tilespmem:s1+$0x130];
	v18 =	vadd.f32 v20, v18;
	vm0 =	vlt.f32 v15, v7  }
0x385: {  	v7 =	vadd.f32 v12, v13;
	v12 =	vld [tilespmem:s1+$0x170];
	v10 =	vadd.f32 v10, v14;
	v13 =	vsel vm0, $0x3F800000, v0  }
0x386: {  	v8 =	vadd.f32 v8, v18;
	v14 =	vmul.f32 v17, v5;
	[tilespmem:v2+s10+$0xFFFFFFD0 ss:$0x1] =	vst.idx.msk $0xffff, v13  }
0x387: {  	v7 =	vadd.f32 v11, v7;
	v9 =	vmul.f32 v19, v9;
	v10 =	vadd.f32 v10, v10;
	v11 =	vld [tilespmem:s10+$0x11810]  }
0x388: {  	v5 =	vmul.f32 v22, v5;
	v6 =	vmul.f32 v16, v6;
	v8 =	vadd.f32 v14, v8  }
0x389: {  	v7 =	vadd.f32 v9, v7;
	v4 =	vmul.f32 v21, v4  }
0x38a: {  	v9 =	vmul.f32 v10, v1;
	v3 =	vmul.f32 v12, v3;
	v8 =	vadd.f32 v8, v8  }
0x38b: {  	v4 =	vadd.f32 v4, v7  }
0x38c: {  	vm0 =	vlt.f32 v9, v11  }
0x38d: {  	v3 =	vadd.f32 v3, v4;
	v4 =	vsel vm0, $0x3F800000, v0  }
0x38e: {  	[tilespmem:v2+s10+$0xFFFFFFE0 ss:$0x1] =	vst.idx.msk $0xffff, v4  }
0x38f: {  	v3 =	vadd.f32 v6, v3;
	v4 =	vld [tilespmem:s10+$0x11820];
	_ =	sdelay $0x1  }
0x390: {  	v3 =	vadd.f32 v5, v3  }
0x391: {  	v5 =	vmul.f32 v8, v1  }
.Ltmp9:
0x392: {  	v3 =	vadd.f32 v3, v3;
	(pc) =	sbr.rel @p0 .LBB2_16-.Ltmp9, $4  }
0x393: {  	vm0 =	vlt.f32 v5, v4  }
0x394: {  	v4 =	vsel vm0, $0x3F800000, v0  }
0x395: {  	[tilespmem:v2+s10+$0xFFFFFFF0 ss:$0x1] =	vst.idx.msk $0xffff, v4  }
0x396: {  	v4 =	vld [tilespmem:s10+$0x11830]  }
0x397: {  	_ = 	snop  }
0x398: {  	p0 =	sgt.u32 s16, $0xA  }
0x399: {  	v1 =	vmul.f32 v3, v1;
	s0 =	sadd.s32 @!p0 $0x7, s31  }
0x39a: {  	s1 =	sadd.s32 @!p0 s14, s0  }
0x39b: {  	s25 =	sshll.u32 @!p0 s1, $0x6;
	vm0 =	vlt.f32 v1, v4  }
0x39c: {  	s25 =	sand.u32 @!p0 $0x1FFFFFC0, s25;
	v1 =	vsel vm0, $0x3F800000, v0  }
0x39d: {  	s28 =	simm.s32 @!p0 $0x600;
	[tilespmem:v2+s10+$0x0 ss:$0x1] =	vst.idx.msk $0xffff, v1;
	s10 =	sadd.s32 @!p0 s2, s25;
	s25 =	simm.s32 @!p0 $0x0  }
0x39e: {  	[tilespmem:s28], [sflag:$0x4] =	stream.linear.gather @!p0 [hbm4b:s10+s25], $0x200, $0x38;
	[tilespmem:$0x1E320] =	vst v63  }
0x39f: {  	s0 =	sshll.u32 @!p0 s0, $0x4;
	s10 =	sshll.u32 @!p0 s1, $0x7  }
0x3a0: {  	s0 =	sand.u32 @!p0 $0x3FFFFFF0, s0;
	s1 =	sshll.u32 @!p0 s1, $0x1;
	s10 =	sand.u32 @!p0 $0x1FFFFF80, s10  }
0x3a1: {  	s28 =	simm.s32 @!p0 $0x11800;
	s1 =	sand.u32 @!p0 $0x1FFFFFFE, s1;
	s10 =	sadd.s32 @!p0 s5, s10  }
0x3a2: {  	[tilespmem:s28], [sflag:$0x4] =	stream.linear.gather @!p0 [hbm4b:s10+s25], $0x400, $0x38;
	[tilespmem:$0x1E320] =	vst v63  }
0x3a3: {  	s0 =	sadd.s32 @!p0 $0x1E000, s0;
	s1 =	sadd.s32 @!p0 s6, s1  }
0x3a4: {  	[tilespmem:s0], [sflag:$0x4] =	stream.linear.gather @!p0 [hbm4b:s1+s25], $0x10, $0x38;
	[tilespmem:$0x1E320] =	vst v63  }
0x3a5: {  	s0 =	simm.s32 @!p0 $0x3  }
0x3a6: {  	_ =	swait.ge @!p0 [sflag:s0], $0x200  }
0x3a7: {  	[sflag:s0] =	ssyncset.done @!p0 $0x0  }
0x3a8: {  	[sflag:s0] =	ssyncadd.s32 @!p0 $0xFFFFFE00  }
0x3a9: {  	_ =	swait.ge @!p0 [sflag:s0], $0x400  }
0x3aa: {  	[sflag:s0] =	ssyncset.done @!p0 $0x0  }
0x3ab: {  	[sflag:s0] =	ssyncadd.s32 @!p0 $0xFFFFFC00  }
0x3ac: {  	_ =	swait.ge @!p0 [sflag:s0], $0x10  }
.Ltmp10:
0x3ad: {  	s10 =	simm.s32 @!p0 $0x8C00;
	[sflag:s0] =	ssyncset.done @!p0 $0x0;
	(pc) =	sbr.rel .LBB2_18-.Ltmp10, $4  }
0x3ae: {  	s1 =	simm.s32 @!p0 $0x400;
	[sflag:s0] =	ssyncadd.s32 @!p0 $0xFFFFFFF0;
	s0 =	simm.s32 @!p0 $0x100  }
0x3af: {  	[tilespmem:s10], [sflag:$0x7] =	stream.indirect.gather @!p0 [hbm4b:s8+s0], $0x40, s1, s0, $0xb8;
	[tilespmem:$0x1E320] =	vst v63  }
0x3b0: {  	s1 =	simm.s32 @!p0 $0x500;
	s10 =	simm.s32 @!p0 $0xA00  }
0x3b1: {  	[tilespmem:s10], [sflag:$0x7] =	stream.indirect.gather @!p0 [hbm4b:s3+s0], $0x1, s1, s0, $0xb8;
	[tilespmem:$0x1E320] =	vst v63  }
.LBB2_19:
0x3b2: {  	[bflag:$0x0] =	sbarrier.arrive $0xFFFF;
	s0 =	simm.s32 $0x0;
	s1 =	simm.s32 $0x11C00  }
.LBB2_20:
0x3b3: {  	p0 =	sne.s32 s0, $0xC00  }
.Ltmp11:
0x3b4: {  	_ = 	snop;
	(pc) =	sbr.rel @p0 .LBB2_20-.Ltmp11, $4  }
0x3b5: {  	s10 =	sshra.s32 s0, $0x2  }
0x3b6: {  	s10 =	sadd.s32 $0x1E000, s10  }
0x3b7: {  	[hbm4b:s8+s21] =	stream.indirect.scatter [tilespmem:s1], [sflag:$0x9], $0x40, s10, s21, $0xb8;
	[tilespmem:$0x1E320] =	vst v63  }
0x3b8: {  	s0 =	sadd.s32 $0x40, s0;
	s1 =	sadd.s32 $0x400, s1  }
0x3b9: {  	_ =	swait.ge [sflag:s22], $0x400  }
0x3ba: {  	s0 =	simm.s32 $0x30;
	[sflag:s22] =	ssyncset.done $0x0  }
.LBB2_22:
0x3bb: {  	p0 =	sne.s32 s0, $0x1;
	s0 =	sadd.s32 $0xFFFFFFFF, s0;
	[sflag:s22] =	ssyncadd.s32 $0xFFFFFC00  }
.Ltmp12:
0x3bc: {  	(pc) =	sbr.rel @p0 .LBB2_22-.Ltmp12, $3  }
0x3bd: {  	_ =	sdelay $0x1  }
0x3be: {  	_ =	swait.ge [sflag:s22], $0x400  }
0x3bf: {  	[sflag:s22] =	ssyncset.done $0x0  }
0x3c0: {  	s11 =	sadd.s32 $0x1, s11  }
0x3c1: {  	p0 =	sne.s32 s11, $0x4  }
.Ltmp13:
0x3c2: {  	_ = 	snop;
	(pc) =	sbr.rel @p0 .LBB2_2-.Ltmp13, $3  }
0x3c3: {  	_ = 	snop  }
0x3c4: {  	[sflag:s22] =	ssyncadd.s32 $0xFFFFFC00  }
0x3c5: {  	[bflag:$0x0] =	sbarrier.arrive $0xFFFF;
	_ =	sdelay $0x1  }
0x3c6: {  	s1 =	rddreg [dreg:$0xb]  }
0x3c7: {  	s0 =	rddreg [dreg:$0xa];
	s1 =	sadd.s32 $0x1, s1  }
0x3c8: {  	p0 =	sne.s32 s1, s0  }
.Ltmp14:
0x3c9: {  	_ = 	snop;
	(pc) =	sbr.rel @p0 .LBB2_1-.Ltmp14, $1  }
0x3ca: {  	_ =	sdelay $0x3  }
0x3cb: {  	_ =	sfence.sel $0x180000  }
0x3cc: {  	[bflag:$0x0] =	sbarrier.arrive $0xFFFF  }
0x3cd: {  	_ =	strace $0x90000047  }
0x3ce: {  	s0 =	stileid.u32;
	[bflag:$0x2] =	sbarrier.arrive $0xFFFF  }
0x3cf: {  	p0 =	sne.s32 s0, $0x0;
	s0 =	rddreg [dreg:$0x3]  }
0x3d0: {  	s0 =	sadd.s32 @!p0 $0x100000, s0  }
0x3d1: {  	[sflag:s0] =	ssyncadd.tile.s32 @!p0 $0x1;
	_ =	shalt  }
.Lfunc_end2:
_tile_overlayer_lowered:
.L_overlay_start_2:
0x3d2: {  	(tag) =	ssettag $0x2  }
0x3d3: {  	s0 =	rddreg [dreg:$0x0];
	s2 =	stileid.u32  }
0x3d4: {  	s1 =	rddreg [dreg:$0x1];
	p0 =	sne.s32 s2, $0x0  }
0x3d5: {  	s3 =	rddreg [dreg:$0x2];
	[bflag:$0x3] =	sbarrier.arrive $0xFFFF;
	s2 =	simm.s32 @!p0 $0x1C0A  }
0x3d6: {  	[timem:s3], [sflag:s2] =	dma.local @!p0 [hbm:s0], s1  }
0x3d7: {  	s0 =	simm.s32 @!p0 $0xA  }
0x3d8: {  	_ =	swait.ge @!p0 [sflag:s0], s1  }
0x3d9: {  	s1 =	ssub.s32 @!p0 $0x0, s1;
	[sflag:s0] =	ssyncset.done @!p0 $0x0  }
0x3da: {  	[sflag:s0] =	ssyncadd.s32 @!p0 s1  }
0x3db: {  	[bflag:$0x3] =	sbarrier.arrive $0xFFFF  }
0x3dc: {  	_ =	shalt  }

</sc_bundles>
